<compile_context>
chip_gen: v7x
topology: tpu7x:2x2x1
jax: 0.10.2.dev20260603
libtpu: 0.0.44.dev20260713+nightly
codegen_flags: <defaults>
</compile_context>

<pallas_src>
import functools

import jax
import jax.numpy as jnp
from jax import lax
from jax.experimental import pallas as pl
from jax.experimental.pallas import tpu as pltpu
from jax.experimental.pallas import tpu_sc as plsc

N = 10000
F = 128
H = 256
E = 320000
NT = 16
C = 128
K = -(-(E // NT) // C)
EPT = K * C
RPT = 640
NPAD = NT * RPT
RB = 1000
GRID = N // RB
FH = F // 2



@functools.cache
def _build_sc_kernels():
    mesh = plsc.VectorSubcoreMesh(core_axis_name="c", subcore_axis_name="s",
                                  num_cores=2, num_subcores=NT)

    @functools.partial(
        pl.kernel,
        out_type=jax.ShapeDtypeStruct((2, NPAD), jnp.float32),
        mesh=mesh,
        scratch_types=[
            pltpu.VMEM((K, C), jnp.int32),
            pltpu.VMEM((K, C), jnp.float32),
            pltpu.VMEM((RPT,), jnp.float32),
            pltpu.VMEM_SHARED((NPAD,), jnp.float32),
        ],
    )
    def _deg_kernel(col1, ew1, col2, ew2, deg_out, colv, ewv, zv, dacc):
        cid = lax.axis_index("c")
        sid = lax.axis_index("s")

        def zero_body(i, carry):
            zv[pl.ds(i * 16, 16)] = jnp.zeros((16,), jnp.float32)
            return carry
        lax.fori_loop(0, RPT // 16, zero_body, 0)
        pltpu.sync_copy(zv, dacc.at[pl.ds(sid * RPT, RPT)])
        plsc.subcore_barrier()

        @pl.when(cid == 0)
        def _():
            pltpu.sync_copy(col1.at[sid], colv)
            pltpu.sync_copy(ew1.at[sid], ewv)

        @pl.when(cid == 1)
        def _():
            pltpu.sync_copy(col2.at[sid], colv)
            pltpu.sync_copy(ew2.at[sid], ewv)

        def chunk_body(j, carry):
            pltpu.sync_copy(ewv.at[j], dacc.at[colv.at[j]], add=True)
            return carry
        lax.fori_loop(0, K, chunk_body, 0)
        plsc.subcore_barrier()
        pltpu.sync_copy(dacc.at[pl.ds(sid * RPT, RPT)],
                        deg_out.at[cid, pl.ds(sid * RPT, RPT)])

    @functools.partial(
        pl.kernel,
        out_type=jax.ShapeDtypeStruct((2, 2, NPAD, FH), jnp.float32),
        mesh=mesh,
        scratch_types=[
            pltpu.VMEM((K, C), jnp.int32),
            pltpu.VMEM((K, C), jnp.int32),
            pltpu.VMEM((K, C), jnp.float32),
            pltpu.VMEM((C, FH), jnp.float32),
            pltpu.VMEM((64, FH), jnp.float32),
            pltpu.VMEM_SHARED((NPAD, FH), jnp.float32),
        ],
        compiler_params=pltpu.CompilerParams(use_tc_tiling_on_sc=False),
    )
    def _msg_kernel(xs1a, xs1b, xs2a, xs2b, row1, col1, ew1, row2, col2, ew2,
                    t_out, rowv, colv, ewv, gbuf, zbuf, tacc):
        cid = lax.axis_index("c")
        sid = lax.axis_index("s")

        def zero_row(r, carry):
            for k in range(FH // 16):
                zbuf[r, pl.ds(k * 16, 16)] = jnp.zeros((16,), jnp.float32)
            return carry
        lax.fori_loop(0, 64, zero_row, 0)

        @pl.when(cid == 0)
        def _():
            pltpu.sync_copy(row1.at[sid], rowv)
            pltpu.sync_copy(col1.at[sid], colv)
            pltpu.sync_copy(ew1.at[sid], ewv)

        @pl.when(cid == 1)
        def _():
            pltpu.sync_copy(row2.at[sid], rowv)
            pltpu.sync_copy(col2.at[sid], colv)
            pltpu.sync_copy(ew2.at[sid], ewv)

        def run_half(xs, h):
            def zero_copy(b, carry):
                pltpu.sync_copy(zbuf, tacc.at[pl.ds(sid * RPT + b * 64, 64)])
                return carry
            lax.fori_loop(0, RPT // 64, zero_copy, 0)
            plsc.subcore_barrier()

            def chunk_body(j, carry):
                pltpu.sync_copy(xs.at[rowv.at[j]], gbuf)

                def scale_body(i16, c2):
                    base = i16 * 16
                    ew16 = ewv[j, pl.ds(base, 16)]
                    for l in range(16):
                        s = ew16[l]
                        r = base + l
                        for k in range(FH // 16):
                            gbuf[r, pl.ds(k * 16, 16)] = (
                                gbuf[r, pl.ds(k * 16, 16)] * s)
                    return c2
                lax.fori_loop(0, C // 16, scale_body, 0)
                pltpu.sync_copy(gbuf, tacc.at[colv.at[j]], add=True)
                return carry
            lax.fori_loop(0, K, chunk_body, 0)
            plsc.subcore_barrier()
            pltpu.sync_copy(tacc.at[pl.ds(sid * RPT, RPT)],
                            t_out.at[cid, h, pl.ds(sid * RPT, RPT)])

        @pl.when(cid == 0)
        def _():
            run_half(xs1a, 0)
            run_half(xs1b, 1)

        @pl.when(cid == 1)
        def _():
            run_half(xs2a, 0)
            run_half(xs2b, 1)

    return _deg_kernel, _msg_kernel



def _scale_body(x1_ref, d1_ref, x2_ref, d2_ref,
                xs1a_ref, xs1b_ref, xs2a_ref, xs2b_ref):
    d1 = d1_ref[...] + 1.0
    xs1 = x1_ref[...] * jnp.where(d1 > 0, lax.rsqrt(d1), 0.0)
    xs1a_ref[...] = xs1[:, :FH]
    xs1b_ref[...] = xs1[:, FH:]
    d2 = d2_ref[...] + 1.0
    xs2 = x2_ref[...] * jnp.where(d2 > 0, lax.rsqrt(d2), 0.0)
    xs2a_ref[...] = xs2[:, :FH]
    xs2b_ref[...] = xs2[:, FH:]


_row = lambda i: (i, 0)
_fix = lambda i: (0, 0)

_scale_call = pl.pallas_call(
    _scale_body,
    grid=(GRID,),
    in_specs=[
        pl.BlockSpec((RB, F), _row),
        pl.BlockSpec((RB, 1), _row),
        pl.BlockSpec((RB, F), _row),
        pl.BlockSpec((RB, 1), _row),
    ],
    out_specs=[pl.BlockSpec((RB, FH), _row)] * 4,
    out_shape=[jax.ShapeDtypeStruct((N, FH), jnp.float32)] * 4,
)



def _dense_body(xs1a_ref, t1a_ref, xs1b_ref, t1b_ref, d1_ref,
                xs2a_ref, t2a_ref, xs2b_ref, t2b_ref, d2_ref,
                W1a_ref, W1b_ref, b1_ref, a1_ref,
                W2a_ref, W2b_ref, b2_ref, a2_ref,
                WcA_ref, WcB_ref, bc_ref, out_ref):
    d1 = d1_ref[...] + 1.0
    dis1 = jnp.where(d1 > 0, lax.rsqrt(d1), 0.0)
    z1 = (jnp.dot(dis1 * (xs1a_ref[...] + t1a_ref[...]), W1a_ref[...],
                  preferred_element_type=jnp.float32)
          + jnp.dot(dis1 * (xs1b_ref[...] + t1b_ref[...]), W1b_ref[...],
                    preferred_element_type=jnp.float32)
          + b1_ref[...])
    h1 = jnp.where(z1 >= 0.0, z1, a1_ref[...] * z1)

    d2 = d2_ref[...] + 1.0
    dis2 = jnp.where(d2 > 0, lax.rsqrt(d2), 0.0)
    z2 = (jnp.dot(dis2 * (xs2a_ref[...] + t2a_ref[...]), W2a_ref[...],
                  preferred_element_type=jnp.float32)
          + jnp.dot(dis2 * (xs2b_ref[...] + t2b_ref[...]), W2b_ref[...],
                    preferred_element_type=jnp.float32)
          + b2_ref[...])
    h2 = jnp.where(z2 >= 0.0, z2, a2_ref[...] * z2)

    z = (jnp.dot(h1, WcA_ref[...], preferred_element_type=jnp.float32)
         + jnp.dot(h2, WcB_ref[...], preferred_element_type=jnp.float32)
         + bc_ref[...])
    out_ref[...] = jnp.maximum(z, 0.0)


_dense_call = pl.pallas_call(
    _dense_body,
    grid=(GRID,),
    in_specs=(
        [pl.BlockSpec((RB, FH), _row)] * 4 + [pl.BlockSpec((RB, 1), _row)]
        + [pl.BlockSpec((RB, FH), _row)] * 4 + [pl.BlockSpec((RB, 1), _row)]
        + [pl.BlockSpec((FH, H), _fix), pl.BlockSpec((FH, H), _fix),
           pl.BlockSpec((1, H), _fix), pl.BlockSpec((1, H), _fix)]
        + [pl.BlockSpec((FH, H), _fix), pl.BlockSpec((FH, H), _fix),
           pl.BlockSpec((1, H), _fix), pl.BlockSpec((1, H), _fix)]
        + [pl.BlockSpec((H, H), _fix), pl.BlockSpec((H, H), _fix),
           pl.BlockSpec((1, H), _fix)]
    ),
    out_specs=pl.BlockSpec((RB, H), _row),
    out_shape=jax.ShapeDtypeStruct((N, H), jnp.float32),
)



def _prep_edges(edge_index, edge_weight):
    row = edge_index[0].astype(jnp.int32)
    col = edge_index[1].astype(jnp.int32)
    pad = NT * EPT - E
    row = jnp.concatenate([row, jnp.zeros((pad,), jnp.int32)]).reshape(NT, K, C)
    col = jnp.concatenate([col, jnp.zeros((pad,), jnp.int32)]).reshape(NT, K, C)
    ew = jnp.concatenate(
        [edge_weight, jnp.zeros((pad,), jnp.float32)]).reshape(NT, K, C)
    return row, col, ew


def kernel(x1, edge_index1, edge_weight1, x2, edge_index2, edge_weight2,
           W1, b1, W2, b2, a1, a2, Wc, bc):
    deg_kernel, msg_kernel = _build_sc_kernels()

    r1, c1, w1 = _prep_edges(edge_index1, edge_weight1)
    r2, c2, w2 = _prep_edges(edge_index2, edge_weight2)

    deg = deg_kernel(c1, w1, c2, w2)
    d1 = deg[0, :N].reshape(N, 1)
    d2 = deg[1, :N].reshape(N, 1)

    xs1a, xs1b, xs2a, xs2b = _scale_call(x1, d1, x2, d2)

    t = msg_kernel(xs1a, xs1b, xs2a, xs2b, r1, c1, w1, r2, c2, w2)

    return _dense_call(
        xs1a, t[0, 0, :N], xs1b, t[0, 1, :N], d1,
        xs2a, t[1, 0, :N], xs2b, t[1, 1, :N], d2,
        W1[:FH], W1[FH:], b1.reshape(1, H), a1.reshape(1, H),
        W2[:FH], W2[FH:], b2.reshape(1, H), a2.reshape(1, H),
        Wc[:H], Wc[H:], bc.reshape(1, H),
    )

# --- scband reference (transcript-rebuilt; emitter-appended) ---
"""Pipeline reference for scband-weighted2-graph-encoder-cat-58334245814641 (READ-ONLY COPY).

The authoritative reference and input builder live on the scoring server;
editing this copy changes nothing except your own understanding.
"""

import jax, jax.numpy as jnp
import numpy as np

N = 10000
E = 320000
IN1 = 128
IN2 = 128
H = 256


def setup_inputs(seed: int = 0) -> dict:
    key = jax.random.key(seed)
    ks = jax.random.split(key, 16)
    x1 = jax.random.normal(ks[0], (N, IN1), dtype=jnp.float32)
    edge_index1 = jax.random.randint(ks[1], (2, E), 0, N, dtype=jnp.int64)
    edge_weight1 = jax.random.uniform(ks[2], (E,), dtype=jnp.float32)
    x2 = jax.random.normal(ks[3], (N, IN2), dtype=jnp.float32)
    edge_index2 = jax.random.randint(ks[4], (2, E), 0, N, dtype=jnp.int64)
    edge_weight2 = jax.random.uniform(ks[5], (E,), dtype=jnp.float32)
    # learned params
    W1 = jax.random.normal(ks[6], (IN1, H), dtype=jnp.float32) * (1.0 / np.sqrt(IN1))
    b1 = jnp.zeros((H,), dtype=jnp.float32)
    W2 = jax.random.normal(ks[7], (IN2, H), dtype=jnp.float32) * (1.0 / np.sqrt(IN2))
    b2 = jnp.zeros((H,), dtype=jnp.float32)
    a1 = jnp.full((H,), 0.25, dtype=jnp.float32)  # PReLU weights
    a2 = jnp.full((H,), 0.25, dtype=jnp.float32)
    Wc = jax.random.normal(ks[8], (2 * H, H), dtype=jnp.float32) * (1.0 / np.sqrt(2 * H))
    bc = jnp.zeros((H,), dtype=jnp.float32)
    return {
        'x1': x1, 'edge_index1': edge_index1, 'edge_weight1': edge_weight1,
        'x2': x2, 'edge_index2': edge_index2, 'edge_weight2': edge_weight2,
        'W1': W1, 'b1': b1, 'W2': W2, 'b2': b2,
        'a1': a1, 'a2': a2, 'Wc': Wc, 'bc': bc,
    }


def gcn_conv(x, edge_index, edge_weight, W, b):
    n = x.shape[0]
    # gcn_norm with add_self_loops=True, fill_value=1.0
    loop = jnp.arange(n, dtype=edge_index.dtype)
    row = jnp.concatenate([edge_index[0], loop])
    col = jnp.concatenate([edge_index[1], loop])
    ew = jnp.concatenate([edge_weight, jnp.ones((n,), dtype=edge_weight.dtype)])
    deg = jnp.zeros((n,), dtype=ew.dtype).at[col].add(ew)
    deg_inv_sqrt = jnp.where(deg > 0, deg ** -0.5, 0.0)
    norm = deg_inv_sqrt[row] * ew * deg_inv_sqrt[col]
    xw = x @ W
    msg = jnp.take(xw, row, axis=0) * norm[:, None]
    out = jnp.zeros((n, xw.shape[1]), dtype=xw.dtype).at[col].add(msg)
    return out + b


def prelu(x, a):
    return jnp.where(x >= 0, x, a[None, :] * x)


def reference(x1, edge_index1, edge_weight1, x2, edge_index2, edge_weight2,
              W1, b1, W2, b2, a1, a2, Wc, bc):
    h1 = prelu(gcn_conv(x1, edge_index1, edge_weight1, W1, b1), a1)
    h2 = prelu(gcn_conv(x2, edge_index2, edge_weight2, W2, b2), a2)
    cat = jnp.concatenate([h1, h2], axis=1)
    out = jax.nn.relu(cat @ Wc + bc)
    return out

if __name__ == "__main__":
    import jax
    _d = setup_inputs()
    print(jax.jit(kernel)(*tuple(_d.values())))

</pallas_src>

<mosaic_0001>
#map = affine_map<(d0, d1) -> (0, 0, 0)>
#map1 = affine_map<(d0, d1) -> (0, 0)>
module attributes {stable_mosaic.version = 14 : i64} {
  func.func @_deg_kernel(%arg0: i32, %arg1: i32, %arg2: memref<16x157x128xi32, #tpu.memory_space<hbm>>, %arg3: memref<16x157x128xf32, #tpu.memory_space<hbm>>, %arg4: memref<16x157x128xi32, #tpu.memory_space<hbm>>, %arg5: memref<16x157x128xf32, #tpu.memory_space<hbm>>, %arg6: memref<2x10240xf32, #tpu.memory_space<hbm>>, %arg7: memref<157x128xi32, #tpu.memory_space<vmem>>, %arg8: memref<157x128xf32, #tpu.memory_space<vmem>>, %arg9: memref<640xf32, #tpu.memory_space<vmem>>, %arg10: memref<10240xf32, #tpu.memory_space<vmem_shared>>) attributes {dimension_semantics = [#tpu.dimension_semantics<core_parallel>, #tpu.dimension_semantics<subcore_parallel>], iteration_bounds = array<i64: 2, 16>, scalar_prefetch = 0 : i64, scratch_operands = 4 : i64, tpu.core_type = #tpu.core_type<sc_vector_subcore>, window_params = [{transform_indices = #map}, {transform_indices = #map}, {transform_indices = #map}, {transform_indices = #map}, {transform_indices = #map1}]} {
    %scan3A = arith.constant 0 : i32
    %scan3A_0 = arith.constant 0 : i32
    %scan3A_1 = arith.constant 40 : i32
    %scan3A_2 = arith.addi %scan3A_0, %scan3A_1 : i32
    %scan3A_3 = arith.constant 1 : i32
    scf.for %scan3A_24 = %scan3A_0 to %scan3A_2 step %scan3A_3  : i32 {
      %broadcast_in_dim3A = arith.constant 0.000000e+00 : f32
      %broadcast_in_dim3A_25 = vector.broadcast %broadcast_in_dim3A : f32 to vector<16xf32>
      %mul3A_26 = arith.constant 16 : i32
      %mul3A_27 = arith.muli %scan3A_24, %mul3A_26 : i32
      %swap3A = arith.index_cast %mul3A_27 : i32 to index
      %swap3A_28 = tpu.vector_load %arg9[%swap3A] {strides = array<i32>} : memref<640xf32, #tpu.memory_space<vmem>>, vector<16xf32>,
      %swap3A_29 = vector.shape_cast %swap3A_28 : vector<16xf32> to vector<16xf32>
      %swap3A_30 = vector.shape_cast %broadcast_in_dim3A_25 : vector<16xf32> to vector<16xf32>
      tpu.vector_store %arg9[%swap3A], %swap3A_30 {strides = array<i32>} : memref<640xf32, #tpu.memory_space<vmem>>, vector<16xf32>,
    }
    %scan3A_4 = arith.constant 40 : i32
    %mul3A = arith.constant 640 : i32
    %mul3A_5 = arith.muli %arg1, %mul3A : i32
    "tpu.region"() ({
      %run_scoped3A = tpu.sem_alloc : memref<!tpu.dma_semaphore, #tpu.memory_space<semaphore_mem>>
      %dma_start3A = tpu.memref_slice %arg10[%mul3A_5] : memref<10240xf32, #tpu.memory_space<vmem_shared>> -> memref<640xf32, #tpu.memory_space<vmem_shared>>
      %dma_start3A_24 = tpu.memref_slice %arg10[%mul3A_5] : memref<10240xf32, #tpu.memory_space<vmem_shared>> -> memref<640xf32, #tpu.memory_space<vmem_shared>>
      tpu.enqueue_dma source(%arg9 : memref<640xf32, #tpu.memory_space<vmem>>) target(%dma_start3A_24 : memref<640xf32, #tpu.memory_space<vmem_shared>>) target_semaphore(%run_scoped3A : memref<!tpu.dma_semaphore, #tpu.memory_space<semaphore_mem>>)
      %dma_wait3A = tpu.memref_slice %arg10[%mul3A_5] : memref<10240xf32, #tpu.memory_space<vmem_shared>> -> memref<640xf32, #tpu.memory_space<vmem_shared>>
      %dma_wait3A_25 = tpu.memref_slice %arg10[%mul3A_5] : memref<10240xf32, #tpu.memory_space<vmem_shared>> -> memref<640xf32, #tpu.memory_space<vmem_shared>>
      tpu.wait_dma2 semaphore(%run_scoped3A : memref<!tpu.dma_semaphore, #tpu.memory_space<semaphore_mem>>) src(%arg9 : memref<640xf32, #tpu.memory_space<vmem>>) dst(%dma_wait3A_25 : memref<640xf32, #tpu.memory_space<vmem_shared>>)
      tpu.yield
    }) : () -> ()
    %barrier3A = arith.constant 0 : index
    tpu.barrier barrier_id(%barrier3A)
    %eq3A = arith.constant 0 : i32
    %eq3A_6 = arith.cmpi eq, %arg0, %eq3A : i32
    %convert_element_type3A = arith.extui %eq3A_6 : i1 to i32
    %cond3A = arith.constant 0 : i32
    %cond3A_7 = arith.cmpi ne, %convert_element_type3A, %cond3A : i32
    scf.if %cond3A_7 {
      "tpu.region"() ({
        %run_scoped3A = tpu.sem_alloc : memref<!tpu.dma_semaphore, #tpu.memory_space<semaphore_mem>>
        %dma_start3A = arith.constant 0 : i32
        %dma_start3A_24 = arith.constant 0 : i32
        %dma_start3A_25 = tpu.memref_slice %arg2[%arg1, %dma_start3A, %dma_start3A_24] : memref<16x157x128xi32, #tpu.memory_space<hbm>> -> memref<1x157x128xi32, #tpu.memory_space<hbm>>
        %dma_start3A_26 = tpu.memref_squeeze %dma_start3A_25 : memref<1x157x128xi32, #tpu.memory_space<hbm>> -> memref<157x128xi32, #tpu.memory_space<hbm>>
        %dma_start3A_27 = arith.constant 0 : i32
        %dma_start3A_28 = arith.constant 0 : i32
        %dma_start3A_29 = tpu.memref_slice %arg2[%arg1, %dma_start3A_27, %dma_start3A_28] : memref<16x157x128xi32, #tpu.memory_space<hbm>> -> memref<1x157x128xi32, #tpu.memory_space<hbm>>
        %dma_start3A_30 = tpu.memref_squeeze %dma_start3A_29 : memref<1x157x128xi32, #tpu.memory_space<hbm>> -> memref<157x128xi32, #tpu.memory_space<hbm>>
        tpu.enqueue_dma source(%dma_start3A_30 : memref<157x128xi32, #tpu.memory_space<hbm>>) target(%arg7 : memref<157x128xi32, #tpu.memory_space<vmem>>) target_semaphore(%run_scoped3A : memref<!tpu.dma_semaphore, #tpu.memory_space<semaphore_mem>>)
        %dma_wait3A = arith.constant 0 : i32
        %dma_wait3A_31 = arith.constant 0 : i32
        %dma_wait3A_32 = tpu.memref_slice %arg2[%arg1, %dma_wait3A, %dma_wait3A_31] : memref<16x157x128xi32, #tpu.memory_space<hbm>> -> memref<1x157x128xi32, #tpu.memory_space<hbm>>
        %dma_wait3A_33 = tpu.memref_squeeze %dma_wait3A_32 : memref<1x157x128xi32, #tpu.memory_space<hbm>> -> memref<157x128xi32, #tpu.memory_space<hbm>>
        %dma_wait3A_34 = arith.constant 0 : i32
        %dma_wait3A_35 = arith.constant 0 : i32
        %dma_wait3A_36 = tpu.memref_slice %arg2[%arg1, %dma_wait3A_34, %dma_wait3A_35] : memref<16x157x128xi32, #tpu.memory_space<hbm>> -> memref<1x157x128xi32, #tpu.memory_space<hbm>>
        %dma_wait3A_37 = tpu.memref_squeeze %dma_wait3A_36 : memref<1x157x128xi32, #tpu.memory_space<hbm>> -> memref<157x128xi32, #tpu.memory_space<hbm>>
        tpu.wait_dma2 semaphore(%run_scoped3A : memref<!tpu.dma_semaphore, #tpu.memory_space<semaphore_mem>>) src(%dma_wait3A_37 : memref<157x128xi32, #tpu.memory_space<hbm>>) dst(%arg7 : memref<157x128xi32, #tpu.memory_space<vmem>>)
        tpu.yield
      }) : () -> ()
      "tpu.region"() ({
        %run_scoped3A = tpu.sem_alloc : memref<!tpu.dma_semaphore, #tpu.memory_space<semaphore_mem>>
        %dma_start3A = arith.constant 0 : i32
        %dma_start3A_24 = arith.constant 0 : i32
        %dma_start3A_25 = tpu.memref_slice %arg3[%arg1, %dma_start3A, %dma_start3A_24] : memref<16x157x128xf32, #tpu.memory_space<hbm>> -> memref<1x157x128xf32, #tpu.memory_space<hbm>>
        %dma_start3A_26 = tpu.memref_squeeze %dma_start3A_25 : memref<1x157x128xf32, #tpu.memory_space<hbm>> -> memref<157x128xf32, #tpu.memory_space<hbm>>
        %dma_start3A_27 = arith.constant 0 : i32
        %dma_start3A_28 = arith.constant 0 : i32
        %dma_start3A_29 = tpu.memref_slice %arg3[%arg1, %dma_start3A_27, %dma_start3A_28] : memref<16x157x128xf32, #tpu.memory_space<hbm>> -> memref<1x157x128xf32, #tpu.memory_space<hbm>>
        %dma_start3A_30 = tpu.memref_squeeze %dma_start3A_29 : memref<1x157x128xf32, #tpu.memory_space<hbm>> -> memref<157x128xf32, #tpu.memory_space<hbm>>
        tpu.enqueue_dma source(%dma_start3A_30 : memref<157x128xf32, #tpu.memory_space<hbm>>) target(%arg8 : memref<157x128xf32, #tpu.memory_space<vmem>>) target_semaphore(%run_scoped3A : memref<!tpu.dma_semaphore, #tpu.memory_space<semaphore_mem>>)
        %dma_wait3A = arith.constant 0 : i32
        %dma_wait3A_31 = arith.constant 0 : i32
        %dma_wait3A_32 = tpu.memref_slice %arg3[%arg1, %dma_wait3A, %dma_wait3A_31] : memref<16x157x128xf32, #tpu.memory_space<hbm>> -> memref<1x157x128xf32, #tpu.memory_space<hbm>>
        %dma_wait3A_33 = tpu.memref_squeeze %dma_wait3A_32 : memref<1x157x128xf32, #tpu.memory_space<hbm>> -> memref<157x128xf32, #tpu.memory_space<hbm>>
        %dma_wait3A_34 = arith.constant 0 : i32
        %dma_wait3A_35 = arith.constant 0 : i32
        %dma_wait3A_36 = tpu.memref_slice %arg3[%arg1, %dma_wait3A_34, %dma_wait3A_35] : memref<16x157x128xf32, #tpu.memory_space<hbm>> -> memref<1x157x128xf32, #tpu.memory_space<hbm>>
        %dma_wait3A_37 = tpu.memref_squeeze %dma_wait3A_36 : memref<1x157x128xf32, #tpu.memory_space<hbm>> -> memref<157x128xf32, #tpu.memory_space<hbm>>
        tpu.wait_dma2 semaphore(%run_scoped3A : memref<!tpu.dma_semaphore, #tpu.memory_space<semaphore_mem>>) src(%dma_wait3A_37 : memref<157x128xf32, #tpu.memory_space<hbm>>) dst(%arg8 : memref<157x128xf32, #tpu.memory_space<vmem>>)
        tpu.yield
      }) : () -> ()
    } else {
    }
    %eq3A_8 = arith.constant 1 : i32
    %eq3A_9 = arith.cmpi eq, %arg0, %eq3A_8 : i32
    %convert_element_type3A_10 = arith.extui %eq3A_9 : i1 to i32
    %cond3A_11 = arith.constant 0 : i32
    %cond3A_12 = arith.cmpi ne, %convert_element_type3A_10, %cond3A_11 : i32
    scf.if %cond3A_12 {
      "tpu.region"() ({
        %run_scoped3A = tpu.sem_alloc : memref<!tpu.dma_semaphore, #tpu.memory_space<semaphore_mem>>
        %dma_start3A = arith.constant 0 : i32
        %dma_start3A_24 = arith.constant 0 : i32
        %dma_start3A_25 = tpu.memref_slice %arg4[%arg1, %dma_start3A, %dma_start3A_24] : memref<16x157x128xi32, #tpu.memory_space<hbm>> -> memref<1x157x128xi32, #tpu.memory_space<hbm>>
        %dma_start3A_26 = tpu.memref_squeeze %dma_start3A_25 : memref<1x157x128xi32, #tpu.memory_space<hbm>> -> memref<157x128xi32, #tpu.memory_space<hbm>>
        %dma_start3A_27 = arith.constant 0 : i32
        %dma_start3A_28 = arith.constant 0 : i32
        %dma_start3A_29 = tpu.memref_slice %arg4[%arg1, %dma_start3A_27, %dma_start3A_28] : memref<16x157x128xi32, #tpu.memory_space<hbm>> -> memref<1x157x128xi32, #tpu.memory_space<hbm>>
        %dma_start3A_30 = tpu.memref_squeeze %dma_start3A_29 : memref<1x157x128xi32, #tpu.memory_space<hbm>> -> memref<157x128xi32, #tpu.memory_space<hbm>>
        tpu.enqueue_dma source(%dma_start3A_30 : memref<157x128xi32, #tpu.memory_space<hbm>>) target(%arg7 : memref<157x128xi32, #tpu.memory_space<vmem>>) target_semaphore(%run_scoped3A : memref<!tpu.dma_semaphore, #tpu.memory_space<semaphore_mem>>)
        %dma_wait3A = arith.constant 0 : i32
        %dma_wait3A_31 = arith.constant 0 : i32
        %dma_wait3A_32 = tpu.memref_slice %arg4[%arg1, %dma_wait3A, %dma_wait3A_31] : memref<16x157x128xi32, #tpu.memory_space<hbm>> -> memref<1x157x128xi32, #tpu.memory_space<hbm>>
        %dma_wait3A_33 = tpu.memref_squeeze %dma_wait3A_32 : memref<1x157x128xi32, #tpu.memory_space<hbm>> -> memref<157x128xi32, #tpu.memory_space<hbm>>
        %dma_wait3A_34 = arith.constant 0 : i32
        %dma_wait3A_35 = arith.constant 0 : i32
        %dma_wait3A_36 = tpu.memref_slice %arg4[%arg1, %dma_wait3A_34, %dma_wait3A_35] : memref<16x157x128xi32, #tpu.memory_space<hbm>> -> memref<1x157x128xi32, #tpu.memory_space<hbm>>
        %dma_wait3A_37 = tpu.memref_squeeze %dma_wait3A_36 : memref<1x157x128xi32, #tpu.memory_space<hbm>> -> memref<157x128xi32, #tpu.memory_space<hbm>>
        tpu.wait_dma2 semaphore(%run_scoped3A : memref<!tpu.dma_semaphore, #tpu.memory_space<semaphore_mem>>) src(%dma_wait3A_37 : memref<157x128xi32, #tpu.memory_space<hbm>>) dst(%arg7 : memref<157x128xi32, #tpu.memory_space<vmem>>)
        tpu.yield
      }) : () -> ()
      "tpu.region"() ({
        %run_scoped3A = tpu.sem_alloc : memref<!tpu.dma_semaphore, #tpu.memory_space<semaphore_mem>>
        %dma_start3A = arith.constant 0 : i32
        %dma_start3A_24 = arith.constant 0 : i32
        %dma_start3A_25 = tpu.memref_slice %arg5[%arg1, %dma_start3A, %dma_start3A_24] : memref<16x157x128xf32, #tpu.memory_space<hbm>> -> memref<1x157x128xf32, #tpu.memory_space<hbm>>
        %dma_start3A_26 = tpu.memref_squeeze %dma_start3A_25 : memref<1x157x128xf32, #tpu.memory_space<hbm>> -> memref<157x128xf32, #tpu.memory_space<hbm>>
        %dma_start3A_27 = arith.constant 0 : i32
        %dma_start3A_28 = arith.constant 0 : i32
        %dma_start3A_29 = tpu.memref_slice %arg5[%arg1, %dma_start3A_27, %dma_start3A_28] : memref<16x157x128xf32, #tpu.memory_space<hbm>> -> memref<1x157x128xf32, #tpu.memory_space<hbm>>
        %dma_start3A_30 = tpu.memref_squeeze %dma_start3A_29 : memref<1x157x128xf32, #tpu.memory_space<hbm>> -> memref<157x128xf32, #tpu.memory_space<hbm>>
        tpu.enqueue_dma source(%dma_start3A_30 : memref<157x128xf32, #tpu.memory_space<hbm>>) target(%arg8 : memref<157x128xf32, #tpu.memory_space<vmem>>) target_semaphore(%run_scoped3A : memref<!tpu.dma_semaphore, #tpu.memory_space<semaphore_mem>>)
        %dma_wait3A = arith.constant 0 : i32
        %dma_wait3A_31 = arith.constant 0 : i32
        %dma_wait3A_32 = tpu.memref_slice %arg5[%arg1, %dma_wait3A, %dma_wait3A_31] : memref<16x157x128xf32, #tpu.memory_space<hbm>> -> memref<1x157x128xf32, #tpu.memory_space<hbm>>
        %dma_wait3A_33 = tpu.memref_squeeze %dma_wait3A_32 : memref<1x157x128xf32, #tpu.memory_space<hbm>> -> memref<157x128xf32, #tpu.memory_space<hbm>>
        %dma_wait3A_34 = arith.constant 0 : i32
        %dma_wait3A_35 = arith.constant 0 : i32
        %dma_wait3A_36 = tpu.memref_slice %arg5[%arg1, %dma_wait3A_34, %dma_wait3A_35] : memref<16x157x128xf32, #tpu.memory_space<hbm>> -> memref<1x157x128xf32, #tpu.memory_space<hbm>>
        %dma_wait3A_37 = tpu.memref_squeeze %dma_wait3A_36 : memref<1x157x128xf32, #tpu.memory_space<hbm>> -> memref<157x128xf32, #tpu.memory_space<hbm>>
        tpu.wait_dma2 semaphore(%run_scoped3A : memref<!tpu.dma_semaphore, #tpu.memory_space<semaphore_mem>>) src(%dma_wait3A_37 : memref<157x128xf32, #tpu.memory_space<hbm>>) dst(%arg8 : memref<157x128xf32, #tpu.memory_space<vmem>>)
        tpu.yield
      }) : () -> ()
    } else {
    }
    %scan3A_13 = arith.constant 0 : i32
    %scan3A_14 = arith.constant 0 : i32
    %scan3A_15 = arith.constant 157 : i32
    %scan3A_16 = arith.addi %scan3A_14, %scan3A_15 : i32
    %scan3A_17 = arith.constant 1 : i32
    scf.for %scan3A_24 = %scan3A_14 to %scan3A_16 step %scan3A_17  : i32 {
      "tpu.region"() ({
        %run_scoped3A = tpu.sem_alloc : memref<!tpu.dma_semaphore, #tpu.memory_space<semaphore_mem>>
        %dma_start3A = arith.constant 0 : i32
        %dma_start3A_25 = tpu.memref_slice %arg8[%scan3A_24, %dma_start3A] : memref<157x128xf32, #tpu.memory_space<vmem>> -> memref<1x128xf32, #tpu.memory_space<vmem>>
        %dma_start3A_26 = tpu.memref_squeeze %dma_start3A_25 : memref<1x128xf32, #tpu.memory_space<vmem>> -> memref<128xf32, #tpu.memory_space<vmem>>
        %dma_start3A_27 = arith.constant 0 : i32
        %dma_start3A_28 = tpu.memref_slice %arg7[%scan3A_24, %dma_start3A_27] : memref<157x128xi32, #tpu.memory_space<vmem>> -> memref<1x128xi32, #tpu.memory_space<vmem>>
        %dma_start3A_29 = tpu.memref_squeeze %dma_start3A_28 : memref<1x128xi32, #tpu.memory_space<vmem>> -> memref<128xi32, #tpu.memory_space<vmem>>
        %dma_start3A_30 = arith.constant 0 : i32
        %dma_start3A_31 = tpu.memref_slice %arg10[%dma_start3A_30] : memref<10240xf32, #tpu.memory_space<vmem_shared>> -> memref<10240xf32, #tpu.memory_space<vmem_shared>>
        tpu.enqueue_indirect_dma source(%dma_start3A_26 : memref<128xf32, #tpu.memory_space<vmem>>) target(%dma_start3A_31 : memref<10240xf32, #tpu.memory_space<vmem_shared>>) offsets(%dma_start3A_29 : memref<128xi32, #tpu.memory_space<vmem>>) semaphore(%run_scoped3A : memref<!tpu.dma_semaphore, #tpu.memory_space<semaphore_mem>>) {add = true}
        %dma_wait3A = arith.constant 0 : i32
        %dma_wait3A_32 = tpu.memref_slice %arg8[%scan3A_24, %dma_wait3A] : memref<157x128xf32, #tpu.memory_space<vmem>> -> memref<1x128xf32, #tpu.memory_space<vmem>>
        %dma_wait3A_33 = tpu.memref_squeeze %dma_wait3A_32 : memref<1x128xf32, #tpu.memory_space<vmem>> -> memref<128xf32, #tpu.memory_space<vmem>>
        %dma_wait3A_34 = arith.constant 0 : i32
        %dma_wait3A_35 = tpu.memref_slice %arg7[%scan3A_24, %dma_wait3A_34] : memref<157x128xi32, #tpu.memory_space<vmem>> -> memref<1x128xi32, #tpu.memory_space<vmem>>
        %dma_wait3A_36 = tpu.memref_squeeze %dma_wait3A_35 : memref<1x128xi32, #tpu.memory_space<vmem>> -> memref<128xi32, #tpu.memory_space<vmem>>
        %dma_wait3A_37 = arith.constant 0 : i32
        %dma_wait3A_38 = tpu.memref_slice %arg10[%dma_wait3A_37] : memref<10240xf32, #tpu.memory_space<vmem_shared>> -> memref<10240xf32, #tpu.memory_space<vmem_shared>>
        tpu.wait_indirect_dma semaphore(%run_scoped3A : memref<!tpu.dma_semaphore, #tpu.memory_space<semaphore_mem>>) src(%dma_wait3A_33 : memref<128xf32, #tpu.memory_space<vmem>>) dst(%dma_wait3A_38 : memref<10240xf32, #tpu.memory_space<vmem_shared>>)
        tpu.yield
      }) : () -> ()
    }
    %scan3A_18 = arith.constant 157 : i32
    %barrier3A_19 = arith.constant 0 : index
    tpu.barrier barrier_id(%barrier3A_19)
    %mul3A_20 = arith.constant 640 : i32
    %mul3A_21 = arith.muli %arg1, %mul3A_20 : i32
    %mul3A_22 = arith.constant 640 : i32
    %mul3A_23 = arith.muli %arg1, %mul3A_22 : i32
    "tpu.region"() ({
      %run_scoped3A = tpu.sem_alloc : memref<!tpu.dma_semaphore, #tpu.memory_space<semaphore_mem>>
      %dma_start3A = tpu.memref_slice %arg6[%arg0, %mul3A_23] : memref<2x10240xf32, #tpu.memory_space<hbm>> -> memref<1x640xf32, #tpu.memory_space<hbm>>
      %dma_start3A_24 = tpu.memref_squeeze %dma_start3A : memref<1x640xf32, #tpu.memory_space<hbm>> -> memref<640xf32, #tpu.memory_space<hbm>>
      %dma_start3A_25 = tpu.memref_slice %arg10[%mul3A_21] : memref<10240xf32, #tpu.memory_space<vmem_shared>> -> memref<640xf32, #tpu.memory_space<vmem_shared>>
      tpu.enqueue_dma source(%dma_start3A_25 : memref<640xf32, #tpu.memory_space<vmem_shared>>) target(%dma_start3A_24 : memref<640xf32, #tpu.memory_space<hbm>>) target_semaphore(%run_scoped3A : memref<!tpu.dma_semaphore, #tpu.memory_space<semaphore_mem>>)
      %dma_wait3A = tpu.memref_slice %arg6[%arg0, %mul3A_23] : memref<2x10240xf32, #tpu.memory_space<hbm>> -> memref<1x640xf32, #tpu.memory_space<hbm>>
      %dma_wait3A_26 = tpu.memref_squeeze %dma_wait3A : memref<1x640xf32, #tpu.memory_space<hbm>> -> memref<640xf32, #tpu.memory_space<hbm>>
      %dma_wait3A_27 = tpu.memref_slice %arg10[%mul3A_21] : memref<10240xf32, #tpu.memory_space<vmem_shared>> -> memref<640xf32, #tpu.memory_space<vmem_shared>>
      tpu.wait_dma2 semaphore(%run_scoped3A : memref<!tpu.dma_semaphore, #tpu.memory_space<semaphore_mem>>) src(%dma_wait3A_27 : memref<640xf32, #tpu.memory_space<vmem_shared>>) dst(%dma_wait3A_26 : memref<640xf32, #tpu.memory_space<hbm>>)
      tpu.yield
    }) : () -> ()
    return
  }
}

#map = affine_map<(d0, d1) -> (0, 0)>
#map1 = affine_map<(d0, d1) -> (0, 0, 0)>
#map2 = affine_map<(d0, d1) -> (0, 0, 0, 0)>
module attributes {stable_mosaic.version = 14 : i64} {
  func.func @_msg_kernel(%arg0: i32, %arg1: i32, %arg2: memref<10000x64xf32, #tpu.memory_space<hbm>>, %arg3: memref<10000x64xf32, #tpu.memory_space<hbm>>, %arg4: memref<10000x64xf32, #tpu.memory_space<hbm>>, %arg5: memref<10000x64xf32, #tpu.memory_space<hbm>>, %arg6: memref<16x157x128xi32, #tpu.memory_space<hbm>>, %arg7: memref<16x157x128xi32, #tpu.memory_space<hbm>>, %arg8: memref<16x157x128xf32, #tpu.memory_space<hbm>>, %arg9: memref<16x157x128xi32, #tpu.memory_space<hbm>>, %arg10: memref<16x157x128xi32, #tpu.memory_space<hbm>>, %arg11: memref<16x157x128xf32, #tpu.memory_space<hbm>>, %arg12: memref<2x2x10240x64xf32, #tpu.memory_space<hbm>>, %arg13: memref<157x128xi32, #tpu.memory_space<vmem>>, %arg14: memref<157x128xi32, #tpu.memory_space<vmem>>, %arg15: memref<157x128xf32, #tpu.memory_space<vmem>>, %arg16: memref<128x64xf32, #tpu.memory_space<vmem>>, %arg17: memref<64x64xf32, #tpu.memory_space<vmem>>, %arg18: memref<10240x64xf32, #tpu.memory_space<vmem_shared>>) attributes {dimension_semantics = [#tpu.dimension_semantics<core_parallel>, #tpu.dimension_semantics<subcore_parallel>], iteration_bounds = array<i64: 2, 16>, scalar_prefetch = 0 : i64, scratch_operands = 6 : i64, tpu.core_type = #tpu.core_type<sc_vector_subcore>, window_params = [{transform_indices = #map}, {transform_indices = #map}, {transform_indices = #map}, {transform_indices = #map}, {transform_indices = #map1}, {transform_indices = #map1}, {transform_indices = #map1}, {transform_indices = #map1}, {transform_indices = #map1}, {transform_indices = #map1}, {transform_indices = #map2}]} {
    %scan3A = arith.constant 0 : i32
    %scan3A_0 = arith.constant 0 : i32
    %scan3A_1 = arith.constant 64 : i32
    %scan3A_2 = arith.addi %scan3A_0, %scan3A_1 : i32
    %scan3A_3 = arith.constant 1 : i32
    scf.for %scan3A_22 = %scan3A_0 to %scan3A_2 step %scan3A_3  : i32 {
      %broadcast_in_dim3A = arith.constant 0.000000e+00 : f32
      %broadcast_in_dim3A_23 = vector.broadcast %broadcast_in_dim3A : f32 to vector<16xf32>
      %swap3A = arith.index_cast %scan3A_22 : i32 to index
      %swap3A_24 = arith.constant 0 : index
      %swap3A_25 = tpu.vector_load %arg17[%swap3A, %swap3A_24] {strides = array<i32>} : memref<64x64xf32, #tpu.memory_space<vmem>>, vector<1x16xf32>,
      %swap3A_26 = vector.shape_cast %swap3A_25 : vector<1x16xf32> to vector<16xf32>
      %swap3A_27 = vector.shape_cast %broadcast_in_dim3A_23 : vector<16xf32> to vector<1x16xf32>
      tpu.vector_store %arg17[%swap3A, %swap3A_24], %swap3A_27 {strides = array<i32>} : memref<64x64xf32, #tpu.memory_space<vmem>>, vector<1x16xf32>,
      %broadcast_in_dim3A_28 = arith.constant 0.000000e+00 : f32
      %broadcast_in_dim3A_29 = vector.broadcast %broadcast_in_dim3A_28 : f32 to vector<16xf32>
      %swap3A_30 = arith.index_cast %scan3A_22 : i32 to index
      %swap3A_31 = arith.constant 16 : index
      %swap3A_32 = tpu.vector_load %arg17[%swap3A_30, %swap3A_31] {strides = array<i32>} : memref<64x64xf32, #tpu.memory_space<vmem>>, vector<1x16xf32>,
      %swap3A_33 = vector.shape_cast %swap3A_32 : vector<1x16xf32> to vector<16xf32>
      %swap3A_34 = vector.shape_cast %broadcast_in_dim3A_29 : vector<16xf32> to vector<1x16xf32>
      tpu.vector_store %arg17[%swap3A_30, %swap3A_31], %swap3A_34 {strides = array<i32>} : memref<64x64xf32, #tpu.memory_space<vmem>>, vector<1x16xf32>,
      %broadcast_in_dim3A_35 = arith.constant 0.000000e+00 : f32
      %broadcast_in_dim3A_36 = vector.broadcast %broadcast_in_dim3A_35 : f32 to vector<16xf32>
      %swap3A_37 = arith.index_cast %scan3A_22 : i32 to index
      %swap3A_38 = arith.constant 32 : index
      %swap3A_39 = tpu.vector_load %arg17[%swap3A_37, %swap3A_38] {strides = array<i32>} : memref<64x64xf32, #tpu.memory_space<vmem>>, vector<1x16xf32>,
      %swap3A_40 = vector.shape_cast %swap3A_39 : vector<1x16xf32> to vector<16xf32>
      %swap3A_41 = vector.shape_cast %broadcast_in_dim3A_36 : vector<16xf32> to vector<1x16xf32>
      tpu.vector_store %arg17[%swap3A_37, %swap3A_38], %swap3A_41 {strides = array<i32>} : memref<64x64xf32, #tpu.memory_space<vmem>>, vector<1x16xf32>,
      %broadcast_in_dim3A_42 = arith.constant 0.000000e+00 : f32
      %broadcast_in_dim3A_43 = vector.broadcast %broadcast_in_dim3A_42 : f32 to vector<16xf32>
      %swap3A_44 = arith.index_cast %scan3A_22 : i32 to index
      %swap3A_45 = arith.constant 48 : index
      %swap3A_46 = tpu.vector_load %arg17[%swap3A_44, %swap3A_45] {strides = array<i32>} : memref<64x64xf32, #tpu.memory_space<vmem>>, vector<1x16xf32>,
      %swap3A_47 = vector.shape_cast %swap3A_46 : vector<1x16xf32> to vector<16xf32>
      %swap3A_48 = vector.shape_cast %broadcast_in_dim3A_43 : vector<16xf32> to vector<1x16xf32>
      tpu.vector_store %arg17[%swap3A_44, %swap3A_45], %swap3A_48 {strides = array<i32>} : memref<64x64xf32, #tpu.memory_space<vmem>>, vector<1x16xf32>,
    }
    %scan3A_4 = arith.constant 64 : i32
    %eq3A = arith.constant 0 : i32
    %eq3A_5 = arith.cmpi eq, %arg0, %eq3A : i32
    %convert_element_type3A = arith.extui %eq3A_5 : i1 to i32
    %cond3A = arith.constant 0 : i32
    %cond3A_6 = arith.cmpi ne, %convert_element_type3A, %cond3A : i32
    scf.if %cond3A_6 {
      "tpu.region"() ({
        %run_scoped3A = tpu.sem_alloc : memref<!tpu.dma_semaphore, #tpu.memory_space<semaphore_mem>>
        %dma_start3A = arith.constant 0 : i32
        %dma_start3A_22 = arith.constant 0 : i32
        %dma_start3A_23 = tpu.memref_slice %arg6[%arg1, %dma_start3A, %dma_start3A_22] : memref<16x157x128xi32, #tpu.memory_space<hbm>> -> memref<1x157x128xi32, #tpu.memory_space<hbm>>
        %dma_start3A_24 = tpu.memref_squeeze %dma_start3A_23 : memref<1x157x128xi32, #tpu.memory_space<hbm>> -> memref<157x128xi32, #tpu.memory_space<hbm>>
        %dma_start3A_25 = arith.constant 0 : i32
        %dma_start3A_26 = arith.constant 0 : i32
        %dma_start3A_27 = tpu.memref_slice %arg6[%arg1, %dma_start3A_25, %dma_start3A_26] : memref<16x157x128xi32, #tpu.memory_space<hbm>> -> memref<1x157x128xi32, #tpu.memory_space<hbm>>
        %dma_start3A_28 = tpu.memref_squeeze %dma_start3A_27 : memref<1x157x128xi32, #tpu.memory_space<hbm>> -> memref<157x128xi32, #tpu.memory_space<hbm>>
        tpu.enqueue_dma source(%dma_start3A_28 : memref<157x128xi32, #tpu.memory_space<hbm>>) target(%arg13 : memref<157x128xi32, #tpu.memory_space<vmem>>) target_semaphore(%run_scoped3A : memref<!tpu.dma_semaphore, #tpu.memory_space<semaphore_mem>>)
        %dma_wait3A = arith.constant 0 : i32
        %dma_wait3A_29 = arith.constant 0 : i32
        %dma_wait3A_30 = tpu.memref_slice %arg6[%arg1, %dma_wait3A, %dma_wait3A_29] : memref<16x157x128xi32, #tpu.memory_space<hbm>> -> memref<1x157x128xi32, #tpu.memory_space<hbm>>
        %dma_wait3A_31 = tpu.memref_squeeze %dma_wait3A_30 : memref<1x157x128xi32, #tpu.memory_space<hbm>> -> memref<157x128xi32, #tpu.memory_space<hbm>>
        %dma_wait3A_32 = arith.constant 0 : i32
        %dma_wait3A_33 = arith.constant 0 : i32
        %dma_wait3A_34 = tpu.memref_slice %arg6[%arg1, %dma_wait3A_32, %dma_wait3A_33] : memref<16x157x128xi32, #tpu.memory_space<hbm>> -> memref<1x157x128xi32, #tpu.memory_space<hbm>>
        %dma_wait3A_35 = tpu.memref_squeeze %dma_wait3A_34 : memref<1x157x128xi32, #tpu.memory_space<hbm>> -> memref<157x128xi32, #tpu.memory_space<hbm>>
        tpu.wait_dma2 semaphore(%run_scoped3A : memref<!tpu.dma_semaphore, #tpu.memory_space<semaphore_mem>>) src(%dma_wait3A_35 : memref<157x128xi32, #tpu.memory_space<hbm>>) dst(%arg13 : memref<157x128xi32, #tpu.memory_space<vmem>>)
        tpu.yield
      }) : () -> ()
      "tpu.region"() ({
        %run_scoped3A = tpu.sem_alloc : memref<!tpu.dma_semaphore, #tpu.memory_space<semaphore_mem>>
        %dma_start3A = arith.constant 0 : i32
        %dma_start3A_22 = arith.constant 0 : i32
        %dma_start3A_23 = tpu.memref_slice %arg7[%arg1, %dma_start3A, %dma_start3A_22] : memref<16x157x128xi32, #tpu.memory_space<hbm>> -> memref<1x157x128xi32, #tpu.memory_space<hbm>>
        %dma_start3A_24 = tpu.memref_squeeze %dma_start3A_23 : memref<1x157x128xi32, #tpu.memory_space<hbm>> -> memref<157x128xi32, #tpu.memory_space<hbm>>
        %dma_start3A_25 = arith.constant 0 : i32
        %dma_start3A_26 = arith.constant 0 : i32
        %dma_start3A_27 = tpu.memref_slice %arg7[%arg1, %dma_start3A_25, %dma_start3A_26] : memref<16x157x128xi32, #tpu.memory_space<hbm>> -> memref<1x157x128xi32, #tpu.memory_space<hbm>>
        %dma_start3A_28 = tpu.memref_squeeze %dma_start3A_27 : memref<1x157x128xi32, #tpu.memory_space<hbm>> -> memref<157x128xi32, #tpu.memory_space<hbm>>
        tpu.enqueue_dma source(%dma_start3A_28 : memref<157x128xi32, #tpu.memory_space<hbm>>) target(%arg14 : memref<157x128xi32, #tpu.memory_space<vmem>>) target_semaphore(%run_scoped3A : memref<!tpu.dma_semaphore, #tpu.memory_space<semaphore_mem>>)
        %dma_wait3A = arith.constant 0 : i32
        %dma_wait3A_29 = arith.constant 0 : i32
        %dma_wait3A_30 = tpu.memref_slice %arg7[%arg1, %dma_wait3A, %dma_wait3A_29] : memref<16x157x128xi32, #tpu.memory_space<hbm>> -> memref<1x157x128xi32, #tpu.memory_space<hbm>>
        %dma_wait3A_31 = tpu.memref_squeeze %dma_wait3A_30 : memref<1x157x128xi32, #tpu.memory_space<hbm>> -> memref<157x128xi32, #tpu.memory_space<hbm>>
        %dma_wait3A_32 = arith.constant 0 : i32
        %dma_wait3A_33 = arith.constant 0 : i32
        %dma_wait3A_34 = tpu.memref_slice %arg7[%arg1, %dma_wait3A_32, %dma_wait3A_33] : memref<16x157x128xi32, #tpu.memory_space<hbm>> -> memref<1x157x128xi32, #tpu.memory_space<hbm>>
        %dma_wait3A_35 = tpu.memref_squeeze %dma_wait3A_34 : memref<1x157x128xi32, #tpu.memory_space<hbm>> -> memref<157x128xi32, #tpu.memory_space<hbm>>
        tpu.wait_dma2 semaphore(%run_scoped3A : memref<!tpu.dma_semaphore, #tpu.memory_space<semaphore_mem>>) src(%dma_wait3A_35 : memref<157x128xi32, #tpu.memory_space<hbm>>) dst(%arg14 : memref<157x128xi32, #tpu.memory_space<vmem>>)
        tpu.yield
      }) : () -> ()
      "tpu.region"() ({
        %run_scoped3A = tpu.sem_alloc : memref<!tpu.dma_semaphore, #tpu.memory_space<semaphore_mem>>
        %dma_start3A = arith.constant 0 : i32
        %dma_start3A_22 = arith.constant 0 : i32
        %dma_start3A_23 = tpu.memref_slice %arg8[%arg1, %dma_start3A, %dma_start3A_22] : memref<16x157x128xf32, #tpu.memory_space<hbm>> -> memref<1x157x128xf32, #tpu.memory_space<hbm>>
        %dma_start3A_24 = tpu.memref_squeeze %dma_start3A_23 : memref<1x157x128xf32, #tpu.memory_space<hbm>> -> memref<157x128xf32, #tpu.memory_space<hbm>>
        %dma_start3A_25 = arith.constant 0 : i32
        %dma_start3A_26 = arith.constant 0 : i32
        %dma_start3A_27 = tpu.memref_slice %arg8[%arg1, %dma_start3A_25, %dma_start3A_26] : memref<16x157x128xf32, #tpu.memory_space<hbm>> -> memref<1x157x128xf32, #tpu.memory_space<hbm>>
        %dma_start3A_28 = tpu.memref_squeeze %dma_start3A_27 : memref<1x157x128xf32, #tpu.memory_space<hbm>> -> memref<157x128xf32, #tpu.memory_space<hbm>>
        tpu.enqueue_dma source(%dma_start3A_28 : memref<157x128xf32, #tpu.memory_space<hbm>>) target(%arg15 : memref<157x128xf32, #tpu.memory_space<vmem>>) target_semaphore(%run_scoped3A : memref<!tpu.dma_semaphore, #tpu.memory_space<semaphore_mem>>)
        %dma_wait3A = arith.constant 0 : i32
        %dma_wait3A_29 = arith.constant 0 : i32
        %dma_wait3A_30 = tpu.memref_slice %arg8[%arg1, %dma_wait3A, %dma_wait3A_29] : memref<16x157x128xf32, #tpu.memory_space<hbm>> -> memref<1x157x128xf32, #tpu.memory_space<hbm>>
        %dma_wait3A_31 = tpu.memref_squeeze %dma_wait3A_30 : memref<1x157x128xf32, #tpu.memory_space<hbm>> -> memref<157x128xf32, #tpu.memory_space<hbm>>
        %dma_wait3A_32 = arith.constant 0 : i32
        %dma_wait3A_33 = arith.constant 0 : i32
        %dma_wait3A_34 = tpu.memref_slice %arg8[%arg1, %dma_wait3A_32, %dma_wait3A_33] : memref<16x157x128xf32, #tpu.memory_space<hbm>> -> memref<1x157x128xf32, #tpu.memory_space<hbm>>
        %dma_wait3A_35 = tpu.memref_squeeze %dma_wait3A_34 : memref<1x157x128xf32, #tpu.memory_space<hbm>> -> memref<157x128xf32, #tpu.memory_space<hbm>>
        tpu.wait_dma2 semaphore(%run_scoped3A : memref<!tpu.dma_semaphore, #tpu.memory_space<semaphore_mem>>) src(%dma_wait3A_35 : memref<157x128xf32, #tpu.memory_space<hbm>>) dst(%arg15 : memref<157x128xf32, #tpu.memory_space<vmem>>)
        tpu.yield
      }) : () -> ()
    } else {
    }
    %eq3A_7 = arith.constant 1 : i32
    %eq3A_8 = arith.cmpi eq, %arg0, %eq3A_7 : i32
    %convert_element_type3A_9 = arith.extui %eq3A_8 : i1 to i32
    %cond3A_10 = arith.constant 0 : i32
    %cond3A_11 = arith.cmpi ne, %convert_element_type3A_9, %cond3A_10 : i32
    scf.if %cond3A_11 {
      "tpu.region"() ({
        %run_scoped3A = tpu.sem_alloc : memref<!tpu.dma_semaphore, #tpu.memory_space<semaphore_mem>>
        %dma_start3A = arith.constant 0 : i32
        %dma_start3A_22 = arith.constant 0 : i32
        %dma_start3A_23 = tpu.memref_slice %arg9[%arg1, %dma_start3A, %dma_start3A_22] : memref<16x157x128xi32, #tpu.memory_space<hbm>> -> memref<1x157x128xi32, #tpu.memory_space<hbm>>
        %dma_start3A_24 = tpu.memref_squeeze %dma_start3A_23 : memref<1x157x128xi32, #tpu.memory_space<hbm>> -> memref<157x128xi32, #tpu.memory_space<hbm>>
        %dma_start3A_25 = arith.constant 0 : i32
        %dma_start3A_26 = arith.constant 0 : i32
        %dma_start3A_27 = tpu.memref_slice %arg9[%arg1, %dma_start3A_25, %dma_start3A_26] : memref<16x157x128xi32, #tpu.memory_space<hbm>> -> memref<1x157x128xi32, #tpu.memory_space<hbm>>
        %dma_start3A_28 = tpu.memref_squeeze %dma_start3A_27 : memref<1x157x128xi32, #tpu.memory_space<hbm>> -> memref<157x128xi32, #tpu.memory_space<hbm>>
        tpu.enqueue_dma source(%dma_start3A_28 : memref<157x128xi32, #tpu.memory_space<hbm>>) target(%arg13 : memref<157x128xi32, #tpu.memory_space<vmem>>) target_semaphore(%run_scoped3A : memref<!tpu.dma_semaphore, #tpu.memory_space<semaphore_mem>>)
        %dma_wait3A = arith.constant 0 : i32
        %dma_wait3A_29 = arith.constant 0 : i32
        %dma_wait3A_30 = tpu.memref_slice %arg9[%arg1, %dma_wait3A, %dma_wait3A_29] : memref<16x157x128xi32, #tpu.memory_space<hbm>> -> memref<1x157x128xi32, #tpu.memory_space<hbm>>
        %dma_wait3A_31 = tpu.memref_squeeze %dma_wait3A_30 : memref<1x157x128xi32, #tpu.memory_space<hbm>> -> memref<157x128xi32, #tpu.memory_space<hbm>>
        %dma_wait3A_32 = arith.constant 0 : i32
        %dma_wait3A_33 = arith.constant 0 : i32
        %dma_wait3A_34 = tpu.memref_slice %arg9[%arg1, %dma_wait3A_32, %dma_wait3A_33] : memref<16x157x128xi32, #tpu.memory_space<hbm>> -> memref<1x157x128xi32, #tpu.memory_space<hbm>>
        %dma_wait3A_35 = tpu.memref_squeeze %dma_wait3A_34 : memref<1x157x128xi32, #tpu.memory_space<hbm>> -> memref<157x128xi32, #tpu.memory_space<hbm>>
        tpu.wait_dma2 semaphore(%run_scoped3A : memref<!tpu.dma_semaphore, #tpu.memory_space<semaphore_mem>>) src(%dma_wait3A_35 : memref<157x128xi32, #tpu.memory_space<hbm>>) dst(%arg13 : memref<157x128xi32, #tpu.memory_space<vmem>>)
        tpu.yield
      }) : () -> ()
      "tpu.region"() ({
        %run_scoped3A = tpu.sem_alloc : memref<!tpu.dma_semaphore, #tpu.memory_space<semaphore_mem>>
        %dma_start3A = arith.constant 0 : i32
        %dma_start3A_22 = arith.constant 0 : i32
        %dma_start3A_23 = tpu.memref_slice %arg10[%arg1, %dma_start3A, %dma_start3A_22] : memref<16x157x128xi32, #tpu.memory_space<hbm>> -> memref<1x157x128xi32, #tpu.memory_space<hbm>>
        %dma_start3A_24 = tpu.memref_squeeze %dma_start3A_23 : memref<1x157x128xi32, #tpu.memory_space<hbm>> -> memref<157x128xi32, #tpu.memory_space<hbm>>
        %dma_start3A_25 = arith.constant 0 : i32
        %dma_start3A_26 = arith.constant 0 : i32
        %dma_start3A_27 = tpu.memref_slice %arg10[%arg1, %dma_start3A_25, %dma_start3A_26] : memref<16x157x128xi32, #tpu.memory_space<hbm>> -> memref<1x157x128xi32, #tpu.memory_space<hbm>>
        %dma_start3A_28 = tpu.memref_squeeze %dma_start3A_27 : memref<1x157x128xi32, #tpu.memory_space<hbm>> -> memref<157x128xi32, #tpu.memory_space<hbm>>
        tpu.enqueue_dma source(%dma_start3A_28 : memref<157x128xi32, #tpu.memory_space<hbm>>) target(%arg14 : memref<157x128xi32, #tpu.memory_space<vmem>>) target_semaphore(%run_scoped3A : memref<!tpu.dma_semaphore, #tpu.memory_space<semaphore_mem>>)
        %dma_wait3A = arith.constant 0 : i32
        %dma_wait3A_29 = arith.constant 0 : i32
        %dma_wait3A_30 = tpu.memref_slice %arg10[%arg1, %dma_wait3A, %dma_wait3A_29] : memref<16x157x128xi32, #tpu.memory_space<hbm>> -> memref<1x157x128xi32, #tpu.memory_space<hbm>>
        %dma_wait3A_31 = tpu.memref_squeeze %dma_wait3A_30 : memref<1x157x128xi32, #tpu.memory_space<hbm>> -> memref<157x128xi32, #tpu.memory_space<hbm>>
        %dma_wait3A_32 = arith.constant 0 : i32
        %dma_wait3A_33 = arith.constant 0 : i32
        %dma_wait3A_34 = tpu.memref_slice %arg10[%arg1, %dma_wait3A_32, %dma_wait3A_33] : memref<16x157x128xi32, #tpu.memory_space<hbm>> -> memref<1x157x128xi32, #tpu.memory_space<hbm>>
        %dma_wait3A_35 = tpu.memref_squeeze %dma_wait3A_34 : memref<1x157x128xi32, #tpu.memory_space<hbm>> -> memref<157x128xi32, #tpu.memory_space<hbm>>
        tpu.wait_dma2 semaphore(%run_scoped3A : memref<!tpu.dma_semaphore, #tpu.memory_space<semaphore_mem>>) src(%dma_wait3A_35 : memref<157x128xi32, #tpu.memory_space<hbm>>) dst(%arg14 : memref<157x128xi32, #tpu.memory_space<vmem>>)
        tpu.yield
      }) : () -> ()
      "tpu.region"() ({
        %run_scoped3A = tpu.sem_alloc : memref<!tpu.dma_semaphore, #tpu.memory_space<semaphore_mem>>
        %dma_start3A = arith.constant 0 : i32
        %dma_start3A_22 = arith.constant 0 : i32
        %dma_start3A_23 = tpu.memref_slice %arg11[%arg1, %dma_start3A, %dma_start3A_22] : memref<16x157x128xf32, #tpu.memory_space<hbm>> -> memref<1x157x128xf32, #tpu.memory_space<hbm>>
        %dma_start3A_24 = tpu.memref_squeeze %dma_start3A_23 : memref<1x157x128xf32, #tpu.memory_space<hbm>> -> memref<157x128xf32, #tpu.memory_space<hbm>>
        %dma_start3A_25 = arith.constant 0 : i32
        %dma_start3A_26 = arith.constant 0 : i32
        %dma_start3A_27 = tpu.memref_slice %arg11[%arg1, %dma_start3A_25, %dma_start3A_26] : memref<16x157x128xf32, #tpu.memory_space<hbm>> -> memref<1x157x128xf32, #tpu.memory_space<hbm>>
        %dma_start3A_28 = tpu.memref_squeeze %dma_start3A_27 : memref<1x157x128xf32, #tpu.memory_space<hbm>> -> memref<157x128xf32, #tpu.memory_space<hbm>>
        tpu.enqueue_dma source(%dma_start3A_28 : memref<157x128xf32, #tpu.memory_space<hbm>>) target(%arg15 : memref<157x128xf32, #tpu.memory_space<vmem>>) target_semaphore(%run_scoped3A : memref<!tpu.dma_semaphore, #tpu.memory_space<semaphore_mem>>)
        %dma_wait3A = arith.constant 0 : i32
        %dma_wait3A_29 = arith.constant 0 : i32
        %dma_wait3A_30 = tpu.memref_slice %arg11[%arg1, %dma_wait3A, %dma_wait3A_29] : memref<16x157x128xf32, #tpu.memory_space<hbm>> -> memref<1x157x128xf32, #tpu.memory_space<hbm>>
        %dma_wait3A_31 = tpu.memref_squeeze %dma_wait3A_30 : memref<1x157x128xf32, #tpu.memory_space<hbm>> -> memref<157x128xf32, #tpu.memory_space<hbm>>
        %dma_wait3A_32 = arith.constant 0 : i32
        %dma_wait3A_33 = arith.constant 0 : i32
        %dma_wait3A_34 = tpu.memref_slice %arg11[%arg1, %dma_wait3A_32, %dma_wait3A_33] : memref<16x157x128xf32, #tpu.memory_space<hbm>> -> memref<1x157x128xf32, #tpu.memory_space<hbm>>
        %dma_wait3A_35 = tpu.memref_squeeze %dma_wait3A_34 : memref<1x157x128xf32, #tpu.memory_space<hbm>> -> memref<157x128xf32, #tpu.memory_space<hbm>>
        tpu.wait_dma2 semaphore(%run_scoped3A : memref<!tpu.dma_semaphore, #tpu.memory_space<semaphore_mem>>) src(%dma_wait3A_35 : memref<157x128xf32, #tpu.memory_space<hbm>>) dst(%arg15 : memref<157x128xf32, #tpu.memory_space<vmem>>)
        tpu.yield
      }) : () -> ()
    } else {
    }
    %eq3A_12 = arith.constant 0 : i32
    %eq3A_13 = arith.cmpi eq, %arg0, %eq3A_12 : i32
    %convert_element_type3A_14 = arith.extui %eq3A_13 : i1 to i32
    %cond3A_15 = arith.constant 0 : i32
    %cond3A_16 = arith.cmpi ne, %convert_element_type3A_14, %cond3A_15 : i32
    scf.if %cond3A_16 {
      %scan3A_22 = arith.constant 0 : i32
      %scan3A_23 = arith.constant 0 : i32
      %scan3A_24 = arith.constant 10 : i32
      %scan3A_25 = arith.addi %scan3A_23, %scan3A_24 : i32
      %scan3A_26 = arith.constant 1 : i32
      scf.for %scan3A_57 = %scan3A_23 to %scan3A_25 step %scan3A_26  : i32 {
        %mul3A_58 = arith.constant 640 : i32
        %mul3A_59 = arith.muli %arg1, %mul3A_58 : i32
        %mul3A_60 = arith.constant 64 : i32
        %mul3A_61 = arith.muli %scan3A_57, %mul3A_60 : i32
        %add3A = arith.addi %mul3A_59, %mul3A_61 : i32
        "tpu.region"() ({
          %run_scoped3A_62 = tpu.sem_alloc : memref<!tpu.dma_semaphore, #tpu.memory_space<semaphore_mem>>
          %dma_start3A = arith.constant 0 : i32
          %dma_start3A_63 = tpu.memref_slice %arg18[%add3A, %dma_start3A] : memref<10240x64xf32, #tpu.memory_space<vmem_shared>> -> memref<64x64xf32, #tpu.memory_space<vmem_shared>>
          %dma_start3A_64 = arith.constant 0 : i32
          %dma_start3A_65 = tpu.memref_slice %arg18[%add3A, %dma_start3A_64] : memref<10240x64xf32, #tpu.memory_space<vmem_shared>> -> memref<64x64xf32, #tpu.memory_space<vmem_shared>>
          tpu.enqueue_dma source(%arg17 : memref<64x64xf32, #tpu.memory_space<vmem>>) target(%dma_start3A_65 : memref<64x64xf32, #tpu.memory_space<vmem_shared>>) target_semaphore(%run_scoped3A_62 : memref<!tpu.dma_semaphore, #tpu.memory_space<semaphore_mem>>)
          %dma_wait3A = arith.constant 0 : i32
          %dma_wait3A_66 = tpu.memref_slice %arg18[%add3A, %dma_wait3A] : memref<10240x64xf32, #tpu.memory_space<vmem_shared>> -> memref<64x64xf32, #tpu.memory_space<vmem_shared>>
          %dma_wait3A_67 = arith.constant 0 : i32
          %dma_wait3A_68 = tpu.memref_slice %arg18[%add3A, %dma_wait3A_67] : memref<10240x64xf32, #tpu.memory_space<vmem_shared>> -> memref<64x64xf32, #tpu.memory_space<vmem_shared>>
          tpu.wait_dma2 semaphore(%run_scoped3A_62 : memref<!tpu.dma_semaphore, #tpu.memory_space<semaphore_mem>>) src(%arg17 : memref<64x64xf32, #tpu.memory_space<vmem>>) dst(%dma_wait3A_68 : memref<64x64xf32, #tpu.memory_space<vmem_shared>>)
          tpu.yield
        }) : () -> ()
      }
      %scan3A_27 = arith.constant 10 : i32
      %barrier3A = arith.constant 0 : index
      tpu.barrier barrier_id(%barrier3A)
      %scan3A_28 = arith.constant 0 : i32
      %scan3A_29 = arith.constant 0 : i32
      %scan3A_30 = arith.constant 157 : i32
      %scan3A_31 = arith.addi %scan3A_29, %scan3A_30 : i32
      %scan3A_32 = arith.constant 1 : i32
      scf.for %scan3A_57 = %scan3A_29 to %scan3A_31 step %scan3A_32  : i32 {
        "tpu.region"() ({
          %run_scoped3A_64 = tpu.sem_alloc : memref<!tpu.dma_semaphore, #tpu.memory_space<semaphore_mem>>
          %dma_start3A = arith.constant 0 : i32
          %dma_start3A_65 = tpu.memref_slice %arg13[%scan3A_57, %dma_start3A] : memref<157x128xi32, #tpu.memory_space<vmem>> -> memref<1x128xi32, #tpu.memory_space<vmem>>
          %dma_start3A_66 = tpu.memref_squeeze %dma_start3A_65 : memref<1x128xi32, #tpu.memory_space<vmem>> -> memref<128xi32, #tpu.memory_space<vmem>>
          %dma_start3A_67 = arith.constant 0 : i32
          %dma_start3A_68 = arith.constant 0 : i32
          %dma_start3A_69 = tpu.memref_slice %arg2[%dma_start3A_67, %dma_start3A_68] : memref<10000x64xf32, #tpu.memory_space<hbm>> -> memref<10000x64xf32, #tpu.memory_space<hbm>>
          tpu.enqueue_indirect_dma source(%dma_start3A_69 : memref<10000x64xf32, #tpu.memory_space<hbm>>) target(%arg16 : memref<128x64xf32, #tpu.memory_space<vmem>>) offsets(%dma_start3A_66 : memref<128xi32, #tpu.memory_space<vmem>>) semaphore(%run_scoped3A_64 : memref<!tpu.dma_semaphore, #tpu.memory_space<semaphore_mem>>)
          %dma_wait3A = arith.constant 0 : i32
          %dma_wait3A_70 = tpu.memref_slice %arg13[%scan3A_57, %dma_wait3A] : memref<157x128xi32, #tpu.memory_space<vmem>> -> memref<1x128xi32, #tpu.memory_space<vmem>>
          %dma_wait3A_71 = tpu.memref_squeeze %dma_wait3A_70 : memref<1x128xi32, #tpu.memory_space<vmem>> -> memref<128xi32, #tpu.memory_space<vmem>>
          %dma_wait3A_72 = arith.constant 0 : i32
          %dma_wait3A_73 = arith.constant 0 : i32
          %dma_wait3A_74 = tpu.memref_slice %arg2[%dma_wait3A_72, %dma_wait3A_73] : memref<10000x64xf32, #tpu.memory_space<hbm>> -> memref<10000x64xf32, #tpu.memory_space<hbm>>
          tpu.wait_indirect_dma semaphore(%run_scoped3A_64 : memref<!tpu.dma_semaphore, #tpu.memory_space<semaphore_mem>>) src(%dma_wait3A_74 : memref<10000x64xf32, #tpu.memory_space<hbm>>) dst(%arg16 : memref<128x64xf32, #tpu.memory_space<vmem>>)
          tpu.yield
        }) : () -> ()
        %scan3A_58 = arith.constant 0 : i32
        %scan3A_59 = arith.constant 0 : i32
        %scan3A_60 = arith.constant 8 : i32
        %scan3A_61 = arith.addi %scan3A_59, %scan3A_60 : i32
        %scan3A_62 = arith.constant 1 : i32
        scf.for %scan3A_64 = %scan3A_59 to %scan3A_61 step %scan3A_62  : i32 {
          %mul3A_65 = arith.constant 16 : i32
          %mul3A_66 = arith.muli %scan3A_64, %mul3A_65 : i32
          %get3A = arith.index_cast %scan3A_57 : i32 to index
          %get3A_67 = arith.index_cast %mul3A_66 : i32 to index
          %get3A_68 = tpu.vector_load %arg15[%get3A, %get3A_67] {strides = array<i32>} : memref<157x128xf32, #tpu.memory_space<vmem>>, vector<1x16xf32>,
          %get3A_69 = vector.shape_cast %get3A_68 : vector<1x16xf32> to vector<16xf32>
          %slice3A = vector.extract_strided_slice %get3A_69 {offsets = [0], sizes = [1], strides = [1]} : vector<16xf32> to vector<1xf32>
          %squeeze3A = vector.extract %slice3A[0] : f32 from vector<1xf32>
          %add3A = arith.constant 0 : i32
          %add3A_70 = arith.addi %mul3A_66, %add3A : i32
          %get3A_71 = arith.index_cast %add3A_70 : i32 to index
          %get3A_72 = arith.constant 0 : index
          %get3A_73 = tpu.vector_load %arg16[%get3A_71, %get3A_72] {strides = array<i32>} : memref<128x64xf32, #tpu.memory_space<vmem>>, vector<1x16xf32>,
          %get3A_74 = vector.shape_cast %get3A_73 : vector<1x16xf32> to vector<16xf32>
          %mul3A_75 = vector.broadcast %squeeze3A : f32 to vector<16xf32>
          %mul3A_76 = arith.mulf %get3A_74, %mul3A_75 : vector<16xf32>
          %swap3A = arith.index_cast %add3A_70 : i32 to index
          %swap3A_77 = arith.constant 0 : index
          %swap3A_78 = tpu.vector_load %arg16[%swap3A, %swap3A_77] {strides = array<i32>} : memref<128x64xf32, #tpu.memory_space<vmem>>, vector<1x16xf32>,
          %swap3A_79 = vector.shape_cast %swap3A_78 : vector<1x16xf32> to vector<16xf32>
          %swap3A_80 = vector.shape_cast %mul3A_76 : vector<16xf32> to vector<1x16xf32>
          tpu.vector_store %arg16[%swap3A, %swap3A_77], %swap3A_80 {strides = array<i32>} : memref<128x64xf32, #tpu.memory_space<vmem>>, vector<1x16xf32>,
          %get3A_81 = arith.index_cast %add3A_70 : i32 to index
          %get3A_82 = arith.constant 16 : index
          %get3A_83 = tpu.vector_load %arg16[%get3A_81, %get3A_82] {strides = array<i32>} : memref<128x64xf32, #tpu.memory_space<vmem>>, vector<1x16xf32>,
          %get3A_84 = vector.shape_cast %get3A_83 : vector<1x16xf32> to vector<16xf32>
          %mul3A_85 = vector.broadcast %squeeze3A : f32 to vector<16xf32>
          %mul3A_86 = arith.mulf %get3A_84, %mul3A_85 : vector<16xf32>
          %swap3A_87 = arith.index_cast %add3A_70 : i32 to index
          %swap3A_88 = arith.constant 16 : index
          %swap3A_89 = tpu.vector_load %arg16[%swap3A_87, %swap3A_88] {strides = array<i32>} : memref<128x64xf32, #tpu.memory_space<vmem>>, vector<1x16xf32>,
          %swap3A_90 = vector.shape_cast %swap3A_89 : vector<1x16xf32> to vector<16xf32>
          %swap3A_91 = vector.shape_cast %mul3A_86 : vector<16xf32> to vector<1x16xf32>
          tpu.vector_store %arg16[%swap3A_87, %swap3A_88], %swap3A_91 {strides = array<i32>} : memref<128x64xf32, #tpu.memory_space<vmem>>, vector<1x16xf32>,
          %get3A_92 = arith.index_cast %add3A_70 : i32 to index
          %get3A_93 = arith.constant 32 : index
          %get3A_94 = tpu.vector_load %arg16[%get3A_92, %get3A_93] {strides = array<i32>} : memref<128x64xf32, #tpu.memory_space<vmem>>, vector<1x16xf32>,
          %get3A_95 = vector.shape_cast %get3A_94 : vector<1x16xf32> to vector<16xf32>
          %mul3A_96 = vector.broadcast %squeeze3A : f32 to vector<16xf32>
          %mul3A_97 = arith.mulf %get3A_95, %mul3A_96 : vector<16xf32>
          %swap3A_98 = arith.index_cast %add3A_70 : i32 to index
          %swap3A_99 = arith.constant 32 : index
          %swap3A_100 = tpu.vector_load %arg16[%swap3A_98, %swap3A_99] {strides = array<i32>} : memref<128x64xf32, #tpu.memory_space<vmem>>, vector<1x16xf32>,
          %swap3A_101 = vector.shape_cast %swap3A_100 : vector<1x16xf32> to vector<16xf32>
          %swap3A_102 = vector.shape_cast %mul3A_97 : vector<16xf32> to vector<1x16xf32>
          tpu.vector_store %arg16[%swap3A_98, %swap3A_99], %swap3A_102 {strides = array<i32>} : memref<128x64xf32, #tpu.memory_space<vmem>>, vector<1x16xf32>,
          %get3A_103 = arith.index_cast %add3A_70 : i32 to index
          %get3A_104 = arith.constant 48 : index
          %get3A_105 = tpu.vector_load %arg16[%get3A_103, %get3A_104] {strides = array<i32>} : memref<128x64xf32, #tpu.memory_space<vmem>>, vector<1x16xf32>,
          %get3A_106 = vector.shape_cast %get3A_105 : vector<1x16xf32> to vector<16xf32>
          %mul3A_107 = vector.broadcast %squeeze3A : f32 to vector<16xf32>
          %mul3A_108 = arith.mulf %get3A_106, %mul3A_107 : vector<16xf32>
          %swap3A_109 = arith.index_cast %add3A_70 : i32 to index
          %swap3A_110 = arith.constant 48 : index
          %swap3A_111 = tpu.vector_load %arg16[%swap3A_109, %swap3A_110] {strides = array<i32>} : memref<128x64xf32, #tpu.memory_space<vmem>>, vector<1x16xf32>,
          %swap3A_112 = vector.shape_cast %swap3A_111 : vector<1x16xf32> to vector<16xf32>
          %swap3A_113 = vector.shape_cast %mul3A_108 : vector<16xf32> to vector<1x16xf32>
          tpu.vector_store %arg16[%swap3A_109, %swap3A_110], %swap3A_113 {strides = array<i32>} : memref<128x64xf32, #tpu.memory_space<vmem>>, vector<1x16xf32>,
          %slice3A_114 = vector.extract_strided_slice %get3A_69 {offsets = [1], sizes = [1], strides = [1]} : vector<16xf32> to vector<1xf32>
          %squeeze3A_115 = vector.extract %slice3A_114[0] : f32 from vector<1xf32>
          %add3A_116 = arith.constant 1 : i32
          %add3A_117 = arith.addi %mul3A_66, %add3A_116 : i32
          %get3A_118 = arith.index_cast %add3A_117 : i32 to index
          %get3A_119 = arith.constant 0 : index
          %get3A_120 = tpu.vector_load %arg16[%get3A_118, %get3A_119] {strides = array<i32>} : memref<128x64xf32, #tpu.memory_space<vmem>>, vector<1x16xf32>,
          %get3A_121 = vector.shape_cast %get3A_120 : vector<1x16xf32> to vector<16xf32>
          %mul3A_122 = vector.broadcast %squeeze3A_115 : f32 to vector<16xf32>
          %mul3A_123 = arith.mulf %get3A_121, %mul3A_122 : vector<16xf32>
          %swap3A_124 = arith.index_cast %add3A_117 : i32 to index
          %swap3A_125 = arith.constant 0 : index
          %swap3A_126 = tpu.vector_load %arg16[%swap3A_124, %swap3A_125] {strides = array<i32>} : memref<128x64xf32, #tpu.memory_space<vmem>>, vector<1x16xf32>,
          %swap3A_127 = vector.shape_cast %swap3A_126 : vector<1x16xf32> to vector<16xf32>
          %swap3A_128 = vector.shape_cast %mul3A_123 : vector<16xf32> to vector<1x16xf32>
          tpu.vector_store %arg16[%swap3A_124, %swap3A_125], %swap3A_128 {strides = array<i32>} : memref<128x64xf32, #tpu.memory_space<vmem>>, vector<1x16xf32>,
          %get3A_129 = arith.index_cast %add3A_117 : i32 to index
          %get3A_130 = arith.constant 16 : index
          %get3A_131 = tpu.vector_load %arg16[%get3A_129, %get3A_130] {strides = array<i32>} : memref<128x64xf32, #tpu.memory_space<vmem>>, vector<1x16xf32>,
          %get3A_132 = vector.shape_cast %get3A_131 : vector<1x16xf32> to vector<16xf32>
          %mul3A_133 = vector.broadcast %squeeze3A_115 : f32 to vector<16xf32>
          %mul3A_134 = arith.mulf %get3A_132, %mul3A_133 : vector<16xf32>
          %swap3A_135 = arith.index_cast %add3A_117 : i32 to index
          %swap3A_136 = arith.constant 16 : index
          %swap3A_137 = tpu.vector_load %arg16[%swap3A_135, %swap3A_136] {strides = array<i32>} : memref<128x64xf32, #tpu.memory_space<vmem>>, vector<1x16xf32>,
          %swap3A_138 = vector.shape_cast %swap3A_137 : vector<1x16xf32> to vector<16xf32>
          %swap3A_139 = vector.shape_cast %mul3A_134 : vector<16xf32> to vector<1x16xf32>
          tpu.vector_store %arg16[%swap3A_135, %swap3A_136], %swap3A_139 {strides = array<i32>} : memref<128x64xf32, #tpu.memory_space<vmem>>, vector<1x16xf32>,
          %get3A_140 = arith.index_cast %add3A_117 : i32 to index
          %get3A_141 = arith.constant 32 : index
          %get3A_142 = tpu.vector_load %arg16[%get3A_140, %get3A_141] {strides = array<i32>} : memref<128x64xf32, #tpu.memory_space<vmem>>, vector<1x16xf32>,
          %get3A_143 = vector.shape_cast %get3A_142 : vector<1x16xf32> to vector<16xf32>
          %mul3A_144 = vector.broadcast %squeeze3A_115 : f32 to vector<16xf32>
          %mul3A_145 = arith.mulf %get3A_143, %mul3A_144 : vector<16xf32>
          %swap3A_146 = arith.index_cast %add3A_117 : i32 to index
          %swap3A_147 = arith.constant 32 : index
          %swap3A_148 = tpu.vector_load %arg16[%swap3A_146, %swap3A_147] {strides = array<i32>} : memref<128x64xf32, #tpu.memory_space<vmem>>, vector<1x16xf32>,
          %swap3A_149 = vector.shape_cast %swap3A_148 : vector<1x16xf32> to vector<16xf32>
          %swap3A_150 = vector.shape_cast %mul3A_145 : vector<16xf32> to vector<1x16xf32>
          tpu.vector_store %arg16[%swap3A_146, %swap3A_147], %swap3A_150 {strides = array<i32>} : memref<128x64xf32, #tpu.memory_space<vmem>>, vector<1x16xf32>,
          %get3A_151 = arith.index_cast %add3A_117 : i32 to index
          %get3A_152 = arith.constant 48 : index
          %get3A_153 = tpu.vector_load %arg16[%get3A_151, %get3A_152] {strides = array<i32>} : memref<128x64xf32, #tpu.memory_space<vmem>>, vector<1x16xf32>,
          %get3A_154 = vector.shape_cast %get3A_153 : vector<1x16xf32> to vector<16xf32>
          %mul3A_155 = vector.broadcast %squeeze3A_115 : f32 to vector<16xf32>
          %mul3A_156 = arith.mulf %get3A_154, %mul3A_155 : vector<16xf32>
          %swap3A_157 = arith.index_cast %add3A_117 : i32 to index
          %swap3A_158 = arith.constant 48 : index
          %swap3A_159 = tpu.vector_load %arg16[%swap3A_157, %swap3A_158] {strides = array<i32>} : memref<128x64xf32, #tpu.memory_space<vmem>>, vector<1x16xf32>,
          %swap3A_160 = vector.shape_cast %swap3A_159 : vector<1x16xf32> to vector<16xf32>
          %swap3A_161 = vector.shape_cast %mul3A_156 : vector<16xf32> to vector<1x16xf32>
          tpu.vector_store %arg16[%swap3A_157, %swap3A_158], %swap3A_161 {strides = array<i32>} : memref<128x64xf32, #tpu.memory_space<vmem>>, vector<1x16xf32>,
          %slice3A_162 = vector.extract_strided_slice %get3A_69 {offsets = [2], sizes = [1], strides = [1]} : vector<16xf32> to vector<1xf32>
          %squeeze3A_163 = vector.extract %slice3A_162[0] : f32 from vector<1xf32>
          %add3A_164 = arith.constant 2 : i32
          %add3A_165 = arith.addi %mul3A_66, %add3A_164 : i32
          %get3A_166 = arith.index_cast %add3A_165 : i32 to index
          %get3A_167 = arith.constant 0 : index
          %get3A_168 = tpu.vector_load %arg16[%get3A_166, %get3A_167] {strides = array<i32>} : memref<128x64xf32, #tpu.memory_space<vmem>>, vector<1x16xf32>,
          %get3A_169 = vector.shape_cast %get3A_168 : vector<1x16xf32> to vector<16xf32>
          %mul3A_170 = vector.broadcast %squeeze3A_163 : f32 to vector<16xf32>
          %mul3A_171 = arith.mulf %get3A_169, %mul3A_170 : vector<16xf32>
          %swap3A_172 = arith.index_cast %add3A_165 : i32 to index
          %swap3A_173 = arith.constant 0 : index
          %swap3A_174 = tpu.vector_load %arg16[%swap3A_172, %swap3A_173] {strides = array<i32>} : memref<128x64xf32, #tpu.memory_space<vmem>>, vector<1x16xf32>,
          %swap3A_175 = vector.shape_cast %swap3A_174 : vector<1x16xf32> to vector<16xf32>
          %swap3A_176 = vector.shape_cast %mul3A_171 : vector<16xf32> to vector<1x16xf32>
          tpu.vector_store %arg16[%swap3A_172, %swap3A_173], %swap3A_176 {strides = array<i32>} : memref<128x64xf32, #tpu.memory_space<vmem>>, vector<1x16xf32>,
          %get3A_177 = arith.index_cast %add3A_165 : i32 to index
          %get3A_178 = arith.constant 16 : index
          %get3A_179 = tpu.vector_load %arg16[%get3A_177, %get3A_178] {strides = array<i32>} : memref<128x64xf32, #tpu.memory_space<vmem>>, vector<1x16xf32>,
          %get3A_180 = vector.shape_cast %get3A_179 : vector<1x16xf32> to vector<16xf32>
          %mul3A_181 = vector.broadcast %squeeze3A_163 : f32 to vector<16xf32>
          %mul3A_182 = arith.mulf %get3A_180, %mul3A_181 : vector<16xf32>
          %swap3A_183 = arith.index_cast %add3A_165 : i32 to index
          %swap3A_184 = arith.constant 16 : index
          %swap3A_185 = tpu.vector_load %arg16[%swap3A_183, %swap3A_184] {strides = array<i32>} : memref<128x64xf32, #tpu.memory_space<vmem>>, vector<1x16xf32>,
          %swap3A_186 = vector.shape_cast %swap3A_185 : vector<1x16xf32> to vector<16xf32>
          %swap3A_187 = vector.shape_cast %mul3A_182 : vector<16xf32> to vector<1x16xf32>
          tpu.vector_store %arg16[%swap3A_183, %swap3A_184], %swap3A_187 {strides = array<i32>} : memref<128x64xf32, #tpu.memory_space<vmem>>, vector<1x16xf32>,
          %get3A_188 = arith.index_cast %add3A_165 : i32 to index
          %get3A_189 = arith.constant 32 : index
          %get3A_190 = tpu.vector_load %arg16[%get3A_188, %get3A_189] {strides = array<i32>} : memref<128x64xf32, #tpu.memory_space<vmem>>, vector<1x16xf32>,
          %get3A_191 = vector.shape_cast %get3A_190 : vector<1x16xf32> to vector<16xf32>
          %mul3A_192 = vector.broadcast %squeeze3A_163 : f32 to vector<16xf32>
          %mul3A_193 = arith.mulf %get3A_191, %mul3A_192 : vector<16xf32>
          %swap3A_194 = arith.index_cast %add3A_165 : i32 to index
          %swap3A_195 = arith.constant 32 : index
          %swap3A_196 = tpu.vector_load %arg16[%swap3A_194, %swap3A_195] {strides = array<i32>} : memref<128x64xf32, #tpu.memory_space<vmem>>, vector<1x16xf32>,
          %swap3A_197 = vector.shape_cast %swap3A_196 : vector<1x16xf32> to vector<16xf32>
          %swap3A_198 = vector.shape_cast %mul3A_193 : vector<16xf32> to vector<1x16xf32>
          tpu.vector_store %arg16[%swap3A_194, %swap3A_195], %swap3A_198 {strides = array<i32>} : memref<128x64xf32, #tpu.memory_space<vmem>>, vector<1x16xf32>,
          %get3A_199 = arith.index_cast %add3A_165 : i32 to index
          %get3A_200 = arith.constant 48 : index
          %get3A_201 = tpu.vector_load %arg16[%get3A_199, %get3A_200] {strides = array<i32>} : memref<128x64xf32, #tpu.memory_space<vmem>>, vector<1x16xf32>,
          %get3A_202 = vector.shape_cast %get3A_201 : vector<1x16xf32> to vector<16xf32>
          %mul3A_203 = vector.broadcast %squeeze3A_163 : f32 to vector<16xf32>
          %mul3A_204 = arith.mulf %get3A_202, %mul3A_203 : vector<16xf32>
          %swap3A_205 = arith.index_cast %add3A_165 : i32 to index
          %swap3A_206 = arith.constant 48 : index
          %swap3A_207 = tpu.vector_load %arg16[%swap3A_205, %swap3A_206] {strides = array<i32>} : memref<128x64xf32, #tpu.memory_space<vmem>>, vector<1x16xf32>,
          %swap3A_208 = vector.shape_cast %swap3A_207 : vector<1x16xf32> to vector<16xf32>
          %swap3A_209 = vector.shape_cast %mul3A_204 : vector<16xf32> to vector<1x16xf32>
          tpu.vector_store %arg16[%swap3A_205, %swap3A_206], %swap3A_209 {strides = array<i32>} : memref<128x64xf32, #tpu.memory_space<vmem>>, vector<1x16xf32>,
          %slice3A_210 = vector.extract_strided_slice %get3A_69 {offsets = [3], sizes = [1], strides = [1]} : vector<16xf32> to vector<1xf32>
          %squeeze3A_211 = vector.extract %slice3A_210[0] : f32 from vector<1xf32>
          %add3A_212 = arith.constant 3 : i32
          %add3A_213 = arith.addi %mul3A_66, %add3A_212 : i32
          %get3A_214 = arith.index_cast %add3A_213 : i32 to index
          %get3A_215 = arith.constant 0 : index
          %get3A_216 = tpu.vector_load %arg16[%get3A_214, %get3A_215] {strides = array<i32>} : memref<128x64xf32, #tpu.memory_space<vmem>>, vector<1x16xf32>,
          %get3A_217 = vector.shape_cast %get3A_216 : vector<1x16xf32> to vector<16xf32>
          %mul3A_218 = vector.broadcast %squeeze3A_211 : f32 to vector<16xf32>
          %mul3A_219 = arith.mulf %get3A_217, %mul3A_218 : vector<16xf32>
          %swap3A_220 = arith.index_cast %add3A_213 : i32 to index
          %swap3A_221 = arith.constant 0 : index
          %swap3A_222 = tpu.vector_load %arg16[%swap3A_220, %swap3A_221] {strides = array<i32>} : memref<128x64xf32, #tpu.memory_space<vmem>>, vector<1x16xf32>,
          %swap3A_223 = vector.shape_cast %swap3A_222 : vector<1x16xf32> to vector<16xf32>
          %swap3A_224 = vector.shape_cast %mul3A_219 : vector<16xf32> to vector<1x16xf32>
          tpu.vector_store %arg16[%swap3A_220, %swap3A_221], %swap3A_224 {strides = array<i32>} : memref<128x64xf32, #tpu.memory_space<vmem>>, vector<1x16xf32>,
          %get3A_225 = arith.index_cast %add3A_213 : i32 to index
          %get3A_226 = arith.constant 16 : index
          %get3A_227 = tpu.vector_load %arg16[%get3A_225, %get3A_226] {strides = array<i32>} : memref<128x64xf32, #tpu.memory_space<vmem>>, vector<1x16xf32>,
          %get3A_228 = vector.shape_cast %get3A_227 : vector<1x16xf32> to vector<16xf32>
          %mul3A_229 = vector.broadcast %squeeze3A_211 : f32 to vector<16xf32>
          %mul3A_230 = arith.mulf %get3A_228, %mul3A_229 : vector<16xf32>
          %swap3A_231 = arith.index_cast %add3A_213 : i32 to index
          %swap3A_232 = arith.constant 16 : index
          %swap3A_233 = tpu.vector_load %arg16[%swap3A_231, %swap3A_232] {strides = array<i32>} : memref<128x64xf32, #tpu.memory_space<vmem>>, vector<1x16xf32>,
          %swap3A_234 = vector.shape_cast %swap3A_233 : vector<1x16xf32> to vector<16xf32>
          %swap3A_235 = vector.shape_cast %mul3A_230 : vector<16xf32> to vector<1x16xf32>
          tpu.vector_store %arg16[%swap3A_231, %swap3A_232], %swap3A_235 {strides = array<i32>} : memref<128x64xf32, #tpu.memory_space<vmem>>, vector<1x16xf32>,
          %get3A_236 = arith.index_cast %add3A_213 : i32 to index
          %get3A_237 = arith.constant 32 : index
          %get3A_238 = tpu.vector_load %arg16[%get3A_236, %get3A_237] {strides = array<i32>} : memref<128x64xf32, #tpu.memory_space<vmem>>, vector<1x16xf32>,
          %get3A_239 = vector.shape_cast %get3A_238 : vector<1x16xf32> to vector<16xf32>
          %mul3A_240 = vector.broadcast %squeeze3A_211 : f32 to vector<16xf32>
          %mul3A_241 = arith.mulf %get3A_239, %mul3A_240 : vector<16xf32>
          %swap3A_242 = arith.index_cast %add3A_213 : i32 to index
          %swap3A_243 = arith.constant 32 : index
          %swap3A_244 = tpu.vector_load %arg16[%swap3A_242, %swap3A_243] {strides = array<i32>} : memref<128x64xf32, #tpu.memory_space<vmem>>, vector<1x16xf32>,
          %swap3A_245 = vector.shape_cast %swap3A_244 : vector<1x16xf32> to vector<16xf32>
          %swap3A_246 = vector.shape_cast %mul3A_241 : vector<16xf32> to vector<1x16xf32>
          tpu.vector_store %arg16[%swap3A_242, %swap3A_243], %swap3A_246 {strides = array<i32>} : memref<128x64xf32, #tpu.memory_space<vmem>>, vector<1x16xf32>,
          %get3A_247 = arith.index_cast %add3A_213 : i32 to index
          %get3A_248 = arith.constant 48 : index
          %get3A_249 = tpu.vector_load %arg16[%get3A_247, %get3A_248] {strides = array<i32>} : memref<128x64xf32, #tpu.memory_space<vmem>>, vector<1x16xf32>,
          %get3A_250 = vector.shape_cast %get3A_249 : vector<1x16xf32> to vector<16xf32>
          %mul3A_251 = vector.broadcast %squeeze3A_211 : f32 to vector<16xf32>
          %mul3A_252 = arith.mulf %get3A_250, %mul3A_251 : vector<16xf32>
          %swap3A_253 = arith.index_cast %add3A_213 : i32 to index
          %swap3A_254 = arith.constant 48 : index
          %swap3A_255 = tpu.vector_load %arg16[%swap3A_253, %swap3A_254] {strides = array<i32>} : memref<128x64xf32, #tpu.memory_space<vmem>>, vector<1x16xf32>,
          %swap3A_256 = vector.shape_cast %swap3A_255 : vector<1x16xf32> to vector<16xf32>
          %swap3A_257 = vector.shape_cast %mul3A_252 : vector<16xf32> to vector<1x16xf32>
          tpu.vector_store %arg16[%swap3A_253, %swap3A_254], %swap3A_257 {strides = array<i32>} : memref<128x64xf32, #tpu.memory_space<vmem>>, vector<1x16xf32>,
          %slice3A_258 = vector.extract_strided_slice %get3A_69 {offsets = [4], sizes = [1], strides = [1]} : vector<16xf32> to vector<1xf32>
          %squeeze3A_259 = vector.extract %slice3A_258[0] : f32 from vector<1xf32>
          %add3A_260 = arith.constant 4 : i32
          %add3A_261 = arith.addi %mul3A_66, %add3A_260 : i32
          %get3A_262 = arith.index_cast %add3A_261 : i32 to index
          %get3A_263 = arith.constant 0 : index
          %get3A_264 = tpu.vector_load %arg16[%get3A_262, %get3A_263] {strides = array<i32>} : memref<128x64xf32, #tpu.memory_space<vmem>>, vector<1x16xf32>,
          %get3A_265 = vector.shape_cast %get3A_264 : vector<1x16xf32> to vector<16xf32>
          %mul3A_266 = vector.broadcast %squeeze3A_259 : f32 to vector<16xf32>
          %mul3A_267 = arith.mulf %get3A_265, %mul3A_266 : vector<16xf32>
          %swap3A_268 = arith.index_cast %add3A_261 : i32 to index
          %swap3A_269 = arith.constant 0 : index
          %swap3A_270 = tpu.vector_load %arg16[%swap3A_268, %swap3A_269] {strides = array<i32>} : memref<128x64xf32, #tpu.memory_space<vmem>>, vector<1x16xf32>,
          %swap3A_271 = vector.shape_cast %swap3A_270 : vector<1x16xf32> to vector<16xf32>
          %swap3A_272 = vector.shape_cast %mul3A_267 : vector<16xf32> to vector<1x16xf32>
          tpu.vector_store %arg16[%swap3A_268, %swap3A_269], %swap3A_272 {strides = array<i32>} : memref<128x64xf32, #tpu.memory_space<vmem>>, vector<1x16xf32>,
          %get3A_273 = arith.index_cast %add3A_261 : i32 to index
          %get3A_274 = arith.constant 16 : index
          %get3A_275 = tpu.vector_load %arg16[%get3A_273, %get3A_274] {strides = array<i32>} : memref<128x64xf32, #tpu.memory_space<vmem>>, vector<1x16xf32>,
          %get3A_276 = vector.shape_cast %get3A_275 : vector<1x16xf32> to vector<16xf32>
          %mul3A_277 = vector.broadcast %squeeze3A_259 : f32 to vector<16xf32>
          %mul3A_278 = arith.mulf %get3A_276, %mul3A_277 : vector<16xf32>
          %swap3A_279 = arith.index_cast %add3A_261 : i32 to index
          %swap3A_280 = arith.constant 16 : index
          %swap3A_281 = tpu.vector_load %arg16[%swap3A_279, %swap3A_280] {strides = array<i32>} : memref<128x64xf32, #tpu.memory_space<vmem>>, vector<1x16xf32>,
          %swap3A_282 = vector.shape_cast %swap3A_281 : vector<1x16xf32> to vector<16xf32>
          %swap3A_283 = vector.shape_cast %mul3A_278 : vector<16xf32> to vector<1x16xf32>
          tpu.vector_store %arg16[%swap3A_279, %swap3A_280], %swap3A_283 {strides = array<i32>} : memref<128x64xf32, #tpu.memory_space<vmem>>, vector<1x16xf32>,
          %get3A_284 = arith.index_cast %add3A_261 : i32 to index
          %get3A_285 = arith.constant 32 : index
          %get3A_286 = tpu.vector_load %arg16[%get3A_284, %get3A_285] {strides = array<i32>} : memref<128x64xf32, #tpu.memory_space<vmem>>, vector<1x16xf32>,
          %get3A_287 = vector.shape_cast %get3A_286 : vector<1x16xf32> to vector<16xf32>
          %mul3A_288 = vector.broadcast %squeeze3A_259 : f32 to vector<16xf32>
          %mul3A_289 = arith.mulf %get3A_287, %mul3A_288 : vector<16xf32>
          %swap3A_290 = arith.index_cast %add3A_261 : i32 to index
          %swap3A_291 = arith.constant 32 : index
          %swap3A_292 = tpu.vector_load %arg16[%swap3A_290, %swap3A_291] {strides = array<i32>} : memref<128x64xf32, #tpu.memory_space<vmem>>, vector<1x16xf32>,
          %swap3A_293 = vector.shape_cast %swap3A_292 : vector<1x16xf32> to vector<16xf32>
          %swap3A_294 = vector.shape_cast %mul3A_289 : vector<16xf32> to vector<1x16xf32>
          tpu.vector_store %arg16[%swap3A_290, %swap3A_291], %swap3A_294 {strides = array<i32>} : memref<128x64xf32, #tpu.memory_space<vmem>>, vector<1x16xf32>,
          %get3A_295 = arith.index_cast %add3A_261 : i32 to index
          %get3A_296 = arith.constant 48 : index
          %get3A_297 = tpu.vector_load %arg16[%get3A_295, %get3A_296] {strides = array<i32>} : memref<128x64xf32, #tpu.memory_space<vmem>>, vector<1x16xf32>,
          %get3A_298 = vector.shape_cast %get3A_297 : vector<1x16xf32> to vector<16xf32>
          %mul3A_299 = vector.broadcast %squeeze3A_259 : f32 to vector<16xf32>
          %mul3A_300 = arith.mulf %get3A_298, %mul3A_299 : vector<16xf32>
          %swap3A_301 = arith.index_cast %add3A_261 : i32 to index
          %swap3A_302 = arith.constant 48 : index
          %swap3A_303 = tpu.vector_load %arg16[%swap3A_301, %swap3A_302] {strides = array<i32>} : memref<128x64xf32, #tpu.memory_space<vmem>>, vector<1x16xf32>,
          %swap3A_304 = vector.shape_cast %swap3A_303 : vector<1x16xf32> to vector<16xf32>
          %swap3A_305 = vector.shape_cast %mul3A_300 : vector<16xf32> to vector<1x16xf32>
          tpu.vector_store %arg16[%swap3A_301, %swap3A_302], %swap3A_305 {strides = array<i32>} : memref<128x64xf32, #tpu.memory_space<vmem>>, vector<1x16xf32>,
          %slice3A_306 = vector.extract_strided_slice %get3A_69 {offsets = [5], sizes = [1], strides = [1]} : vector<16xf32> to vector<1xf32>
          %squeeze3A_307 = vector.extract %slice3A_306[0] : f32 from vector<1xf32>
          %add3A_308 = arith.constant 5 : i32
          %add3A_309 = arith.addi %mul3A_66, %add3A_308 : i32
          %get3A_310 = arith.index_cast %add3A_309 : i32 to index
          %get3A_311 = arith.constant 0 : index
          %get3A_312 = tpu.vector_load %arg16[%get3A_310, %get3A_311] {strides = array<i32>} : memref<128x64xf32, #tpu.memory_space<vmem>>, vector<1x16xf32>,
          %get3A_313 = vector.shape_cast %get3A_312 : vector<1x16xf32> to vector<16xf32>
          %mul3A_314 = vector.broadcast %squeeze3A_307 : f32 to vector<16xf32>
          %mul3A_315 = arith.mulf %get3A_313, %mul3A_314 : vector<16xf32>
          %swap3A_316 = arith.index_cast %add3A_309 : i32 to index
          %swap3A_317 = arith.constant 0 : index
          %swap3A_318 = tpu.vector_load %arg16[%swap3A_316, %swap3A_317] {strides = array<i32>} : memref<128x64xf32, #tpu.memory_space<vmem>>, vector<1x16xf32>,
          %swap3A_319 = vector.shape_cast %swap3A_318 : vector<1x16xf32> to vector<16xf32>
          %swap3A_320 = vector.shape_cast %mul3A_315 : vector<16xf32> to vector<1x16xf32>
          tpu.vector_store %arg16[%swap3A_316, %swap3A_317], %swap3A_320 {strides = array<i32>} : memref<128x64xf32, #tpu.memory_space<vmem>>, vector<1x16xf32>,
          %get3A_321 = arith.index_cast %add3A_309 : i32 to index
          %get3A_322 = arith.constant 16 : index
          %get3A_323 = tpu.vector_load %arg16[%get3A_321, %get3A_322] {strides = array<i32>} : memref<128x64xf32, #tpu.memory_space<vmem>>, vector<1x16xf32>,
          %get3A_324 = vector.shape_cast %get3A_323 : vector<1x16xf32> to vector<16xf32>
          %mul3A_325 = vector.broadcast %squeeze3A_307 : f32 to vector<16xf32>
          %mul3A_326 = arith.mulf %get3A_324, %mul3A_325 : vector<16xf32>
          %swap3A_327 = arith.index_cast %add3A_309 : i32 to index
          %swap3A_328 = arith.constant 16 : index
          %swap3A_329 = tpu.vector_load %arg16[%swap3A_327, %swap3A_328] {strides = array<i32>} : memref<128x64xf32, #tpu.memory_space<vmem>>, vector<1x16xf32>,
          %swap3A_330 = vector.shape_cast %swap3A_329 : vector<1x16xf32> to vector<16xf32>
          %swap3A_331 = vector.shape_cast %mul3A_326 : vector<16xf32> to vector<1x16xf32>
          tpu.vector_store %arg16[%swap3A_327, %swap3A_328], %swap3A_331 {strides = array<i32>} : memref<128x64xf32, #tpu.memory_space<vmem>>, vector<1x16xf32>,
          %get3A_332 = arith.index_cast %add3A_309 : i32 to index
          %get3A_333 = arith.constant 32 : index
          %get3A_334 = tpu.vector_load %arg16[%get3A_332, %get3A_333] {strides = array<i32>} : memref<128x64xf32, #tpu.memory_space<vmem>>, vector<1x16xf32>,
          %get3A_335 = vector.shape_cast %get3A_334 : vector<1x16xf32> to vector<16xf32>
          %mul3A_336 = vector.broadcast %squeeze3A_307 : f32 to vector<16xf32>
          %mul3A_337 = arith.mulf %get3A_335, %mul3A_336 : vector<16xf32>
          %swap3A_338 = arith.index_cast %add3A_309 : i32 to index
          %swap3A_339 = arith.constant 32 : index
          %swap3A_340 = tpu.vector_load %arg16[%swap3A_338, %swap3A_339] {strides = array<i32>} : memref<128x64xf32, #tpu.memory_space<vmem>>, vector<1x16xf32>,
          %swap3A_341 = vector.shape_cast %swap3A_340 : vector<1x16xf32> to vector<16xf32>
          %swap3A_342 = vector.shape_cast %mul3A_337 : vector<16xf32> to vector<1x16xf32>
          tpu.vector_store %arg16[%swap3A_338, %swap3A_339], %swap3A_342 {strides = array<i32>} : memref<128x64xf32, #tpu.memory_space<vmem>>, vector<1x16xf32>,
          %get3A_343 = arith.index_cast %add3A_309 : i32 to index
          %get3A_344 = arith.constant 48 : index
          %get3A_345 = tpu.vector_load %arg16[%get3A_343, %get3A_344] {strides = array<i32>} : memref<128x64xf32, #tpu.memory_space<vmem>>, vector<1x16xf32>,
          %get3A_346 = vector.shape_cast %get3A_345 : vector<1x16xf32> to vector<16xf32>
          %mul3A_347 = vector.broadcast %squeeze3A_307 : f32 to vector<16xf32>
          %mul3A_348 = arith.mulf %get3A_346, %mul3A_347 : vector<16xf32>
          %swap3A_349 = arith.index_cast %add3A_309 : i32 to index
          %swap3A_350 = arith.constant 48 : index
          %swap3A_351 = tpu.vector_load %arg16[%swap3A_349, %swap3A_350] {strides = array<i32>} : memref<128x64xf32, #tpu.memory_space<vmem>>, vector<1x16xf32>,
          %swap3A_352 = vector.shape_cast %swap3A_351 : vector<1x16xf32> to vector<16xf32>
          %swap3A_353 = vector.shape_cast %mul3A_348 : vector<16xf32> to vector<1x16xf32>
          tpu.vector_store %arg16[%swap3A_349, %swap3A_350], %swap3A_353 {strides = array<i32>} : memref<128x64xf32, #tpu.memory_space<vmem>>, vector<1x16xf32>,
          %slice3A_354 = vector.extract_strided_slice %get3A_69 {offsets = [6], sizes = [1], strides = [1]} : vector<16xf32> to vector<1xf32>
          %squeeze3A_355 = vector.extract %slice3A_354[0] : f32 from vector<1xf32>
          %add3A_356 = arith.constant 6 : i32
          %add3A_357 = arith.addi %mul3A_66, %add3A_356 : i32
          %get3A_358 = arith.index_cast %add3A_357 : i32 to index
          %get3A_359 = arith.constant 0 : index
          %get3A_360 = tpu.vector_load %arg16[%get3A_358, %get3A_359] {strides = array<i32>} : memref<128x64xf32, #tpu.memory_space<vmem>>, vector<1x16xf32>,
          %get3A_361 = vector.shape_cast %get3A_360 : vector<1x16xf32> to vector<16xf32>
          %mul3A_362 = vector.broadcast %squeeze3A_355 : f32 to vector<16xf32>
          %mul3A_363 = arith.mulf %get3A_361, %mul3A_362 : vector<16xf32>
          %swap3A_364 = arith.index_cast %add3A_357 : i32 to index
          %swap3A_365 = arith.constant 0 : index
          %swap3A_366 = tpu.vector_load %arg16[%swap3A_364, %swap3A_365] {strides = array<i32>} : memref<128x64xf32, #tpu.memory_space<vmem>>, vector<1x16xf32>,
          %swap3A_367 = vector.shape_cast %swap3A_366 : vector<1x16xf32> to vector<16xf32>
          %swap3A_368 = vector.shape_cast %mul3A_363 : vector<16xf32> to vector<1x16xf32>
          tpu.vector_store %arg16[%swap3A_364, %swap3A_365], %swap3A_368 {strides = array<i32>} : memref<128x64xf32, #tpu.memory_space<vmem>>, vector<1x16xf32>,
          %get3A_369 = arith.index_cast %add3A_357 : i32 to index
          %get3A_370 = arith.constant 16 : index
          %get3A_371 = tpu.vector_load %arg16[%get3A_369, %get3A_370] {strides = array<i32>} : memref<128x64xf32, #tpu.memory_space<vmem>>, vector<1x16xf32>,
          %get3A_372 = vector.shape_cast %get3A_371 : vector<1x16xf32> to vector<16xf32>
          %mul3A_373 = vector.broadcast %squeeze3A_355 : f32 to vector<16xf32>
          %mul3A_374 = arith.mulf %get3A_372, %mul3A_373 : vector<16xf32>
          %swap3A_375 = arith.index_cast %add3A_357 : i32 to index
          %swap3A_376 = arith.constant 16 : index
          %swap3A_377 = tpu.vector_load %arg16[%swap3A_375, %swap3A_376] {strides = array<i32>} : memref<128x64xf32, #tpu.memory_space<vmem>>, vector<1x16xf32>,
          %swap3A_378 = vector.shape_cast %swap3A_377 : vector<1x16xf32> to vector<16xf32>
          %swap3A_379 = vector.shape_cast %mul3A_374 : vector<16xf32> to vector<1x16xf32>
          tpu.vector_store %arg16[%swap3A_375, %swap3A_376], %swap3A_379 {strides = array<i32>} : memref<128x64xf32, #tpu.memory_space<vmem>>, vector<1x16xf32>,
          %get3A_380 = arith.index_cast %add3A_357 : i32 to index
          %get3A_381 = arith.constant 32 : index
          %get3A_382 = tpu.vector_load %arg16[%get3A_380, %get3A_381] {strides = array<i32>} : memref<128x64xf32, #tpu.memory_space<vmem>>, vector<1x16xf32>,
          %get3A_383 = vector.shape_cast %get3A_382 : vector<1x16xf32> to vector<16xf32>
          %mul3A_384 = vector.broadcast %squeeze3A_355 : f32 to vector<16xf32>
          %mul3A_385 = arith.mulf %get3A_383, %mul3A_384 : vector<16xf32>
          %swap3A_386 = arith.index_cast %add3A_357 : i32 to index
          %swap3A_387 = arith.constant 32 : index
          %swap3A_388 = tpu.vector_load %arg16[%swap3A_386, %swap3A_387] {strides = array<i32>} : memref<128x64xf32, #tpu.memory_space<vmem>>, vector<1x16xf32>,
          %swap3A_389 = vector.shape_cast %swap3A_388 : vector<1x16xf32> to vector<16xf32>
          %swap3A_390 = vector.shape_cast %mul3A_385 : vector<16xf32> to vector<1x16xf32>
          tpu.vector_store %arg16[%swap3A_386, %swap3A_387], %swap3A_390 {strides = array<i32>} : memref<128x64xf32, #tpu.memory_space<vmem>>, vector<1x16xf32>,
          %get3A_391 = arith.index_cast %add3A_357 : i32 to index
          %get3A_392 = arith.constant 48 : index
          %get3A_393 = tpu.vector_load %arg16[%get3A_391, %get3A_392] {strides = array<i32>} : memref<128x64xf32, #tpu.memory_space<vmem>>, vector<1x16xf32>,
          %get3A_394 = vector.shape_cast %get3A_393 : vector<1x16xf32> to vector<16xf32>
          %mul3A_395 = vector.broadcast %squeeze3A_355 : f32 to vector<16xf32>
          %mul3A_396 = arith.mulf %get3A_394, %mul3A_395 : vector<16xf32>
          %swap3A_397 = arith.index_cast %add3A_357 : i32 to index
          %swap3A_398 = arith.constant 48 : index
          %swap3A_399 = tpu.vector_load %arg16[%swap3A_397, %swap3A_398] {strides = array<i32>} : memref<128x64xf32, #tpu.memory_space<vmem>>, vector<1x16xf32>,
          %swap3A_400 = vector.shape_cast %swap3A_399 : vector<1x16xf32> to vector<16xf32>
          %swap3A_401 = vector.shape_cast %mul3A_396 : vector<16xf32> to vector<1x16xf32>
          tpu.vector_store %arg16[%swap3A_397, %swap3A_398], %swap3A_401 {strides = array<i32>} : memref<128x64xf32, #tpu.memory_space<vmem>>, vector<1x16xf32>,
          %slice3A_402 = vector.extract_strided_slice %get3A_69 {offsets = [7], sizes = [1], strides = [1]} : vector<16xf32> to vector<1xf32>
          %squeeze3A_403 = vector.extract %slice3A_402[0] : f32 from vector<1xf32>
          %add3A_404 = arith.constant 7 : i32
          %add3A_405 = arith.addi %mul3A_66, %add3A_404 : i32
          %get3A_406 = arith.index_cast %add3A_405 : i32 to index
          %get3A_407 = arith.constant 0 : index
          %get3A_408 = tpu.vector_load %arg16[%get3A_406, %get3A_407] {strides = array<i32>} : memref<128x64xf32, #tpu.memory_space<vmem>>, vector<1x16xf32>,
          %get3A_409 = vector.shape_cast %get3A_408 : vector<1x16xf32> to vector<16xf32>
          %mul3A_410 = vector.broadcast %squeeze3A_403 : f32 to vector<16xf32>
          %mul3A_411 = arith.mulf %get3A_409, %mul3A_410 : vector<16xf32>
          %swap3A_412 = arith.index_cast %add3A_405 : i32 to index
          %swap3A_413 = arith.constant 0 : index
          %swap3A_414 = tpu.vector_load %arg16[%swap3A_412, %swap3A_413] {strides = array<i32>} : memref<128x64xf32, #tpu.memory_space<vmem>>, vector<1x16xf32>,
          %swap3A_415 = vector.shape_cast %swap3A_414 : vector<1x16xf32> to vector<16xf32>
          %swap3A_416 = vector.shape_cast %mul3A_411 : vector<16xf32> to vector<1x16xf32>
          tpu.vector_store %arg16[%swap3A_412, %swap3A_413], %swap3A_416 {strides = array<i32>} : memref<128x64xf32, #tpu.memory_space<vmem>>, vector<1x16xf32>,
          %get3A_417 = arith.index_cast %add3A_405 : i32 to index
          %get3A_418 = arith.constant 16 : index
          %get3A_419 = tpu.vector_load %arg16[%get3A_417, %get3A_418] {strides = array<i32>} : memref<128x64xf32, #tpu.memory_space<vmem>>, vector<1x16xf32>,
          %get3A_420 = vector.shape_cast %get3A_419 : vector<1x16xf32> to vector<16xf32>
          %mul3A_421 = vector.broadcast %squeeze3A_403 : f32 to vector<16xf32>
          %mul3A_422 = arith.mulf %get3A_420, %mul3A_421 : vector<16xf32>
          %swap3A_423 = arith.index_cast %add3A_405 : i32 to index
          %swap3A_424 = arith.constant 16 : index
          %swap3A_425 = tpu.vector_load %arg16[%swap3A_423, %swap3A_424] {strides = array<i32>} : memref<128x64xf32, #tpu.memory_space<vmem>>, vector<1x16xf32>,
          %swap3A_426 = vector.shape_cast %swap3A_425 : vector<1x16xf32> to vector<16xf32>
          %swap3A_427 = vector.shape_cast %mul3A_422 : vector<16xf32> to vector<1x16xf32>
          tpu.vector_store %arg16[%swap3A_423, %swap3A_424], %swap3A_427 {strides = array<i32>} : memref<128x64xf32, #tpu.memory_space<vmem>>, vector<1x16xf32>,
          %get3A_428 = arith.index_cast %add3A_405 : i32 to index
          %get3A_429 = arith.constant 32 : index
          %get3A_430 = tpu.vector_load %arg16[%get3A_428, %get3A_429] {strides = array<i32>} : memref<128x64xf32, #tpu.memory_space<vmem>>, vector<1x16xf32>,
          %get3A_431 = vector.shape_cast %get3A_430 : vector<1x16xf32> to vector<16xf32>
          %mul3A_432 = vector.broadcast %squeeze3A_403 : f32 to vector<16xf32>
          %mul3A_433 = arith.mulf %get3A_431, %mul3A_432 : vector<16xf32>
          %swap3A_434 = arith.index_cast %add3A_405 : i32 to index
          %swap3A_435 = arith.constant 32 : index
          %swap3A_436 = tpu.vector_load %arg16[%swap3A_434, %swap3A_435] {strides = array<i32>} : memref<128x64xf32, #tpu.memory_space<vmem>>, vector<1x16xf32>,
          %swap3A_437 = vector.shape_cast %swap3A_436 : vector<1x16xf32> to vector<16xf32>
          %swap3A_438 = vector.shape_cast %mul3A_433 : vector<16xf32> to vector<1x16xf32>
          tpu.vector_store %arg16[%swap3A_434, %swap3A_435], %swap3A_438 {strides = array<i32>} : memref<128x64xf32, #tpu.memory_space<vmem>>, vector<1x16xf32>,
          %get3A_439 = arith.index_cast %add3A_405 : i32 to index
          %get3A_440 = arith.constant 48 : index
          %get3A_441 = tpu.vector_load %arg16[%get3A_439, %get3A_440] {strides = array<i32>} : memref<128x64xf32, #tpu.memory_space<vmem>>, vector<1x16xf32>,
          %get3A_442 = vector.shape_cast %get3A_441 : vector<1x16xf32> to vector<16xf32>
          %mul3A_443 = vector.broadcast %squeeze3A_403 : f32 to vector<16xf32>
          %mul3A_444 = arith.mulf %get3A_442, %mul3A_443 : vector<16xf32>
          %swap3A_445 = arith.index_cast %add3A_405 : i32 to index
          %swap3A_446 = arith.constant 48 : index
          %swap3A_447 = tpu.vector_load %arg16[%swap3A_445, %swap3A_446] {strides = array<i32>} : memref<128x64xf32, #tpu.memory_space<vmem>>, vector<1x16xf32>,
          %swap3A_448 = vector.shape_cast %swap3A_447 : vector<1x16xf32> to vector<16xf32>
          %swap3A_449 = vector.shape_cast %mul3A_444 : vector<16xf32> to vector<1x16xf32>
          tpu.vector_store %arg16[%swap3A_445, %swap3A_446], %swap3A_449 {strides = array<i32>} : memref<128x64xf32, #tpu.memory_space<vmem>>, vector<1x16xf32>,
          %slice3A_450 = vector.extract_strided_slice %get3A_69 {offsets = [8], sizes = [1], strides = [1]} : vector<16xf32> to vector<1xf32>
          %squeeze3A_451 = vector.extract %slice3A_450[0] : f32 from vector<1xf32>
          %add3A_452 = arith.constant 8 : i32
          %add3A_453 = arith.addi %mul3A_66, %add3A_452 : i32
          %get3A_454 = arith.index_cast %add3A_453 : i32 to index
          %get3A_455 = arith.constant 0 : index
          %get3A_456 = tpu.vector_load %arg16[%get3A_454, %get3A_455] {strides = array<i32>} : memref<128x64xf32, #tpu.memory_space<vmem>>, vector<1x16xf32>,
          %get3A_457 = vector.shape_cast %get3A_456 : vector<1x16xf32> to vector<16xf32>
          %mul3A_458 = vector.broadcast %squeeze3A_451 : f32 to vector<16xf32>
          %mul3A_459 = arith.mulf %get3A_457, %mul3A_458 : vector<16xf32>
          %swap3A_460 = arith.index_cast %add3A_453 : i32 to index
          %swap3A_461 = arith.constant 0 : index
          %swap3A_462 = tpu.vector_load %arg16[%swap3A_460, %swap3A_461] {strides = array<i32>} : memref<128x64xf32, #tpu.memory_space<vmem>>, vector<1x16xf32>,
          %swap3A_463 = vector.shape_cast %swap3A_462 : vector<1x16xf32> to vector<16xf32>
          %swap3A_464 = vector.shape_cast %mul3A_459 : vector<16xf32> to vector<1x16xf32>
          tpu.vector_store %arg16[%swap3A_460, %swap3A_461], %swap3A_464 {strides = array<i32>} : memref<128x64xf32, #tpu.memory_space<vmem>>, vector<1x16xf32>,
          %get3A_465 = arith.index_cast %add3A_453 : i32 to index
          %get3A_466 = arith.constant 16 : index
          %get3A_467 = tpu.vector_load %arg16[%get3A_465, %get3A_466] {strides = array<i32>} : memref<128x64xf32, #tpu.memory_space<vmem>>, vector<1x16xf32>,
          %get3A_468 = vector.shape_cast %get3A_467 : vector<1x16xf32> to vector<16xf32>
          %mul3A_469 = vector.broadcast %squeeze3A_451 : f32 to vector<16xf32>
          %mul3A_470 = arith.mulf %get3A_468, %mul3A_469 : vector<16xf32>
          %swap3A_471 = arith.index_cast %add3A_453 : i32 to index
          %swap3A_472 = arith.constant 16 : index
          %swap3A_473 = tpu.vector_load %arg16[%swap3A_471, %swap3A_472] {strides = array<i32>} : memref<128x64xf32, #tpu.memory_space<vmem>>, vector<1x16xf32>,
          %swap3A_474 = vector.shape_cast %swap3A_473 : vector<1x16xf32> to vector<16xf32>
          %swap3A_475 = vector.shape_cast %mul3A_470 : vector<16xf32> to vector<1x16xf32>
          tpu.vector_store %arg16[%swap3A_471, %swap3A_472], %swap3A_475 {strides = array<i32>} : memref<128x64xf32, #tpu.memory_space<vmem>>, vector<1x16xf32>,
          %get3A_476 = arith.index_cast %add3A_453 : i32 to index
          %get3A_477 = arith.constant 32 : index
          %get3A_478 = tpu.vector_load %arg16[%get3A_476, %get3A_477] {strides = array<i32>} : memref<128x64xf32, #tpu.memory_space<vmem>>, vector<1x16xf32>,
          %get3A_479 = vector.shape_cast %get3A_478 : vector<1x16xf32> to vector<16xf32>
          %mul3A_480 = vector.broadcast %squeeze3A_451 : f32 to vector<16xf32>
          %mul3A_481 = arith.mulf %get3A_479, %mul3A_480 : vector<16xf32>
          %swap3A_482 = arith.index_cast %add3A_453 : i32 to index
          %swap3A_483 = arith.constant 32 : index
          %swap3A_484 = tpu.vector_load %arg16[%swap3A_482, %swap3A_483] {strides = array<i32>} : memref<128x64xf32, #tpu.memory_space<vmem>>, vector<1x16xf32>,
          %swap3A_485 = vector.shape_cast %swap3A_484 : vector<1x16xf32> to vector<16xf32>
          %swap3A_486 = vector.shape_cast %mul3A_481 : vector<16xf32> to vector<1x16xf32>
          tpu.vector_store %arg16[%swap3A_482, %swap3A_483], %swap3A_486 {strides = array<i32>} : memref<128x64xf32, #tpu.memory_space<vmem>>, vector<1x16xf32>,
          %get3A_487 = arith.index_cast %add3A_453 : i32 to index
          %get3A_488 = arith.constant 48 : index
          %get3A_489 = tpu.vector_load %arg16[%get3A_487, %get3A_488] {strides = array<i32>} : memref<128x64xf32, #tpu.memory_space<vmem>>, vector<1x16xf32>,
          %get3A_490 = vector.shape_cast %get3A_489 : vector<1x16xf32> to vector<16xf32>
          %mul3A_491 = vector.broadcast %squeeze3A_451 : f32 to vector<16xf32>
          %mul3A_492 = arith.mulf %get3A_490, %mul3A_491 : vector<16xf32>
          %swap3A_493 = arith.index_cast %add3A_453 : i32 to index
          %swap3A_494 = arith.constant 48 : index
          %swap3A_495 = tpu.vector_load %arg16[%swap3A_493, %swap3A_494] {strides = array<i32>} : memref<128x64xf32, #tpu.memory_space<vmem>>, vector<1x16xf32>,
          %swap3A_496 = vector.shape_cast %swap3A_495 : vector<1x16xf32> to vector<16xf32>
          %swap3A_497 = vector.shape_cast %mul3A_492 : vector<16xf32> to vector<1x16xf32>
          tpu.vector_store %arg16[%swap3A_493, %swap3A_494], %swap3A_497 {strides = array<i32>} : memref<128x64xf32, #tpu.memory_space<vmem>>, vector<1x16xf32>,
          %slice3A_498 = vector.extract_strided_slice %get3A_69 {offsets = [9], sizes = [1], strides = [1]} : vector<16xf32> to vector<1xf32>
          %squeeze3A_499 = vector.extract %slice3A_498[0] : f32 from vector<1xf32>
          %add3A_500 = arith.constant 9 : i32
          %add3A_501 = arith.addi %mul3A_66, %add3A_500 : i32
          %get3A_502 = arith.index_cast %add3A_501 : i32 to index
          %get3A_503 = arith.constant 0 : index
          %get3A_504 = tpu.vector_load %arg16[%get3A_502, %get3A_503] {strides = array<i32>} : memref<128x64xf32, #tpu.memory_space<vmem>>, vector<1x16xf32>,
          %get3A_505 = vector.shape_cast %get3A_504 : vector<1x16xf32> to vector<16xf32>
          %mul3A_506 = vector.broadcast %squeeze3A_499 : f32 to vector<16xf32>
          %mul3A_507 = arith.mulf %get3A_505, %mul3A_506 : vector<16xf32>
          %swap3A_508 = arith.index_cast %add3A_501 : i32 to index
          %swap3A_509 = arith.constant 0 : index
          %swap3A_510 = tpu.vector_load %arg16[%swap3A_508, %swap3A_509] {strides = array<i32>} : memref<128x64xf32, #tpu.memory_space<vmem>>, vector<1x16xf32>,
          %swap3A_511 = vector.shape_cast %swap3A_510 : vector<1x16xf32> to vector<16xf32>
          %swap3A_512 = vector.shape_cast %mul3A_507 : vector<16xf32> to vector<1x16xf32>
          tpu.vector_store %arg16[%swap3A_508, %swap3A_509], %swap3A_512 {strides = array<i32>} : memref<128x64xf32, #tpu.memory_space<vmem>>, vector<1x16xf32>,
          %get3A_513 = arith.index_cast %add3A_501 : i32 to index
          %get3A_514 = arith.constant 16 : index
          %get3A_515 = tpu.vector_load %arg16[%get3A_513, %get3A_514] {strides = array<i32>} : memref<128x64xf32, #tpu.memory_space<vmem>>, vector<1x16xf32>,
          %get3A_516 = vector.shape_cast %get3A_515 : vector<1x16xf32> to vector<16xf32>
          %mul3A_517 = vector.broadcast %squeeze3A_499 : f32 to vector<16xf32>
          %mul3A_518 = arith.mulf %get3A_516, %mul3A_517 : vector<16xf32>
          %swap3A_519 = arith.index_cast %add3A_501 : i32 to index
          %swap3A_520 = arith.constant 16 : index
          %swap3A_521 = tpu.vector_load %arg16[%swap3A_519, %swap3A_520] {strides = array<i32>} : memref<128x64xf32, #tpu.memory_space<vmem>>, vector<1x16xf32>,
          %swap3A_522 = vector.shape_cast %swap3A_521 : vector<1x16xf32> to vector<16xf32>
          %swap3A_523 = vector.shape_cast %mul3A_518 : vector<16xf32> to vector<1x16xf32>
          tpu.vector_store %arg16[%swap3A_519, %swap3A_520], %swap3A_523 {strides = array<i32>} : memref<128x64xf32, #tpu.memory_space<vmem>>, vector<1x16xf32>,
          %get3A_524 = arith.index_cast %add3A_501 : i32 to index
          %get3A_525 = arith.constant 32 : index
          %get3A_526 = tpu.vector_load %arg16[%get3A_524, %get3A_525] {strides = array<i32>} : memref<128x64xf32, #tpu.memory_space<vmem>>, vector<1x16xf32>,
          %get3A_527 = vector.shape_cast %get3A_526 : vector<1x16xf32> to vector<16xf32>
          %mul3A_528 = vector.broadcast %squeeze3A_499 : f32 to vector<16xf32>
          %mul3A_529 = arith.mulf %get3A_527, %mul3A_528 : vector<16xf32>
          %swap3A_530 = arith.index_cast %add3A_501 : i32 to index
          %swap3A_531 = arith.constant 32 : index
          %swap3A_532 = tpu.vector_load %arg16[%swap3A_530, %swap3A_531] {strides = array<i32>} : memref<128x64xf32, #tpu.memory_space<vmem>>, vector<1x16xf32>,
          %swap3A_533 = vector.shape_cast %swap3A_532 : vector<1x16xf32> to vector<16xf32>
          %swap3A_534 = vector.shape_cast %mul3A_529 : vector<16xf32> to vector<1x16xf32>
          tpu.vector_store %arg16[%swap3A_530, %swap3A_531], %swap3A_534 {strides = array<i32>} : memref<128x64xf32, #tpu.memory_space<vmem>>, vector<1x16xf32>,
          %get3A_535 = arith.index_cast %add3A_501 : i32 to index
          %get3A_536 = arith.constant 48 : index
          %get3A_537 = tpu.vector_load %arg16[%get3A_535, %get3A_536] {strides = array<i32>} : memref<128x64xf32, #tpu.memory_space<vmem>>, vector<1x16xf32>,
          %get3A_538 = vector.shape_cast %get3A_537 : vector<1x16xf32> to vector<16xf32>
          %mul3A_539 = vector.broadcast %squeeze3A_499 : f32 to vector<16xf32>
          %mul3A_540 = arith.mulf %get3A_538, %mul3A_539 : vector<16xf32>
          %swap3A_541 = arith.index_cast %add3A_501 : i32 to index
          %swap3A_542 = arith.constant 48 : index
          %swap3A_543 = tpu.vector_load %arg16[%swap3A_541, %swap3A_542] {strides = array<i32>} : memref<128x64xf32, #tpu.memory_space<vmem>>, vector<1x16xf32>,
          %swap3A_544 = vector.shape_cast %swap3A_543 : vector<1x16xf32> to vector<16xf32>
          %swap3A_545 = vector.shape_cast %mul3A_540 : vector<16xf32> to vector<1x16xf32>
          tpu.vector_store %arg16[%swap3A_541, %swap3A_542], %swap3A_545 {strides = array<i32>} : memref<128x64xf32, #tpu.memory_space<vmem>>, vector<1x16xf32>,
          %slice3A_546 = vector.extract_strided_slice %get3A_69 {offsets = [10], sizes = [1], strides = [1]} : vector<16xf32> to vector<1xf32>
          %squeeze3A_547 = vector.extract %slice3A_546[0] : f32 from vector<1xf32>
          %add3A_548 = arith.constant 10 : i32
          %add3A_549 = arith.addi %mul3A_66, %add3A_548 : i32
          %get3A_550 = arith.index_cast %add3A_549 : i32 to index
          %get3A_551 = arith.constant 0 : index
          %get3A_552 = tpu.vector_load %arg16[%get3A_550, %get3A_551] {strides = array<i32>} : memref<128x64xf32, #tpu.memory_space<vmem>>, vector<1x16xf32>,
          %get3A_553 = vector.shape_cast %get3A_552 : vector<1x16xf32> to vector<16xf32>
          %mul3A_554 = vector.broadcast %squeeze3A_547 : f32 to vector<16xf32>
          %mul3A_555 = arith.mulf %get3A_553, %mul3A_554 : vector<16xf32>
          %swap3A_556 = arith.index_cast %add3A_549 : i32 to index
          %swap3A_557 = arith.constant 0 : index
          %swap3A_558 = tpu.vector_load %arg16[%swap3A_556, %swap3A_557] {strides = array<i32>} : memref<128x64xf32, #tpu.memory_space<vmem>>, vector<1x16xf32>,
          %swap3A_559 = vector.shape_cast %swap3A_558 : vector<1x16xf32> to vector<16xf32>
          %swap3A_560 = vector.shape_cast %mul3A_555 : vector<16xf32> to vector<1x16xf32>
          tpu.vector_store %arg16[%swap3A_556, %swap3A_557], %swap3A_560 {strides = array<i32>} : memref<128x64xf32, #tpu.memory_space<vmem>>, vector<1x16xf32>,
          %get3A_561 = arith.index_cast %add3A_549 : i32 to index
          %get3A_562 = arith.constant 16 : index
          %get3A_563 = tpu.vector_load %arg16[%get3A_561, %get3A_562] {strides = array<i32>} : memref<128x64xf32, #tpu.memory_space<vmem>>, vector<1x16xf32>,
          %get3A_564 = vector.shape_cast %get3A_563 : vector<1x16xf32> to vector<16xf32>
          %mul3A_565 = vector.broadcast %squeeze3A_547 : f32 to vector<16xf32>
          %mul3A_566 = arith.mulf %get3A_564, %mul3A_565 : vector<16xf32>
          %swap3A_567 = arith.index_cast %add3A_549 : i32 to index
          %swap3A_568 = arith.constant 16 : index
          %swap3A_569 = tpu.vector_load %arg16[%swap3A_567, %swap3A_568] {strides = array<i32>} : memref<128x64xf32, #tpu.memory_space<vmem>>, vector<1x16xf32>,
          %swap3A_570 = vector.shape_cast %swap3A_569 : vector<1x16xf32> to vector<16xf32>
          %swap3A_571 = vector.shape_cast %mul3A_566 : vector<16xf32> to vector<1x16xf32>
          tpu.vector_store %arg16[%swap3A_567, %swap3A_568], %swap3A_571 {strides = array<i32>} : memref<128x64xf32, #tpu.memory_space<vmem>>, vector<1x16xf32>,
          %get3A_572 = arith.index_cast %add3A_549 : i32 to index
          %get3A_573 = arith.constant 32 : index
          %get3A_574 = tpu.vector_load %arg16[%get3A_572, %get3A_573] {strides = array<i32>} : memref<128x64xf32, #tpu.memory_space<vmem>>, vector<1x16xf32>,
          %get3A_575 = vector.shape_cast %get3A_574 : vector<1x16xf32> to vector<16xf32>
          %mul3A_576 = vector.broadcast %squeeze3A_547 : f32 to vector<16xf32>
          %mul3A_577 = arith.mulf %get3A_575, %mul3A_576 : vector<16xf32>
          %swap3A_578 = arith.index_cast %add3A_549 : i32 to index
          %swap3A_579 = arith.constant 32 : index
          %swap3A_580 = tpu.vector_load %arg16[%swap3A_578, %swap3A_579] {strides = array<i32>} : memref<128x64xf32, #tpu.memory_space<vmem>>, vector<1x16xf32>,
          %swap3A_581 = vector.shape_cast %swap3A_580 : vector<1x16xf32> to vector<16xf32>
          %swap3A_582 = vector.shape_cast %mul3A_577 : vector<16xf32> to vector<1x16xf32>
          tpu.vector_store %arg16[%swap3A_578, %swap3A_579], %swap3A_582 {strides = array<i32>} : memref<128x64xf32, #tpu.memory_space<vmem>>, vector<1x16xf32>,
          %get3A_583 = arith.index_cast %add3A_549 : i32 to index
          %get3A_584 = arith.constant 48 : index
          %get3A_585 = tpu.vector_load %arg16[%get3A_583, %get3A_584] {strides = array<i32>} : memref<128x64xf32, #tpu.memory_space<vmem>>, vector<1x16xf32>,
          %get3A_586 = vector.shape_cast %get3A_585 : vector<1x16xf32> to vector<16xf32>
          %mul3A_587 = vector.broadcast %squeeze3A_547 : f32 to vector<16xf32>
          %mul3A_588 = arith.mulf %get3A_586, %mul3A_587 : vector<16xf32>
          %swap3A_589 = arith.index_cast %add3A_549 : i32 to index
          %swap3A_590 = arith.constant 48 : index
          %swap3A_591 = tpu.vector_load %arg16[%swap3A_589, %swap3A_590] {strides = array<i32>} : memref<128x64xf32, #tpu.memory_space<vmem>>, vector<1x16xf32>,
          %swap3A_592 = vector.shape_cast %swap3A_591 : vector<1x16xf32> to vector<16xf32>
          %swap3A_593 = vector.shape_cast %mul3A_588 : vector<16xf32> to vector<1x16xf32>
          tpu.vector_store %arg16[%swap3A_589, %swap3A_590], %swap3A_593 {strides = array<i32>} : memref<128x64xf32, #tpu.memory_space<vmem>>, vector<1x16xf32>,
          %slice3A_594 = vector.extract_strided_slice %get3A_69 {offsets = [11], sizes = [1], strides = [1]} : vector<16xf32> to vector<1xf32>
          %squeeze3A_595 = vector.extract %slice3A_594[0] : f32 from vector<1xf32>
          %add3A_596 = arith.constant 11 : i32
          %add3A_597 = arith.addi %mul3A_66, %add3A_596 : i32
          %get3A_598 = arith.index_cast %add3A_597 : i32 to index
          %get3A_599 = arith.constant 0 : index
          %get3A_600 = tpu.vector_load %arg16[%get3A_598, %get3A_599] {strides = array<i32>} : memref<128x64xf32, #tpu.memory_space<vmem>>, vector<1x16xf32>,
          %get3A_601 = vector.shape_cast %get3A_600 : vector<1x16xf32> to vector<16xf32>
          %mul3A_602 = vector.broadcast %squeeze3A_595 : f32 to vector<16xf32>
          %mul3A_603 = arith.mulf %get3A_601, %mul3A_602 : vector<16xf32>
          %swap3A_604 = arith.index_cast %add3A_597 : i32 to index
          %swap3A_605 = arith.constant 0 : index
          %swap3A_606 = tpu.vector_load %arg16[%swap3A_604, %swap3A_605] {strides = array<i32>} : memref<128x64xf32, #tpu.memory_space<vmem>>, vector<1x16xf32>,
          %swap3A_607 = vector.shape_cast %swap3A_606 : vector<1x16xf32> to vector<16xf32>
          %swap3A_608 = vector.shape_cast %mul3A_603 : vector<16xf32> to vector<1x16xf32>
          tpu.vector_store %arg16[%swap3A_604, %swap3A_605], %swap3A_608 {strides = array<i32>} : memref<128x64xf32, #tpu.memory_space<vmem>>, vector<1x16xf32>,
          %get3A_609 = arith.index_cast %add3A_597 : i32 to index
          %get3A_610 = arith.constant 16 : index
          %get3A_611 = tpu.vector_load %arg16[%get3A_609, %get3A_610] {strides = array<i32>} : memref<128x64xf32, #tpu.memory_space<vmem>>, vector<1x16xf32>,
          %get3A_612 = vector.shape_cast %get3A_611 : vector<1x16xf32> to vector<16xf32>
          %mul3A_613 = vector.broadcast %squeeze3A_595 : f32 to vector<16xf32>
          %mul3A_614 = arith.mulf %get3A_612, %mul3A_613 : vector<16xf32>
          %swap3A_615 = arith.index_cast %add3A_597 : i32 to index
          %swap3A_616 = arith.constant 16 : index
          %swap3A_617 = tpu.vector_load %arg16[%swap3A_615, %swap3A_616] {strides = array<i32>} : memref<128x64xf32, #tpu.memory_space<vmem>>, vector<1x16xf32>,
          %swap3A_618 = vector.shape_cast %swap3A_617 : vector<1x16xf32> to vector<16xf32>
          %swap3A_619 = vector.shape_cast %mul3A_614 : vector<16xf32> to vector<1x16xf32>
          tpu.vector_store %arg16[%swap3A_615, %swap3A_616], %swap3A_619 {strides = array<i32>} : memref<128x64xf32, #tpu.memory_space<vmem>>, vector<1x16xf32>,
          %get3A_620 = arith.index_cast %add3A_597 : i32 to index
          %get3A_621 = arith.constant 32 : index
          %get3A_622 = tpu.vector_load %arg16[%get3A_620, %get3A_621] {strides = array<i32>} : memref<128x64xf32, #tpu.memory_space<vmem>>, vector<1x16xf32>,
          %get3A_623 = vector.shape_cast %get3A_622 : vector<1x16xf32> to vector<16xf32>
          %mul3A_624 = vector.broadcast %squeeze3A_595 : f32 to vector<16xf32>
          %mul3A_625 = arith.mulf %get3A_623, %mul3A_624 : vector<16xf32>
          %swap3A_626 = arith.index_cast %add3A_597 : i32 to index
          %swap3A_627 = arith.constant 32 : index
          %swap3A_628 = tpu.vector_load %arg16[%swap3A_626, %swap3A_627] {strides = array<i32>} : memref<128x64xf32, #tpu.memory_space<vmem>>, vector<1x16xf32>,
          %swap3A_629 = vector.shape_cast %swap3A_628 : vector<1x16xf32> to vector<16xf32>
          %swap3A_630 = vector.shape_cast %mul3A_625 : vector<16xf32> to vector<1x16xf32>
          tpu.vector_store %arg16[%swap3A_626, %swap3A_627], %swap3A_630 {strides = array<i32>} : memref<128x64xf32, #tpu.memory_space<vmem>>, vector<1x16xf32>,
          %get3A_631 = arith.index_cast %add3A_597 : i32 to index
          %get3A_632 = arith.constant 48 : index
          %get3A_633 = tpu.vector_load %arg16[%get3A_631, %get3A_632] {strides = array<i32>} : memref<128x64xf32, #tpu.memory_space<vmem>>, vector<1x16xf32>,
          %get3A_634 = vector.shape_cast %get3A_633 : vector<1x16xf32> to vector<16xf32>
          %mul3A_635 = vector.broadcast %squeeze3A_595 : f32 to vector<16xf32>
          %mul3A_636 = arith.mulf %get3A_634, %mul3A_635 : vector<16xf32>
          %swap3A_637 = arith.index_cast %add3A_597 : i32 to index
          %swap3A_638 = arith.constant 48 : index
          %swap3A_639 = tpu.vector_load %arg16[%swap3A_637, %swap3A_638] {strides = array<i32>} : memref<128x64xf32, #tpu.memory_space<vmem>>, vector<1x16xf32>,
          %swap3A_640 = vector.shape_cast %swap3A_639 : vector<1x16xf32> to vector<16xf32>
          %swap3A_641 = vector.shape_cast %mul3A_636 : vector<16xf32> to vector<1x16xf32>
          tpu.vector_store %arg16[%swap3A_637, %swap3A_638], %swap3A_641 {strides = array<i32>} : memref<128x64xf32, #tpu.memory_space<vmem>>, vector<1x16xf32>,
          %slice3A_642 = vector.extract_strided_slice %get3A_69 {offsets = [12], sizes = [1], strides = [1]} : vector<16xf32> to vector<1xf32>
          %squeeze3A_643 = vector.extract %slice3A_642[0] : f32 from vector<1xf32>
          %add3A_644 = arith.constant 12 : i32
          %add3A_645 = arith.addi %mul3A_66, %add3A_644 : i32
          %get3A_646 = arith.index_cast %add3A_645 : i32 to index
          %get3A_647 = arith.constant 0 : index
          %get3A_648 = tpu.vector_load %arg16[%get3A_646, %get3A_647] {strides = array<i32>} : memref<128x64xf32, #tpu.memory_space<vmem>>, vector<1x16xf32>,
          %get3A_649 = vector.shape_cast %get3A_648 : vector<1x16xf32> to vector<16xf32>
          %mul3A_650 = vector.broadcast %squeeze3A_643 : f32 to vector<16xf32>
          %mul3A_651 = arith.mulf %get3A_649, %mul3A_650 : vector<16xf32>
          %swap3A_652 = arith.index_cast %add3A_645 : i32 to index
          %swap3A_653 = arith.constant 0 : index
          %swap3A_654 = tpu.vector_load %arg16[%swap3A_652, %swap3A_653] {strides = array<i32>} : memref<128x64xf32, #tpu.memory_space<vmem>>, vector<1x16xf32>,
          %swap3A_655 = vector.shape_cast %swap3A_654 : vector<1x16xf32> to vector<16xf32>
          %swap3A_656 = vector.shape_cast %mul3A_651 : vector<16xf32> to vector<1x16xf32>
          tpu.vector_store %arg16[%swap3A_652, %swap3A_653], %swap3A_656 {strides = array<i32>} : memref<128x64xf32, #tpu.memory_space<vmem>>, vector<1x16xf32>,
          %get3A_657 = arith.index_cast %add3A_645 : i32 to index
          %get3A_658 = arith.constant 16 : index
          %get3A_659 = tpu.vector_load %arg16[%get3A_657, %get3A_658] {strides = array<i32>} : memref<128x64xf32, #tpu.memory_space<vmem>>, vector<1x16xf32>,
          %get3A_660 = vector.shape_cast %get3A_659 : vector<1x16xf32> to vector<16xf32>
          %mul3A_661 = vector.broadcast %squeeze3A_643 : f32 to vector<16xf32>
          %mul3A_662 = arith.mulf %get3A_660, %mul3A_661 : vector<16xf32>
          %swap3A_663 = arith.index_cast %add3A_645 : i32 to index
          %swap3A_664 = arith.constant 16 : index
          %swap3A_665 = tpu.vector_load %arg16[%swap3A_663, %swap3A_664] {strides = array<i32>} : memref<128x64xf32, #tpu.memory_space<vmem>>, vector<1x16xf32>,
          %swap3A_666 = vector.shape_cast %swap3A_665 : vector<1x16xf32> to vector<16xf32>
          %swap3A_667 = vector.shape_cast %mul3A_662 : vector<16xf32> to vector<1x16xf32>
          tpu.vector_store %arg16[%swap3A_663, %swap3A_664], %swap3A_667 {strides = array<i32>} : memref<128x64xf32, #tpu.memory_space<vmem>>, vector<1x16xf32>,
          %get3A_668 = arith.index_cast %add3A_645 : i32 to index
          %get3A_669 = arith.constant 32 : index
          %get3A_670 = tpu.vector_load %arg16[%get3A_668, %get3A_669] {strides = array<i32>} : memref<128x64xf32, #tpu.memory_space<vmem>>, vector<1x16xf32>,
          %get3A_671 = vector.shape_cast %get3A_670 : vector<1x16xf32> to vector<16xf32>
          %mul3A_672 = vector.broadcast %squeeze3A_643 : f32 to vector<16xf32>
          %mul3A_673 = arith.mulf %get3A_671, %mul3A_672 : vector<16xf32>
          %swap3A_674 = arith.index_cast %add3A_645 : i32 to index
          %swap3A_675 = arith.constant 32 : index
          %swap3A_676 = tpu.vector_load %arg16[%swap3A_674, %swap3A_675] {strides = array<i32>} : memref<128x64xf32, #tpu.memory_space<vmem>>, vector<1x16xf32>,
          %swap3A_677 = vector.shape_cast %swap3A_676 : vector<1x16xf32> to vector<16xf32>
          %swap3A_678 = vector.shape_cast %mul3A_673 : vector<16xf32> to vector<1x16xf32>
          tpu.vector_store %arg16[%swap3A_674, %swap3A_675], %swap3A_678 {strides = array<i32>} : memref<128x64xf32, #tpu.memory_space<vmem>>, vector<1x16xf32>,
          %get3A_679 = arith.index_cast %add3A_645 : i32 to index
          %get3A_680 = arith.constant 48 : index
          %get3A_681 = tpu.vector_load %arg16[%get3A_679, %get3A_680] {strides = array<i32>} : memref<128x64xf32, #tpu.memory_space<vmem>>, vector<1x16xf32>,
          %get3A_682 = vector.shape_cast %get3A_681 : vector<1x16xf32> to vector<16xf32>
          %mul3A_683 = vector.broadcast %squeeze3A_643 : f32 to vector<16xf32>
          %mul3A_684 = arith.mulf %get3A_682, %mul3A_683 : vector<16xf32>
          %swap3A_685 = arith.index_cast %add3A_645 : i32 to index
          %swap3A_686 = arith.constant 48 : index
          %swap3A_687 = tpu.vector_load %arg16[%swap3A_685, %swap3A_686] {strides = array<i32>} : memref<128x64xf32, #tpu.memory_space<vmem>>, vector<1x16xf32>,
          %swap3A_688 = vector.shape_cast %swap3A_687 : vector<1x16xf32> to vector<16xf32>
          %swap3A_689 = vector.shape_cast %mul3A_684 : vector<16xf32> to vector<1x16xf32>
          tpu.vector_store %arg16[%swap3A_685, %swap3A_686], %swap3A_689 {strides = array<i32>} : memref<128x64xf32, #tpu.memory_space<vmem>>, vector<1x16xf32>,
          %slice3A_690 = vector.extract_strided_slice %get3A_69 {offsets = [13], sizes = [1], strides = [1]} : vector<16xf32> to vector<1xf32>
          %squeeze3A_691 = vector.extract %slice3A_690[0] : f32 from vector<1xf32>
          %add3A_692 = arith.constant 13 : i32
          %add3A_693 = arith.addi %mul3A_66, %add3A_692 : i32
          %get3A_694 = arith.index_cast %add3A_693 : i32 to index
          %get3A_695 = arith.constant 0 : index
          %get3A_696 = tpu.vector_load %arg16[%get3A_694, %get3A_695] {strides = array<i32>} : memref<128x64xf32, #tpu.memory_space<vmem>>, vector<1x16xf32>,
          %get3A_697 = vector.shape_cast %get3A_696 : vector<1x16xf32> to vector<16xf32>
          %mul3A_698 = vector.broadcast %squeeze3A_691 : f32 to vector<16xf32>
          %mul3A_699 = arith.mulf %get3A_697, %mul3A_698 : vector<16xf32>
          %swap3A_700 = arith.index_cast %add3A_693 : i32 to index
          %swap3A_701 = arith.constant 0 : index
          %swap3A_702 = tpu.vector_load %arg16[%swap3A_700, %swap3A_701] {strides = array<i32>} : memref<128x64xf32, #tpu.memory_space<vmem>>, vector<1x16xf32>,
          %swap3A_703 = vector.shape_cast %swap3A_702 : vector<1x16xf32> to vector<16xf32>
          %swap3A_704 = vector.shape_cast %mul3A_699 : vector<16xf32> to vector<1x16xf32>
          tpu.vector_store %arg16[%swap3A_700, %swap3A_701], %swap3A_704 {strides = array<i32>} : memref<128x64xf32, #tpu.memory_space<vmem>>, vector<1x16xf32>,
          %get3A_705 = arith.index_cast %add3A_693 : i32 to index
          %get3A_706 = arith.constant 16 : index
          %get3A_707 = tpu.vector_load %arg16[%get3A_705, %get3A_706] {strides = array<i32>} : memref<128x64xf32, #tpu.memory_space<vmem>>, vector<1x16xf32>,
          %get3A_708 = vector.shape_cast %get3A_707 : vector<1x16xf32> to vector<16xf32>
          %mul3A_709 = vector.broadcast %squeeze3A_691 : f32 to vector<16xf32>
          %mul3A_710 = arith.mulf %get3A_708, %mul3A_709 : vector<16xf32>
          %swap3A_711 = arith.index_cast %add3A_693 : i32 to index
          %swap3A_712 = arith.constant 16 : index
          %swap3A_713 = tpu.vector_load %arg16[%swap3A_711, %swap3A_712] {strides = array<i32>} : memref<128x64xf32, #tpu.memory_space<vmem>>, vector<1x16xf32>,
          %swap3A_714 = vector.shape_cast %swap3A_713 : vector<1x16xf32> to vector<16xf32>
          %swap3A_715 = vector.shape_cast %mul3A_710 : vector<16xf32> to vector<1x16xf32>
          tpu.vector_store %arg16[%swap3A_711, %swap3A_712], %swap3A_715 {strides = array<i32>} : memref<128x64xf32, #tpu.memory_space<vmem>>, vector<1x16xf32>,
          %get3A_716 = arith.index_cast %add3A_693 : i32 to index
          %get3A_717 = arith.constant 32 : index
          %get3A_718 = tpu.vector_load %arg16[%get3A_716, %get3A_717] {strides = array<i32>} : memref<128x64xf32, #tpu.memory_space<vmem>>, vector<1x16xf32>,
          %get3A_719 = vector.shape_cast %get3A_718 : vector<1x16xf32> to vector<16xf32>
          %mul3A_720 = vector.broadcast %squeeze3A_691 : f32 to vector<16xf32>
          %mul3A_721 = arith.mulf %get3A_719, %mul3A_720 : vector<16xf32>
          %swap3A_722 = arith.index_cast %add3A_693 : i32 to index
          %swap3A_723 = arith.constant 32 : index
          %swap3A_724 = tpu.vector_load %arg16[%swap3A_722, %swap3A_723] {strides = array<i32>} : memref<128x64xf32, #tpu.memory_space<vmem>>, vector<1x16xf32>,
          %swap3A_725 = vector.shape_cast %swap3A_724 : vector<1x16xf32> to vector<16xf32>
          %swap3A_726 = vector.shape_cast %mul3A_721 : vector<16xf32> to vector<1x16xf32>
          tpu.vector_store %arg16[%swap3A_722, %swap3A_723], %swap3A_726 {strides = array<i32>} : memref<128x64xf32, #tpu.memory_space<vmem>>, vector<1x16xf32>,
          %get3A_727 = arith.index_cast %add3A_693 : i32 to index
          %get3A_728 = arith.constant 48 : index
          %get3A_729 = tpu.vector_load %arg16[%get3A_727, %get3A_728] {strides = array<i32>} : memref<128x64xf32, #tpu.memory_space<vmem>>, vector<1x16xf32>,
          %get3A_730 = vector.shape_cast %get3A_729 : vector<1x16xf32> to vector<16xf32>
          %mul3A_731 = vector.broadcast %squeeze3A_691 : f32 to vector<16xf32>
          %mul3A_732 = arith.mulf %get3A_730, %mul3A_731 : vector<16xf32>
          %swap3A_733 = arith.index_cast %add3A_693 : i32 to index
          %swap3A_734 = arith.constant 48 : index
          %swap3A_735 = tpu.vector_load %arg16[%swap3A_733, %swap3A_734] {strides = array<i32>} : memref<128x64xf32, #tpu.memory_space<vmem>>, vector<1x16xf32>,
          %swap3A_736 = vector.shape_cast %swap3A_735 : vector<1x16xf32> to vector<16xf32>
          %swap3A_737 = vector.shape_cast %mul3A_732 : vector<16xf32> to vector<1x16xf32>
          tpu.vector_store %arg16[%swap3A_733, %swap3A_734], %swap3A_737 {strides = array<i32>} : memref<128x64xf32, #tpu.memory_space<vmem>>, vector<1x16xf32>,
          %slice3A_738 = vector.extract_strided_slice %get3A_69 {offsets = [14], sizes = [1], strides = [1]} : vector<16xf32> to vector<1xf32>
          %squeeze3A_739 = vector.extract %slice3A_738[0] : f32 from vector<1xf32>
          %add3A_740 = arith.constant 14 : i32
          %add3A_741 = arith.addi %mul3A_66, %add3A_740 : i32
          %get3A_742 = arith.index_cast %add3A_741 : i32 to index
          %get3A_743 = arith.constant 0 : index
          %get3A_744 = tpu.vector_load %arg16[%get3A_742, %get3A_743] {strides = array<i32>} : memref<128x64xf32, #tpu.memory_space<vmem>>, vector<1x16xf32>,
          %get3A_745 = vector.shape_cast %get3A_744 : vector<1x16xf32> to vector<16xf32>
          %mul3A_746 = vector.broadcast %squeeze3A_739 : f32 to vector<16xf32>
          %mul3A_747 = arith.mulf %get3A_745, %mul3A_746 : vector<16xf32>
          %swap3A_748 = arith.index_cast %add3A_741 : i32 to index
          %swap3A_749 = arith.constant 0 : index
          %swap3A_750 = tpu.vector_load %arg16[%swap3A_748, %swap3A_749] {strides = array<i32>} : memref<128x64xf32, #tpu.memory_space<vmem>>, vector<1x16xf32>,
          %swap3A_751 = vector.shape_cast %swap3A_750 : vector<1x16xf32> to vector<16xf32>
          %swap3A_752 = vector.shape_cast %mul3A_747 : vector<16xf32> to vector<1x16xf32>
          tpu.vector_store %arg16[%swap3A_748, %swap3A_749], %swap3A_752 {strides = array<i32>} : memref<128x64xf32, #tpu.memory_space<vmem>>, vector<1x16xf32>,
          %get3A_753 = arith.index_cast %add3A_741 : i32 to index
          %get3A_754 = arith.constant 16 : index
          %get3A_755 = tpu.vector_load %arg16[%get3A_753, %get3A_754] {strides = array<i32>} : memref<128x64xf32, #tpu.memory_space<vmem>>, vector<1x16xf32>,
          %get3A_756 = vector.shape_cast %get3A_755 : vector<1x16xf32> to vector<16xf32>
          %mul3A_757 = vector.broadcast %squeeze3A_739 : f32 to vector<16xf32>
          %mul3A_758 = arith.mulf %get3A_756, %mul3A_757 : vector<16xf32>
          %swap3A_759 = arith.index_cast %add3A_741 : i32 to index
          %swap3A_760 = arith.constant 16 : index
          %swap3A_761 = tpu.vector_load %arg16[%swap3A_759, %swap3A_760] {strides = array<i32>} : memref<128x64xf32, #tpu.memory_space<vmem>>, vector<1x16xf32>,
          %swap3A_762 = vector.shape_cast %swap3A_761 : vector<1x16xf32> to vector<16xf32>
          %swap3A_763 = vector.shape_cast %mul3A_758 : vector<16xf32> to vector<1x16xf32>
          tpu.vector_store %arg16[%swap3A_759, %swap3A_760], %swap3A_763 {strides = array<i32>} : memref<128x64xf32, #tpu.memory_space<vmem>>, vector<1x16xf32>,
          %get3A_764 = arith.index_cast %add3A_741 : i32 to index
          %get3A_765 = arith.constant 32 : index
          %get3A_766 = tpu.vector_load %arg16[%get3A_764, %get3A_765] {strides = array<i32>} : memref<128x64xf32, #tpu.memory_space<vmem>>, vector<1x16xf32>,
          %get3A_767 = vector.shape_cast %get3A_766 : vector<1x16xf32> to vector<16xf32>
          %mul3A_768 = vector.broadcast %squeeze3A_739 : f32 to vector<16xf32>
          %mul3A_769 = arith.mulf %get3A_767, %mul3A_768 : vector<16xf32>
          %swap3A_770 = arith.index_cast %add3A_741 : i32 to index
          %swap3A_771 = arith.constant 32 : index
          %swap3A_772 = tpu.vector_load %arg16[%swap3A_770, %swap3A_771] {strides = array<i32>} : memref<128x64xf32, #tpu.memory_space<vmem>>, vector<1x16xf32>,
          %swap3A_773 = vector.shape_cast %swap3A_772 : vector<1x16xf32> to vector<16xf32>
          %swap3A_774 = vector.shape_cast %mul3A_769 : vector<16xf32> to vector<1x16xf32>
          tpu.vector_store %arg16[%swap3A_770, %swap3A_771], %swap3A_774 {strides = array<i32>} : memref<128x64xf32, #tpu.memory_space<vmem>>, vector<1x16xf32>,
          %get3A_775 = arith.index_cast %add3A_741 : i32 to index
          %get3A_776 = arith.constant 48 : index
          %get3A_777 = tpu.vector_load %arg16[%get3A_775, %get3A_776] {strides = array<i32>} : memref<128x64xf32, #tpu.memory_space<vmem>>, vector<1x16xf32>,
          %get3A_778 = vector.shape_cast %get3A_777 : vector<1x16xf32> to vector<16xf32>
          %mul3A_779 = vector.broadcast %squeeze3A_739 : f32 to vector<16xf32>
          %mul3A_780 = arith.mulf %get3A_778, %mul3A_779 : vector<16xf32>
          %swap3A_781 = arith.index_cast %add3A_741 : i32 to index
          %swap3A_782 = arith.constant 48 : index
          %swap3A_783 = tpu.vector_load %arg16[%swap3A_781, %swap3A_782] {strides = array<i32>} : memref<128x64xf32, #tpu.memory_space<vmem>>, vector<1x16xf32>,
          %swap3A_784 = vector.shape_cast %swap3A_783 : vector<1x16xf32> to vector<16xf32>
          %swap3A_785 = vector.shape_cast %mul3A_780 : vector<16xf32> to vector<1x16xf32>
          tpu.vector_store %arg16[%swap3A_781, %swap3A_782], %swap3A_785 {strides = array<i32>} : memref<128x64xf32, #tpu.memory_space<vmem>>, vector<1x16xf32>,
          %slice3A_786 = vector.extract_strided_slice %get3A_69 {offsets = [15], sizes = [1], strides = [1]} : vector<16xf32> to vector<1xf32>
          %squeeze3A_787 = vector.extract %slice3A_786[0] : f32 from vector<1xf32>
          %add3A_788 = arith.constant 15 : i32
          %add3A_789 = arith.addi %mul3A_66, %add3A_788 : i32
          %get3A_790 = arith.index_cast %add3A_789 : i32 to index
          %get3A_791 = arith.constant 0 : index
          %get3A_792 = tpu.vector_load %arg16[%get3A_790, %get3A_791] {strides = array<i32>} : memref<128x64xf32, #tpu.memory_space<vmem>>, vector<1x16xf32>,
          %get3A_793 = vector.shape_cast %get3A_792 : vector<1x16xf32> to vector<16xf32>
          %mul3A_794 = vector.broadcast %squeeze3A_787 : f32 to vector<16xf32>
          %mul3A_795 = arith.mulf %get3A_793, %mul3A_794 : vector<16xf32>
          %swap3A_796 = arith.index_cast %add3A_789 : i32 to index
          %swap3A_797 = arith.constant 0 : index
          %swap3A_798 = tpu.vector_load %arg16[%swap3A_796, %swap3A_797] {strides = array<i32>} : memref<128x64xf32, #tpu.memory_space<vmem>>, vector<1x16xf32>,
          %swap3A_799 = vector.shape_cast %swap3A_798 : vector<1x16xf32> to vector<16xf32>
          %swap3A_800 = vector.shape_cast %mul3A_795 : vector<16xf32> to vector<1x16xf32>
          tpu.vector_store %arg16[%swap3A_796, %swap3A_797], %swap3A_800 {strides = array<i32>} : memref<128x64xf32, #tpu.memory_space<vmem>>, vector<1x16xf32>,
          %get3A_801 = arith.index_cast %add3A_789 : i32 to index
          %get3A_802 = arith.constant 16 : index
          %get3A_803 = tpu.vector_load %arg16[%get3A_801, %get3A_802] {strides = array<i32>} : memref<128x64xf32, #tpu.memory_space<vmem>>, vector<1x16xf32>,
          %get3A_804 = vector.shape_cast %get3A_803 : vector<1x16xf32> to vector<16xf32>
          %mul3A_805 = vector.broadcast %squeeze3A_787 : f32 to vector<16xf32>
          %mul3A_806 = arith.mulf %get3A_804, %mul3A_805 : vector<16xf32>
          %swap3A_807 = arith.index_cast %add3A_789 : i32 to index
          %swap3A_808 = arith.constant 16 : index
          %swap3A_809 = tpu.vector_load %arg16[%swap3A_807, %swap3A_808] {strides = array<i32>} : memref<128x64xf32, #tpu.memory_space<vmem>>, vector<1x16xf32>,
          %swap3A_810 = vector.shape_cast %swap3A_809 : vector<1x16xf32> to vector<16xf32>
          %swap3A_811 = vector.shape_cast %mul3A_806 : vector<16xf32> to vector<1x16xf32>
          tpu.vector_store %arg16[%swap3A_807, %swap3A_808], %swap3A_811 {strides = array<i32>} : memref<128x64xf32, #tpu.memory_space<vmem>>, vector<1x16xf32>,
          %get3A_812 = arith.index_cast %add3A_789 : i32 to index
          %get3A_813 = arith.constant 32 : index
          %get3A_814 = tpu.vector_load %arg16[%get3A_812, %get3A_813] {strides = array<i32>} : memref<128x64xf32, #tpu.memory_space<vmem>>, vector<1x16xf32>,
          %get3A_815 = vector.shape_cast %get3A_814 : vector<1x16xf32> to vector<16xf32>
          %mul3A_816 = vector.broadcast %squeeze3A_787 : f32 to vector<16xf32>
          %mul3A_817 = arith.mulf %get3A_815, %mul3A_816 : vector<16xf32>
          %swap3A_818 = arith.index_cast %add3A_789 : i32 to index
          %swap3A_819 = arith.constant 32 : index
          %swap3A_820 = tpu.vector_load %arg16[%swap3A_818, %swap3A_819] {strides = array<i32>} : memref<128x64xf32, #tpu.memory_space<vmem>>, vector<1x16xf32>,
          %swap3A_821 = vector.shape_cast %swap3A_820 : vector<1x16xf32> to vector<16xf32>
          %swap3A_822 = vector.shape_cast %mul3A_817 : vector<16xf32> to vector<1x16xf32>
          tpu.vector_store %arg16[%swap3A_818, %swap3A_819], %swap3A_822 {strides = array<i32>} : memref<128x64xf32, #tpu.memory_space<vmem>>, vector<1x16xf32>,
          %get3A_823 = arith.index_cast %add3A_789 : i32 to index
          %get3A_824 = arith.constant 48 : index
          %get3A_825 = tpu.vector_load %arg16[%get3A_823, %get3A_824] {strides = array<i32>} : memref<128x64xf32, #tpu.memory_space<vmem>>, vector<1x16xf32>,
          %get3A_826 = vector.shape_cast %get3A_825 : vector<1x16xf32> to vector<16xf32>
          %mul3A_827 = vector.broadcast %squeeze3A_787 : f32 to vector<16xf32>
          %mul3A_828 = arith.mulf %get3A_826, %mul3A_827 : vector<16xf32>
          %swap3A_829 = arith.index_cast %add3A_789 : i32 to index
          %swap3A_830 = arith.constant 48 : index
          %swap3A_831 = tpu.vector_load %arg16[%swap3A_829, %swap3A_830] {strides = array<i32>} : memref<128x64xf32, #tpu.memory_space<vmem>>, vector<1x16xf32>,
          %swap3A_832 = vector.shape_cast %swap3A_831 : vector<1x16xf32> to vector<16xf32>
          %swap3A_833 = vector.shape_cast %mul3A_828 : vector<16xf32> to vector<1x16xf32>
          tpu.vector_store %arg16[%swap3A_829, %swap3A_830], %swap3A_833 {strides = array<i32>} : memref<128x64xf32, #tpu.memory_space<vmem>>, vector<1x16xf32>,
        }
        %scan3A_63 = arith.constant 8 : i32
        "tpu.region"() ({
          %run_scoped3A_64 = tpu.sem_alloc : memref<!tpu.dma_semaphore, #tpu.memory_space<semaphore_mem>>
          %dma_start3A = arith.constant 0 : i32
          %dma_start3A_65 = tpu.memref_slice %arg14[%scan3A_57, %dma_start3A] : memref<157x128xi32, #tpu.memory_space<vmem>> -> memref<1x128xi32, #tpu.memory_space<vmem>>
          %dma_start3A_66 = tpu.memref_squeeze %dma_start3A_65 : memref<1x128xi32, #tpu.memory_space<vmem>> -> memref<128xi32, #tpu.memory_space<vmem>>
          %dma_start3A_67 = arith.constant 0 : i32
          %dma_start3A_68 = arith.constant 0 : i32
          %dma_start3A_69 = tpu.memref_slice %arg18[%dma_start3A_67, %dma_start3A_68] : memref<10240x64xf32, #tpu.memory_space<vmem_shared>> -> memref<10240x64xf32, #tpu.memory_space<vmem_shared>>
          tpu.enqueue_indirect_dma source(%arg16 : memref<128x64xf32, #tpu.memory_space<vmem>>) target(%dma_start3A_69 : memref<10240x64xf32, #tpu.memory_space<vmem_shared>>) offsets(%dma_start3A_66 : memref<128xi32, #tpu.memory_space<vmem>>) semaphore(%run_scoped3A_64 : memref<!tpu.dma_semaphore, #tpu.memory_space<semaphore_mem>>) {add = true}
          %dma_wait3A = arith.constant 0 : i32
          %dma_wait3A_70 = tpu.memref_slice %arg14[%scan3A_57, %dma_wait3A] : memref<157x128xi32, #tpu.memory_space<vmem>> -> memref<1x128xi32, #tpu.memory_space<vmem>>
          %dma_wait3A_71 = tpu.memref_squeeze %dma_wait3A_70 : memref<1x128xi32, #tpu.memory_space<vmem>> -> memref<128xi32, #tpu.memory_space<vmem>>
          %dma_wait3A_72 = arith.constant 0 : i32
          %dma_wait3A_73 = arith.constant 0 : i32
          %dma_wait3A_74 = tpu.memref_slice %arg18[%dma_wait3A_72, %dma_wait3A_73] : memref<10240x64xf32, #tpu.memory_space<vmem_shared>> -> memref<10240x64xf32, #tpu.memory_space<vmem_shared>>
          tpu.wait_indirect_dma semaphore(%run_scoped3A_64 : memref<!tpu.dma_semaphore, #tpu.memory_space<semaphore_mem>>) src(%arg16 : memref<128x64xf32, #tpu.memory_space<vmem>>) dst(%dma_wait3A_74 : memref<10240x64xf32, #tpu.memory_space<vmem_shared>>)
          tpu.yield
        }) : () -> ()
      }
      %scan3A_33 = arith.constant 157 : i32
      %barrier3A_34 = arith.constant 0 : index
      tpu.barrier barrier_id(%barrier3A_34)
      %mul3A = arith.constant 640 : i32
      %mul3A_35 = arith.muli %arg1, %mul3A : i32
      %mul3A_36 = arith.constant 640 : i32
      %mul3A_37 = arith.muli %arg1, %mul3A_36 : i32
      %run_scoped3A = arith.constant 0 : i32
      "tpu.region"() ({
        %run_scoped3A_57 = tpu.sem_alloc : memref<!tpu.dma_semaphore, #tpu.memory_space<semaphore_mem>>
        %dma_start3A = arith.constant 0 : i32
        %dma_start3A_58 = tpu.memref_slice %arg12[%arg0, %run_scoped3A, %mul3A_37, %dma_start3A] : memref<2x2x10240x64xf32, #tpu.memory_space<hbm>> -> memref<1x1x640x64xf32, #tpu.memory_space<hbm>>
        %dma_start3A_59 = tpu.memref_squeeze %dma_start3A_58 : memref<1x1x640x64xf32, #tpu.memory_space<hbm>> -> memref<640x64xf32, #tpu.memory_space<hbm>>
        %dma_start3A_60 = arith.constant 0 : i32
        %dma_start3A_61 = tpu.memref_slice %arg18[%mul3A_35, %dma_start3A_60] : memref<10240x64xf32, #tpu.memory_space<vmem_shared>> -> memref<640x64xf32, #tpu.memory_space<vmem_shared>>
        tpu.enqueue_dma source(%dma_start3A_61 : memref<640x64xf32, #tpu.memory_space<vmem_shared>>) target(%dma_start3A_59 : memref<640x64xf32, #tpu.memory_space<hbm>>) target_semaphore(%run_scoped3A_57 : memref<!tpu.dma_semaphore, #tpu.memory_space<semaphore_mem>>)
        %dma_wait3A = arith.constant 0 : i32
        %dma_wait3A_62 = tpu.memref_slice %arg12[%arg0, %run_scoped3A, %mul3A_37, %dma_wait3A] : memref<2x2x10240x64xf32, #tpu.memory_space<hbm>> -> memref<1x1x640x64xf32, #tpu.memory_space<hbm>>
        %dma_wait3A_63 = tpu.memref_squeeze %dma_wait3A_62 : memref<1x1x640x64xf32, #tpu.memory_space<hbm>> -> memref<640x64xf32, #tpu.memory_space<hbm>>
        %dma_wait3A_64 = arith.constant 0 : i32
        %dma_wait3A_65 = tpu.memref_slice %arg18[%mul3A_35, %dma_wait3A_64] : memref<10240x64xf32, #tpu.memory_space<vmem_shared>> -> memref<640x64xf32, #tpu.memory_space<vmem_shared>>
        tpu.wait_dma2 semaphore(%run_scoped3A_57 : memref<!tpu.dma_semaphore, #tpu.memory_space<semaphore_mem>>) src(%dma_wait3A_65 : memref<640x64xf32, #tpu.memory_space<vmem_shared>>) dst(%dma_wait3A_63 : memref<640x64xf32, #tpu.memory_space<hbm>>)
        tpu.yield
      }) : () -> ()
      %scan3A_38 = arith.constant 0 : i32
      %scan3A_39 = arith.constant 0 : i32
      %scan3A_40 = arith.constant 10 : i32
      %scan3A_41 = arith.addi %scan3A_39, %scan3A_40 : i32
      %scan3A_42 = arith.constant 1 : i32
      scf.for %scan3A_57 = %scan3A_39 to %scan3A_41 step %scan3A_42  : i32 {
        %mul3A_58 = arith.constant 640 : i32
        %mul3A_59 = arith.muli %arg1, %mul3A_58 : i32
        %mul3A_60 = arith.constant 64 : i32
        %mul3A_61 = arith.muli %scan3A_57, %mul3A_60 : i32
        %add3A = arith.addi %mul3A_59, %mul3A_61 : i32
        "tpu.region"() ({
          %run_scoped3A_62 = tpu.sem_alloc : memref<!tpu.dma_semaphore, #tpu.memory_space<semaphore_mem>>
          %dma_start3A = arith.constant 0 : i32
          %dma_start3A_63 = tpu.memref_slice %arg18[%add3A, %dma_start3A] : memref<10240x64xf32, #tpu.memory_space<vmem_shared>> -> memref<64x64xf32, #tpu.memory_space<vmem_shared>>
          %dma_start3A_64 = arith.constant 0 : i32
          %dma_start3A_65 = tpu.memref_slice %arg18[%add3A, %dma_start3A_64] : memref<10240x64xf32, #tpu.memory_space<vmem_shared>> -> memref<64x64xf32, #tpu.memory_space<vmem_shared>>
          tpu.enqueue_dma source(%arg17 : memref<64x64xf32, #tpu.memory_space<vmem>>) target(%dma_start3A_65 : memref<64x64xf32, #tpu.memory_space<vmem_shared>>) target_semaphore(%run_scoped3A_62 : memref<!tpu.dma_semaphore, #tpu.memory_space<semaphore_mem>>)
          %dma_wait3A = arith.constant 0 : i32
          %dma_wait3A_66 = tpu.memref_slice %arg18[%add3A, %dma_wait3A] : memref<10240x64xf32, #tpu.memory_space<vmem_shared>> -> memref<64x64xf32, #tpu.memory_space<vmem_shared>>
          %dma_wait3A_67 = arith.constant 0 : i32
          %dma_wait3A_68 = tpu.memref_slice %arg18[%add3A, %dma_wait3A_67] : memref<10240x64xf32, #tpu.memory_space<vmem_shared>> -> memref<64x64xf32, #tpu.memory_space<vmem_shared>>
          tpu.wait_dma2 semaphore(%run_scoped3A_62 : memref<!tpu.dma_semaphore, #tpu.memory_space<semaphore_mem>>) src(%arg17 : memref<64x64xf32, #tpu.memory_space<vmem>>) dst(%dma_wait3A_68 : memref<64x64xf32, #tpu.memory_space<vmem_shared>>)
          tpu.yield
        }) : () -> ()
      }
      %scan3A_43 = arith.constant 10 : i32
      %barrier3A_44 = arith.constant 0 : index
      tpu.barrier barrier_id(%barrier3A_44)
      %scan3A_45 = arith.constant 0 : i32
      %scan3A_46 = arith.constant 0 : i32
      %scan3A_47 = arith.constant 157 : i32
      %scan3A_48 = arith.addi %scan3A_46, %scan3A_47 : i32
      %scan3A_49 = arith.constant 1 : i32
      scf.for %scan3A_57 = %scan3A_46 to %scan3A_48 step %scan3A_49  : i32 {
        "tpu.region"() ({
          %run_scoped3A_64 = tpu.sem_alloc : memref<!tpu.dma_semaphore, #tpu.memory_space<semaphore_mem>>
          %dma_start3A = arith.constant 0 : i32
          %dma_start3A_65 = tpu.memref_slice %arg13[%scan3A_57, %dma_start3A] : memref<157x128xi32, #tpu.memory_space<vmem>> -> memref<1x128xi32, #tpu.memory_space<vmem>>
          %dma_start3A_66 = tpu.memref_squeeze %dma_start3A_65 : memref<1x128xi32, #tpu.memory_space<vmem>> -> memref<128xi32, #tpu.memory_space<vmem>>
          %dma_start3A_67 = arith.constant 0 : i32
          %dma_start3A_68 = arith.constant 0 : i32
          %dma_start3A_69 = tpu.memref_slice %arg3[%dma_start3A_67, %dma_start3A_68] : memref<10000x64xf32, #tpu.memory_space<hbm>> -> memref<10000x64xf32, #tpu.memory_space<hbm>>
          tpu.enqueue_indirect_dma source(%dma_start3A_69 : memref<10000x64xf32, #tpu.memory_space<hbm>>) target(%arg16 : memref<128x64xf32, #tpu.memory_space<vmem>>) offsets(%dma_start3A_66 : memref<128xi32, #tpu.memory_space<vmem>>) semaphore(%run_scoped3A_64 : memref<!tpu.dma_semaphore, #tpu.memory_space<semaphore_mem>>)
          %dma_wait3A = arith.constant 0 : i32
          %dma_wait3A_70 = tpu.memref_slice %arg13[%scan3A_57, %dma_wait3A] : memref<157x128xi32, #tpu.memory_space<vmem>> -> memref<1x128xi32, #tpu.memory_space<vmem>>
          %dma_wait3A_71 = tpu.memref_squeeze %dma_wait3A_70 : memref<1x128xi32, #tpu.memory_space<vmem>> -> memref<128xi32, #tpu.memory_space<vmem>>
          %dma_wait3A_72 = arith.constant 0 : i32
          %dma_wait3A_73 = arith.constant 0 : i32
          %dma_wait3A_74 = tpu.memref_slice %arg3[%dma_wait3A_72, %dma_wait3A_73] : memref<10000x64xf32, #tpu.memory_space<hbm>> -> memref<10000x64xf32, #tpu.memory_space<hbm>>
          tpu.wait_indirect_dma semaphore(%run_scoped3A_64 : memref<!tpu.dma_semaphore, #tpu.memory_space<semaphore_mem>>) src(%dma_wait3A_74 : memref<10000x64xf32, #tpu.memory_space<hbm>>) dst(%arg16 : memref<128x64xf32, #tpu.memory_space<vmem>>)
          tpu.yield
        }) : () -> ()
        %scan3A_58 = arith.constant 0 : i32
        %scan3A_59 = arith.constant 0 : i32
        %scan3A_60 = arith.constant 8 : i32
        %scan3A_61 = arith.addi %scan3A_59, %scan3A_60 : i32
        %scan3A_62 = arith.constant 1 : i32
        scf.for %scan3A_64 = %scan3A_59 to %scan3A_61 step %scan3A_62  : i32 {
          %mul3A_65 = arith.constant 16 : i32
          %mul3A_66 = arith.muli %scan3A_64, %mul3A_65 : i32
          %get3A = arith.index_cast %scan3A_57 : i32 to index
          %get3A_67 = arith.index_cast %mul3A_66 : i32 to index
          %get3A_68 = tpu.vector_load %arg15[%get3A, %get3A_67] {strides = array<i32>} : memref<157x128xf32, #tpu.memory_space<vmem>>, vector<1x16xf32>,
          %get3A_69 = vector.shape_cast %get3A_68 : vector<1x16xf32> to vector<16xf32>
          %slice3A = vector.extract_strided_slice %get3A_69 {offsets = [0], sizes = [1], strides = [1]} : vector<16xf32> to vector<1xf32>
          %squeeze3A = vector.extract %slice3A[0] : f32 from vector<1xf32>
          %add3A = arith.constant 0 : i32
          %add3A_70 = arith.addi %mul3A_66, %add3A : i32
          %get3A_71 = arith.index_cast %add3A_70 : i32 to index
          %get3A_72 = arith.constant 0 : index
          %get3A_73 = tpu.vector_load %arg16[%get3A_71, %get3A_72] {strides = array<i32>} : memref<128x64xf32, #tpu.memory_space<vmem>>, vector<1x16xf32>,
          %get3A_74 = vector.shape_cast %get3A_73 : vector<1x16xf32> to vector<16xf32>
          %mul3A_75 = vector.broadcast %squeeze3A : f32 to vector<16xf32>
          %mul3A_76 = arith.mulf %get3A_74, %mul3A_75 : vector<16xf32>
          %swap3A = arith.index_cast %add3A_70 : i32 to index
          %swap3A_77 = arith.constant 0 : index
          %swap3A_78 = tpu.vector_load %arg16[%swap3A, %swap3A_77] {strides = array<i32>} : memref<128x64xf32, #tpu.memory_space<vmem>>, vector<1x16xf32>,
          %swap3A_79 = vector.shape_cast %swap3A_78 : vector<1x16xf32> to vector<16xf32>
          %swap3A_80 = vector.shape_cast %mul3A_76 : vector<16xf32> to vector<1x16xf32>
          tpu.vector_store %arg16[%swap3A, %swap3A_77], %swap3A_80 {strides = array<i32>} : memref<128x64xf32, #tpu.memory_space<vmem>>, vector<1x16xf32>,
          %get3A_81 = arith.index_cast %add3A_70 : i32 to index
          %get3A_82 = arith.constant 16 : index
          %get3A_83 = tpu.vector_load %arg16[%get3A_81, %get3A_82] {strides = array<i32>} : memref<128x64xf32, #tpu.memory_space<vmem>>, vector<1x16xf32>,
          %get3A_84 = vector.shape_cast %get3A_83 : vector<1x16xf32> to vector<16xf32>
          %mul3A_85 = vector.broadcast %squeeze3A : f32 to vector<16xf32>
          %mul3A_86 = arith.mulf %get3A_84, %mul3A_85 : vector<16xf32>
          %swap3A_87 = arith.index_cast %add3A_70 : i32 to index
          %swap3A_88 = arith.constant 16 : index
          %swap3A_89 = tpu.vector_load %arg16[%swap3A_87, %swap3A_88] {strides = array<i32>} : memref<128x64xf32, #tpu.memory_space<vmem>>, vector<1x16xf32>,
          %swap3A_90 = vector.shape_cast %swap3A_89 : vector<1x16xf32> to vector<16xf32>
          %swap3A_91 = vector.shape_cast %mul3A_86 : vector<16xf32> to vector<1x16xf32>
          tpu.vector_store %arg16[%swap3A_87, %swap3A_88], %swap3A_91 {strides = array<i32>} : memref<128x64xf32, #tpu.memory_space<vmem>>, vector<1x16xf32>,
          %get3A_92 = arith.index_cast %add3A_70 : i32 to index
          %get3A_93 = arith.constant 32 : index
          %get3A_94 = tpu.vector_load %arg16[%get3A_92, %get3A_93] {strides = array<i32>} : memref<128x64xf32, #tpu.memory_space<vmem>>, vector<1x16xf32>,
          %get3A_95 = vector.shape_cast %get3A_94 : vector<1x16xf32> to vector<16xf32>
          %mul3A_96 = vector.broadcast %squeeze3A : f32 to vector<16xf32>
          %mul3A_97 = arith.mulf %get3A_95, %mul3A_96 : vector<16xf32>
          %swap3A_98 = arith.index_cast %add3A_70 : i32 to index
          %swap3A_99 = arith.constant 32 : index
          %swap3A_100 = tpu.vector_load %arg16[%swap3A_98, %swap3A_99] {strides = array<i32>} : memref<128x64xf32, #tpu.memory_space<vmem>>, vector<1x16xf32>,
          %swap3A_101 = vector.shape_cast %swap3A_100 : vector<1x16xf32> to vector<16xf32>
          %swap3A_102 = vector.shape_cast %mul3A_97 : vector<16xf32> to vector<1x16xf32>
          tpu.vector_store %arg16[%swap3A_98, %swap3A_99], %swap3A_102 {strides = array<i32>} : memref<128x64xf32, #tpu.memory_space<vmem>>, vector<1x16xf32>,
          %get3A_103 = arith.index_cast %add3A_70 : i32 to index
          %get3A_104 = arith.constant 48 : index
          %get3A_105 = tpu.vector_load %arg16[%get3A_103, %get3A_104] {strides = array<i32>} : memref<128x64xf32, #tpu.memory_space<vmem>>, vector<1x16xf32>,
          %get3A_106 = vector.shape_cast %get3A_105 : vector<1x16xf32> to vector<16xf32>
          %mul3A_107 = vector.broadcast %squeeze3A : f32 to vector<16xf32>
          %mul3A_108 = arith.mulf %get3A_106, %mul3A_107 : vector<16xf32>
          %swap3A_109 = arith.index_cast %add3A_70 : i32 to index
          %swap3A_110 = arith.constant 48 : index
          %swap3A_111 = tpu.vector_load %arg16[%swap3A_109, %swap3A_110] {strides = array<i32>} : memref<128x64xf32, #tpu.memory_space<vmem>>, vector<1x16xf32>,
          %swap3A_112 = vector.shape_cast %swap3A_111 : vector<1x16xf32> to vector<16xf32>
          %swap3A_113 = vector.shape_cast %mul3A_108 : vector<16xf32> to vector<1x16xf32>
          tpu.vector_store %arg16[%swap3A_109, %swap3A_110], %swap3A_113 {strides = array<i32>} : memref<128x64xf32, #tpu.memory_space<vmem>>, vector<1x16xf32>,
          %slice3A_114 = vector.extract_strided_slice %get3A_69 {offsets = [1], sizes = [1], strides = [1]} : vector<16xf32> to vector<1xf32>
          %squeeze3A_115 = vector.extract %slice3A_114[0] : f32 from vector<1xf32>
          %add3A_116 = arith.constant 1 : i32
          %add3A_117 = arith.addi %mul3A_66, %add3A_116 : i32
          %get3A_118 = arith.index_cast %add3A_117 : i32 to index
          %get3A_119 = arith.constant 0 : index
          %get3A_120 = tpu.vector_load %arg16[%get3A_118, %get3A_119] {strides = array<i32>} : memref<128x64xf32, #tpu.memory_space<vmem>>, vector<1x16xf32>,
          %get3A_121 = vector.shape_cast %get3A_120 : vector<1x16xf32> to vector<16xf32>
          %mul3A_122 = vector.broadcast %squeeze3A_115 : f32 to vector<16xf32>
          %mul3A_123 = arith.mulf %get3A_121, %mul3A_122 : vector<16xf32>
          %swap3A_124 = arith.index_cast %add3A_117 : i32 to index
          %swap3A_125 = arith.constant 0 : index
          %swap3A_126 = tpu.vector_load %arg16[%swap3A_124, %swap3A_125] {strides = array<i32>} : memref<128x64xf32, #tpu.memory_space<vmem>>, vector<1x16xf32>,
          %swap3A_127 = vector.shape_cast %swap3A_126 : vector<1x16xf32> to vector<16xf32>
          %swap3A_128 = vector.shape_cast %mul3A_123 : vector<16xf32> to vector<1x16xf32>
          tpu.vector_store %arg16[%swap3A_124, %swap3A_125], %swap3A_128 {strides = array<i32>} : memref<128x64xf32, #tpu.memory_space<vmem>>, vector<1x16xf32>,
          %get3A_129 = arith.index_cast %add3A_117 : i32 to index
          %get3A_130 = arith.constant 16 : index
          %get3A_131 = tpu.vector_load %arg16[%get3A_129, %get3A_130] {strides = array<i32>} : memref<128x64xf32, #tpu.memory_space<vmem>>, vector<1x16xf32>,
          %get3A_132 = vector.shape_cast %get3A_131 : vector<1x16xf32> to vector<16xf32>
          %mul3A_133 = vector.broadcast %squeeze3A_115 : f32 to vector<16xf32>
          %mul3A_134 = arith.mulf %get3A_132, %mul3A_133 : vector<16xf32>
          %swap3A_135 = arith.index_cast %add3A_117 : i32 to index
          %swap3A_136 = arith.constant 16 : index
          %swap3A_137 = tpu.vector_load %arg16[%swap3A_135, %swap3A_136] {strides = array<i32>} : memref<128x64xf32, #tpu.memory_space<vmem>>, vector<1x16xf32>,
          %swap3A_138 = vector.shape_cast %swap3A_137 : vector<1x16xf32> to vector<16xf32>
          %swap3A_139 = vector.shape_cast %mul3A_134 : vector<16xf32> to vector<1x16xf32>
          tpu.vector_store %arg16[%swap3A_135, %swap3A_136], %swap3A_139 {strides = array<i32>} : memref<128x64xf32, #tpu.memory_space<vmem>>, vector<1x16xf32>,
          %get3A_140 = arith.index_cast %add3A_117 : i32 to index
          %get3A_141 = arith.constant 32 : index
          %get3A_142 = tpu.vector_load %arg16[%get3A_140, %get3A_141] {strides = array<i32>} : memref<128x64xf32, #tpu.memory_space<vmem>>, vector<1x16xf32>,
          %get3A_143 = vector.shape_cast %get3A_142 : vector<1x16xf32> to vector<16xf32>
          %mul3A_144 = vector.broadcast %squeeze3A_115 : f32 to vector<16xf32>
          %mul3A_145 = arith.mulf %get3A_143, %mul3A_144 : vector<16xf32>
          %swap3A_146 = arith.index_cast %add3A_117 : i32 to index
          %swap3A_147 = arith.constant 32 : index
          %swap3A_148 = tpu.vector_load %arg16[%swap3A_146, %swap3A_147] {strides = array<i32>} : memref<128x64xf32, #tpu.memory_space<vmem>>, vector<1x16xf32>,
          %swap3A_149 = vector.shape_cast %swap3A_148 : vector<1x16xf32> to vector<16xf32>
          %swap3A_150 = vector.shape_cast %mul3A_145 : vector<16xf32> to vector<1x16xf32>
          tpu.vector_store %arg16[%swap3A_146, %swap3A_147], %swap3A_150 {strides = array<i32>} : memref<128x64xf32, #tpu.memory_space<vmem>>, vector<1x16xf32>,
          %get3A_151 = arith.index_cast %add3A_117 : i32 to index
          %get3A_152 = arith.constant 48 : index
          %get3A_153 = tpu.vector_load %arg16[%get3A_151, %get3A_152] {strides = array<i32>} : memref<128x64xf32, #tpu.memory_space<vmem>>, vector<1x16xf32>,
          %get3A_154 = vector.shape_cast %get3A_153 : vector<1x16xf32> to vector<16xf32>
          %mul3A_155 = vector.broadcast %squeeze3A_115 : f32 to vector<16xf32>
          %mul3A_156 = arith.mulf %get3A_154, %mul3A_155 : vector<16xf32>
          %swap3A_157 = arith.index_cast %add3A_117 : i32 to index
          %swap3A_158 = arith.constant 48 : index
          %swap3A_159 = tpu.vector_load %arg16[%swap3A_157, %swap3A_158] {strides = array<i32>} : memref<128x64xf32, #tpu.memory_space<vmem>>, vector<1x16xf32>,
          %swap3A_160 = vector.shape_cast %swap3A_159 : vector<1x16xf32> to vector<16xf32>
          %swap3A_161 = vector.shape_cast %mul3A_156 : vector<16xf32> to vector<1x16xf32>
          tpu.vector_store %arg16[%swap3A_157, %swap3A_158], %swap3A_161 {strides = array<i32>} : memref<128x64xf32, #tpu.memory_space<vmem>>, vector<1x16xf32>,
          %slice3A_162 = vector.extract_strided_slice %get3A_69 {offsets = [2], sizes = [1], strides = [1]} : vector<16xf32> to vector<1xf32>
          %squeeze3A_163 = vector.extract %slice3A_162[0] : f32 from vector<1xf32>
          %add3A_164 = arith.constant 2 : i32
          %add3A_165 = arith.addi %mul3A_66, %add3A_164 : i32
          %get3A_166 = arith.index_cast %add3A_165 : i32 to index
          %get3A_167 = arith.constant 0 : index
          %get3A_168 = tpu.vector_load %arg16[%get3A_166, %get3A_167] {strides = array<i32>} : memref<128x64xf32, #tpu.memory_space<vmem>>, vector<1x16xf32>,
          %get3A_169 = vector.shape_cast %get3A_168 : vector<1x16xf32> to vector<16xf32>
          %mul3A_170 = vector.broadcast %squeeze3A_163 : f32 to vector<16xf32>
          %mul3A_171 = arith.mulf %get3A_169, %mul3A_170 : vector<16xf32>
          %swap3A_172 = arith.index_cast %add3A_165 : i32 to index
          %swap3A_173 = arith.constant 0 : index
          %swap3A_174 = tpu.vector_load %arg16[%swap3A_172, %swap3A_173] {strides = array<i32>} : memref<128x64xf32, #tpu.memory_space<vmem>>, vector<1x16xf32>,
          %swap3A_175 = vector.shape_cast %swap3A_174 : vector<1x16xf32> to vector<16xf32>
          %swap3A_176 = vector.shape_cast %mul3A_171 : vector<16xf32> to vector<1x16xf32>
          tpu.vector_store %arg16[%swap3A_172, %swap3A_173], %swap3A_176 {strides = array<i32>} : memref<128x64xf32, #tpu.memory_space<vmem>>, vector<1x16xf32>,
          %get3A_177 = arith.index_cast %add3A_165 : i32 to index
          %get3A_178 = arith.constant 16 : index
          %get3A_179 = tpu.vector_load %arg16[%get3A_177, %get3A_178] {strides = array<i32>} : memref<128x64xf32, #tpu.memory_space<vmem>>, vector<1x16xf32>,
          %get3A_180 = vector.shape_cast %get3A_179 : vector<1x16xf32> to vector<16xf32>
          %mul3A_181 = vector.broadcast %squeeze3A_163 : f32 to vector<16xf32>
          %mul3A_182 = arith.mulf %get3A_180, %mul3A_181 : vector<16xf32>
          %swap3A_183 = arith.index_cast %add3A_165 : i32 to index
          %swap3A_184 = arith.constant 16 : index
          %swap3A_185 = tpu.vector_load %arg16[%swap3A_183, %swap3A_184] {strides = array<i32>} : memref<128x64xf32, #tpu.memory_space<vmem>>, vector<1x16xf32>,
          %swap3A_186 = vector.shape_cast %swap3A_185 : vector<1x16xf32> to vector<16xf32>
          %swap3A_187 = vector.shape_cast %mul3A_182 : vector<16xf32> to vector<1x16xf32>
          tpu.vector_store %arg16[%swap3A_183, %swap3A_184], %swap3A_187 {strides = array<i32>} : memref<128x64xf32, #tpu.memory_space<vmem>>, vector<1x16xf32>,
          %get3A_188 = arith.index_cast %add3A_165 : i32 to index
          %get3A_189 = arith.constant 32 : index
          %get3A_190 = tpu.vector_load %arg16[%get3A_188, %get3A_189] {strides = array<i32>} : memref<128x64xf32, #tpu.memory_space<vmem>>, vector<1x16xf32>,
          %get3A_191 = vector.shape_cast %get3A_190 : vector<1x16xf32> to vector<16xf32>
          %mul3A_192 = vector.broadcast %squeeze3A_163 : f32 to vector<16xf32>
          %mul3A_193 = arith.mulf %get3A_191, %mul3A_192 : vector<16xf32>
          %swap3A_194 = arith.index_cast %add3A_165 : i32 to index
          %swap3A_195 = arith.constant 32 : index
          %swap3A_196 = tpu.vector_load %arg16[%swap3A_194, %swap3A_195] {strides = array<i32>} : memref<128x64xf32, #tpu.memory_space<vmem>>, vector<1x16xf32>,
          %swap3A_197 = vector.shape_cast %swap3A_196 : vector<1x16xf32> to vector<16xf32>
          %swap3A_198 = vector.shape_cast %mul3A_193 : vector<16xf32> to vector<1x16xf32>
          tpu.vector_store %arg16[%swap3A_194, %swap3A_195], %swap3A_198 {strides = array<i32>} : memref<128x64xf32, #tpu.memory_space<vmem>>, vector<1x16xf32>,
          %get3A_199 = arith.index_cast %add3A_165 : i32 to index
          %get3A_200 = arith.constant 48 : index
          %get3A_201 = tpu.vector_load %arg16[%get3A_199, %get3A_200] {strides = array<i32>} : memref<128x64xf32, #tpu.memory_space<vmem>>, vector<1x16xf32>,
          %get3A_202 = vector.shape_cast %get3A_201 : vector<1x16xf32> to vector<16xf32>
          %mul3A_203 = vector.broadcast %squeeze3A_163 : f32 to vector<16xf32>
          %mul3A_204 = arith.mulf %get3A_202, %mul3A_203 : vector<16xf32>
          %swap3A_205 = arith.index_cast %add3A_165 : i32 to index
          %swap3A_206 = arith.constant 48 : index
          %swap3A_207 = tpu.vector_load %arg16[%swap3A_205, %swap3A_206] {strides = array<i32>} : memref<128x64xf32, #tpu.memory_space<vmem>>, vector<1x16xf32>,
          %swap3A_208 = vector.shape_cast %swap3A_207 : vector<1x16xf32> to vector<16xf32>
          %swap3A_209 = vector.shape_cast %mul3A_204 : vector<16xf32> to vector<1x16xf32>
          tpu.vector_store %arg16[%swap3A_205, %swap3A_206], %swap3A_209 {strides = array<i32>} : memref<128x64xf32, #tpu.memory_space<vmem>>, vector<1x16xf32>,
          %slice3A_210 = vector.extract_strided_slice %get3A_69 {offsets = [3], sizes = [1], strides = [1]} : vector<16xf32> to vector<1xf32>
          %squeeze3A_211 = vector.extract %slice3A_210[0] : f32 from vector<1xf32>
          %add3A_212 = arith.constant 3 : i32
          %add3A_213 = arith.addi %mul3A_66, %add3A_212 : i32
          %get3A_214 = arith.index_cast %add3A_213 : i32 to index
          %get3A_215 = arith.constant 0 : index
          %get3A_216 = tpu.vector_load %arg16[%get3A_214, %get3A_215] {strides = array<i32>} : memref<128x64xf32, #tpu.memory_space<vmem>>, vector<1x16xf32>,
          %get3A_217 = vector.shape_cast %get3A_216 : vector<1x16xf32> to vector<16xf32>
          %mul3A_218 = vector.broadcast %squeeze3A_211 : f32 to vector<16xf32>
          %mul3A_219 = arith.mulf %get3A_217, %mul3A_218 : vector<16xf32>
          %swap3A_220 = arith.index_cast %add3A_213 : i32 to index
          %swap3A_221 = arith.constant 0 : index
          %swap3A_222 = tpu.vector_load %arg16[%swap3A_220, %swap3A_221] {strides = array<i32>} : memref<128x64xf32, #tpu.memory_space<vmem>>, vector<1x16xf32>,
          %swap3A_223 = vector.shape_cast %swap3A_222 : vector<1x16xf32> to vector<16xf32>
          %swap3A_224 = vector.shape_cast %mul3A_219 : vector<16xf32> to vector<1x16xf32>
          tpu.vector_store %arg16[%swap3A_220, %swap3A_221], %swap3A_224 {strides = array<i32>} : memref<128x64xf32, #tpu.memory_space<vmem>>, vector<1x16xf32>,
          %get3A_225 = arith.index_cast %add3A_213 : i32 to index
          %get3A_226 = arith.constant 16 : index
          %get3A_227 = tpu.vector_load %arg16[%get3A_225, %get3A_226] {strides = array<i32>} : memref<128x64xf32, #tpu.memory_space<vmem>>, vector<1x16xf32>,
          %get3A_228 = vector.shape_cast %get3A_227 : vector<1x16xf32> to vector<16xf32>
          %mul3A_229 = vector.broadcast %squeeze3A_211 : f32 to vector<16xf32>
          %mul3A_230 = arith.mulf %get3A_228, %mul3A_229 : vector<16xf32>
          %swap3A_231 = arith.index_cast %add3A_213 : i32 to index
          %swap3A_232 = arith.constant 16 : index
          %swap3A_233 = tpu.vector_load %arg16[%swap3A_231, %swap3A_232] {strides = array<i32>} : memref<128x64xf32, #tpu.memory_space<vmem>>, vector<1x16xf32>,
          %swap3A_234 = vector.shape_cast %swap3A_233 : vector<1x16xf32> to vector<16xf32>
          %swap3A_235 = vector.shape_cast %mul3A_230 : vector<16xf32> to vector<1x16xf32>
          tpu.vector_store %arg16[%swap3A_231, %swap3A_232], %swap3A_235 {strides = array<i32>} : memref<128x64xf32, #tpu.memory_space<vmem>>, vector<1x16xf32>,
          %get3A_236 = arith.index_cast %add3A_213 : i32 to index
          %get3A_237 = arith.constant 32 : index
          %get3A_238 = tpu.vector_load %arg16[%get3A_236, %get3A_237] {strides = array<i32>} : memref<128x64xf32, #tpu.memory_space<vmem>>, vector<1x16xf32>,
          %get3A_239 = vector.shape_cast %get3A_238 : vector<1x16xf32> to vector<16xf32>
          %mul3A_240 = vector.broadcast %squeeze3A_211 : f32 to vector<16xf32>
          %mul3A_241 = arith.mulf %get3A_239, %mul3A_240 : vector<16xf32>
          %swap3A_242 = arith.index_cast %add3A_213 : i32 to index
          %swap3A_243 = arith.constant 32 : index
          %swap3A_244 = tpu.vector_load %arg16[%swap3A_242, %swap3A_243] {strides = array<i32>} : memref<128x64xf32, #tpu.memory_space<vmem>>, vector<1x16xf32>,
          %swap3A_245 = vector.shape_cast %swap3A_244 : vector<1x16xf32> to vector<16xf32>
          %swap3A_246 = vector.shape_cast %mul3A_241 : vector<16xf32> to vector<1x16xf32>
          tpu.vector_store %arg16[%swap3A_242, %swap3A_243], %swap3A_246 {strides = array<i32>} : memref<128x64xf32, #tpu.memory_space<vmem>>, vector<1x16xf32>,
          %get3A_247 = arith.index_cast %add3A_213 : i32 to index
          %get3A_248 = arith.constant 48 : index
          %get3A_249 = tpu.vector_load %arg16[%get3A_247, %get3A_248] {strides = array<i32>} : memref<128x64xf32, #tpu.memory_space<vmem>>, vector<1x16xf32>,
          %get3A_250 = vector.shape_cast %get3A_249 : vector<1x16xf32> to vector<16xf32>
          %mul3A_251 = vector.broadcast %squeeze3A_211 : f32 to vector<16xf32>
          %mul3A_252 = arith.mulf %get3A_250, %mul3A_251 : vector<16xf32>
          %swap3A_253 = arith.index_cast %add3A_213 : i32 to index
          %swap3A_254 = arith.constant 48 : index
          %swap3A_255 = tpu.vector_load %arg16[%swap3A_253, %swap3A_254] {strides = array<i32>} : memref<128x64xf32, #tpu.memory_space<vmem>>, vector<1x16xf32>,
          %swap3A_256 = vector.shape_cast %swap3A_255 : vector<1x16xf32> to vector<16xf32>
          %swap3A_257 = vector.shape_cast %mul3A_252 : vector<16xf32> to vector<1x16xf32>
          tpu.vector_store %arg16[%swap3A_253, %swap3A_254], %swap3A_257 {strides = array<i32>} : memref<128x64xf32, #tpu.memory_space<vmem>>, vector<1x16xf32>,
          %slice3A_258 = vector.extract_strided_slice %get3A_69 {offsets = [4], sizes = [1], strides = [1]} : vector<16xf32> to vector<1xf32>
          %squeeze3A_259 = vector.extract %slice3A_258[0] : f32 from vector<1xf32>
          %add3A_260 = arith.constant 4 : i32
          %add3A_261 = arith.addi %mul3A_66, %add3A_260 : i32
          %get3A_262 = arith.index_cast %add3A_261 : i32 to index
          %get3A_263 = arith.constant 0 : index
          %get3A_264 = tpu.vector_load %arg16[%get3A_262, %get3A_263] {strides = array<i32>} : memref<128x64xf32, #tpu.memory_space<vmem>>, vector<1x16xf32>,
          %get3A_265 = vector.shape_cast %get3A_264 : vector<1x16xf32> to vector<16xf32>
          %mul3A_266 = vector.broadcast %squeeze3A_259 : f32 to vector<16xf32>
          %mul3A_267 = arith.mulf %get3A_265, %mul3A_266 : vector<16xf32>
          %swap3A_268 = arith.index_cast %add3A_261 : i32 to index
          %swap3A_269 = arith.constant 0 : index
          %swap3A_270 = tpu.vector_load %arg16[%swap3A_268, %swap3A_269] {strides = array<i32>} : memref<128x64xf32, #tpu.memory_space<vmem>>, vector<1x16xf32>,
          %swap3A_271 = vector.shape_cast %swap3A_270 : vector<1x16xf32> to vector<16xf32>
          %swap3A_272 = vector.shape_cast %mul3A_267 : vector<16xf32> to vector<1x16xf32>
          tpu.vector_store %arg16[%swap3A_268, %swap3A_269], %swap3A_272 {strides = array<i32>} : memref<128x64xf32, #tpu.memory_space<vmem>>, vector<1x16xf32>,
          %get3A_273 = arith.index_cast %add3A_261 : i32 to index
          %get3A_274 = arith.constant 16 : index
          %get3A_275 = tpu.vector_load %arg16[%get3A_273, %get3A_274] {strides = array<i32>} : memref<128x64xf32, #tpu.memory_space<vmem>>, vector<1x16xf32>,
          %get3A_276 = vector.shape_cast %get3A_275 : vector<1x16xf32> to vector<16xf32>
          %mul3A_277 = vector.broadcast %squeeze3A_259 : f32 to vector<16xf32>
          %mul3A_278 = arith.mulf %get3A_276, %mul3A_277 : vector<16xf32>
          %swap3A_279 = arith.index_cast %add3A_261 : i32 to index
          %swap3A_280 = arith.constant 16 : index
          %swap3A_281 = tpu.vector_load %arg16[%swap3A_279, %swap3A_280] {strides = array<i32>} : memref<128x64xf32, #tpu.memory_space<vmem>>, vector<1x16xf32>,
          %swap3A_282 = vector.shape_cast %swap3A_281 : vector<1x16xf32> to vector<16xf32>
          %swap3A_283 = vector.shape_cast %mul3A_278 : vector<16xf32> to vector<1x16xf32>
          tpu.vector_store %arg16[%swap3A_279, %swap3A_280], %swap3A_283 {strides = array<i32>} : memref<128x64xf32, #tpu.memory_space<vmem>>, vector<1x16xf32>,
          %get3A_284 = arith.index_cast %add3A_261 : i32 to index
          %get3A_285 = arith.constant 32 : index
          %get3A_286 = tpu.vector_load %arg16[%get3A_284, %get3A_285] {strides = array<i32>} : memref<128x64xf32, #tpu.memory_space<vmem>>, vector<1x16xf32>,
          %get3A_287 = vector.shape_cast %get3A_286 : vector<1x16xf32> to vector<16xf32>
          %mul3A_288 = vector.broadcast %squeeze3A_259 : f32 to vector<16xf32>
          %mul3A_289 = arith.mulf %get3A_287, %mul3A_288 : vector<16xf32>
          %swap3A_290 = arith.index_cast %add3A_261 : i32 to index
          %swap3A_291 = arith.constant 32 : index
          %swap3A_292 = tpu.vector_load %arg16[%swap3A_290, %swap3A_291] {strides = array<i32>} : memref<128x64xf32, #tpu.memory_space<vmem>>, vector<1x16xf32>,
          %swap3A_293 = vector.shape_cast %swap3A_292 : vector<1x16xf32> to vector<16xf32>
          %swap3A_294 = vector.shape_cast %mul3A_289 : vector<16xf32> to vector<1x16xf32>
          tpu.vector_store %arg16[%swap3A_290, %swap3A_291], %swap3A_294 {strides = array<i32>} : memref<128x64xf32, #tpu.memory_space<vmem>>, vector<1x16xf32>,
          %get3A_295 = arith.index_cast %add3A_261 : i32 to index
          %get3A_296 = arith.constant 48 : index
          %get3A_297 = tpu.vector_load %arg16[%get3A_295, %get3A_296] {strides = array<i32>} : memref<128x64xf32, #tpu.memory_space<vmem>>, vector<1x16xf32>,
          %get3A_298 = vector.shape_cast %get3A_297 : vector<1x16xf32> to vector<16xf32>
          %mul3A_299 = vector.broadcast %squeeze3A_259 : f32 to vector<16xf32>
          %mul3A_300 = arith.mulf %get3A_298, %mul3A_299 : vector<16xf32>
          %swap3A_301 = arith.index_cast %add3A_261 : i32 to index
          %swap3A_302 = arith.constant 48 : index
          %swap3A_303 = tpu.vector_load %arg16[%swap3A_301, %swap3A_302] {strides = array<i32>} : memref<128x64xf32, #tpu.memory_space<vmem>>, vector<1x16xf32>,
          %swap3A_304 = vector.shape_cast %swap3A_303 : vector<1x16xf32> to vector<16xf32>
          %swap3A_305 = vector.shape_cast %mul3A_300 : vector<16xf32> to vector<1x16xf32>
          tpu.vector_store %arg16[%swap3A_301, %swap3A_302], %swap3A_305 {strides = array<i32>} : memref<128x64xf32, #tpu.memory_space<vmem>>, vector<1x16xf32>,
          %slice3A_306 = vector.extract_strided_slice %get3A_69 {offsets = [5], sizes = [1], strides = [1]} : vector<16xf32> to vector<1xf32>
          %squeeze3A_307 = vector.extract %slice3A_306[0] : f32 from vector<1xf32>
          %add3A_308 = arith.constant 5 : i32
          %add3A_309 = arith.addi %mul3A_66, %add3A_308 : i32
          %get3A_310 = arith.index_cast %add3A_309 : i32 to index
          %get3A_311 = arith.constant 0 : index
          %get3A_312 = tpu.vector_load %arg16[%get3A_310, %get3A_311] {strides = array<i32>} : memref<128x64xf32, #tpu.memory_space<vmem>>, vector<1x16xf32>,
          %get3A_313 = vector.shape_cast %get3A_312 : vector<1x16xf32> to vector<16xf32>
          %mul3A_314 = vector.broadcast %squeeze3A_307 : f32 to vector<16xf32>
          %mul3A_315 = arith.mulf %get3A_313, %mul3A_314 : vector<16xf32>
          %swap3A_316 = arith.index_cast %add3A_309 : i32 to index
          %swap3A_317 = arith.constant 0 : index
          %swap3A_318 = tpu.vector_load %arg16[%swap3A_316, %swap3A_317] {strides = array<i32>} : memref<128x64xf32, #tpu.memory_space<vmem>>, vector<1x16xf32>,
          %swap3A_319 = vector.shape_cast %swap3A_318 : vector<1x16xf32> to vector<16xf32>
          %swap3A_320 = vector.shape_cast %mul3A_315 : vector<16xf32> to vector<1x16xf32>
          tpu.vector_store %arg16[%swap3A_316, %swap3A_317], %swap3A_320 {strides = array<i32>} : memref<128x64xf32, #tpu.memory_space<vmem>>, vector<1x16xf32>,
          %get3A_321 = arith.index_cast %add3A_309 : i32 to index
          %get3A_322 = arith.constant 16 : index
          %get3A_323 = tpu.vector_load %arg16[%get3A_321, %get3A_322] {strides = array<i32>} : memref<128x64xf32, #tpu.memory_space<vmem>>, vector<1x16xf32>,
          %get3A_324 = vector.shape_cast %get3A_323 : vector<1x16xf32> to vector<16xf32>
          %mul3A_325 = vector.broadcast %squeeze3A_307 : f32 to vector<16xf32>
          %mul3A_326 = arith.mulf %get3A_324, %mul3A_325 : vector<16xf32>
          %swap3A_327 = arith.index_cast %add3A_309 : i32 to index
          %swap3A_328 = arith.constant 16 : index
          %swap3A_329 = tpu.vector_load %arg16[%swap3A_327, %swap3A_328] {strides = array<i32>} : memref<128x64xf32, #tpu.memory_space<vmem>>, vector<1x16xf32>,
          %swap3A_330 = vector.shape_cast %swap3A_329 : vector<1x16xf32> to vector<16xf32>
          %swap3A_331 = vector.shape_cast %mul3A_326 : vector<16xf32> to vector<1x16xf32>
          tpu.vector_store %arg16[%swap3A_327, %swap3A_328], %swap3A_331 {strides = array<i32>} : memref<128x64xf32, #tpu.memory_space<vmem>>, vector<1x16xf32>,
          %get3A_332 = arith.index_cast %add3A_309 : i32 to index
          %get3A_333 = arith.constant 32 : index
          %get3A_334 = tpu.vector_load %arg16[%get3A_332, %get3A_333] {strides = array<i32>} : memref<128x64xf32, #tpu.memory_space<vmem>>, vector<1x16xf32>,
          %get3A_335 = vector.shape_cast %get3A_334 : vector<1x16xf32> to vector<16xf32>
          %mul3A_336 = vector.broadcast %squeeze3A_307 : f32 to vector<16xf32>
          %mul3A_337 = arith.mulf %get3A_335, %mul3A_336 : vector<16xf32>
          %swap3A_338 = arith.index_cast %add3A_309 : i32 to index
          %swap3A_339 = arith.constant 32 : index
          %swap3A_340 = tpu.vector_load %arg16[%swap3A_338, %swap3A_339] {strides = array<i32>} : memref<128x64xf32, #tpu.memory_space<vmem>>, vector<1x16xf32>,
          %swap3A_341 = vector.shape_cast %swap3A_340 : vector<1x16xf32> to vector<16xf32>
          %swap3A_342 = vector.shape_cast %mul3A_337 : vector<16xf32> to vector<1x16xf32>
          tpu.vector_store %arg16[%swap3A_338, %swap3A_339], %swap3A_342 {strides = array<i32>} : memref<128x64xf32, #tpu.memory_space<vmem>>, vector<1x16xf32>,
          %get3A_343 = arith.index_cast %add3A_309 : i32 to index
          %get3A_344 = arith.constant 48 : index
          %get3A_345 = tpu.vector_load %arg16[%get3A_343, %get3A_344] {strides = array<i32>} : memref<128x64xf32, #tpu.memory_space<vmem>>, vector<1x16xf32>,
          %get3A_346 = vector.shape_cast %get3A_345 : vector<1x16xf32> to vector<16xf32>
          %mul3A_347 = vector.broadcast %squeeze3A_307 : f32 to vector<16xf32>
          %mul3A_348 = arith.mulf %get3A_346, %mul3A_347 : vector<16xf32>
          %swap3A_349 = arith.index_cast %add3A_309 : i32 to index
          %swap3A_350 = arith.constant 48 : index
          %swap3A_351 = tpu.vector_load %arg16[%swap3A_349, %swap3A_350] {strides = array<i32>} : memref<128x64xf32, #tpu.memory_space<vmem>>, vector<1x16xf32>,
          %swap3A_352 = vector.shape_cast %swap3A_351 : vector<1x16xf32> to vector<16xf32>
          %swap3A_353 = vector.shape_cast %mul3A_348 : vector<16xf32> to vector<1x16xf32>
          tpu.vector_store %arg16[%swap3A_349, %swap3A_350], %swap3A_353 {strides = array<i32>} : memref<128x64xf32, #tpu.memory_space<vmem>>, vector<1x16xf32>,
          %slice3A_354 = vector.extract_strided_slice %get3A_69 {offsets = [6], sizes = [1], strides = [1]} : vector<16xf32> to vector<1xf32>
          %squeeze3A_355 = vector.extract %slice3A_354[0] : f32 from vector<1xf32>
          %add3A_356 = arith.constant 6 : i32
          %add3A_357 = arith.addi %mul3A_66, %add3A_356 : i32
          %get3A_358 = arith.index_cast %add3A_357 : i32 to index
          %get3A_359 = arith.constant 0 : index
          %get3A_360 = tpu.vector_load %arg16[%get3A_358, %get3A_359] {strides = array<i32>} : memref<128x64xf32, #tpu.memory_space<vmem>>, vector<1x16xf32>,
          %get3A_361 = vector.shape_cast %get3A_360 : vector<1x16xf32> to vector<16xf32>
          %mul3A_362 = vector.broadcast %squeeze3A_355 : f32 to vector<16xf32>
          %mul3A_363 = arith.mulf %get3A_361, %mul3A_362 : vector<16xf32>
          %swap3A_364 = arith.index_cast %add3A_357 : i32 to index
          %swap3A_365 = arith.constant 0 : index
          %swap3A_366 = tpu.vector_load %arg16[%swap3A_364, %swap3A_365] {strides = array<i32>} : memref<128x64xf32, #tpu.memory_space<vmem>>, vector<1x16xf32>,
          %swap3A_367 = vector.shape_cast %swap3A_366 : vector<1x16xf32> to vector<16xf32>
          %swap3A_368 = vector.shape_cast %mul3A_363 : vector<16xf32> to vector<1x16xf32>
          tpu.vector_store %arg16[%swap3A_364, %swap3A_365], %swap3A_368 {strides = array<i32>} : memref<128x64xf32, #tpu.memory_space<vmem>>, vector<1x16xf32>,
          %get3A_369 = arith.index_cast %add3A_357 : i32 to index
          %get3A_370 = arith.constant 16 : index
          %get3A_371 = tpu.vector_load %arg16[%get3A_369, %get3A_370] {strides = array<i32>} : memref<128x64xf32, #tpu.memory_space<vmem>>, vector<1x16xf32>,
          %get3A_372 = vector.shape_cast %get3A_371 : vector<1x16xf32> to vector<16xf32>
          %mul3A_373 = vector.broadcast %squeeze3A_355 : f32 to vector<16xf32>
          %mul3A_374 = arith.mulf %get3A_372, %mul3A_373 : vector<16xf32>
          %swap3A_375 = arith.index_cast %add3A_357 : i32 to index
          %swap3A_376 = arith.constant 16 : index
          %swap3A_377 = tpu.vector_load %arg16[%swap3A_375, %swap3A_376] {strides = array<i32>} : memref<128x64xf32, #tpu.memory_space<vmem>>, vector<1x16xf32>,
          %swap3A_378 = vector.shape_cast %swap3A_377 : vector<1x16xf32> to vector<16xf32>
          %swap3A_379 = vector.shape_cast %mul3A_374 : vector<16xf32> to vector<1x16xf32>
          tpu.vector_store %arg16[%swap3A_375, %swap3A_376], %swap3A_379 {strides = array<i32>} : memref<128x64xf32, #tpu.memory_space<vmem>>, vector<1x16xf32>,
          %get3A_380 = arith.index_cast %add3A_357 : i32 to index
          %get3A_381 = arith.constant 32 : index
          %get3A_382 = tpu.vector_load %arg16[%get3A_380, %get3A_381] {strides = array<i32>} : memref<128x64xf32, #tpu.memory_space<vmem>>, vector<1x16xf32>,
          %get3A_383 = vector.shape_cast %get3A_382 : vector<1x16xf32> to vector<16xf32>
          %mul3A_384 = vector.broadcast %squeeze3A_355 : f32 to vector<16xf32>
          %mul3A_385 = arith.mulf %get3A_383, %mul3A_384 : vector<16xf32>
          %swap3A_386 = arith.index_cast %add3A_357 : i32 to index
          %swap3A_387 = arith.constant 32 : index
          %swap3A_388 = tpu.vector_load %arg16[%swap3A_386, %swap3A_387] {strides = array<i32>} : memref<128x64xf32, #tpu.memory_space<vmem>>, vector<1x16xf32>,
          %swap3A_389 = vector.shape_cast %swap3A_388 : vector<1x16xf32> to vector<16xf32>
          %swap3A_390 = vector.shape_cast %mul3A_385 : vector<16xf32> to vector<1x16xf32>
          tpu.vector_store %arg16[%swap3A_386, %swap3A_387], %swap3A_390 {strides = array<i32>} : memref<128x64xf32, #tpu.memory_space<vmem>>, vector<1x16xf32>,
          %get3A_391 = arith.index_cast %add3A_357 : i32 to index
          %get3A_392 = arith.constant 48 : index
          %get3A_393 = tpu.vector_load %arg16[%get3A_391, %get3A_392] {strides = array<i32>} : memref<128x64xf32, #tpu.memory_space<vmem>>, vector<1x16xf32>,
          %get3A_394 = vector.shape_cast %get3A_393 : vector<1x16xf32> to vector<16xf32>
          %mul3A_395 = vector.broadcast %squeeze3A_355 : f32 to vector<16xf32>
          %mul3A_396 = arith.mulf %get3A_394, %mul3A_395 : vector<16xf32>
          %swap3A_397 = arith.index_cast %add3A_357 : i32 to index
          %swap3A_398 = arith.constant 48 : index
          %swap3A_399 = tpu.vector_load %arg16[%swap3A_397, %swap3A_398] {strides = array<i32>} : memref<128x64xf32, #tpu.memory_space<vmem>>, vector<1x16xf32>,
          %swap3A_400 = vector.shape_cast %swap3A_399 : vector<1x16xf32> to vector<16xf32>
          %swap3A_401 = vector.shape_cast %mul3A_396 : vector<16xf32> to vector<1x16xf32>
          tpu.vector_store %arg16[%swap3A_397, %swap3A_398], %swap3A_401 {strides = array<i32>} : memref<128x64xf32, #tpu.memory_space<vmem>>, vector<1x16xf32>,
          %slice3A_402 = vector.extract_strided_slice %get3A_69 {offsets = [7], sizes = [1], strides = [1]} : vector<16xf32> to vector<1xf32>
          %squeeze3A_403 = vector.extract %slice3A_402[0] : f32 from vector<1xf32>
          %add3A_404 = arith.constant 7 : i32
          %add3A_405 = arith.addi %mul3A_66, %add3A_404 : i32
          %get3A_406 = arith.index_cast %add3A_405 : i32 to index
          %get3A_407 = arith.constant 0 : index
          %get3A_408 = tpu.vector_load %arg16[%get3A_406, %get3A_407] {strides = array<i32>} : memref<128x64xf32, #tpu.memory_space<vmem>>, vector<1x16xf32>,
          %get3A_409 = vector.shape_cast %get3A_408 : vector<1x16xf32> to vector<16xf32>
          %mul3A_410 = vector.broadcast %squeeze3A_403 : f32 to vector<16xf32>
          %mul3A_411 = arith.mulf %get3A_409, %mul3A_410 : vector<16xf32>
          %swap3A_412 = arith.index_cast %add3A_405 : i32 to index
          %swap3A_413 = arith.constant 0 : index
          %swap3A_414 = tpu.vector_load %arg16[%swap3A_412, %swap3A_413] {strides = array<i32>} : memref<128x64xf32, #tpu.memory_space<vmem>>, vector<1x16xf32>,
          %swap3A_415 = vector.shape_cast %swap3A_414 : vector<1x16xf32> to vector<16xf32>
          %swap3A_416 = vector.shape_cast %mul3A_411 : vector<16xf32> to vector<1x16xf32>
          tpu.vector_store %arg16[%swap3A_412, %swap3A_413], %swap3A_416 {strides = array<i32>} : memref<128x64xf32, #tpu.memory_space<vmem>>, vector<1x16xf32>,
          %get3A_417 = arith.index_cast %add3A_405 : i32 to index
          %get3A_418 = arith.constant 16 : index
          %get3A_419 = tpu.vector_load %arg16[%get3A_417, %get3A_418] {strides = array<i32>} : memref<128x64xf32, #tpu.memory_space<vmem>>, vector<1x16xf32>,
          %get3A_420 = vector.shape_cast %get3A_419 : vector<1x16xf32> to vector<16xf32>
          %mul3A_421 = vector.broadcast %squeeze3A_403 : f32 to vector<16xf32>
          %mul3A_422 = arith.mulf %get3A_420, %mul3A_421 : vector<16xf32>
          %swap3A_423 = arith.index_cast %add3A_405 : i32 to index
          %swap3A_424 = arith.constant 16 : index
          %swap3A_425 = tpu.vector_load %arg16[%swap3A_423, %swap3A_424] {strides = array<i32>} : memref<128x64xf32, #tpu.memory_space<vmem>>, vector<1x16xf32>,
          %swap3A_426 = vector.shape_cast %swap3A_425 : vector<1x16xf32> to vector<16xf32>
          %swap3A_427 = vector.shape_cast %mul3A_422 : vector<16xf32> to vector<1x16xf32>
          tpu.vector_store %arg16[%swap3A_423, %swap3A_424], %swap3A_427 {strides = array<i32>} : memref<128x64xf32, #tpu.memory_space<vmem>>, vector<1x16xf32>,
          %get3A_428 = arith.index_cast %add3A_405 : i32 to index
          %get3A_429 = arith.constant 32 : index
          %get3A_430 = tpu.vector_load %arg16[%get3A_428, %get3A_429] {strides = array<i32>} : memref<128x64xf32, #tpu.memory_space<vmem>>, vector<1x16xf32>,
          %get3A_431 = vector.shape_cast %get3A_430 : vector<1x16xf32> to vector<16xf32>
          %mul3A_432 = vector.broadcast %squeeze3A_403 : f32 to vector<16xf32>
          %mul3A_433 = arith.mulf %get3A_431, %mul3A_432 : vector<16xf32>
          %swap3A_434 = arith.index_cast %add3A_405 : i32 to index
          %swap3A_435 = arith.constant 32 : index
          %swap3A_436 = tpu.vector_load %arg16[%swap3A_434, %swap3A_435] {strides = array<i32>} : memref<128x64xf32, #tpu.memory_space<vmem>>, vector<1x16xf32>,
          %swap3A_437 = vector.shape_cast %swap3A_436 : vector<1x16xf32> to vector<16xf32>
          %swap3A_438 = vector.shape_cast %mul3A_433 : vector<16xf32> to vector<1x16xf32>
          tpu.vector_store %arg16[%swap3A_434, %swap3A_435], %swap3A_438 {strides = array<i32>} : memref<128x64xf32, #tpu.memory_space<vmem>>, vector<1x16xf32>,
          %get3A_439 = arith.index_cast %add3A_405 : i32 to index
          %get3A_440 = arith.constant 48 : index
          %get3A_441 = tpu.vector_load %arg16[%get3A_439, %get3A_440] {strides = array<i32>} : memref<128x64xf32, #tpu.memory_space<vmem>>, vector<1x16xf32>,
          %get3A_442 = vector.shape_cast %get3A_441 : vector<1x16xf32> to vector<16xf32>
          %mul3A_443 = vector.broadcast %squeeze3A_403 : f32 to vector<16xf32>
          %mul3A_444 = arith.mulf %get3A_442, %mul3A_443 : vector<16xf32>
          %swap3A_445 = arith.index_cast %add3A_405 : i32 to index
          %swap3A_446 = arith.constant 48 : index
          %swap3A_447 = tpu.vector_load %arg16[%swap3A_445, %swap3A_446] {strides = array<i32>} : memref<128x64xf32, #tpu.memory_space<vmem>>, vector<1x16xf32>,
          %swap3A_448 = vector.shape_cast %swap3A_447 : vector<1x16xf32> to vector<16xf32>
          %swap3A_449 = vector.shape_cast %mul3A_444 : vector<16xf32> to vector<1x16xf32>
          tpu.vector_store %arg16[%swap3A_445, %swap3A_446], %swap3A_449 {strides = array<i32>} : memref<128x64xf32, #tpu.memory_space<vmem>>, vector<1x16xf32>,
          %slice3A_450 = vector.extract_strided_slice %get3A_69 {offsets = [8], sizes = [1], strides = [1]} : vector<16xf32> to vector<1xf32>
          %squeeze3A_451 = vector.extract %slice3A_450[0] : f32 from vector<1xf32>
          %add3A_452 = arith.constant 8 : i32
          %add3A_453 = arith.addi %mul3A_66, %add3A_452 : i32
          %get3A_454 = arith.index_cast %add3A_453 : i32 to index
          %get3A_455 = arith.constant 0 : index
          %get3A_456 = tpu.vector_load %arg16[%get3A_454, %get3A_455] {strides = array<i32>} : memref<128x64xf32, #tpu.memory_space<vmem>>, vector<1x16xf32>,
          %get3A_457 = vector.shape_cast %get3A_456 : vector<1x16xf32> to vector<16xf32>
          %mul3A_458 = vector.broadcast %squeeze3A_451 : f32 to vector<16xf32>
          %mul3A_459 = arith.mulf %get3A_457, %mul3A_458 : vector<16xf32>
          %swap3A_460 = arith.index_cast %add3A_453 : i32 to index
          %swap3A_461 = arith.constant 0 : index
          %swap3A_462 = tpu.vector_load %arg16[%swap3A_460, %swap3A_461] {strides = array<i32>} : memref<128x64xf32, #tpu.memory_space<vmem>>, vector<1x16xf32>,
          %swap3A_463 = vector.shape_cast %swap3A_462 : vector<1x16xf32> to vector<16xf32>
          %swap3A_464 = vector.shape_cast %mul3A_459 : vector<16xf32> to vector<1x16xf32>
          tpu.vector_store %arg16[%swap3A_460, %swap3A_461], %swap3A_464 {strides = array<i32>} : memref<128x64xf32, #tpu.memory_space<vmem>>, vector<1x16xf32>,
          %get3A_465 = arith.index_cast %add3A_453 : i32 to index
          %get3A_466 = arith.constant 16 : index
          %get3A_467 = tpu.vector_load %arg16[%get3A_465, %get3A_466] {strides = array<i32>} : memref<128x64xf32, #tpu.memory_space<vmem>>, vector<1x16xf32>,
          %get3A_468 = vector.shape_cast %get3A_467 : vector<1x16xf32> to vector<16xf32>
          %mul3A_469 = vector.broadcast %squeeze3A_451 : f32 to vector<16xf32>
          %mul3A_470 = arith.mulf %get3A_468, %mul3A_469 : vector<16xf32>
          %swap3A_471 = arith.index_cast %add3A_453 : i32 to index
          %swap3A_472 = arith.constant 16 : index
          %swap3A_473 = tpu.vector_load %arg16[%swap3A_471, %swap3A_472] {strides = array<i32>} : memref<128x64xf32, #tpu.memory_space<vmem>>, vector<1x16xf32>,
          %swap3A_474 = vector.shape_cast %swap3A_473 : vector<1x16xf32> to vector<16xf32>
          %swap3A_475 = vector.shape_cast %mul3A_470 : vector<16xf32> to vector<1x16xf32>
          tpu.vector_store %arg16[%swap3A_471, %swap3A_472], %swap3A_475 {strides = array<i32>} : memref<128x64xf32, #tpu.memory_space<vmem>>, vector<1x16xf32>,
          %get3A_476 = arith.index_cast %add3A_453 : i32 to index
          %get3A_477 = arith.constant 32 : index
          %get3A_478 = tpu.vector_load %arg16[%get3A_476, %get3A_477] {strides = array<i32>} : memref<128x64xf32, #tpu.memory_space<vmem>>, vector<1x16xf32>,
          %get3A_479 = vector.shape_cast %get3A_478 : vector<1x16xf32> to vector<16xf32>
          %mul3A_480 = vector.broadcast %squeeze3A_451 : f32 to vector<16xf32>
          %mul3A_481 = arith.mulf %get3A_479, %mul3A_480 : vector<16xf32>
          %swap3A_482 = arith.index_cast %add3A_453 : i32 to index
          %swap3A_483 = arith.constant 32 : index
          %swap3A_484 = tpu.vector_load %arg16[%swap3A_482, %swap3A_483] {strides = array<i32>} : memref<128x64xf32, #tpu.memory_space<vmem>>, vector<1x16xf32>,
          %swap3A_485 = vector.shape_cast %swap3A_484 : vector<1x16xf32> to vector<16xf32>
          %swap3A_486 = vector.shape_cast %mul3A_481 : vector<16xf32> to vector<1x16xf32>
          tpu.vector_store %arg16[%swap3A_482, %swap3A_483], %swap3A_486 {strides = array<i32>} : memref<128x64xf32, #tpu.memory_space<vmem>>, vector<1x16xf32>,
          %get3A_487 = arith.index_cast %add3A_453 : i32 to index
          %get3A_488 = arith.constant 48 : index
          %get3A_489 = tpu.vector_load %arg16[%get3A_487, %get3A_488] {strides = array<i32>} : memref<128x64xf32, #tpu.memory_space<vmem>>, vector<1x16xf32>,
          %get3A_490 = vector.shape_cast %get3A_489 : vector<1x16xf32> to vector<16xf32>
          %mul3A_491 = vector.broadcast %squeeze3A_451 : f32 to vector<16xf32>
          %mul3A_492 = arith.mulf %get3A_490, %mul3A_491 : vector<16xf32>
          %swap3A_493 = arith.index_cast %add3A_453 : i32 to index
          %swap3A_494 = arith.constant 48 : index
          %swap3A_495 = tpu.vector_load %arg16[%swap3A_493, %swap3A_494] {strides = array<i32>} : memref<128x64xf32, #tpu.memory_space<vmem>>, vector<1x16xf32>,
          %swap3A_496 = vector.shape_cast %swap3A_495 : vector<1x16xf32> to vector<16xf32>
          %swap3A_497 = vector.shape_cast %mul3A_492 : vector<16xf32> to vector<1x16xf32>
          tpu.vector_store %arg16[%swap3A_493, %swap3A_494], %swap3A_497 {strides = array<i32>} : memref<128x64xf32, #tpu.memory_space<vmem>>, vector<1x16xf32>,
          %slice3A_498 = vector.extract_strided_slice %get3A_69 {offsets = [9], sizes = [1], strides = [1]} : vector<16xf32> to vector<1xf32>
          %squeeze3A_499 = vector.extract %slice3A_498[0] : f32 from vector<1xf32>
          %add3A_500 = arith.constant 9 : i32
          %add3A_501 = arith.addi %mul3A_66, %add3A_500 : i32
          %get3A_502 = arith.index_cast %add3A_501 : i32 to index
          %get3A_503 = arith.constant 0 : index
          %get3A_504 = tpu.vector_load %arg16[%get3A_502, %get3A_503] {strides = array<i32>} : memref<128x64xf32, #tpu.memory_space<vmem>>, vector<1x16xf32>,
          %get3A_505 = vector.shape_cast %get3A_504 : vector<1x16xf32> to vector<16xf32>
          %mul3A_506 = vector.broadcast %squeeze3A_499 : f32 to vector<16xf32>
          %mul3A_507 = arith.mulf %get3A_505, %mul3A_506 : vector<16xf32>
          %swap3A_508 = arith.index_cast %add3A_501 : i32 to index
          %swap3A_509 = arith.constant 0 : index
          %swap3A_510 = tpu.vector_load %arg16[%swap3A_508, %swap3A_509] {strides = array<i32>} : memref<128x64xf32, #tpu.memory_space<vmem>>, vector<1x16xf32>,
          %swap3A_511 = vector.shape_cast %swap3A_510 : vector<1x16xf32> to vector<16xf32>
          %swap3A_512 = vector.shape_cast %mul3A_507 : vector<16xf32> to vector<1x16xf32>
          tpu.vector_store %arg16[%swap3A_508, %swap3A_509], %swap3A_512 {strides = array<i32>} : memref<128x64xf32, #tpu.memory_space<vmem>>, vector<1x16xf32>,
          %get3A_513 = arith.index_cast %add3A_501 : i32 to index
          %get3A_514 = arith.constant 16 : index
          %get3A_515 = tpu.vector_load %arg16[%get3A_513, %get3A_514] {strides = array<i32>} : memref<128x64xf32, #tpu.memory_space<vmem>>, vector<1x16xf32>,
          %get3A_516 = vector.shape_cast %get3A_515 : vector<1x16xf32> to vector<16xf32>
          %mul3A_517 = vector.broadcast %squeeze3A_499 : f32 to vector<16xf32>
          %mul3A_518 = arith.mulf %get3A_516, %mul3A_517 : vector<16xf32>
          %swap3A_519 = arith.index_cast %add3A_501 : i32 to index
          %swap3A_520 = arith.constant 16 : index
          %swap3A_521 = tpu.vector_load %arg16[%swap3A_519, %swap3A_520] {strides = array<i32>} : memref<128x64xf32, #tpu.memory_space<vmem>>, vector<1x16xf32>,
          %swap3A_522 = vector.shape_cast %swap3A_521 : vector<1x16xf32> to vector<16xf32>
          %swap3A_523 = vector.shape_cast %mul3A_518 : vector<16xf32> to vector<1x16xf32>
          tpu.vector_store %arg16[%swap3A_519, %swap3A_520], %swap3A_523 {strides = array<i32>} : memref<128x64xf32, #tpu.memory_space<vmem>>, vector<1x16xf32>,
          %get3A_524 = arith.index_cast %add3A_501 : i32 to index
          %get3A_525 = arith.constant 32 : index
          %get3A_526 = tpu.vector_load %arg16[%get3A_524, %get3A_525] {strides = array<i32>} : memref<128x64xf32, #tpu.memory_space<vmem>>, vector<1x16xf32>,
          %get3A_527 = vector.shape_cast %get3A_526 : vector<1x16xf32> to vector<16xf32>
          %mul3A_528 = vector.broadcast %squeeze3A_499 : f32 to vector<16xf32>
          %mul3A_529 = arith.mulf %get3A_527, %mul3A_528 : vector<16xf32>
          %swap3A_530 = arith.index_cast %add3A_501 : i32 to index
          %swap3A_531 = arith.constant 32 : index
          %swap3A_532 = tpu.vector_load %arg16[%swap3A_530, %swap3A_531] {strides = array<i32>} : memref<128x64xf32, #tpu.memory_space<vmem>>, vector<1x16xf32>,
          %swap3A_533 = vector.shape_cast %swap3A_532 : vector<1x16xf32> to vector<16xf32>
          %swap3A_534 = vector.shape_cast %mul3A_529 : vector<16xf32> to vector<1x16xf32>
          tpu.vector_store %arg16[%swap3A_530, %swap3A_531], %swap3A_534 {strides = array<i32>} : memref<128x64xf32, #tpu.memory_space<vmem>>, vector<1x16xf32>,
          %get3A_535 = arith.index_cast %add3A_501 : i32 to index
          %get3A_536 = arith.constant 48 : index
          %get3A_537 = tpu.vector_load %arg16[%get3A_535, %get3A_536] {strides = array<i32>} : memref<128x64xf32, #tpu.memory_space<vmem>>, vector<1x16xf32>,
          %get3A_538 = vector.shape_cast %get3A_537 : vector<1x16xf32> to vector<16xf32>
          %mul3A_539 = vector.broadcast %squeeze3A_499 : f32 to vector<16xf32>
          %mul3A_540 = arith.mulf %get3A_538, %mul3A_539 : vector<16xf32>
          %swap3A_541 = arith.index_cast %add3A_501 : i32 to index
          %swap3A_542 = arith.constant 48 : index
          %swap3A_543 = tpu.vector_load %arg16[%swap3A_541, %swap3A_542] {strides = array<i32>} : memref<128x64xf32, #tpu.memory_space<vmem>>, vector<1x16xf32>,
          %swap3A_544 = vector.shape_cast %swap3A_543 : vector<1x16xf32> to vector<16xf32>
          %swap3A_545 = vector.shape_cast %mul3A_540 : vector<16xf32> to vector<1x16xf32>
          tpu.vector_store %arg16[%swap3A_541, %swap3A_542], %swap3A_545 {strides = array<i32>} : memref<128x64xf32, #tpu.memory_space<vmem>>, vector<1x16xf32>,
          %slice3A_546 = vector.extract_strided_slice %get3A_69 {offsets = [10], sizes = [1], strides = [1]} : vector<16xf32> to vector<1xf32>
          %squeeze3A_547 = vector.extract %slice3A_546[0] : f32 from vector<1xf32>
          %add3A_548 = arith.constant 10 : i32
          %add3A_549 = arith.addi %mul3A_66, %add3A_548 : i32
          %get3A_550 = arith.index_cast %add3A_549 : i32 to index
          %get3A_551 = arith.constant 0 : index
          %get3A_552 = tpu.vector_load %arg16[%get3A_550, %get3A_551] {strides = array<i32>} : memref<128x64xf32, #tpu.memory_space<vmem>>, vector<1x16xf32>,
          %get3A_553 = vector.shape_cast %get3A_552 : vector<1x16xf32> to vector<16xf32>
          %mul3A_554 = vector.broadcast %squeeze3A_547 : f32 to vector<16xf32>
          %mul3A_555 = arith.mulf %get3A_553, %mul3A_554 : vector<16xf32>
          %swap3A_556 = arith.index_cast %add3A_549 : i32 to index
          %swap3A_557 = arith.constant 0 : index
          %swap3A_558 = tpu.vector_load %arg16[%swap3A_556, %swap3A_557] {strides = array<i32>} : memref<128x64xf32, #tpu.memory_space<vmem>>, vector<1x16xf32>,
          %swap3A_559 = vector.shape_cast %swap3A_558 : vector<1x16xf32> to vector<16xf32>
          %swap3A_560 = vector.shape_cast %mul3A_555 : vector<16xf32> to vector<1x16xf32>
          tpu.vector_store %arg16[%swap3A_556, %swap3A_557], %swap3A_560 {strides = array<i32>} : memref<128x64xf32, #tpu.memory_space<vmem>>, vector<1x16xf32>,
          %get3A_561 = arith.index_cast %add3A_549 : i32 to index
          %get3A_562 = arith.constant 16 : index
          %get3A_563 = tpu.vector_load %arg16[%get3A_561, %get3A_562] {strides = array<i32>} : memref<128x64xf32, #tpu.memory_space<vmem>>, vector<1x16xf32>,
          %get3A_564 = vector.shape_cast %get3A_563 : vector<1x16xf32> to vector<16xf32>
          %mul3A_565 = vector.broadcast %squeeze3A_547 : f32 to vector<16xf32>
          %mul3A_566 = arith.mulf %get3A_564, %mul3A_565 : vector<16xf32>
          %swap3A_567 = arith.index_cast %add3A_549 : i32 to index
          %swap3A_568 = arith.constant 16 : index
          %swap3A_569 = tpu.vector_load %arg16[%swap3A_567, %swap3A_568] {strides = array<i32>} : memref<128x64xf32, #tpu.memory_space<vmem>>, vector<1x16xf32>,
          %swap3A_570 = vector.shape_cast %swap3A_569 : vector<1x16xf32> to vector<16xf32>
          %swap3A_571 = vector.shape_cast %mul3A_566 : vector<16xf32> to vector<1x16xf32>
          tpu.vector_store %arg16[%swap3A_567, %swap3A_568], %swap3A_571 {strides = array<i32>} : memref<128x64xf32, #tpu.memory_space<vmem>>, vector<1x16xf32>,
          %get3A_572 = arith.index_cast %add3A_549 : i32 to index
          %get3A_573 = arith.constant 32 : index
          %get3A_574 = tpu.vector_load %arg16[%get3A_572, %get3A_573] {strides = array<i32>} : memref<128x64xf32, #tpu.memory_space<vmem>>, vector<1x16xf32>,
          %get3A_575 = vector.shape_cast %get3A_574 : vector<1x16xf32> to vector<16xf32>
          %mul3A_576 = vector.broadcast %squeeze3A_547 : f32 to vector<16xf32>
          %mul3A_577 = arith.mulf %get3A_575, %mul3A_576 : vector<16xf32>
          %swap3A_578 = arith.index_cast %add3A_549 : i32 to index
          %swap3A_579 = arith.constant 32 : index
          %swap3A_580 = tpu.vector_load %arg16[%swap3A_578, %swap3A_579] {strides = array<i32>} : memref<128x64xf32, #tpu.memory_space<vmem>>, vector<1x16xf32>,
          %swap3A_581 = vector.shape_cast %swap3A_580 : vector<1x16xf32> to vector<16xf32>
          %swap3A_582 = vector.shape_cast %mul3A_577 : vector<16xf32> to vector<1x16xf32>
          tpu.vector_store %arg16[%swap3A_578, %swap3A_579], %swap3A_582 {strides = array<i32>} : memref<128x64xf32, #tpu.memory_space<vmem>>, vector<1x16xf32>,
          %get3A_583 = arith.index_cast %add3A_549 : i32 to index
          %get3A_584 = arith.constant 48 : index
          %get3A_585 = tpu.vector_load %arg16[%get3A_583, %get3A_584] {strides = array<i32>} : memref<128x64xf32, #tpu.memory_space<vmem>>, vector<1x16xf32>,
          %get3A_586 = vector.shape_cast %get3A_585 : vector<1x16xf32> to vector<16xf32>
          %mul3A_587 = vector.broadcast %squeeze3A_547 : f32 to vector<16xf32>
          %mul3A_588 = arith.mulf %get3A_586, %mul3A_587 : vector<16xf32>
          %swap3A_589 = arith.index_cast %add3A_549 : i32 to index
          %swap3A_590 = arith.constant 48 : index
          %swap3A_591 = tpu.vector_load %arg16[%swap3A_589, %swap3A_590] {strides = array<i32>} : memref<128x64xf32, #tpu.memory_space<vmem>>, vector<1x16xf32>,
          %swap3A_592 = vector.shape_cast %swap3A_591 : vector<1x16xf32> to vector<16xf32>
          %swap3A_593 = vector.shape_cast %mul3A_588 : vector<16xf32> to vector<1x16xf32>
          tpu.vector_store %arg16[%swap3A_589, %swap3A_590], %swap3A_593 {strides = array<i32>} : memref<128x64xf32, #tpu.memory_space<vmem>>, vector<1x16xf32>,
          %slice3A_594 = vector.extract_strided_slice %get3A_69 {offsets = [11], sizes = [1], strides = [1]} : vector<16xf32> to vector<1xf32>
          %squeeze3A_595 = vector.extract %slice3A_594[0] : f32 from vector<1xf32>
          %add3A_596 = arith.constant 11 : i32
          %add3A_597 = arith.addi %mul3A_66, %add3A_596 : i32
          %get3A_598 = arith.index_cast %add3A_597 : i32 to index
          %get3A_599 = arith.constant 0 : index
          %get3A_600 = tpu.vector_load %arg16[%get3A_598, %get3A_599] {strides = array<i32>} : memref<128x64xf32, #tpu.memory_space<vmem>>, vector<1x16xf32>,
          %get3A_601 = vector.shape_cast %get3A_600 : vector<1x16xf32> to vector<16xf32>
          %mul3A_602 = vector.broadcast %squeeze3A_595 : f32 to vector<16xf32>
          %mul3A_603 = arith.mulf %get3A_601, %mul3A_602 : vector<16xf32>
          %swap3A_604 = arith.index_cast %add3A_597 : i32 to index
          %swap3A_605 = arith.constant 0 : index
          %swap3A_606 = tpu.vector_load %arg16[%swap3A_604, %swap3A_605] {strides = array<i32>} : memref<128x64xf32, #tpu.memory_space<vmem>>, vector<1x16xf32>,
          %swap3A_607 = vector.shape_cast %swap3A_606 : vector<1x16xf32> to vector<16xf32>
          %swap3A_608 = vector.shape_cast %mul3A_603 : vector<16xf32> to vector<1x16xf32>
          tpu.vector_store %arg16[%swap3A_604, %swap3A_605], %swap3A_608 {strides = array<i32>} : memref<128x64xf32, #tpu.memory_space<vmem>>, vector<1x16xf32>,
          %get3A_609 = arith.index_cast %add3A_597 : i32 to index
          %get3A_610 = arith.constant 16 : index
          %get3A_611 = tpu.vector_load %arg16[%get3A_609, %get3A_610] {strides = array<i32>} : memref<128x64xf32, #tpu.memory_space<vmem>>, vector<1x16xf32>,
          %get3A_612 = vector.shape_cast %get3A_611 : vector<1x16xf32> to vector<16xf32>
          %mul3A_613 = vector.broadcast %squeeze3A_595 : f32 to vector<16xf32>
          %mul3A_614 = arith.mulf %get3A_612, %mul3A_613 : vector<16xf32>
          %swap3A_615 = arith.index_cast %add3A_597 : i32 to index
          %swap3A_616 = arith.constant 16 : index
          %swap3A_617 = tpu.vector_load %arg16[%swap3A_615, %swap3A_616] {strides = array<i32>} : memref<128x64xf32, #tpu.memory_space<vmem>>, vector<1x16xf32>,
          %swap3A_618 = vector.shape_cast %swap3A_617 : vector<1x16xf32> to vector<16xf32>
          %swap3A_619 = vector.shape_cast %mul3A_614 : vector<16xf32> to vector<1x16xf32>
          tpu.vector_store %arg16[%swap3A_615, %swap3A_616], %swap3A_619 {strides = array<i32>} : memref<128x64xf32, #tpu.memory_space<vmem>>, vector<1x16xf32>,
          %get3A_620 = arith.index_cast %add3A_597 : i32 to index
          %get3A_621 = arith.constant 32 : index
          %get3A_622 = tpu.vector_load %arg16[%get3A_620, %get3A_621] {strides = array<i32>} : memref<128x64xf32, #tpu.memory_space<vmem>>, vector<1x16xf32>,
          %get3A_623 = vector.shape_cast %get3A_622 : vector<1x16xf32> to vector<16xf32>
          %mul3A_624 = vector.broadcast %squeeze3A_595 : f32 to vector<16xf32>
          %mul3A_625 = arith.mulf %get3A_623, %mul3A_624 : vector<16xf32>
          %swap3A_626 = arith.index_cast %add3A_597 : i32 to index
          %swap3A_627 = arith.constant 32 : index
          %swap3A_628 = tpu.vector_load %arg16[%swap3A_626, %swap3A_627] {strides = array<i32>} : memref<128x64xf32, #tpu.memory_space<vmem>>, vector<1x16xf32>,
          %swap3A_629 = vector.shape_cast %swap3A_628 : vector<1x16xf32> to vector<16xf32>
          %swap3A_630 = vector.shape_cast %mul3A_625 : vector<16xf32> to vector<1x16xf32>
          tpu.vector_store %arg16[%swap3A_626, %swap3A_627], %swap3A_630 {strides = array<i32>} : memref<128x64xf32, #tpu.memory_space<vmem>>, vector<1x16xf32>,
          %get3A_631 = arith.index_cast %add3A_597 : i32 to index
          %get3A_632 = arith.constant 48 : index
          %get3A_633 = tpu.vector_load %arg16[%get3A_631, %get3A_632] {strides = array<i32>} : memref<128x64xf32, #tpu.memory_space<vmem>>, vector<1x16xf32>,
          %get3A_634 = vector.shape_cast %get3A_633 : vector<1x16xf32> to vector<16xf32>
          %mul3A_635 = vector.broadcast %squeeze3A_595 : f32 to vector<16xf32>
          %mul3A_636 = arith.mulf %get3A_634, %mul3A_635 : vector<16xf32>
          %swap3A_637 = arith.index_cast %add3A_597 : i32 to index
          %swap3A_638 = arith.constant 48 : index
          %swap3A_639 = tpu.vector_load %arg16[%swap3A_637, %swap3A_638] {strides = array<i32>} : memref<128x64xf32, #tpu.memory_space<vmem>>, vector<1x16xf32>,
          %swap3A_640 = vector.shape_cast %swap3A_639 : vector<1x16xf32> to vector<16xf32>
          %swap3A_641 = vector.shape_cast %mul3A_636 : vector<16xf32> to vector<1x16xf32>
          tpu.vector_store %arg16[%swap3A_637, %swap3A_638], %swap3A_641 {strides = array<i32>} : memref<128x64xf32, #tpu.memory_space<vmem>>, vector<1x16xf32>,
          %slice3A_642 = vector.extract_strided_slice %get3A_69 {offsets = [12], sizes = [1], strides = [1]} : vector<16xf32> to vector<1xf32>
          %squeeze3A_643 = vector.extract %slice3A_642[0] : f32 from vector<1xf32>
          %add3A_644 = arith.constant 12 : i32
          %add3A_645 = arith.addi %mul3A_66, %add3A_644 : i32
          %get3A_646 = arith.index_cast %add3A_645 : i32 to index
          %get3A_647 = arith.constant 0 : index
          %get3A_648 = tpu.vector_load %arg16[%get3A_646, %get3A_647] {strides = array<i32>} : memref<128x64xf32, #tpu.memory_space<vmem>>, vector<1x16xf32>,
          %get3A_649 = vector.shape_cast %get3A_648 : vector<1x16xf32> to vector<16xf32>
          %mul3A_650 = vector.broadcast %squeeze3A_643 : f32 to vector<16xf32>
          %mul3A_651 = arith.mulf %get3A_649, %mul3A_650 : vector<16xf32>
          %swap3A_652 = arith.index_cast %add3A_645 : i32 to index
          %swap3A_653 = arith.constant 0 : index
          %swap3A_654 = tpu.vector_load %arg16[%swap3A_652, %swap3A_653] {strides = array<i32>} : memref<128x64xf32, #tpu.memory_space<vmem>>, vector<1x16xf32>,
          %swap3A_655 = vector.shape_cast %swap3A_654 : vector<1x16xf32> to vector<16xf32>
          %swap3A_656 = vector.shape_cast %mul3A_651 : vector<16xf32> to vector<1x16xf32>
          tpu.vector_store %arg16[%swap3A_652, %swap3A_653], %swap3A_656 {strides = array<i32>} : memref<128x64xf32, #tpu.memory_space<vmem>>, vector<1x16xf32>,
          %get3A_657 = arith.index_cast %add3A_645 : i32 to index
          %get3A_658 = arith.constant 16 : index
          %get3A_659 = tpu.vector_load %arg16[%get3A_657, %get3A_658] {strides = array<i32>} : memref<128x64xf32, #tpu.memory_space<vmem>>, vector<1x16xf32>,
          %get3A_660 = vector.shape_cast %get3A_659 : vector<1x16xf32> to vector<16xf32>
          %mul3A_661 = vector.broadcast %squeeze3A_643 : f32 to vector<16xf32>
          %mul3A_662 = arith.mulf %get3A_660, %mul3A_661 : vector<16xf32>
          %swap3A_663 = arith.index_cast %add3A_645 : i32 to index
          %swap3A_664 = arith.constant 16 : index
          %swap3A_665 = tpu.vector_load %arg16[%swap3A_663, %swap3A_664] {strides = array<i32>} : memref<128x64xf32, #tpu.memory_space<vmem>>, vector<1x16xf32>,
          %swap3A_666 = vector.shape_cast %swap3A_665 : vector<1x16xf32> to vector<16xf32>
          %swap3A_667 = vector.shape_cast %mul3A_662 : vector<16xf32> to vector<1x16xf32>
          tpu.vector_store %arg16[%swap3A_663, %swap3A_664], %swap3A_667 {strides = array<i32>} : memref<128x64xf32, #tpu.memory_space<vmem>>, vector<1x16xf32>,
          %get3A_668 = arith.index_cast %add3A_645 : i32 to index
          %get3A_669 = arith.constant 32 : index
          %get3A_670 = tpu.vector_load %arg16[%get3A_668, %get3A_669] {strides = array<i32>} : memref<128x64xf32, #tpu.memory_space<vmem>>, vector<1x16xf32>,
          %get3A_671 = vector.shape_cast %get3A_670 : vector<1x16xf32> to vector<16xf32>
          %mul3A_672 = vector.broadcast %squeeze3A_643 : f32 to vector<16xf32>
          %mul3A_673 = arith.mulf %get3A_671, %mul3A_672 : vector<16xf32>
          %swap3A_674 = arith.index_cast %add3A_645 : i32 to index
          %swap3A_675 = arith.constant 32 : index
          %swap3A_676 = tpu.vector_load %arg16[%swap3A_674, %swap3A_675] {strides = array<i32>} : memref<128x64xf32, #tpu.memory_space<vmem>>, vector<1x16xf32>,
          %swap3A_677 = vector.shape_cast %swap3A_676 : vector<1x16xf32> to vector<16xf32>
          %swap3A_678 = vector.shape_cast %mul3A_673 : vector<16xf32> to vector<1x16xf32>
          tpu.vector_store %arg16[%swap3A_674, %swap3A_675], %swap3A_678 {strides = array<i32>} : memref<128x64xf32, #tpu.memory_space<vmem>>, vector<1x16xf32>,
          %get3A_679 = arith.index_cast %add3A_645 : i32 to index
          %get3A_680 = arith.constant 48 : index
          %get3A_681 = tpu.vector_load %arg16[%get3A_679, %get3A_680] {strides = array<i32>} : memref<128x64xf32, #tpu.memory_space<vmem>>, vector<1x16xf32>,
          %get3A_682 = vector.shape_cast %get3A_681 : vector<1x16xf32> to vector<16xf32>
          %mul3A_683 = vector.broadcast %squeeze3A_643 : f32 to vector<16xf32>
          %mul3A_684 = arith.mulf %get3A_682, %mul3A_683 : vector<16xf32>
          %swap3A_685 = arith.index_cast %add3A_645 : i32 to index
          %swap3A_686 = arith.constant 48 : index
          %swap3A_687 = tpu.vector_load %arg16[%swap3A_685, %swap3A_686] {strides = array<i32>} : memref<128x64xf32, #tpu.memory_space<vmem>>, vector<1x16xf32>,
          %swap3A_688 = vector.shape_cast %swap3A_687 : vector<1x16xf32> to vector<16xf32>
          %swap3A_689 = vector.shape_cast %mul3A_684 : vector<16xf32> to vector<1x16xf32>
          tpu.vector_store %arg16[%swap3A_685, %swap3A_686], %swap3A_689 {strides = array<i32>} : memref<128x64xf32, #tpu.memory_space<vmem>>, vector<1x16xf32>,
          %slice3A_690 = vector.extract_strided_slice %get3A_69 {offsets = [13], sizes = [1], strides = [1]} : vector<16xf32> to vector<1xf32>
          %squeeze3A_691 = vector.extract %slice3A_690[0] : f32 from vector<1xf32>
          %add3A_692 = arith.constant 13 : i32
          %add3A_693 = arith.addi %mul3A_66, %add3A_692 : i32
          %get3A_694 = arith.index_cast %add3A_693 : i32 to index
          %get3A_695 = arith.constant 0 : index
          %get3A_696 = tpu.vector_load %arg16[%get3A_694, %get3A_695] {strides = array<i32>} : memref<128x64xf32, #tpu.memory_space<vmem>>, vector<1x16xf32>,
          %get3A_697 = vector.shape_cast %get3A_696 : vector<1x16xf32> to vector<16xf32>
          %mul3A_698 = vector.broadcast %squeeze3A_691 : f32 to vector<16xf32>
          %mul3A_699 = arith.mulf %get3A_697, %mul3A_698 : vector<16xf32>
          %swap3A_700 = arith.index_cast %add3A_693 : i32 to index
          %swap3A_701 = arith.constant 0 : index
          %swap3A_702 = tpu.vector_load %arg16[%swap3A_700, %swap3A_701] {strides = array<i32>} : memref<128x64xf32, #tpu.memory_space<vmem>>, vector<1x16xf32>,
          %swap3A_703 = vector.shape_cast %swap3A_702 : vector<1x16xf32> to vector<16xf32>
          %swap3A_704 = vector.shape_cast %mul3A_699 : vector<16xf32> to vector<1x16xf32>
          tpu.vector_store %arg16[%swap3A_700, %swap3A_701], %swap3A_704 {strides = array<i32>} : memref<128x64xf32, #tpu.memory_space<vmem>>, vector<1x16xf32>,
          %get3A_705 = arith.index_cast %add3A_693 : i32 to index
          %get3A_706 = arith.constant 16 : index
          %get3A_707 = tpu.vector_load %arg16[%get3A_705, %get3A_706] {strides = array<i32>} : memref<128x64xf32, #tpu.memory_space<vmem>>, vector<1x16xf32>,
          %get3A_708 = vector.shape_cast %get3A_707 : vector<1x16xf32> to vector<16xf32>
          %mul3A_709 = vector.broadcast %squeeze3A_691 : f32 to vector<16xf32>
          %mul3A_710 = arith.mulf %get3A_708, %mul3A_709 : vector<16xf32>
          %swap3A_711 = arith.index_cast %add3A_693 : i32 to index
          %swap3A_712 = arith.constant 16 : index
          %swap3A_713 = tpu.vector_load %arg16[%swap3A_711, %swap3A_712] {strides = array<i32>} : memref<128x64xf32, #tpu.memory_space<vmem>>, vector<1x16xf32>,
          %swap3A_714 = vector.shape_cast %swap3A_713 : vector<1x16xf32> to vector<16xf32>
          %swap3A_715 = vector.shape_cast %mul3A_710 : vector<16xf32> to vector<1x16xf32>
          tpu.vector_store %arg16[%swap3A_711, %swap3A_712], %swap3A_715 {strides = array<i32>} : memref<128x64xf32, #tpu.memory_space<vmem>>, vector<1x16xf32>,
          %get3A_716 = arith.index_cast %add3A_693 : i32 to index
          %get3A_717 = arith.constant 32 : index
          %get3A_718 = tpu.vector_load %arg16[%get3A_716, %get3A_717] {strides = array<i32>} : memref<128x64xf32, #tpu.memory_space<vmem>>, vector<1x16xf32>,
          %get3A_719 = vector.shape_cast %get3A_718 : vector<1x16xf32> to vector<16xf32>
          %mul3A_720 = vector.broadcast %squeeze3A_691 : f32 to vector<16xf32>
          %mul3A_721 = arith.mulf %get3A_719, %mul3A_720 : vector<16xf32>
          %swap3A_722 = arith.index_cast %add3A_693 : i32 to index
          %swap3A_723 = arith.constant 32 : index
          %swap3A_724 = tpu.vector_load %arg16[%swap3A_722, %swap3A_723] {strides = array<i32>} : memref<128x64xf32, #tpu.memory_space<vmem>>, vector<1x16xf32>,
          %swap3A_725 = vector.shape_cast %swap3A_724 : vector<1x16xf32> to vector<16xf32>
          %swap3A_726 = vector.shape_cast %mul3A_721 : vector<16xf32> to vector<1x16xf32>
          tpu.vector_store %arg16[%swap3A_722, %swap3A_723], %swap3A_726 {strides = array<i32>} : memref<128x64xf32, #tpu.memory_space<vmem>>, vector<1x16xf32>,
          %get3A_727 = arith.index_cast %add3A_693 : i32 to index
          %get3A_728 = arith.constant 48 : index
          %get3A_729 = tpu.vector_load %arg16[%get3A_727, %get3A_728] {strides = array<i32>} : memref<128x64xf32, #tpu.memory_space<vmem>>, vector<1x16xf32>,
          %get3A_730 = vector.shape_cast %get3A_729 : vector<1x16xf32> to vector<16xf32>
          %mul3A_731 = vector.broadcast %squeeze3A_691 : f32 to vector<16xf32>
          %mul3A_732 = arith.mulf %get3A_730, %mul3A_731 : vector<16xf32>
          %swap3A_733 = arith.index_cast %add3A_693 : i32 to index
          %swap3A_734 = arith.constant 48 : index
          %swap3A_735 = tpu.vector_load %arg16[%swap3A_733, %swap3A_734] {strides = array<i32>} : memref<128x64xf32, #tpu.memory_space<vmem>>, vector<1x16xf32>,
          %swap3A_736 = vector.shape_cast %swap3A_735 : vector<1x16xf32> to vector<16xf32>
          %swap3A_737 = vector.shape_cast %mul3A_732 : vector<16xf32> to vector<1x16xf32>
          tpu.vector_store %arg16[%swap3A_733, %swap3A_734], %swap3A_737 {strides = array<i32>} : memref<128x64xf32, #tpu.memory_space<vmem>>, vector<1x16xf32>,
          %slice3A_738 = vector.extract_strided_slice %get3A_69 {offsets = [14], sizes = [1], strides = [1]} : vector<16xf32> to vector<1xf32>
          %squeeze3A_739 = vector.extract %slice3A_738[0] : f32 from vector<1xf32>
          %add3A_740 = arith.constant 14 : i32
          %add3A_741 = arith.addi %mul3A_66, %add3A_740 : i32
          %get3A_742 = arith.index_cast %add3A_741 : i32 to index
          %get3A_743 = arith.constant 0 : index
          %get3A_744 = tpu.vector_load %arg16[%get3A_742, %get3A_743] {strides = array<i32>} : memref<128x64xf32, #tpu.memory_space<vmem>>, vector<1x16xf32>,
          %get3A_745 = vector.shape_cast %get3A_744 : vector<1x16xf32> to vector<16xf32>
          %mul3A_746 = vector.broadcast %squeeze3A_739 : f32 to vector<16xf32>
          %mul3A_747 = arith.mulf %get3A_745, %mul3A_746 : vector<16xf32>
          %swap3A_748 = arith.index_cast %add3A_741 : i32 to index
          %swap3A_749 = arith.constant 0 : index
          %swap3A_750 = tpu.vector_load %arg16[%swap3A_748, %swap3A_749] {strides = array<i32>} : memref<128x64xf32, #tpu.memory_space<vmem>>, vector<1x16xf32>,
          %swap3A_751 = vector.shape_cast %swap3A_750 : vector<1x16xf32> to vector<16xf32>
          %swap3A_752 = vector.shape_cast %mul3A_747 : vector<16xf32> to vector<1x16xf32>
          tpu.vector_store %arg16[%swap3A_748, %swap3A_749], %swap3A_752 {strides = array<i32>} : memref<128x64xf32, #tpu.memory_space<vmem>>, vector<1x16xf32>,
          %get3A_753 = arith.index_cast %add3A_741 : i32 to index
          %get3A_754 = arith.constant 16 : index
          %get3A_755 = tpu.vector_load %arg16[%get3A_753, %get3A_754] {strides = array<i32>} : memref<128x64xf32, #tpu.memory_space<vmem>>, vector<1x16xf32>,
          %get3A_756 = vector.shape_cast %get3A_755 : vector<1x16xf32> to vector<16xf32>
          %mul3A_757 = vector.broadcast %squeeze3A_739 : f32 to vector<16xf32>
          %mul3A_758 = arith.mulf %get3A_756, %mul3A_757 : vector<16xf32>
          %swap3A_759 = arith.index_cast %add3A_741 : i32 to index
          %swap3A_760 = arith.constant 16 : index
          %swap3A_761 = tpu.vector_load %arg16[%swap3A_759, %swap3A_760] {strides = array<i32>} : memref<128x64xf32, #tpu.memory_space<vmem>>, vector<1x16xf32>,
          %swap3A_762 = vector.shape_cast %swap3A_761 : vector<1x16xf32> to vector<16xf32>
          %swap3A_763 = vector.shape_cast %mul3A_758 : vector<16xf32> to vector<1x16xf32>
          tpu.vector_store %arg16[%swap3A_759, %swap3A_760], %swap3A_763 {strides = array<i32>} : memref<128x64xf32, #tpu.memory_space<vmem>>, vector<1x16xf32>,
          %get3A_764 = arith.index_cast %add3A_741 : i32 to index
          %get3A_765 = arith.constant 32 : index
          %get3A_766 = tpu.vector_load %arg16[%get3A_764, %get3A_765] {strides = array<i32>} : memref<128x64xf32, #tpu.memory_space<vmem>>, vector<1x16xf32>,
          %get3A_767 = vector.shape_cast %get3A_766 : vector<1x16xf32> to vector<16xf32>
          %mul3A_768 = vector.broadcast %squeeze3A_739 : f32 to vector<16xf32>
          %mul3A_769 = arith.mulf %get3A_767, %mul3A_768 : vector<16xf32>
          %swap3A_770 = arith.index_cast %add3A_741 : i32 to index
          %swap3A_771 = arith.constant 32 : index
          %swap3A_772 = tpu.vector_load %arg16[%swap3A_770, %swap3A_771] {strides = array<i32>} : memref<128x64xf32, #tpu.memory_space<vmem>>, vector<1x16xf32>,
          %swap3A_773 = vector.shape_cast %swap3A_772 : vector<1x16xf32> to vector<16xf32>
          %swap3A_774 = vector.shape_cast %mul3A_769 : vector<16xf32> to vector<1x16xf32>
          tpu.vector_store %arg16[%swap3A_770, %swap3A_771], %swap3A_774 {strides = array<i32>} : memref<128x64xf32, #tpu.memory_space<vmem>>, vector<1x16xf32>,
          %get3A_775 = arith.index_cast %add3A_741 : i32 to index
          %get3A_776 = arith.constant 48 : index
          %get3A_777 = tpu.vector_load %arg16[%get3A_775, %get3A_776] {strides = array<i32>} : memref<128x64xf32, #tpu.memory_space<vmem>>, vector<1x16xf32>,
          %get3A_778 = vector.shape_cast %get3A_777 : vector<1x16xf32> to vector<16xf32>
          %mul3A_779 = vector.broadcast %squeeze3A_739 : f32 to vector<16xf32>
          %mul3A_780 = arith.mulf %get3A_778, %mul3A_779 : vector<16xf32>
          %swap3A_781 = arith.index_cast %add3A_741 : i32 to index
          %swap3A_782 = arith.constant 48 : index
          %swap3A_783 = tpu.vector_load %arg16[%swap3A_781, %swap3A_782] {strides = array<i32>} : memref<128x64xf32, #tpu.memory_space<vmem>>, vector<1x16xf32>,
          %swap3A_784 = vector.shape_cast %swap3A_783 : vector<1x16xf32> to vector<16xf32>
          %swap3A_785 = vector.shape_cast %mul3A_780 : vector<16xf32> to vector<1x16xf32>
          tpu.vector_store %arg16[%swap3A_781, %swap3A_782], %swap3A_785 {strides = array<i32>} : memref<128x64xf32, #tpu.memory_space<vmem>>, vector<1x16xf32>,
          %slice3A_786 = vector.extract_strided_slice %get3A_69 {offsets = [15], sizes = [1], strides = [1]} : vector<16xf32> to vector<1xf32>
          %squeeze3A_787 = vector.extract %slice3A_786[0] : f32 from vector<1xf32>
          %add3A_788 = arith.constant 15 : i32
          %add3A_789 = arith.addi %mul3A_66, %add3A_788 : i32
          %get3A_790 = arith.index_cast %add3A_789 : i32 to index
          %get3A_791 = arith.constant 0 : index
          %get3A_792 = tpu.vector_load %arg16[%get3A_790, %get3A_791] {strides = array<i32>} : memref<128x64xf32, #tpu.memory_space<vmem>>, vector<1x16xf32>,
          %get3A_793 = vector.shape_cast %get3A_792 : vector<1x16xf32> to vector<16xf32>
          %mul3A_794 = vector.broadcast %squeeze3A_787 : f32 to vector<16xf32>
          %mul3A_795 = arith.mulf %get3A_793, %mul3A_794 : vector<16xf32>
          %swap3A_796 = arith.index_cast %add3A_789 : i32 to index
          %swap3A_797 = arith.constant 0 : index
          %swap3A_798 = tpu.vector_load %arg16[%swap3A_796, %swap3A_797] {strides = array<i32>} : memref<128x64xf32, #tpu.memory_space<vmem>>, vector<1x16xf32>,
          %swap3A_799 = vector.shape_cast %swap3A_798 : vector<1x16xf32> to vector<16xf32>
          %swap3A_800 = vector.shape_cast %mul3A_795 : vector<16xf32> to vector<1x16xf32>
          tpu.vector_store %arg16[%swap3A_796, %swap3A_797], %swap3A_800 {strides = array<i32>} : memref<128x64xf32, #tpu.memory_space<vmem>>, vector<1x16xf32>,
          %get3A_801 = arith.index_cast %add3A_789 : i32 to index
          %get3A_802 = arith.constant 16 : index
          %get3A_803 = tpu.vector_load %arg16[%get3A_801, %get3A_802] {strides = array<i32>} : memref<128x64xf32, #tpu.memory_space<vmem>>, vector<1x16xf32>,
          %get3A_804 = vector.shape_cast %get3A_803 : vector<1x16xf32> to vector<16xf32>
          %mul3A_805 = vector.broadcast %squeeze3A_787 : f32 to vector<16xf32>
          %mul3A_806 = arith.mulf %get3A_804, %mul3A_805 : vector<16xf32>
          %swap3A_807 = arith.index_cast %add3A_789 : i32 to index
          %swap3A_808 = arith.constant 16 : index
          %swap3A_809 = tpu.vector_load %arg16[%swap3A_807, %swap3A_808] {strides = array<i32>} : memref<128x64xf32, #tpu.memory_space<vmem>>, vector<1x16xf32>,
          %swap3A_810 = vector.shape_cast %swap3A_809 : vector<1x16xf32> to vector<16xf32>
          %swap3A_811 = vector.shape_cast %mul3A_806 : vector<16xf32> to vector<1x16xf32>
          tpu.vector_store %arg16[%swap3A_807, %swap3A_808], %swap3A_811 {strides = array<i32>} : memref<128x64xf32, #tpu.memory_space<vmem>>, vector<1x16xf32>,
          %get3A_812 = arith.index_cast %add3A_789 : i32 to index
          %get3A_813 = arith.constant 32 : index
          %get3A_814 = tpu.vector_load %arg16[%get3A_812, %get3A_813] {strides = array<i32>} : memref<128x64xf32, #tpu.memory_space<vmem>>, vector<1x16xf32>,
          %get3A_815 = vector.shape_cast %get3A_814 : vector<1x16xf32> to vector<16xf32>
          %mul3A_816 = vector.broadcast %squeeze3A_787 : f32 to vector<16xf32>
          %mul3A_817 = arith.mulf %get3A_815, %mul3A_816 : vector<16xf32>
          %swap3A_818 = arith.index_cast %add3A_789 : i32 to index
          %swap3A_819 = arith.constant 32 : index
          %swap3A_820 = tpu.vector_load %arg16[%swap3A_818, %swap3A_819] {strides = array<i32>} : memref<128x64xf32, #tpu.memory_space<vmem>>, vector<1x16xf32>,
          %swap3A_821 = vector.shape_cast %swap3A_820 : vector<1x16xf32> to vector<16xf32>
          %swap3A_822 = vector.shape_cast %mul3A_817 : vector<16xf32> to vector<1x16xf32>
          tpu.vector_store %arg16[%swap3A_818, %swap3A_819], %swap3A_822 {strides = array<i32>} : memref<128x64xf32, #tpu.memory_space<vmem>>, vector<1x16xf32>,
          %get3A_823 = arith.index_cast %add3A_789 : i32 to index
          %get3A_824 = arith.constant 48 : index
          %get3A_825 = tpu.vector_load %arg16[%get3A_823, %get3A_824] {strides = array<i32>} : memref<128x64xf32, #tpu.memory_space<vmem>>, vector<1x16xf32>,
          %get3A_826 = vector.shape_cast %get3A_825 : vector<1x16xf32> to vector<16xf32>
          %mul3A_827 = vector.broadcast %squeeze3A_787 : f32 to vector<16xf32>
          %mul3A_828 = arith.mulf %get3A_826, %mul3A_827 : vector<16xf32>
          %swap3A_829 = arith.index_cast %add3A_789 : i32 to index
          %swap3A_830 = arith.constant 48 : index
          %swap3A_831 = tpu.vector_load %arg16[%swap3A_829, %swap3A_830] {strides = array<i32>} : memref<128x64xf32, #tpu.memory_space<vmem>>, vector<1x16xf32>,
          %swap3A_832 = vector.shape_cast %swap3A_831 : vector<1x16xf32> to vector<16xf32>
          %swap3A_833 = vector.shape_cast %mul3A_828 : vector<16xf32> to vector<1x16xf32>
          tpu.vector_store %arg16[%swap3A_829, %swap3A_830], %swap3A_833 {strides = array<i32>} : memref<128x64xf32, #tpu.memory_space<vmem>>, vector<1x16xf32>,
        }
        %scan3A_63 = arith.constant 8 : i32
        "tpu.region"() ({
          %run_scoped3A_64 = tpu.sem_alloc : memref<!tpu.dma_semaphore, #tpu.memory_space<semaphore_mem>>
          %dma_start3A = arith.constant 0 : i32
          %dma_start3A_65 = tpu.memref_slice %arg14[%scan3A_57, %dma_start3A] : memref<157x128xi32, #tpu.memory_space<vmem>> -> memref<1x128xi32, #tpu.memory_space<vmem>>
          %dma_start3A_66 = tpu.memref_squeeze %dma_start3A_65 : memref<1x128xi32, #tpu.memory_space<vmem>> -> memref<128xi32, #tpu.memory_space<vmem>>
          %dma_start3A_67 = arith.constant 0 : i32
          %dma_start3A_68 = arith.constant 0 : i32
          %dma_start3A_69 = tpu.memref_slice %arg18[%dma_start3A_67, %dma_start3A_68] : memref<10240x64xf32, #tpu.memory_space<vmem_shared>> -> memref<10240x64xf32, #tpu.memory_space<vmem_shared>>
          tpu.enqueue_indirect_dma source(%arg16 : memref<128x64xf32, #tpu.memory_space<vmem>>) target(%dma_start3A_69 : memref<10240x64xf32, #tpu.memory_space<vmem_shared>>) offsets(%dma_start3A_66 : memref<128xi32, #tpu.memory_space<vmem>>) semaphore(%run_scoped3A_64 : memref<!tpu.dma_semaphore, #tpu.memory_space<semaphore_mem>>) {add = true}
          %dma_wait3A = arith.constant 0 : i32
          %dma_wait3A_70 = tpu.memref_slice %arg14[%scan3A_57, %dma_wait3A] : memref<157x128xi32, #tpu.memory_space<vmem>> -> memref<1x128xi32, #tpu.memory_space<vmem>>
          %dma_wait3A_71 = tpu.memref_squeeze %dma_wait3A_70 : memref<1x128xi32, #tpu.memory_space<vmem>> -> memref<128xi32, #tpu.memory_space<vmem>>
          %dma_wait3A_72 = arith.constant 0 : i32
          %dma_wait3A_73 = arith.constant 0 : i32
          %dma_wait3A_74 = tpu.memref_slice %arg18[%dma_wait3A_72, %dma_wait3A_73] : memref<10240x64xf32, #tpu.memory_space<vmem_shared>> -> memref<10240x64xf32, #tpu.memory_space<vmem_shared>>
          tpu.wait_indirect_dma semaphore(%run_scoped3A_64 : memref<!tpu.dma_semaphore, #tpu.memory_space<semaphore_mem>>) src(%arg16 : memref<128x64xf32, #tpu.memory_space<vmem>>) dst(%dma_wait3A_74 : memref<10240x64xf32, #tpu.memory_space<vmem_shared>>)
          tpu.yield
        }) : () -> ()
      }
      %scan3A_50 = arith.constant 157 : i32
      %barrier3A_51 = arith.constant 0 : index
      tpu.barrier barrier_id(%barrier3A_51)
      %mul3A_52 = arith.constant 640 : i32
      %mul3A_53 = arith.muli %arg1, %mul3A_52 : i32
      %mul3A_54 = arith.constant 640 : i32
      %mul3A_55 = arith.muli %arg1, %mul3A_54 : i32
      %run_scoped3A_56 = arith.constant 1 : i32
      "tpu.region"() ({
        %run_scoped3A_57 = tpu.sem_alloc : memref<!tpu.dma_semaphore, #tpu.memory_space<semaphore_mem>>
        %dma_start3A = arith.constant 0 : i32
        %dma_start3A_58 = tpu.memref_slice %arg12[%arg0, %run_scoped3A_56, %mul3A_55, %dma_start3A] : memref<2x2x10240x64xf32, #tpu.memory_space<hbm>> -> memref<1x1x640x64xf32, #tpu.memory_space<hbm>>
        %dma_start3A_59 = tpu.memref_squeeze %dma_start3A_58 : memref<1x1x640x64xf32, #tpu.memory_space<hbm>> -> memref<640x64xf32, #tpu.memory_space<hbm>>
        %dma_start3A_60 = arith.constant 0 : i32
        %dma_start3A_61 = tpu.memref_slice %arg18[%mul3A_53, %dma_start3A_60] : memref<10240x64xf32, #tpu.memory_space<vmem_shared>> -> memref<640x64xf32, #tpu.memory_space<vmem_shared>>
        tpu.enqueue_dma source(%dma_start3A_61 : memref<640x64xf32, #tpu.memory_space<vmem_shared>>) target(%dma_start3A_59 : memref<640x64xf32, #tpu.memory_space<hbm>>) target_semaphore(%run_scoped3A_57 : memref<!tpu.dma_semaphore, #tpu.memory_space<semaphore_mem>>)
        %dma_wait3A = arith.constant 0 : i32
        %dma_wait3A_62 = tpu.memref_slice %arg12[%arg0, %run_scoped3A_56, %mul3A_55, %dma_wait3A] : memref<2x2x10240x64xf32, #tpu.memory_space<hbm>> -> memref<1x1x640x64xf32, #tpu.memory_space<hbm>>
        %dma_wait3A_63 = tpu.memref_squeeze %dma_wait3A_62 : memref<1x1x640x64xf32, #tpu.memory_space<hbm>> -> memref<640x64xf32, #tpu.memory_space<hbm>>
        %dma_wait3A_64 = arith.constant 0 : i32
        %dma_wait3A_65 = tpu.memref_slice %arg18[%mul3A_53, %dma_wait3A_64] : memref<10240x64xf32, #tpu.memory_space<vmem_shared>> -> memref<640x64xf32, #tpu.memory_space<vmem_shared>>
        tpu.wait_dma2 semaphore(%run_scoped3A_57 : memref<!tpu.dma_semaphore, #tpu.memory_space<semaphore_mem>>) src(%dma_wait3A_65 : memref<640x64xf32, #tpu.memory_space<vmem_shared>>) dst(%dma_wait3A_63 : memref<640x64xf32, #tpu.memory_space<hbm>>)
        tpu.yield
      }) : () -> ()
    } else {
    }
    %eq3A_17 = arith.constant 1 : i32
    %eq3A_18 = arith.cmpi eq, %arg0, %eq3A_17 : i32
    %convert_element_type3A_19 = arith.extui %eq3A_18 : i1 to i32
    %cond3A_20 = arith.constant 0 : i32
    %cond3A_21 = arith.cmpi ne, %convert_element_type3A_19, %cond3A_20 : i32
    scf.if %cond3A_21 {
      %scan3A_22 = arith.constant 0 : i32
      %scan3A_23 = arith.constant 0 : i32
      %scan3A_24 = arith.constant 10 : i32
      %scan3A_25 = arith.addi %scan3A_23, %scan3A_24 : i32
      %scan3A_26 = arith.constant 1 : i32
      scf.for %scan3A_57 = %scan3A_23 to %scan3A_25 step %scan3A_26  : i32 {
        %mul3A_58 = arith.constant 640 : i32
        %mul3A_59 = arith.muli %arg1, %mul3A_58 : i32
        %mul3A_60 = arith.constant 64 : i32
        %mul3A_61 = arith.muli %scan3A_57, %mul3A_60 : i32
        %add3A = arith.addi %mul3A_59, %mul3A_61 : i32
        "tpu.region"() ({
          %run_scoped3A_62 = tpu.sem_alloc : memref<!tpu.dma_semaphore, #tpu.memory_space<semaphore_mem>>
          %dma_start3A = arith.constant 0 : i32
          %dma_start3A_63 = tpu.memref_slice %arg18[%add3A, %dma_start3A] : memref<10240x64xf32, #tpu.memory_space<vmem_shared>> -> memref<64x64xf32, #tpu.memory_space<vmem_shared>>
          %dma_start3A_64 = arith.constant 0 : i32
          %dma_start3A_65 = tpu.memref_slice %arg18[%add3A, %dma_start3A_64] : memref<10240x64xf32, #tpu.memory_space<vmem_shared>> -> memref<64x64xf32, #tpu.memory_space<vmem_shared>>
          tpu.enqueue_dma source(%arg17 : memref<64x64xf32, #tpu.memory_space<vmem>>) target(%dma_start3A_65 : memref<64x64xf32, #tpu.memory_space<vmem_shared>>) target_semaphore(%run_scoped3A_62 : memref<!tpu.dma_semaphore, #tpu.memory_space<semaphore_mem>>)
          %dma_wait3A = arith.constant 0 : i32
          %dma_wait3A_66 = tpu.memref_slice %arg18[%add3A, %dma_wait3A] : memref<10240x64xf32, #tpu.memory_space<vmem_shared>> -> memref<64x64xf32, #tpu.memory_space<vmem_shared>>
          %dma_wait3A_67 = arith.constant 0 : i32
          %dma_wait3A_68 = tpu.memref_slice %arg18[%add3A, %dma_wait3A_67] : memref<10240x64xf32, #tpu.memory_space<vmem_shared>> -> memref<64x64xf32, #tpu.memory_space<vmem_shared>>
          tpu.wait_dma2 semaphore(%run_scoped3A_62 : memref<!tpu.dma_semaphore, #tpu.memory_space<semaphore_mem>>) src(%arg17 : memref<64x64xf32, #tpu.memory_space<vmem>>) dst(%dma_wait3A_68 : memref<64x64xf32, #tpu.memory_space<vmem_shared>>)
          tpu.yield
        }) : () -> ()
      }
      %scan3A_27 = arith.constant 10 : i32
      %barrier3A = arith.constant 0 : index
      tpu.barrier barrier_id(%barrier3A)
      %scan3A_28 = arith.constant 0 : i32
      %scan3A_29 = arith.constant 0 : i32
      %scan3A_30 = arith.constant 157 : i32
      %scan3A_31 = arith.addi %scan3A_29, %scan3A_30 : i32
      %scan3A_32 = arith.constant 1 : i32
      scf.for %scan3A_57 = %scan3A_29 to %scan3A_31 step %scan3A_32  : i32 {
        "tpu.region"() ({
          %run_scoped3A_64 = tpu.sem_alloc : memref<!tpu.dma_semaphore, #tpu.memory_space<semaphore_mem>>
          %dma_start3A = arith.constant 0 : i32
          %dma_start3A_65 = tpu.memref_slice %arg13[%scan3A_57, %dma_start3A] : memref<157x128xi32, #tpu.memory_space<vmem>> -> memref<1x128xi32, #tpu.memory_space<vmem>>
          %dma_start3A_66 = tpu.memref_squeeze %dma_start3A_65 : memref<1x128xi32, #tpu.memory_space<vmem>> -> memref<128xi32, #tpu.memory_space<vmem>>
          %dma_start3A_67 = arith.constant 0 : i32
          %dma_start3A_68 = arith.constant 0 : i32
          %dma_start3A_69 = tpu.memref_slice %arg4[%dma_start3A_67, %dma_start3A_68] : memref<10000x64xf32, #tpu.memory_space<hbm>> -> memref<10000x64xf32, #tpu.memory_space<hbm>>
          tpu.enqueue_indirect_dma source(%dma_start3A_69 : memref<10000x64xf32, #tpu.memory_space<hbm>>) target(%arg16 : memref<128x64xf32, #tpu.memory_space<vmem>>) offsets(%dma_start3A_66 : memref<128xi32, #tpu.memory_space<vmem>>) semaphore(%run_scoped3A_64 : memref<!tpu.dma_semaphore, #tpu.memory_space<semaphore_mem>>)
          %dma_wait3A = arith.constant 0 : i32
          %dma_wait3A_70 = tpu.memref_slice %arg13[%scan3A_57, %dma_wait3A] : memref<157x128xi32, #tpu.memory_space<vmem>> -> memref<1x128xi32, #tpu.memory_space<vmem>>
          %dma_wait3A_71 = tpu.memref_squeeze %dma_wait3A_70 : memref<1x128xi32, #tpu.memory_space<vmem>> -> memref<128xi32, #tpu.memory_space<vmem>>
          %dma_wait3A_72 = arith.constant 0 : i32
          %dma_wait3A_73 = arith.constant 0 : i32
          %dma_wait3A_74 = tpu.memref_slice %arg4[%dma_wait3A_72, %dma_wait3A_73] : memref<10000x64xf32, #tpu.memory_space<hbm>> -> memref<10000x64xf32, #tpu.memory_space<hbm>>
          tpu.wait_indirect_dma semaphore(%run_scoped3A_64 : memref<!tpu.dma_semaphore, #tpu.memory_space<semaphore_mem>>) src(%dma_wait3A_74 : memref<10000x64xf32, #tpu.memory_space<hbm>>) dst(%arg16 : memref<128x64xf32, #tpu.memory_space<vmem>>)
          tpu.yield
        }) : () -> ()
        %scan3A_58 = arith.constant 0 : i32
        %scan3A_59 = arith.constant 0 : i32
        %scan3A_60 = arith.constant 8 : i32
        %scan3A_61 = arith.addi %scan3A_59, %scan3A_60 : i32
        %scan3A_62 = arith.constant 1 : i32
        scf.for %scan3A_64 = %scan3A_59 to %scan3A_61 step %scan3A_62  : i32 {
          %mul3A_65 = arith.constant 16 : i32
          %mul3A_66 = arith.muli %scan3A_64, %mul3A_65 : i32
          %get3A = arith.index_cast %scan3A_57 : i32 to index
          %get3A_67 = arith.index_cast %mul3A_66 : i32 to index
          %get3A_68 = tpu.vector_load %arg15[%get3A, %get3A_67] {strides = array<i32>} : memref<157x128xf32, #tpu.memory_space<vmem>>, vector<1x16xf32>,
          %get3A_69 = vector.shape_cast %get3A_68 : vector<1x16xf32> to vector<16xf32>
          %slice3A = vector.extract_strided_slice %get3A_69 {offsets = [0], sizes = [1], strides = [1]} : vector<16xf32> to vector<1xf32>
          %squeeze3A = vector.extract %slice3A[0] : f32 from vector<1xf32>
          %add3A = arith.constant 0 : i32
          %add3A_70 = arith.addi %mul3A_66, %add3A : i32
          %get3A_71 = arith.index_cast %add3A_70 : i32 to index
          %get3A_72 = arith.constant 0 : index
          %get3A_73 = tpu.vector_load %arg16[%get3A_71, %get3A_72] {strides = array<i32>} : memref<128x64xf32, #tpu.memory_space<vmem>>, vector<1x16xf32>,
          %get3A_74 = vector.shape_cast %get3A_73 : vector<1x16xf32> to vector<16xf32>
          %mul3A_75 = vector.broadcast %squeeze3A : f32 to vector<16xf32>
          %mul3A_76 = arith.mulf %get3A_74, %mul3A_75 : vector<16xf32>
          %swap3A = arith.index_cast %add3A_70 : i32 to index
          %swap3A_77 = arith.constant 0 : index
          %swap3A_78 = tpu.vector_load %arg16[%swap3A, %swap3A_77] {strides = array<i32>} : memref<128x64xf32, #tpu.memory_space<vmem>>, vector<1x16xf32>,
          %swap3A_79 = vector.shape_cast %swap3A_78 : vector<1x16xf32> to vector<16xf32>
          %swap3A_80 = vector.shape_cast %mul3A_76 : vector<16xf32> to vector<1x16xf32>
          tpu.vector_store %arg16[%swap3A, %swap3A_77], %swap3A_80 {strides = array<i32>} : memref<128x64xf32, #tpu.memory_space<vmem>>, vector<1x16xf32>,
          %get3A_81 = arith.index_cast %add3A_70 : i32 to index
          %get3A_82 = arith.constant 16 : index
          %get3A_83 = tpu.vector_load %arg16[%get3A_81, %get3A_82] {strides = array<i32>} : memref<128x64xf32, #tpu.memory_space<vmem>>, vector<1x16xf32>,
          %get3A_84 = vector.shape_cast %get3A_83 : vector<1x16xf32> to vector<16xf32>
          %mul3A_85 = vector.broadcast %squeeze3A : f32 to vector<16xf32>
          %mul3A_86 = arith.mulf %get3A_84, %mul3A_85 : vector<16xf32>
          %swap3A_87 = arith.index_cast %add3A_70 : i32 to index
          %swap3A_88 = arith.constant 16 : index
          %swap3A_89 = tpu.vector_load %arg16[%swap3A_87, %swap3A_88] {strides = array<i32>} : memref<128x64xf32, #tpu.memory_space<vmem>>, vector<1x16xf32>,
          %swap3A_90 = vector.shape_cast %swap3A_89 : vector<1x16xf32> to vector<16xf32>
          %swap3A_91 = vector.shape_cast %mul3A_86 : vector<16xf32> to vector<1x16xf32>
          tpu.vector_store %arg16[%swap3A_87, %swap3A_88], %swap3A_91 {strides = array<i32>} : memref<128x64xf32, #tpu.memory_space<vmem>>, vector<1x16xf32>,
          %get3A_92 = arith.index_cast %add3A_70 : i32 to index
          %get3A_93 = arith.constant 32 : index
          %get3A_94 = tpu.vector_load %arg16[%get3A_92, %get3A_93] {strides = array<i32>} : memref<128x64xf32, #tpu.memory_space<vmem>>, vector<1x16xf32>,
          %get3A_95 = vector.shape_cast %get3A_94 : vector<1x16xf32> to vector<16xf32>
          %mul3A_96 = vector.broadcast %squeeze3A : f32 to vector<16xf32>
          %mul3A_97 = arith.mulf %get3A_95, %mul3A_96 : vector<16xf32>
          %swap3A_98 = arith.index_cast %add3A_70 : i32 to index
          %swap3A_99 = arith.constant 32 : index
          %swap3A_100 = tpu.vector_load %arg16[%swap3A_98, %swap3A_99] {strides = array<i32>} : memref<128x64xf32, #tpu.memory_space<vmem>>, vector<1x16xf32>,
          %swap3A_101 = vector.shape_cast %swap3A_100 : vector<1x16xf32> to vector<16xf32>
          %swap3A_102 = vector.shape_cast %mul3A_97 : vector<16xf32> to vector<1x16xf32>
          tpu.vector_store %arg16[%swap3A_98, %swap3A_99], %swap3A_102 {strides = array<i32>} : memref<128x64xf32, #tpu.memory_space<vmem>>, vector<1x16xf32>,
          %get3A_103 = arith.index_cast %add3A_70 : i32 to index
          %get3A_104 = arith.constant 48 : index
          %get3A_105 = tpu.vector_load %arg16[%get3A_103, %get3A_104] {strides = array<i32>} : memref<128x64xf32, #tpu.memory_space<vmem>>, vector<1x16xf32>,
          %get3A_106 = vector.shape_cast %get3A_105 : vector<1x16xf32> to vector<16xf32>
          %mul3A_107 = vector.broadcast %squeeze3A : f32 to vector<16xf32>
          %mul3A_108 = arith.mulf %get3A_106, %mul3A_107 : vector<16xf32>
          %swap3A_109 = arith.index_cast %add3A_70 : i32 to index
          %swap3A_110 = arith.constant 48 : index
          %swap3A_111 = tpu.vector_load %arg16[%swap3A_109, %swap3A_110] {strides = array<i32>} : memref<128x64xf32, #tpu.memory_space<vmem>>, vector<1x16xf32>,
          %swap3A_112 = vector.shape_cast %swap3A_111 : vector<1x16xf32> to vector<16xf32>
          %swap3A_113 = vector.shape_cast %mul3A_108 : vector<16xf32> to vector<1x16xf32>
          tpu.vector_store %arg16[%swap3A_109, %swap3A_110], %swap3A_113 {strides = array<i32>} : memref<128x64xf32, #tpu.memory_space<vmem>>, vector<1x16xf32>,
          %slice3A_114 = vector.extract_strided_slice %get3A_69 {offsets = [1], sizes = [1], strides = [1]} : vector<16xf32> to vector<1xf32>
          %squeeze3A_115 = vector.extract %slice3A_114[0] : f32 from vector<1xf32>
          %add3A_116 = arith.constant 1 : i32
          %add3A_117 = arith.addi %mul3A_66, %add3A_116 : i32
          %get3A_118 = arith.index_cast %add3A_117 : i32 to index
          %get3A_119 = arith.constant 0 : index
          %get3A_120 = tpu.vector_load %arg16[%get3A_118, %get3A_119] {strides = array<i32>} : memref<128x64xf32, #tpu.memory_space<vmem>>, vector<1x16xf32>,
          %get3A_121 = vector.shape_cast %get3A_120 : vector<1x16xf32> to vector<16xf32>
          %mul3A_122 = vector.broadcast %squeeze3A_115 : f32 to vector<16xf32>
          %mul3A_123 = arith.mulf %get3A_121, %mul3A_122 : vector<16xf32>
          %swap3A_124 = arith.index_cast %add3A_117 : i32 to index
          %swap3A_125 = arith.constant 0 : index
          %swap3A_126 = tpu.vector_load %arg16[%swap3A_124, %swap3A_125] {strides = array<i32>} : memref<128x64xf32, #tpu.memory_space<vmem>>, vector<1x16xf32>,
          %swap3A_127 = vector.shape_cast %swap3A_126 : vector<1x16xf32> to vector<16xf32>
          %swap3A_128 = vector.shape_cast %mul3A_123 : vector<16xf32> to vector<1x16xf32>
          tpu.vector_store %arg16[%swap3A_124, %swap3A_125], %swap3A_128 {strides = array<i32>} : memref<128x64xf32, #tpu.memory_space<vmem>>, vector<1x16xf32>,
          %get3A_129 = arith.index_cast %add3A_117 : i32 to index
          %get3A_130 = arith.constant 16 : index
          %get3A_131 = tpu.vector_load %arg16[%get3A_129, %get3A_130] {strides = array<i32>} : memref<128x64xf32, #tpu.memory_space<vmem>>, vector<1x16xf32>,
          %get3A_132 = vector.shape_cast %get3A_131 : vector<1x16xf32> to vector<16xf32>
          %mul3A_133 = vector.broadcast %squeeze3A_115 : f32 to vector<16xf32>
          %mul3A_134 = arith.mulf %get3A_132, %mul3A_133 : vector<16xf32>
          %swap3A_135 = arith.index_cast %add3A_117 : i32 to index
          %swap3A_136 = arith.constant 16 : index
          %swap3A_137 = tpu.vector_load %arg16[%swap3A_135, %swap3A_136] {strides = array<i32>} : memref<128x64xf32, #tpu.memory_space<vmem>>, vector<1x16xf32>,
          %swap3A_138 = vector.shape_cast %swap3A_137 : vector<1x16xf32> to vector<16xf32>
          %swap3A_139 = vector.shape_cast %mul3A_134 : vector<16xf32> to vector<1x16xf32>
          tpu.vector_store %arg16[%swap3A_135, %swap3A_136], %swap3A_139 {strides = array<i32>} : memref<128x64xf32, #tpu.memory_space<vmem>>, vector<1x16xf32>,
          %get3A_140 = arith.index_cast %add3A_117 : i32 to index
          %get3A_141 = arith.constant 32 : index
          %get3A_142 = tpu.vector_load %arg16[%get3A_140, %get3A_141] {strides = array<i32>} : memref<128x64xf32, #tpu.memory_space<vmem>>, vector<1x16xf32>,
          %get3A_143 = vector.shape_cast %get3A_142 : vector<1x16xf32> to vector<16xf32>
          %mul3A_144 = vector.broadcast %squeeze3A_115 : f32 to vector<16xf32>
          %mul3A_145 = arith.mulf %get3A_143, %mul3A_144 : vector<16xf32>
          %swap3A_146 = arith.index_cast %add3A_117 : i32 to index
          %swap3A_147 = arith.constant 32 : index
          %swap3A_148 = tpu.vector_load %arg16[%swap3A_146, %swap3A_147] {strides = array<i32>} : memref<128x64xf32, #tpu.memory_space<vmem>>, vector<1x16xf32>,
          %swap3A_149 = vector.shape_cast %swap3A_148 : vector<1x16xf32> to vector<16xf32>
          %swap3A_150 = vector.shape_cast %mul3A_145 : vector<16xf32> to vector<1x16xf32>
          tpu.vector_store %arg16[%swap3A_146, %swap3A_147], %swap3A_150 {strides = array<i32>} : memref<128x64xf32, #tpu.memory_space<vmem>>, vector<1x16xf32>,
          %get3A_151 = arith.index_cast %add3A_117 : i32 to index
          %get3A_152 = arith.constant 48 : index
          %get3A_153 = tpu.vector_load %arg16[%get3A_151, %get3A_152] {strides = array<i32>} : memref<128x64xf32, #tpu.memory_space<vmem>>, vector<1x16xf32>,
          %get3A_154 = vector.shape_cast %get3A_153 : vector<1x16xf32> to vector<16xf32>
          %mul3A_155 = vector.broadcast %squeeze3A_115 : f32 to vector<16xf32>
          %mul3A_156 = arith.mulf %get3A_154, %mul3A_155 : vector<16xf32>
          %swap3A_157 = arith.index_cast %add3A_117 : i32 to index
          %swap3A_158 = arith.constant 48 : index
          %swap3A_159 = tpu.vector_load %arg16[%swap3A_157, %swap3A_158] {strides = array<i32>} : memref<128x64xf32, #tpu.memory_space<vmem>>, vector<1x16xf32>,
          %swap3A_160 = vector.shape_cast %swap3A_159 : vector<1x16xf32> to vector<16xf32>
          %swap3A_161 = vector.shape_cast %mul3A_156 : vector<16xf32> to vector<1x16xf32>
          tpu.vector_store %arg16[%swap3A_157, %swap3A_158], %swap3A_161 {strides = array<i32>} : memref<128x64xf32, #tpu.memory_space<vmem>>, vector<1x16xf32>,
          %slice3A_162 = vector.extract_strided_slice %get3A_69 {offsets = [2], sizes = [1], strides = [1]} : vector<16xf32> to vector<1xf32>
          %squeeze3A_163 = vector.extract %slice3A_162[0] : f32 from vector<1xf32>
          %add3A_164 = arith.constant 2 : i32
          %add3A_165 = arith.addi %mul3A_66, %add3A_164 : i32
          %get3A_166 = arith.index_cast %add3A_165 : i32 to index
          %get3A_167 = arith.constant 0 : index
          %get3A_168 = tpu.vector_load %arg16[%get3A_166, %get3A_167] {strides = array<i32>} : memref<128x64xf32, #tpu.memory_space<vmem>>, vector<1x16xf32>,
          %get3A_169 = vector.shape_cast %get3A_168 : vector<1x16xf32> to vector<16xf32>
          %mul3A_170 = vector.broadcast %squeeze3A_163 : f32 to vector<16xf32>
          %mul3A_171 = arith.mulf %get3A_169, %mul3A_170 : vector<16xf32>
          %swap3A_172 = arith.index_cast %add3A_165 : i32 to index
          %swap3A_173 = arith.constant 0 : index
          %swap3A_174 = tpu.vector_load %arg16[%swap3A_172, %swap3A_173] {strides = array<i32>} : memref<128x64xf32, #tpu.memory_space<vmem>>, vector<1x16xf32>,
          %swap3A_175 = vector.shape_cast %swap3A_174 : vector<1x16xf32> to vector<16xf32>
          %swap3A_176 = vector.shape_cast %mul3A_171 : vector<16xf32> to vector<1x16xf32>
          tpu.vector_store %arg16[%swap3A_172, %swap3A_173], %swap3A_176 {strides = array<i32>} : memref<128x64xf32, #tpu.memory_space<vmem>>, vector<1x16xf32>,
          %get3A_177 = arith.index_cast %add3A_165 : i32 to index
          %get3A_178 = arith.constant 16 : index
          %get3A_179 = tpu.vector_load %arg16[%get3A_177, %get3A_178] {strides = array<i32>} : memref<128x64xf32, #tpu.memory_space<vmem>>, vector<1x16xf32>,
          %get3A_180 = vector.shape_cast %get3A_179 : vector<1x16xf32> to vector<16xf32>
          %mul3A_181 = vector.broadcast %squeeze3A_163 : f32 to vector<16xf32>
          %mul3A_182 = arith.mulf %get3A_180, %mul3A_181 : vector<16xf32>
          %swap3A_183 = arith.index_cast %add3A_165 : i32 to index
          %swap3A_184 = arith.constant 16 : index
          %swap3A_185 = tpu.vector_load %arg16[%swap3A_183, %swap3A_184] {strides = array<i32>} : memref<128x64xf32, #tpu.memory_space<vmem>>, vector<1x16xf32>,
          %swap3A_186 = vector.shape_cast %swap3A_185 : vector<1x16xf32> to vector<16xf32>
          %swap3A_187 = vector.shape_cast %mul3A_182 : vector<16xf32> to vector<1x16xf32>
          tpu.vector_store %arg16[%swap3A_183, %swap3A_184], %swap3A_187 {strides = array<i32>} : memref<128x64xf32, #tpu.memory_space<vmem>>, vector<1x16xf32>,
          %get3A_188 = arith.index_cast %add3A_165 : i32 to index
          %get3A_189 = arith.constant 32 : index
          %get3A_190 = tpu.vector_load %arg16[%get3A_188, %get3A_189] {strides = array<i32>} : memref<128x64xf32, #tpu.memory_space<vmem>>, vector<1x16xf32>,
          %get3A_191 = vector.shape_cast %get3A_190 : vector<1x16xf32> to vector<16xf32>
          %mul3A_192 = vector.broadcast %squeeze3A_163 : f32 to vector<16xf32>
          %mul3A_193 = arith.mulf %get3A_191, %mul3A_192 : vector<16xf32>
          %swap3A_194 = arith.index_cast %add3A_165 : i32 to index
          %swap3A_195 = arith.constant 32 : index
          %swap3A_196 = tpu.vector_load %arg16[%swap3A_194, %swap3A_195] {strides = array<i32>} : memref<128x64xf32, #tpu.memory_space<vmem>>, vector<1x16xf32>,
          %swap3A_197 = vector.shape_cast %swap3A_196 : vector<1x16xf32> to vector<16xf32>
          %swap3A_198 = vector.shape_cast %mul3A_193 : vector<16xf32> to vector<1x16xf32>
          tpu.vector_store %arg16[%swap3A_194, %swap3A_195], %swap3A_198 {strides = array<i32>} : memref<128x64xf32, #tpu.memory_space<vmem>>, vector<1x16xf32>,
          %get3A_199 = arith.index_cast %add3A_165 : i32 to index
          %get3A_200 = arith.constant 48 : index
          %get3A_201 = tpu.vector_load %arg16[%get3A_199, %get3A_200] {strides = array<i32>} : memref<128x64xf32, #tpu.memory_space<vmem>>, vector<1x16xf32>,
          %get3A_202 = vector.shape_cast %get3A_201 : vector<1x16xf32> to vector<16xf32>
          %mul3A_203 = vector.broadcast %squeeze3A_163 : f32 to vector<16xf32>
          %mul3A_204 = arith.mulf %get3A_202, %mul3A_203 : vector<16xf32>
          %swap3A_205 = arith.index_cast %add3A_165 : i32 to index
          %swap3A_206 = arith.constant 48 : index
          %swap3A_207 = tpu.vector_load %arg16[%swap3A_205, %swap3A_206] {strides = array<i32>} : memref<128x64xf32, #tpu.memory_space<vmem>>, vector<1x16xf32>,
          %swap3A_208 = vector.shape_cast %swap3A_207 : vector<1x16xf32> to vector<16xf32>
          %swap3A_209 = vector.shape_cast %mul3A_204 : vector<16xf32> to vector<1x16xf32>
          tpu.vector_store %arg16[%swap3A_205, %swap3A_206], %swap3A_209 {strides = array<i32>} : memref<128x64xf32, #tpu.memory_space<vmem>>, vector<1x16xf32>,
          %slice3A_210 = vector.extract_strided_slice %get3A_69 {offsets = [3], sizes = [1], strides = [1]} : vector<16xf32> to vector<1xf32>
          %squeeze3A_211 = vector.extract %slice3A_210[0] : f32 from vector<1xf32>
          %add3A_212 = arith.constant 3 : i32
          %add3A_213 = arith.addi %mul3A_66, %add3A_212 : i32
          %get3A_214 = arith.index_cast %add3A_213 : i32 to index
          %get3A_215 = arith.constant 0 : index
          %get3A_216 = tpu.vector_load %arg16[%get3A_214, %get3A_215] {strides = array<i32>} : memref<128x64xf32, #tpu.memory_space<vmem>>, vector<1x16xf32>,
          %get3A_217 = vector.shape_cast %get3A_216 : vector<1x16xf32> to vector<16xf32>
          %mul3A_218 = vector.broadcast %squeeze3A_211 : f32 to vector<16xf32>
          %mul3A_219 = arith.mulf %get3A_217, %mul3A_218 : vector<16xf32>
          %swap3A_220 = arith.index_cast %add3A_213 : i32 to index
          %swap3A_221 = arith.constant 0 : index
          %swap3A_222 = tpu.vector_load %arg16[%swap3A_220, %swap3A_221] {strides = array<i32>} : memref<128x64xf32, #tpu.memory_space<vmem>>, vector<1x16xf32>,
          %swap3A_223 = vector.shape_cast %swap3A_222 : vector<1x16xf32> to vector<16xf32>
          %swap3A_224 = vector.shape_cast %mul3A_219 : vector<16xf32> to vector<1x16xf32>
          tpu.vector_store %arg16[%swap3A_220, %swap3A_221], %swap3A_224 {strides = array<i32>} : memref<128x64xf32, #tpu.memory_space<vmem>>, vector<1x16xf32>,
          %get3A_225 = arith.index_cast %add3A_213 : i32 to index
          %get3A_226 = arith.constant 16 : index
          %get3A_227 = tpu.vector_load %arg16[%get3A_225, %get3A_226] {strides = array<i32>} : memref<128x64xf32, #tpu.memory_space<vmem>>, vector<1x16xf32>,
          %get3A_228 = vector.shape_cast %get3A_227 : vector<1x16xf32> to vector<16xf32>
          %mul3A_229 = vector.broadcast %squeeze3A_211 : f32 to vector<16xf32>
          %mul3A_230 = arith.mulf %get3A_228, %mul3A_229 : vector<16xf32>
          %swap3A_231 = arith.index_cast %add3A_213 : i32 to index
          %swap3A_232 = arith.constant 16 : index
          %swap3A_233 = tpu.vector_load %arg16[%swap3A_231, %swap3A_232] {strides = array<i32>} : memref<128x64xf32, #tpu.memory_space<vmem>>, vector<1x16xf32>,
          %swap3A_234 = vector.shape_cast %swap3A_233 : vector<1x16xf32> to vector<16xf32>
          %swap3A_235 = vector.shape_cast %mul3A_230 : vector<16xf32> to vector<1x16xf32>
          tpu.vector_store %arg16[%swap3A_231, %swap3A_232], %swap3A_235 {strides = array<i32>} : memref<128x64xf32, #tpu.memory_space<vmem>>, vector<1x16xf32>,
          %get3A_236 = arith.index_cast %add3A_213 : i32 to index
          %get3A_237 = arith.constant 32 : index
          %get3A_238 = tpu.vector_load %arg16[%get3A_236, %get3A_237] {strides = array<i32>} : memref<128x64xf32, #tpu.memory_space<vmem>>, vector<1x16xf32>,
          %get3A_239 = vector.shape_cast %get3A_238 : vector<1x16xf32> to vector<16xf32>
          %mul3A_240 = vector.broadcast %squeeze3A_211 : f32 to vector<16xf32>
          %mul3A_241 = arith.mulf %get3A_239, %mul3A_240 : vector<16xf32>
          %swap3A_242 = arith.index_cast %add3A_213 : i32 to index
          %swap3A_243 = arith.constant 32 : index
          %swap3A_244 = tpu.vector_load %arg16[%swap3A_242, %swap3A_243] {strides = array<i32>} : memref<128x64xf32, #tpu.memory_space<vmem>>, vector<1x16xf32>,
          %swap3A_245 = vector.shape_cast %swap3A_244 : vector<1x16xf32> to vector<16xf32>
          %swap3A_246 = vector.shape_cast %mul3A_241 : vector<16xf32> to vector<1x16xf32>
          tpu.vector_store %arg16[%swap3A_242, %swap3A_243], %swap3A_246 {strides = array<i32>} : memref<128x64xf32, #tpu.memory_space<vmem>>, vector<1x16xf32>,
          %get3A_247 = arith.index_cast %add3A_213 : i32 to index
          %get3A_248 = arith.constant 48 : index
          %get3A_249 = tpu.vector_load %arg16[%get3A_247, %get3A_248] {strides = array<i32>} : memref<128x64xf32, #tpu.memory_space<vmem>>, vector<1x16xf32>,
          %get3A_250 = vector.shape_cast %get3A_249 : vector<1x16xf32> to vector<16xf32>
          %mul3A_251 = vector.broadcast %squeeze3A_211 : f32 to vector<16xf32>
          %mul3A_252 = arith.mulf %get3A_250, %mul3A_251 : vector<16xf32>
          %swap3A_253 = arith.index_cast %add3A_213 : i32 to index
          %swap3A_254 = arith.constant 48 : index
          %swap3A_255 = tpu.vector_load %arg16[%swap3A_253, %swap3A_254] {strides = array<i32>} : memref<128x64xf32, #tpu.memory_space<vmem>>, vector<1x16xf32>,
          %swap3A_256 = vector.shape_cast %swap3A_255 : vector<1x16xf32> to vector<16xf32>
          %swap3A_257 = vector.shape_cast %mul3A_252 : vector<16xf32> to vector<1x16xf32>
          tpu.vector_store %arg16[%swap3A_253, %swap3A_254], %swap3A_257 {strides = array<i32>} : memref<128x64xf32, #tpu.memory_space<vmem>>, vector<1x16xf32>,
          %slice3A_258 = vector.extract_strided_slice %get3A_69 {offsets = [4], sizes = [1], strides = [1]} : vector<16xf32> to vector<1xf32>
          %squeeze3A_259 = vector.extract %slice3A_258[0] : f32 from vector<1xf32>
          %add3A_260 = arith.constant 4 : i32
          %add3A_261 = arith.addi %mul3A_66, %add3A_260 : i32
          %get3A_262 = arith.index_cast %add3A_261 : i32 to index
          %get3A_263 = arith.constant 0 : index
          %get3A_264 = tpu.vector_load %arg16[%get3A_262, %get3A_263] {strides = array<i32>} : memref<128x64xf32, #tpu.memory_space<vmem>>, vector<1x16xf32>,
          %get3A_265 = vector.shape_cast %get3A_264 : vector<1x16xf32> to vector<16xf32>
          %mul3A_266 = vector.broadcast %squeeze3A_259 : f32 to vector<16xf32>
          %mul3A_267 = arith.mulf %get3A_265, %mul3A_266 : vector<16xf32>
          %swap3A_268 = arith.index_cast %add3A_261 : i32 to index
          %swap3A_269 = arith.constant 0 : index
          %swap3A_270 = tpu.vector_load %arg16[%swap3A_268, %swap3A_269] {strides = array<i32>} : memref<128x64xf32, #tpu.memory_space<vmem>>, vector<1x16xf32>,
          %swap3A_271 = vector.shape_cast %swap3A_270 : vector<1x16xf32> to vector<16xf32>
          %swap3A_272 = vector.shape_cast %mul3A_267 : vector<16xf32> to vector<1x16xf32>
          tpu.vector_store %arg16[%swap3A_268, %swap3A_269], %swap3A_272 {strides = array<i32>} : memref<128x64xf32, #tpu.memory_space<vmem>>, vector<1x16xf32>,
          %get3A_273 = arith.index_cast %add3A_261 : i32 to index
          %get3A_274 = arith.constant 16 : index
          %get3A_275 = tpu.vector_load %arg16[%get3A_273, %get3A_274] {strides = array<i32>} : memref<128x64xf32, #tpu.memory_space<vmem>>, vector<1x16xf32>,
          %get3A_276 = vector.shape_cast %get3A_275 : vector<1x16xf32> to vector<16xf32>
          %mul3A_277 = vector.broadcast %squeeze3A_259 : f32 to vector<16xf32>
          %mul3A_278 = arith.mulf %get3A_276, %mul3A_277 : vector<16xf32>
          %swap3A_279 = arith.index_cast %add3A_261 : i32 to index
          %swap3A_280 = arith.constant 16 : index
          %swap3A_281 = tpu.vector_load %arg16[%swap3A_279, %swap3A_280] {strides = array<i32>} : memref<128x64xf32, #tpu.memory_space<vmem>>, vector<1x16xf32>,
          %swap3A_282 = vector.shape_cast %swap3A_281 : vector<1x16xf32> to vector<16xf32>
          %swap3A_283 = vector.shape_cast %mul3A_278 : vector<16xf32> to vector<1x16xf32>
          tpu.vector_store %arg16[%swap3A_279, %swap3A_280], %swap3A_283 {strides = array<i32>} : memref<128x64xf32, #tpu.memory_space<vmem>>, vector<1x16xf32>,
          %get3A_284 = arith.index_cast %add3A_261 : i32 to index
          %get3A_285 = arith.constant 32 : index
          %get3A_286 = tpu.vector_load %arg16[%get3A_284, %get3A_285] {strides = array<i32>} : memref<128x64xf32, #tpu.memory_space<vmem>>, vector<1x16xf32>,
          %get3A_287 = vector.shape_cast %get3A_286 : vector<1x16xf32> to vector<16xf32>
          %mul3A_288 = vector.broadcast %squeeze3A_259 : f32 to vector<16xf32>
          %mul3A_289 = arith.mulf %get3A_287, %mul3A_288 : vector<16xf32>
          %swap3A_290 = arith.index_cast %add3A_261 : i32 to index
          %swap3A_291 = arith.constant 32 : index
          %swap3A_292 = tpu.vector_load %arg16[%swap3A_290, %swap3A_291] {strides = array<i32>} : memref<128x64xf32, #tpu.memory_space<vmem>>, vector<1x16xf32>,
          %swap3A_293 = vector.shape_cast %swap3A_292 : vector<1x16xf32> to vector<16xf32>
          %swap3A_294 = vector.shape_cast %mul3A_289 : vector<16xf32> to vector<1x16xf32>
          tpu.vector_store %arg16[%swap3A_290, %swap3A_291], %swap3A_294 {strides = array<i32>} : memref<128x64xf32, #tpu.memory_space<vmem>>, vector<1x16xf32>,
          %get3A_295 = arith.index_cast %add3A_261 : i32 to index
          %get3A_296 = arith.constant 48 : index
          %get3A_297 = tpu.vector_load %arg16[%get3A_295, %get3A_296] {strides = array<i32>} : memref<128x64xf32, #tpu.memory_space<vmem>>, vector<1x16xf32>,
          %get3A_298 = vector.shape_cast %get3A_297 : vector<1x16xf32> to vector<16xf32>
          %mul3A_299 = vector.broadcast %squeeze3A_259 : f32 to vector<16xf32>
          %mul3A_300 = arith.mulf %get3A_298, %mul3A_299 : vector<16xf32>
          %swap3A_301 = arith.index_cast %add3A_261 : i32 to index
          %swap3A_302 = arith.constant 48 : index
          %swap3A_303 = tpu.vector_load %arg16[%swap3A_301, %swap3A_302] {strides = array<i32>} : memref<128x64xf32, #tpu.memory_space<vmem>>, vector<1x16xf32>,
          %swap3A_304 = vector.shape_cast %swap3A_303 : vector<1x16xf32> to vector<16xf32>
          %swap3A_305 = vector.shape_cast %mul3A_300 : vector<16xf32> to vector<1x16xf32>
          tpu.vector_store %arg16[%swap3A_301, %swap3A_302], %swap3A_305 {strides = array<i32>} : memref<128x64xf32, #tpu.memory_space<vmem>>, vector<1x16xf32>,
          %slice3A_306 = vector.extract_strided_slice %get3A_69 {offsets = [5], sizes = [1], strides = [1]} : vector<16xf32> to vector<1xf32>
          %squeeze3A_307 = vector.extract %slice3A_306[0] : f32 from vector<1xf32>
          %add3A_308 = arith.constant 5 : i32
          %add3A_309 = arith.addi %mul3A_66, %add3A_308 : i32
          %get3A_310 = arith.index_cast %add3A_309 : i32 to index
          %get3A_311 = arith.constant 0 : index
          %get3A_312 = tpu.vector_load %arg16[%get3A_310, %get3A_311] {strides = array<i32>} : memref<128x64xf32, #tpu.memory_space<vmem>>, vector<1x16xf32>,
          %get3A_313 = vector.shape_cast %get3A_312 : vector<1x16xf32> to vector<16xf32>
          %mul3A_314 = vector.broadcast %squeeze3A_307 : f32 to vector<16xf32>
          %mul3A_315 = arith.mulf %get3A_313, %mul3A_314 : vector<16xf32>
          %swap3A_316 = arith.index_cast %add3A_309 : i32 to index
          %swap3A_317 = arith.constant 0 : index
          %swap3A_318 = tpu.vector_load %arg16[%swap3A_316, %swap3A_317] {strides = array<i32>} : memref<128x64xf32, #tpu.memory_space<vmem>>, vector<1x16xf32>,
          %swap3A_319 = vector.shape_cast %swap3A_318 : vector<1x16xf32> to vector<16xf32>
          %swap3A_320 = vector.shape_cast %mul3A_315 : vector<16xf32> to vector<1x16xf32>
          tpu.vector_store %arg16[%swap3A_316, %swap3A_317], %swap3A_320 {strides = array<i32>} : memref<128x64xf32, #tpu.memory_space<vmem>>, vector<1x16xf32>,
          %get3A_321 = arith.index_cast %add3A_309 : i32 to index
          %get3A_322 = arith.constant 16 : index
          %get3A_323 = tpu.vector_load %arg16[%get3A_321, %get3A_322] {strides = array<i32>} : memref<128x64xf32, #tpu.memory_space<vmem>>, vector<1x16xf32>,
          %get3A_324 = vector.shape_cast %get3A_323 : vector<1x16xf32> to vector<16xf32>
          %mul3A_325 = vector.broadcast %squeeze3A_307 : f32 to vector<16xf32>
          %mul3A_326 = arith.mulf %get3A_324, %mul3A_325 : vector<16xf32>
          %swap3A_327 = arith.index_cast %add3A_309 : i32 to index
          %swap3A_328 = arith.constant 16 : index
          %swap3A_329 = tpu.vector_load %arg16[%swap3A_327, %swap3A_328] {strides = array<i32>} : memref<128x64xf32, #tpu.memory_space<vmem>>, vector<1x16xf32>,
          %swap3A_330 = vector.shape_cast %swap3A_329 : vector<1x16xf32> to vector<16xf32>
          %swap3A_331 = vector.shape_cast %mul3A_326 : vector<16xf32> to vector<1x16xf32>
          tpu.vector_store %arg16[%swap3A_327, %swap3A_328], %swap3A_331 {strides = array<i32>} : memref<128x64xf32, #tpu.memory_space<vmem>>, vector<1x16xf32>,
          %get3A_332 = arith.index_cast %add3A_309 : i32 to index
          %get3A_333 = arith.constant 32 : index
          %get3A_334 = tpu.vector_load %arg16[%get3A_332, %get3A_333] {strides = array<i32>} : memref<128x64xf32, #tpu.memory_space<vmem>>, vector<1x16xf32>,
          %get3A_335 = vector.shape_cast %get3A_334 : vector<1x16xf32> to vector<16xf32>
          %mul3A_336 = vector.broadcast %squeeze3A_307 : f32 to vector<16xf32>
          %mul3A_337 = arith.mulf %get3A_335, %mul3A_336 : vector<16xf32>
          %swap3A_338 = arith.index_cast %add3A_309 : i32 to index
          %swap3A_339 = arith.constant 32 : index
          %swap3A_340 = tpu.vector_load %arg16[%swap3A_338, %swap3A_339] {strides = array<i32>} : memref<128x64xf32, #tpu.memory_space<vmem>>, vector<1x16xf32>,
          %swap3A_341 = vector.shape_cast %swap3A_340 : vector<1x16xf32> to vector<16xf32>
          %swap3A_342 = vector.shape_cast %mul3A_337 : vector<16xf32> to vector<1x16xf32>
          tpu.vector_store %arg16[%swap3A_338, %swap3A_339], %swap3A_342 {strides = array<i32>} : memref<128x64xf32, #tpu.memory_space<vmem>>, vector<1x16xf32>,
          %get3A_343 = arith.index_cast %add3A_309 : i32 to index
          %get3A_344 = arith.constant 48 : index
          %get3A_345 = tpu.vector_load %arg16[%get3A_343, %get3A_344] {strides = array<i32>} : memref<128x64xf32, #tpu.memory_space<vmem>>, vector<1x16xf32>,
          %get3A_346 = vector.shape_cast %get3A_345 : vector<1x16xf32> to vector<16xf32>
          %mul3A_347 = vector.broadcast %squeeze3A_307 : f32 to vector<16xf32>
          %mul3A_348 = arith.mulf %get3A_346, %mul3A_347 : vector<16xf32>
          %swap3A_349 = arith.index_cast %add3A_309 : i32 to index
          %swap3A_350 = arith.constant 48 : index
          %swap3A_351 = tpu.vector_load %arg16[%swap3A_349, %swap3A_350] {strides = array<i32>} : memref<128x64xf32, #tpu.memory_space<vmem>>, vector<1x16xf32>,
          %swap3A_352 = vector.shape_cast %swap3A_351 : vector<1x16xf32> to vector<16xf32>
          %swap3A_353 = vector.shape_cast %mul3A_348 : vector<16xf32> to vector<1x16xf32>
          tpu.vector_store %arg16[%swap3A_349, %swap3A_350], %swap3A_353 {strides = array<i32>} : memref<128x64xf32, #tpu.memory_space<vmem>>, vector<1x16xf32>,
          %slice3A_354 = vector.extract_strided_slice %get3A_69 {offsets = [6], sizes = [1], strides = [1]} : vector<16xf32> to vector<1xf32>
          %squeeze3A_355 = vector.extract %slice3A_354[0] : f32 from vector<1xf32>
          %add3A_356 = arith.constant 6 : i32
          %add3A_357 = arith.addi %mul3A_66, %add3A_356 : i32
          %get3A_358 = arith.index_cast %add3A_357 : i32 to index
          %get3A_359 = arith.constant 0 : index
          %get3A_360 = tpu.vector_load %arg16[%get3A_358, %get3A_359] {strides = array<i32>} : memref<128x64xf32, #tpu.memory_space<vmem>>, vector<1x16xf32>,
          %get3A_361 = vector.shape_cast %get3A_360 : vector<1x16xf32> to vector<16xf32>
          %mul3A_362 = vector.broadcast %squeeze3A_355 : f32 to vector<16xf32>
          %mul3A_363 = arith.mulf %get3A_361, %mul3A_362 : vector<16xf32>
          %swap3A_364 = arith.index_cast %add3A_357 : i32 to index
          %swap3A_365 = arith.constant 0 : index
          %swap3A_366 = tpu.vector_load %arg16[%swap3A_364, %swap3A_365] {strides = array<i32>} : memref<128x64xf32, #tpu.memory_space<vmem>>, vector<1x16xf32>,
          %swap3A_367 = vector.shape_cast %swap3A_366 : vector<1x16xf32> to vector<16xf32>
          %swap3A_368 = vector.shape_cast %mul3A_363 : vector<16xf32> to vector<1x16xf32>
          tpu.vector_store %arg16[%swap3A_364, %swap3A_365], %swap3A_368 {strides = array<i32>} : memref<128x64xf32, #tpu.memory_space<vmem>>, vector<1x16xf32>,
          %get3A_369 = arith.index_cast %add3A_357 : i32 to index
          %get3A_370 = arith.constant 16 : index
          %get3A_371 = tpu.vector_load %arg16[%get3A_369, %get3A_370] {strides = array<i32>} : memref<128x64xf32, #tpu.memory_space<vmem>>, vector<1x16xf32>,
          %get3A_372 = vector.shape_cast %get3A_371 : vector<1x16xf32> to vector<16xf32>
          %mul3A_373 = vector.broadcast %squeeze3A_355 : f32 to vector<16xf32>
          %mul3A_374 = arith.mulf %get3A_372, %mul3A_373 : vector<16xf32>
          %swap3A_375 = arith.index_cast %add3A_357 : i32 to index
          %swap3A_376 = arith.constant 16 : index
          %swap3A_377 = tpu.vector_load %arg16[%swap3A_375, %swap3A_376] {strides = array<i32>} : memref<128x64xf32, #tpu.memory_space<vmem>>, vector<1x16xf32>,
          %swap3A_378 = vector.shape_cast %swap3A_377 : vector<1x16xf32> to vector<16xf32>
          %swap3A_379 = vector.shape_cast %mul3A_374 : vector<16xf32> to vector<1x16xf32>
          tpu.vector_store %arg16[%swap3A_375, %swap3A_376], %swap3A_379 {strides = array<i32>} : memref<128x64xf32, #tpu.memory_space<vmem>>, vector<1x16xf32>,
          %get3A_380 = arith.index_cast %add3A_357 : i32 to index
          %get3A_381 = arith.constant 32 : index
          %get3A_382 = tpu.vector_load %arg16[%get3A_380, %get3A_381] {strides = array<i32>} : memref<128x64xf32, #tpu.memory_space<vmem>>, vector<1x16xf32>,
          %get3A_383 = vector.shape_cast %get3A_382 : vector<1x16xf32> to vector<16xf32>
          %mul3A_384 = vector.broadcast %squeeze3A_355 : f32 to vector<16xf32>
          %mul3A_385 = arith.mulf %get3A_383, %mul3A_384 : vector<16xf32>
          %swap3A_386 = arith.index_cast %add3A_357 : i32 to index
          %swap3A_387 = arith.constant 32 : index
          %swap3A_388 = tpu.vector_load %arg16[%swap3A_386, %swap3A_387] {strides = array<i32>} : memref<128x64xf32, #tpu.memory_space<vmem>>, vector<1x16xf32>,
          %swap3A_389 = vector.shape_cast %swap3A_388 : vector<1x16xf32> to vector<16xf32>
          %swap3A_390 = vector.shape_cast %mul3A_385 : vector<16xf32> to vector<1x16xf32>
          tpu.vector_store %arg16[%swap3A_386, %swap3A_387], %swap3A_390 {strides = array<i32>} : memref<128x64xf32, #tpu.memory_space<vmem>>, vector<1x16xf32>,
          %get3A_391 = arith.index_cast %add3A_357 : i32 to index
          %get3A_392 = arith.constant 48 : index
          %get3A_393 = tpu.vector_load %arg16[%get3A_391, %get3A_392] {strides = array<i32>} : memref<128x64xf32, #tpu.memory_space<vmem>>, vector<1x16xf32>,
          %get3A_394 = vector.shape_cast %get3A_393 : vector<1x16xf32> to vector<16xf32>
          %mul3A_395 = vector.broadcast %squeeze3A_355 : f32 to vector<16xf32>
          %mul3A_396 = arith.mulf %get3A_394, %mul3A_395 : vector<16xf32>
          %swap3A_397 = arith.index_cast %add3A_357 : i32 to index
          %swap3A_398 = arith.constant 48 : index
          %swap3A_399 = tpu.vector_load %arg16[%swap3A_397, %swap3A_398] {strides = array<i32>} : memref<128x64xf32, #tpu.memory_space<vmem>>, vector<1x16xf32>,
          %swap3A_400 = vector.shape_cast %swap3A_399 : vector<1x16xf32> to vector<16xf32>
          %swap3A_401 = vector.shape_cast %mul3A_396 : vector<16xf32> to vector<1x16xf32>
          tpu.vector_store %arg16[%swap3A_397, %swap3A_398], %swap3A_401 {strides = array<i32>} : memref<128x64xf32, #tpu.memory_space<vmem>>, vector<1x16xf32>,
          %slice3A_402 = vector.extract_strided_slice %get3A_69 {offsets = [7], sizes = [1], strides = [1]} : vector<16xf32> to vector<1xf32>
          %squeeze3A_403 = vector.extract %slice3A_402[0] : f32 from vector<1xf32>
          %add3A_404 = arith.constant 7 : i32
          %add3A_405 = arith.addi %mul3A_66, %add3A_404 : i32
          %get3A_406 = arith.index_cast %add3A_405 : i32 to index
          %get3A_407 = arith.constant 0 : index
          %get3A_408 = tpu.vector_load %arg16[%get3A_406, %get3A_407] {strides = array<i32>} : memref<128x64xf32, #tpu.memory_space<vmem>>, vector<1x16xf32>,
          %get3A_409 = vector.shape_cast %get3A_408 : vector<1x16xf32> to vector<16xf32>
          %mul3A_410 = vector.broadcast %squeeze3A_403 : f32 to vector<16xf32>
          %mul3A_411 = arith.mulf %get3A_409, %mul3A_410 : vector<16xf32>
          %swap3A_412 = arith.index_cast %add3A_405 : i32 to index
          %swap3A_413 = arith.constant 0 : index
          %swap3A_414 = tpu.vector_load %arg16[%swap3A_412, %swap3A_413] {strides = array<i32>} : memref<128x64xf32, #tpu.memory_space<vmem>>, vector<1x16xf32>,
          %swap3A_415 = vector.shape_cast %swap3A_414 : vector<1x16xf32> to vector<16xf32>
          %swap3A_416 = vector.shape_cast %mul3A_411 : vector<16xf32> to vector<1x16xf32>
          tpu.vector_store %arg16[%swap3A_412, %swap3A_413], %swap3A_416 {strides = array<i32>} : memref<128x64xf32, #tpu.memory_space<vmem>>, vector<1x16xf32>,
          %get3A_417 = arith.index_cast %add3A_405 : i32 to index
          %get3A_418 = arith.constant 16 : index
          %get3A_419 = tpu.vector_load %arg16[%get3A_417, %get3A_418] {strides = array<i32>} : memref<128x64xf32, #tpu.memory_space<vmem>>, vector<1x16xf32>,
          %get3A_420 = vector.shape_cast %get3A_419 : vector<1x16xf32> to vector<16xf32>
          %mul3A_421 = vector.broadcast %squeeze3A_403 : f32 to vector<16xf32>
          %mul3A_422 = arith.mulf %get3A_420, %mul3A_421 : vector<16xf32>
          %swap3A_423 = arith.index_cast %add3A_405 : i32 to index
          %swap3A_424 = arith.constant 16 : index
          %swap3A_425 = tpu.vector_load %arg16[%swap3A_423, %swap3A_424] {strides = array<i32>} : memref<128x64xf32, #tpu.memory_space<vmem>>, vector<1x16xf32>,
          %swap3A_426 = vector.shape_cast %swap3A_425 : vector<1x16xf32> to vector<16xf32>
          %swap3A_427 = vector.shape_cast %mul3A_422 : vector<16xf32> to vector<1x16xf32>
          tpu.vector_store %arg16[%swap3A_423, %swap3A_424], %swap3A_427 {strides = array<i32>} : memref<128x64xf32, #tpu.memory_space<vmem>>, vector<1x16xf32>,
          %get3A_428 = arith.index_cast %add3A_405 : i32 to index
          %get3A_429 = arith.constant 32 : index
          %get3A_430 = tpu.vector_load %arg16[%get3A_428, %get3A_429] {strides = array<i32>} : memref<128x64xf32, #tpu.memory_space<vmem>>, vector<1x16xf32>,
          %get3A_431 = vector.shape_cast %get3A_430 : vector<1x16xf32> to vector<16xf32>
          %mul3A_432 = vector.broadcast %squeeze3A_403 : f32 to vector<16xf32>
          %mul3A_433 = arith.mulf %get3A_431, %mul3A_432 : vector<16xf32>
          %swap3A_434 = arith.index_cast %add3A_405 : i32 to index
          %swap3A_435 = arith.constant 32 : index
          %swap3A_436 = tpu.vector_load %arg16[%swap3A_434, %swap3A_435] {strides = array<i32>} : memref<128x64xf32, #tpu.memory_space<vmem>>, vector<1x16xf32>,
          %swap3A_437 = vector.shape_cast %swap3A_436 : vector<1x16xf32> to vector<16xf32>
          %swap3A_438 = vector.shape_cast %mul3A_433 : vector<16xf32> to vector<1x16xf32>
          tpu.vector_store %arg16[%swap3A_434, %swap3A_435], %swap3A_438 {strides = array<i32>} : memref<128x64xf32, #tpu.memory_space<vmem>>, vector<1x16xf32>,
          %get3A_439 = arith.index_cast %add3A_405 : i32 to index
          %get3A_440 = arith.constant 48 : index
          %get3A_441 = tpu.vector_load %arg16[%get3A_439, %get3A_440] {strides = array<i32>} : memref<128x64xf32, #tpu.memory_space<vmem>>, vector<1x16xf32>,
          %get3A_442 = vector.shape_cast %get3A_441 : vector<1x16xf32> to vector<16xf32>
          %mul3A_443 = vector.broadcast %squeeze3A_403 : f32 to vector<16xf32>
          %mul3A_444 = arith.mulf %get3A_442, %mul3A_443 : vector<16xf32>
          %swap3A_445 = arith.index_cast %add3A_405 : i32 to index
          %swap3A_446 = arith.constant 48 : index
          %swap3A_447 = tpu.vector_load %arg16[%swap3A_445, %swap3A_446] {strides = array<i32>} : memref<128x64xf32, #tpu.memory_space<vmem>>, vector<1x16xf32>,
          %swap3A_448 = vector.shape_cast %swap3A_447 : vector<1x16xf32> to vector<16xf32>
          %swap3A_449 = vector.shape_cast %mul3A_444 : vector<16xf32> to vector<1x16xf32>
          tpu.vector_store %arg16[%swap3A_445, %swap3A_446], %swap3A_449 {strides = array<i32>} : memref<128x64xf32, #tpu.memory_space<vmem>>, vector<1x16xf32>,
          %slice3A_450 = vector.extract_strided_slice %get3A_69 {offsets = [8], sizes = [1], strides = [1]} : vector<16xf32> to vector<1xf32>
          %squeeze3A_451 = vector.extract %slice3A_450[0] : f32 from vector<1xf32>
          %add3A_452 = arith.constant 8 : i32
          %add3A_453 = arith.addi %mul3A_66, %add3A_452 : i32
          %get3A_454 = arith.index_cast %add3A_453 : i32 to index
          %get3A_455 = arith.constant 0 : index
          %get3A_456 = tpu.vector_load %arg16[%get3A_454, %get3A_455] {strides = array<i32>} : memref<128x64xf32, #tpu.memory_space<vmem>>, vector<1x16xf32>,
          %get3A_457 = vector.shape_cast %get3A_456 : vector<1x16xf32> to vector<16xf32>
          %mul3A_458 = vector.broadcast %squeeze3A_451 : f32 to vector<16xf32>
          %mul3A_459 = arith.mulf %get3A_457, %mul3A_458 : vector<16xf32>
          %swap3A_460 = arith.index_cast %add3A_453 : i32 to index
          %swap3A_461 = arith.constant 0 : index
          %swap3A_462 = tpu.vector_load %arg16[%swap3A_460, %swap3A_461] {strides = array<i32>} : memref<128x64xf32, #tpu.memory_space<vmem>>, vector<1x16xf32>,
          %swap3A_463 = vector.shape_cast %swap3A_462 : vector<1x16xf32> to vector<16xf32>
          %swap3A_464 = vector.shape_cast %mul3A_459 : vector<16xf32> to vector<1x16xf32>
          tpu.vector_store %arg16[%swap3A_460, %swap3A_461], %swap3A_464 {strides = array<i32>} : memref<128x64xf32, #tpu.memory_space<vmem>>, vector<1x16xf32>,
          %get3A_465 = arith.index_cast %add3A_453 : i32 to index
          %get3A_466 = arith.constant 16 : index
          %get3A_467 = tpu.vector_load %arg16[%get3A_465, %get3A_466] {strides = array<i32>} : memref<128x64xf32, #tpu.memory_space<vmem>>, vector<1x16xf32>,
          %get3A_468 = vector.shape_cast %get3A_467 : vector<1x16xf32> to vector<16xf32>
          %mul3A_469 = vector.broadcast %squeeze3A_451 : f32 to vector<16xf32>
          %mul3A_470 = arith.mulf %get3A_468, %mul3A_469 : vector<16xf32>
          %swap3A_471 = arith.index_cast %add3A_453 : i32 to index
          %swap3A_472 = arith.constant 16 : index
          %swap3A_473 = tpu.vector_load %arg16[%swap3A_471, %swap3A_472] {strides = array<i32>} : memref<128x64xf32, #tpu.memory_space<vmem>>, vector<1x16xf32>,
          %swap3A_474 = vector.shape_cast %swap3A_473 : vector<1x16xf32> to vector<16xf32>
          %swap3A_475 = vector.shape_cast %mul3A_470 : vector<16xf32> to vector<1x16xf32>
          tpu.vector_store %arg16[%swap3A_471, %swap3A_472], %swap3A_475 {strides = array<i32>} : memref<128x64xf32, #tpu.memory_space<vmem>>, vector<1x16xf32>,
          %get3A_476 = arith.index_cast %add3A_453 : i32 to index
          %get3A_477 = arith.constant 32 : index
          %get3A_478 = tpu.vector_load %arg16[%get3A_476, %get3A_477] {strides = array<i32>} : memref<128x64xf32, #tpu.memory_space<vmem>>, vector<1x16xf32>,
          %get3A_479 = vector.shape_cast %get3A_478 : vector<1x16xf32> to vector<16xf32>
          %mul3A_480 = vector.broadcast %squeeze3A_451 : f32 to vector<16xf32>
          %mul3A_481 = arith.mulf %get3A_479, %mul3A_480 : vector<16xf32>
          %swap3A_482 = arith.index_cast %add3A_453 : i32 to index
          %swap3A_483 = arith.constant 32 : index
          %swap3A_484 = tpu.vector_load %arg16[%swap3A_482, %swap3A_483] {strides = array<i32>} : memref<128x64xf32, #tpu.memory_space<vmem>>, vector<1x16xf32>,
          %swap3A_485 = vector.shape_cast %swap3A_484 : vector<1x16xf32> to vector<16xf32>
          %swap3A_486 = vector.shape_cast %mul3A_481 : vector<16xf32> to vector<1x16xf32>
          tpu.vector_store %arg16[%swap3A_482, %swap3A_483], %swap3A_486 {strides = array<i32>} : memref<128x64xf32, #tpu.memory_space<vmem>>, vector<1x16xf32>,
          %get3A_487 = arith.index_cast %add3A_453 : i32 to index
          %get3A_488 = arith.constant 48 : index
          %get3A_489 = tpu.vector_load %arg16[%get3A_487, %get3A_488] {strides = array<i32>} : memref<128x64xf32, #tpu.memory_space<vmem>>, vector<1x16xf32>,
          %get3A_490 = vector.shape_cast %get3A_489 : vector<1x16xf32> to vector<16xf32>
          %mul3A_491 = vector.broadcast %squeeze3A_451 : f32 to vector<16xf32>
          %mul3A_492 = arith.mulf %get3A_490, %mul3A_491 : vector<16xf32>
          %swap3A_493 = arith.index_cast %add3A_453 : i32 to index
          %swap3A_494 = arith.constant 48 : index
          %swap3A_495 = tpu.vector_load %arg16[%swap3A_493, %swap3A_494] {strides = array<i32>} : memref<128x64xf32, #tpu.memory_space<vmem>>, vector<1x16xf32>,
          %swap3A_496 = vector.shape_cast %swap3A_495 : vector<1x16xf32> to vector<16xf32>
          %swap3A_497 = vector.shape_cast %mul3A_492 : vector<16xf32> to vector<1x16xf32>
          tpu.vector_store %arg16[%swap3A_493, %swap3A_494], %swap3A_497 {strides = array<i32>} : memref<128x64xf32, #tpu.memory_space<vmem>>, vector<1x16xf32>,
          %slice3A_498 = vector.extract_strided_slice %get3A_69 {offsets = [9], sizes = [1], strides = [1]} : vector<16xf32> to vector<1xf32>
          %squeeze3A_499 = vector.extract %slice3A_498[0] : f32 from vector<1xf32>
          %add3A_500 = arith.constant 9 : i32
          %add3A_501 = arith.addi %mul3A_66, %add3A_500 : i32
          %get3A_502 = arith.index_cast %add3A_501 : i32 to index
          %get3A_503 = arith.constant 0 : index
          %get3A_504 = tpu.vector_load %arg16[%get3A_502, %get3A_503] {strides = array<i32>} : memref<128x64xf32, #tpu.memory_space<vmem>>, vector<1x16xf32>,
          %get3A_505 = vector.shape_cast %get3A_504 : vector<1x16xf32> to vector<16xf32>
          %mul3A_506 = vector.broadcast %squeeze3A_499 : f32 to vector<16xf32>
          %mul3A_507 = arith.mulf %get3A_505, %mul3A_506 : vector<16xf32>
          %swap3A_508 = arith.index_cast %add3A_501 : i32 to index
          %swap3A_509 = arith.constant 0 : index
          %swap3A_510 = tpu.vector_load %arg16[%swap3A_508, %swap3A_509] {strides = array<i32>} : memref<128x64xf32, #tpu.memory_space<vmem>>, vector<1x16xf32>,
          %swap3A_511 = vector.shape_cast %swap3A_510 : vector<1x16xf32> to vector<16xf32>
          %swap3A_512 = vector.shape_cast %mul3A_507 : vector<16xf32> to vector<1x16xf32>
          tpu.vector_store %arg16[%swap3A_508, %swap3A_509], %swap3A_512 {strides = array<i32>} : memref<128x64xf32, #tpu.memory_space<vmem>>, vector<1x16xf32>,
          %get3A_513 = arith.index_cast %add3A_501 : i32 to index
          %get3A_514 = arith.constant 16 : index
          %get3A_515 = tpu.vector_load %arg16[%get3A_513, %get3A_514] {strides = array<i32>} : memref<128x64xf32, #tpu.memory_space<vmem>>, vector<1x16xf32>,
          %get3A_516 = vector.shape_cast %get3A_515 : vector<1x16xf32> to vector<16xf32>
          %mul3A_517 = vector.broadcast %squeeze3A_499 : f32 to vector<16xf32>
          %mul3A_518 = arith.mulf %get3A_516, %mul3A_517 : vector<16xf32>
          %swap3A_519 = arith.index_cast %add3A_501 : i32 to index
          %swap3A_520 = arith.constant 16 : index
          %swap3A_521 = tpu.vector_load %arg16[%swap3A_519, %swap3A_520] {strides = array<i32>} : memref<128x64xf32, #tpu.memory_space<vmem>>, vector<1x16xf32>,
          %swap3A_522 = vector.shape_cast %swap3A_521 : vector<1x16xf32> to vector<16xf32>
          %swap3A_523 = vector.shape_cast %mul3A_518 : vector<16xf32> to vector<1x16xf32>
          tpu.vector_store %arg16[%swap3A_519, %swap3A_520], %swap3A_523 {strides = array<i32>} : memref<128x64xf32, #tpu.memory_space<vmem>>, vector<1x16xf32>,
          %get3A_524 = arith.index_cast %add3A_501 : i32 to index
          %get3A_525 = arith.constant 32 : index
          %get3A_526 = tpu.vector_load %arg16[%get3A_524, %get3A_525] {strides = array<i32>} : memref<128x64xf32, #tpu.memory_space<vmem>>, vector<1x16xf32>,
          %get3A_527 = vector.shape_cast %get3A_526 : vector<1x16xf32> to vector<16xf32>
          %mul3A_528 = vector.broadcast %squeeze3A_499 : f32 to vector<16xf32>
          %mul3A_529 = arith.mulf %get3A_527, %mul3A_528 : vector<16xf32>
          %swap3A_530 = arith.index_cast %add3A_501 : i32 to index
          %swap3A_531 = arith.constant 32 : index
          %swap3A_532 = tpu.vector_load %arg16[%swap3A_530, %swap3A_531] {strides = array<i32>} : memref<128x64xf32, #tpu.memory_space<vmem>>, vector<1x16xf32>,
          %swap3A_533 = vector.shape_cast %swap3A_532 : vector<1x16xf32> to vector<16xf32>
          %swap3A_534 = vector.shape_cast %mul3A_529 : vector<16xf32> to vector<1x16xf32>
          tpu.vector_store %arg16[%swap3A_530, %swap3A_531], %swap3A_534 {strides = array<i32>} : memref<128x64xf32, #tpu.memory_space<vmem>>, vector<1x16xf32>,
          %get3A_535 = arith.index_cast %add3A_501 : i32 to index
          %get3A_536 = arith.constant 48 : index
          %get3A_537 = tpu.vector_load %arg16[%get3A_535, %get3A_536] {strides = array<i32>} : memref<128x64xf32, #tpu.memory_space<vmem>>, vector<1x16xf32>,
          %get3A_538 = vector.shape_cast %get3A_537 : vector<1x16xf32> to vector<16xf32>
          %mul3A_539 = vector.broadcast %squeeze3A_499 : f32 to vector<16xf32>
          %mul3A_540 = arith.mulf %get3A_538, %mul3A_539 : vector<16xf32>
          %swap3A_541 = arith.index_cast %add3A_501 : i32 to index
          %swap3A_542 = arith.constant 48 : index
          %swap3A_543 = tpu.vector_load %arg16[%swap3A_541, %swap3A_542] {strides = array<i32>} : memref<128x64xf32, #tpu.memory_space<vmem>>, vector<1x16xf32>,
          %swap3A_544 = vector.shape_cast %swap3A_543 : vector<1x16xf32> to vector<16xf32>
          %swap3A_545 = vector.shape_cast %mul3A_540 : vector<16xf32> to vector<1x16xf32>
          tpu.vector_store %arg16[%swap3A_541, %swap3A_542], %swap3A_545 {strides = array<i32>} : memref<128x64xf32, #tpu.memory_space<vmem>>, vector<1x16xf32>,
          %slice3A_546 = vector.extract_strided_slice %get3A_69 {offsets = [10], sizes = [1], strides = [1]} : vector<16xf32> to vector<1xf32>
          %squeeze3A_547 = vector.extract %slice3A_546[0] : f32 from vector<1xf32>
          %add3A_548 = arith.constant 10 : i32
          %add3A_549 = arith.addi %mul3A_66, %add3A_548 : i32
          %get3A_550 = arith.index_cast %add3A_549 : i32 to index
          %get3A_551 = arith.constant 0 : index
          %get3A_552 = tpu.vector_load %arg16[%get3A_550, %get3A_551] {strides = array<i32>} : memref<128x64xf32, #tpu.memory_space<vmem>>, vector<1x16xf32>,
          %get3A_553 = vector.shape_cast %get3A_552 : vector<1x16xf32> to vector<16xf32>
          %mul3A_554 = vector.broadcast %squeeze3A_547 : f32 to vector<16xf32>
          %mul3A_555 = arith.mulf %get3A_553, %mul3A_554 : vector<16xf32>
          %swap3A_556 = arith.index_cast %add3A_549 : i32 to index
          %swap3A_557 = arith.constant 0 : index
          %swap3A_558 = tpu.vector_load %arg16[%swap3A_556, %swap3A_557] {strides = array<i32>} : memref<128x64xf32, #tpu.memory_space<vmem>>, vector<1x16xf32>,
          %swap3A_559 = vector.shape_cast %swap3A_558 : vector<1x16xf32> to vector<16xf32>
          %swap3A_560 = vector.shape_cast %mul3A_555 : vector<16xf32> to vector<1x16xf32>
          tpu.vector_store %arg16[%swap3A_556, %swap3A_557], %swap3A_560 {strides = array<i32>} : memref<128x64xf32, #tpu.memory_space<vmem>>, vector<1x16xf32>,
          %get3A_561 = arith.index_cast %add3A_549 : i32 to index
          %get3A_562 = arith.constant 16 : index
          %get3A_563 = tpu.vector_load %arg16[%get3A_561, %get3A_562] {strides = array<i32>} : memref<128x64xf32, #tpu.memory_space<vmem>>, vector<1x16xf32>,
          %get3A_564 = vector.shape_cast %get3A_563 : vector<1x16xf32> to vector<16xf32>
          %mul3A_565 = vector.broadcast %squeeze3A_547 : f32 to vector<16xf32>
          %mul3A_566 = arith.mulf %get3A_564, %mul3A_565 : vector<16xf32>
          %swap3A_567 = arith.index_cast %add3A_549 : i32 to index
          %swap3A_568 = arith.constant 16 : index
          %swap3A_569 = tpu.vector_load %arg16[%swap3A_567, %swap3A_568] {strides = array<i32>} : memref<128x64xf32, #tpu.memory_space<vmem>>, vector<1x16xf32>,
          %swap3A_570 = vector.shape_cast %swap3A_569 : vector<1x16xf32> to vector<16xf32>
          %swap3A_571 = vector.shape_cast %mul3A_566 : vector<16xf32> to vector<1x16xf32>
          tpu.vector_store %arg16[%swap3A_567, %swap3A_568], %swap3A_571 {strides = array<i32>} : memref<128x64xf32, #tpu.memory_space<vmem>>, vector<1x16xf32>,
          %get3A_572 = arith.index_cast %add3A_549 : i32 to index
          %get3A_573 = arith.constant 32 : index
          %get3A_574 = tpu.vector_load %arg16[%get3A_572, %get3A_573] {strides = array<i32>} : memref<128x64xf32, #tpu.memory_space<vmem>>, vector<1x16xf32>,
          %get3A_575 = vector.shape_cast %get3A_574 : vector<1x16xf32> to vector<16xf32>
          %mul3A_576 = vector.broadcast %squeeze3A_547 : f32 to vector<16xf32>
          %mul3A_577 = arith.mulf %get3A_575, %mul3A_576 : vector<16xf32>
          %swap3A_578 = arith.index_cast %add3A_549 : i32 to index
          %swap3A_579 = arith.constant 32 : index
          %swap3A_580 = tpu.vector_load %arg16[%swap3A_578, %swap3A_579] {strides = array<i32>} : memref<128x64xf32, #tpu.memory_space<vmem>>, vector<1x16xf32>,
          %swap3A_581 = vector.shape_cast %swap3A_580 : vector<1x16xf32> to vector<16xf32>
          %swap3A_582 = vector.shape_cast %mul3A_577 : vector<16xf32> to vector<1x16xf32>
          tpu.vector_store %arg16[%swap3A_578, %swap3A_579], %swap3A_582 {strides = array<i32>} : memref<128x64xf32, #tpu.memory_space<vmem>>, vector<1x16xf32>,
          %get3A_583 = arith.index_cast %add3A_549 : i32 to index
          %get3A_584 = arith.constant 48 : index
          %get3A_585 = tpu.vector_load %arg16[%get3A_583, %get3A_584] {strides = array<i32>} : memref<128x64xf32, #tpu.memory_space<vmem>>, vector<1x16xf32>,
          %get3A_586 = vector.shape_cast %get3A_585 : vector<1x16xf32> to vector<16xf32>
          %mul3A_587 = vector.broadcast %squeeze3A_547 : f32 to vector<16xf32>
          %mul3A_588 = arith.mulf %get3A_586, %mul3A_587 : vector<16xf32>
          %swap3A_589 = arith.index_cast %add3A_549 : i32 to index
          %swap3A_590 = arith.constant 48 : index
          %swap3A_591 = tpu.vector_load %arg16[%swap3A_589, %swap3A_590] {strides = array<i32>} : memref<128x64xf32, #tpu.memory_space<vmem>>, vector<1x16xf32>,
          %swap3A_592 = vector.shape_cast %swap3A_591 : vector<1x16xf32> to vector<16xf32>
          %swap3A_593 = vector.shape_cast %mul3A_588 : vector<16xf32> to vector<1x16xf32>
          tpu.vector_store %arg16[%swap3A_589, %swap3A_590], %swap3A_593 {strides = array<i32>} : memref<128x64xf32, #tpu.memory_space<vmem>>, vector<1x16xf32>,
          %slice3A_594 = vector.extract_strided_slice %get3A_69 {offsets = [11], sizes = [1], strides = [1]} : vector<16xf32> to vector<1xf32>
          %squeeze3A_595 = vector.extract %slice3A_594[0] : f32 from vector<1xf32>
          %add3A_596 = arith.constant 11 : i32
          %add3A_597 = arith.addi %mul3A_66, %add3A_596 : i32
          %get3A_598 = arith.index_cast %add3A_597 : i32 to index
          %get3A_599 = arith.constant 0 : index
          %get3A_600 = tpu.vector_load %arg16[%get3A_598, %get3A_599] {strides = array<i32>} : memref<128x64xf32, #tpu.memory_space<vmem>>, vector<1x16xf32>,
          %get3A_601 = vector.shape_cast %get3A_600 : vector<1x16xf32> to vector<16xf32>
          %mul3A_602 = vector.broadcast %squeeze3A_595 : f32 to vector<16xf32>
          %mul3A_603 = arith.mulf %get3A_601, %mul3A_602 : vector<16xf32>
          %swap3A_604 = arith.index_cast %add3A_597 : i32 to index
          %swap3A_605 = arith.constant 0 : index
          %swap3A_606 = tpu.vector_load %arg16[%swap3A_604, %swap3A_605] {strides = array<i32>} : memref<128x64xf32, #tpu.memory_space<vmem>>, vector<1x16xf32>,
          %swap3A_607 = vector.shape_cast %swap3A_606 : vector<1x16xf32> to vector<16xf32>
          %swap3A_608 = vector.shape_cast %mul3A_603 : vector<16xf32> to vector<1x16xf32>
          tpu.vector_store %arg16[%swap3A_604, %swap3A_605], %swap3A_608 {strides = array<i32>} : memref<128x64xf32, #tpu.memory_space<vmem>>, vector<1x16xf32>,
          %get3A_609 = arith.index_cast %add3A_597 : i32 to index
          %get3A_610 = arith.constant 16 : index
          %get3A_611 = tpu.vector_load %arg16[%get3A_609, %get3A_610] {strides = array<i32>} : memref<128x64xf32, #tpu.memory_space<vmem>>, vector<1x16xf32>,
          %get3A_612 = vector.shape_cast %get3A_611 : vector<1x16xf32> to vector<16xf32>
          %mul3A_613 = vector.broadcast %squeeze3A_595 : f32 to vector<16xf32>
          %mul3A_614 = arith.mulf %get3A_612, %mul3A_613 : vector<16xf32>
          %swap3A_615 = arith.index_cast %add3A_597 : i32 to index
          %swap3A_616 = arith.constant 16 : index
          %swap3A_617 = tpu.vector_load %arg16[%swap3A_615, %swap3A_616] {strides = array<i32>} : memref<128x64xf32, #tpu.memory_space<vmem>>, vector<1x16xf32>,
          %swap3A_618 = vector.shape_cast %swap3A_617 : vector<1x16xf32> to vector<16xf32>
          %swap3A_619 = vector.shape_cast %mul3A_614 : vector<16xf32> to vector<1x16xf32>
          tpu.vector_store %arg16[%swap3A_615, %swap3A_616], %swap3A_619 {strides = array<i32>} : memref<128x64xf32, #tpu.memory_space<vmem>>, vector<1x16xf32>,
          %get3A_620 = arith.index_cast %add3A_597 : i32 to index
          %get3A_621 = arith.constant 32 : index
          %get3A_622 = tpu.vector_load %arg16[%get3A_620, %get3A_621] {strides = array<i32>} : memref<128x64xf32, #tpu.memory_space<vmem>>, vector<1x16xf32>,
          %get3A_623 = vector.shape_cast %get3A_622 : vector<1x16xf32> to vector<16xf32>
          %mul3A_624 = vector.broadcast %squeeze3A_595 : f32 to vector<16xf32>
          %mul3A_625 = arith.mulf %get3A_623, %mul3A_624 : vector<16xf32>
          %swap3A_626 = arith.index_cast %add3A_597 : i32 to index
          %swap3A_627 = arith.constant 32 : index
          %swap3A_628 = tpu.vector_load %arg16[%swap3A_626, %swap3A_627] {strides = array<i32>} : memref<128x64xf32, #tpu.memory_space<vmem>>, vector<1x16xf32>,
          %swap3A_629 = vector.shape_cast %swap3A_628 : vector<1x16xf32> to vector<16xf32>
          %swap3A_630 = vector.shape_cast %mul3A_625 : vector<16xf32> to vector<1x16xf32>
          tpu.vector_store %arg16[%swap3A_626, %swap3A_627], %swap3A_630 {strides = array<i32>} : memref<128x64xf32, #tpu.memory_space<vmem>>, vector<1x16xf32>,
          %get3A_631 = arith.index_cast %add3A_597 : i32 to index
          %get3A_632 = arith.constant 48 : index
          %get3A_633 = tpu.vector_load %arg16[%get3A_631, %get3A_632] {strides = array<i32>} : memref<128x64xf32, #tpu.memory_space<vmem>>, vector<1x16xf32>,
          %get3A_634 = vector.shape_cast %get3A_633 : vector<1x16xf32> to vector<16xf32>
          %mul3A_635 = vector.broadcast %squeeze3A_595 : f32 to vector<16xf32>
          %mul3A_636 = arith.mulf %get3A_634, %mul3A_635 : vector<16xf32>
          %swap3A_637 = arith.index_cast %add3A_597 : i32 to index
          %swap3A_638 = arith.constant 48 : index
          %swap3A_639 = tpu.vector_load %arg16[%swap3A_637, %swap3A_638] {strides = array<i32>} : memref<128x64xf32, #tpu.memory_space<vmem>>, vector<1x16xf32>,
          %swap3A_640 = vector.shape_cast %swap3A_639 : vector<1x16xf32> to vector<16xf32>
          %swap3A_641 = vector.shape_cast %mul3A_636 : vector<16xf32> to vector<1x16xf32>
          tpu.vector_store %arg16[%swap3A_637, %swap3A_638], %swap3A_641 {strides = array<i32>} : memref<128x64xf32, #tpu.memory_space<vmem>>, vector<1x16xf32>,
          %slice3A_642 = vector.extract_strided_slice %get3A_69 {offsets = [12], sizes = [1], strides = [1]} : vector<16xf32> to vector<1xf32>
          %squeeze3A_643 = vector.extract %slice3A_642[0] : f32 from vector<1xf32>
          %add3A_644 = arith.constant 12 : i32
          %add3A_645 = arith.addi %mul3A_66, %add3A_644 : i32
          %get3A_646 = arith.index_cast %add3A_645 : i32 to index
          %get3A_647 = arith.constant 0 : index
          %get3A_648 = tpu.vector_load %arg16[%get3A_646, %get3A_647] {strides = array<i32>} : memref<128x64xf32, #tpu.memory_space<vmem>>, vector<1x16xf32>,
          %get3A_649 = vector.shape_cast %get3A_648 : vector<1x16xf32> to vector<16xf32>
          %mul3A_650 = vector.broadcast %squeeze3A_643 : f32 to vector<16xf32>
          %mul3A_651 = arith.mulf %get3A_649, %mul3A_650 : vector<16xf32>
          %swap3A_652 = arith.index_cast %add3A_645 : i32 to index
          %swap3A_653 = arith.constant 0 : index
          %swap3A_654 = tpu.vector_load %arg16[%swap3A_652, %swap3A_653] {strides = array<i32>} : memref<128x64xf32, #tpu.memory_space<vmem>>, vector<1x16xf32>,
          %swap3A_655 = vector.shape_cast %swap3A_654 : vector<1x16xf32> to vector<16xf32>
          %swap3A_656 = vector.shape_cast %mul3A_651 : vector<16xf32> to vector<1x16xf32>
          tpu.vector_store %arg16[%swap3A_652, %swap3A_653], %swap3A_656 {strides = array<i32>} : memref<128x64xf32, #tpu.memory_space<vmem>>, vector<1x16xf32>,
          %get3A_657 = arith.index_cast %add3A_645 : i32 to index
          %get3A_658 = arith.constant 16 : index
          %get3A_659 = tpu.vector_load %arg16[%get3A_657, %get3A_658] {strides = array<i32>} : memref<128x64xf32, #tpu.memory_space<vmem>>, vector<1x16xf32>,
          %get3A_660 = vector.shape_cast %get3A_659 : vector<1x16xf32> to vector<16xf32>
          %mul3A_661 = vector.broadcast %squeeze3A_643 : f32 to vector<16xf32>
          %mul3A_662 = arith.mulf %get3A_660, %mul3A_661 : vector<16xf32>
          %swap3A_663 = arith.index_cast %add3A_645 : i32 to index
          %swap3A_664 = arith.constant 16 : index
          %swap3A_665 = tpu.vector_load %arg16[%swap3A_663, %swap3A_664] {strides = array<i32>} : memref<128x64xf32, #tpu.memory_space<vmem>>, vector<1x16xf32>,
          %swap3A_666 = vector.shape_cast %swap3A_665 : vector<1x16xf32> to vector<16xf32>
          %swap3A_667 = vector.shape_cast %mul3A_662 : vector<16xf32> to vector<1x16xf32>
          tpu.vector_store %arg16[%swap3A_663, %swap3A_664], %swap3A_667 {strides = array<i32>} : memref<128x64xf32, #tpu.memory_space<vmem>>, vector<1x16xf32>,
          %get3A_668 = arith.index_cast %add3A_645 : i32 to index
          %get3A_669 = arith.constant 32 : index
          %get3A_670 = tpu.vector_load %arg16[%get3A_668, %get3A_669] {strides = array<i32>} : memref<128x64xf32, #tpu.memory_space<vmem>>, vector<1x16xf32>,
          %get3A_671 = vector.shape_cast %get3A_670 : vector<1x16xf32> to vector<16xf32>
          %mul3A_672 = vector.broadcast %squeeze3A_643 : f32 to vector<16xf32>
          %mul3A_673 = arith.mulf %get3A_671, %mul3A_672 : vector<16xf32>
          %swap3A_674 = arith.index_cast %add3A_645 : i32 to index
          %swap3A_675 = arith.constant 32 : index
          %swap3A_676 = tpu.vector_load %arg16[%swap3A_674, %swap3A_675] {strides = array<i32>} : memref<128x64xf32, #tpu.memory_space<vmem>>, vector<1x16xf32>,
          %swap3A_677 = vector.shape_cast %swap3A_676 : vector<1x16xf32> to vector<16xf32>
          %swap3A_678 = vector.shape_cast %mul3A_673 : vector<16xf32> to vector<1x16xf32>
          tpu.vector_store %arg16[%swap3A_674, %swap3A_675], %swap3A_678 {strides = array<i32>} : memref<128x64xf32, #tpu.memory_space<vmem>>, vector<1x16xf32>,
          %get3A_679 = arith.index_cast %add3A_645 : i32 to index
          %get3A_680 = arith.constant 48 : index
          %get3A_681 = tpu.vector_load %arg16[%get3A_679, %get3A_680] {strides = array<i32>} : memref<128x64xf32, #tpu.memory_space<vmem>>, vector<1x16xf32>,
          %get3A_682 = vector.shape_cast %get3A_681 : vector<1x16xf32> to vector<16xf32>
          %mul3A_683 = vector.broadcast %squeeze3A_643 : f32 to vector<16xf32>
          %mul3A_684 = arith.mulf %get3A_682, %mul3A_683 : vector<16xf32>
          %swap3A_685 = arith.index_cast %add3A_645 : i32 to index
          %swap3A_686 = arith.constant 48 : index
          %swap3A_687 = tpu.vector_load %arg16[%swap3A_685, %swap3A_686] {strides = array<i32>} : memref<128x64xf32, #tpu.memory_space<vmem>>, vector<1x16xf32>,
          %swap3A_688 = vector.shape_cast %swap3A_687 : vector<1x16xf32> to vector<16xf32>
          %swap3A_689 = vector.shape_cast %mul3A_684 : vector<16xf32> to vector<1x16xf32>
          tpu.vector_store %arg16[%swap3A_685, %swap3A_686], %swap3A_689 {strides = array<i32>} : memref<128x64xf32, #tpu.memory_space<vmem>>, vector<1x16xf32>,
          %slice3A_690 = vector.extract_strided_slice %get3A_69 {offsets = [13], sizes = [1], strides = [1]} : vector<16xf32> to vector<1xf32>
          %squeeze3A_691 = vector.extract %slice3A_690[0] : f32 from vector<1xf32>
          %add3A_692 = arith.constant 13 : i32
          %add3A_693 = arith.addi %mul3A_66, %add3A_692 : i32
          %get3A_694 = arith.index_cast %add3A_693 : i32 to index
          %get3A_695 = arith.constant 0 : index
          %get3A_696 = tpu.vector_load %arg16[%get3A_694, %get3A_695] {strides = array<i32>} : memref<128x64xf32, #tpu.memory_space<vmem>>, vector<1x16xf32>,
          %get3A_697 = vector.shape_cast %get3A_696 : vector<1x16xf32> to vector<16xf32>
          %mul3A_698 = vector.broadcast %squeeze3A_691 : f32 to vector<16xf32>
          %mul3A_699 = arith.mulf %get3A_697, %mul3A_698 : vector<16xf32>
          %swap3A_700 = arith.index_cast %add3A_693 : i32 to index
          %swap3A_701 = arith.constant 0 : index
          %swap3A_702 = tpu.vector_load %arg16[%swap3A_700, %swap3A_701] {strides = array<i32>} : memref<128x64xf32, #tpu.memory_space<vmem>>, vector<1x16xf32>,
          %swap3A_703 = vector.shape_cast %swap3A_702 : vector<1x16xf32> to vector<16xf32>
          %swap3A_704 = vector.shape_cast %mul3A_699 : vector<16xf32> to vector<1x16xf32>
          tpu.vector_store %arg16[%swap3A_700, %swap3A_701], %swap3A_704 {strides = array<i32>} : memref<128x64xf32, #tpu.memory_space<vmem>>, vector<1x16xf32>,
          %get3A_705 = arith.index_cast %add3A_693 : i32 to index
          %get3A_706 = arith.constant 16 : index
          %get3A_707 = tpu.vector_load %arg16[%get3A_705, %get3A_706] {strides = array<i32>} : memref<128x64xf32, #tpu.memory_space<vmem>>, vector<1x16xf32>,
          %get3A_708 = vector.shape_cast %get3A_707 : vector<1x16xf32> to vector<16xf32>
          %mul3A_709 = vector.broadcast %squeeze3A_691 : f32 to vector<16xf32>
          %mul3A_710 = arith.mulf %get3A_708, %mul3A_709 : vector<16xf32>
          %swap3A_711 = arith.index_cast %add3A_693 : i32 to index
          %swap3A_712 = arith.constant 16 : index
          %swap3A_713 = tpu.vector_load %arg16[%swap3A_711, %swap3A_712] {strides = array<i32>} : memref<128x64xf32, #tpu.memory_space<vmem>>, vector<1x16xf32>,
          %swap3A_714 = vector.shape_cast %swap3A_713 : vector<1x16xf32> to vector<16xf32>
          %swap3A_715 = vector.shape_cast %mul3A_710 : vector<16xf32> to vector<1x16xf32>
          tpu.vector_store %arg16[%swap3A_711, %swap3A_712], %swap3A_715 {strides = array<i32>} : memref<128x64xf32, #tpu.memory_space<vmem>>, vector<1x16xf32>,
          %get3A_716 = arith.index_cast %add3A_693 : i32 to index
          %get3A_717 = arith.constant 32 : index
          %get3A_718 = tpu.vector_load %arg16[%get3A_716, %get3A_717] {strides = array<i32>} : memref<128x64xf32, #tpu.memory_space<vmem>>, vector<1x16xf32>,
          %get3A_719 = vector.shape_cast %get3A_718 : vector<1x16xf32> to vector<16xf32>
          %mul3A_720 = vector.broadcast %squeeze3A_691 : f32 to vector<16xf32>
          %mul3A_721 = arith.mulf %get3A_719, %mul3A_720 : vector<16xf32>
          %swap3A_722 = arith.index_cast %add3A_693 : i32 to index
          %swap3A_723 = arith.constant 32 : index
          %swap3A_724 = tpu.vector_load %arg16[%swap3A_722, %swap3A_723] {strides = array<i32>} : memref<128x64xf32, #tpu.memory_space<vmem>>, vector<1x16xf32>,
          %swap3A_725 = vector.shape_cast %swap3A_724 : vector<1x16xf32> to vector<16xf32>
          %swap3A_726 = vector.shape_cast %mul3A_721 : vector<16xf32> to vector<1x16xf32>
          tpu.vector_store %arg16[%swap3A_722, %swap3A_723], %swap3A_726 {strides = array<i32>} : memref<128x64xf32, #tpu.memory_space<vmem>>, vector<1x16xf32>,
          %get3A_727 = arith.index_cast %add3A_693 : i32 to index
          %get3A_728 = arith.constant 48 : index
          %get3A_729 = tpu.vector_load %arg16[%get3A_727, %get3A_728] {strides = array<i32>} : memref<128x64xf32, #tpu.memory_space<vmem>>, vector<1x16xf32>,
          %get3A_730 = vector.shape_cast %get3A_729 : vector<1x16xf32> to vector<16xf32>
          %mul3A_731 = vector.broadcast %squeeze3A_691 : f32 to vector<16xf32>
          %mul3A_732 = arith.mulf %get3A_730, %mul3A_731 : vector<16xf32>
          %swap3A_733 = arith.index_cast %add3A_693 : i32 to index
          %swap3A_734 = arith.constant 48 : index
          %swap3A_735 = tpu.vector_load %arg16[%swap3A_733, %swap3A_734] {strides = array<i32>} : memref<128x64xf32, #tpu.memory_space<vmem>>, vector<1x16xf32>,
          %swap3A_736 = vector.shape_cast %swap3A_735 : vector<1x16xf32> to vector<16xf32>
          %swap3A_737 = vector.shape_cast %mul3A_732 : vector<16xf32> to vector<1x16xf32>
          tpu.vector_store %arg16[%swap3A_733, %swap3A_734], %swap3A_737 {strides = array<i32>} : memref<128x64xf32, #tpu.memory_space<vmem>>, vector<1x16xf32>,
          %slice3A_738 = vector.extract_strided_slice %get3A_69 {offsets = [14], sizes = [1], strides = [1]} : vector<16xf32> to vector<1xf32>
          %squeeze3A_739 = vector.extract %slice3A_738[0] : f32 from vector<1xf32>
          %add3A_740 = arith.constant 14 : i32
          %add3A_741 = arith.addi %mul3A_66, %add3A_740 : i32
          %get3A_742 = arith.index_cast %add3A_741 : i32 to index
          %get3A_743 = arith.constant 0 : index
          %get3A_744 = tpu.vector_load %arg16[%get3A_742, %get3A_743] {strides = array<i32>} : memref<128x64xf32, #tpu.memory_space<vmem>>, vector<1x16xf32>,
          %get3A_745 = vector.shape_cast %get3A_744 : vector<1x16xf32> to vector<16xf32>
          %mul3A_746 = vector.broadcast %squeeze3A_739 : f32 to vector<16xf32>
          %mul3A_747 = arith.mulf %get3A_745, %mul3A_746 : vector<16xf32>
          %swap3A_748 = arith.index_cast %add3A_741 : i32 to index
          %swap3A_749 = arith.constant 0 : index
          %swap3A_750 = tpu.vector_load %arg16[%swap3A_748, %swap3A_749] {strides = array<i32>} : memref<128x64xf32, #tpu.memory_space<vmem>>, vector<1x16xf32>,
          %swap3A_751 = vector.shape_cast %swap3A_750 : vector<1x16xf32> to vector<16xf32>
          %swap3A_752 = vector.shape_cast %mul3A_747 : vector<16xf32> to vector<1x16xf32>
          tpu.vector_store %arg16[%swap3A_748, %swap3A_749], %swap3A_752 {strides = array<i32>} : memref<128x64xf32, #tpu.memory_space<vmem>>, vector<1x16xf32>,
          %get3A_753 = arith.index_cast %add3A_741 : i32 to index
          %get3A_754 = arith.constant 16 : index
          %get3A_755 = tpu.vector_load %arg16[%get3A_753, %get3A_754] {strides = array<i32>} : memref<128x64xf32, #tpu.memory_space<vmem>>, vector<1x16xf32>,
          %get3A_756 = vector.shape_cast %get3A_755 : vector<1x16xf32> to vector<16xf32>
          %mul3A_757 = vector.broadcast %squeeze3A_739 : f32 to vector<16xf32>
          %mul3A_758 = arith.mulf %get3A_756, %mul3A_757 : vector<16xf32>
          %swap3A_759 = arith.index_cast %add3A_741 : i32 to index
          %swap3A_760 = arith.constant 16 : index
          %swap3A_761 = tpu.vector_load %arg16[%swap3A_759, %swap3A_760] {strides = array<i32>} : memref<128x64xf32, #tpu.memory_space<vmem>>, vector<1x16xf32>,
          %swap3A_762 = vector.shape_cast %swap3A_761 : vector<1x16xf32> to vector<16xf32>
          %swap3A_763 = vector.shape_cast %mul3A_758 : vector<16xf32> to vector<1x16xf32>
          tpu.vector_store %arg16[%swap3A_759, %swap3A_760], %swap3A_763 {strides = array<i32>} : memref<128x64xf32, #tpu.memory_space<vmem>>, vector<1x16xf32>,
          %get3A_764 = arith.index_cast %add3A_741 : i32 to index
          %get3A_765 = arith.constant 32 : index
          %get3A_766 = tpu.vector_load %arg16[%get3A_764, %get3A_765] {strides = array<i32>} : memref<128x64xf32, #tpu.memory_space<vmem>>, vector<1x16xf32>,
          %get3A_767 = vector.shape_cast %get3A_766 : vector<1x16xf32> to vector<16xf32>
          %mul3A_768 = vector.broadcast %squeeze3A_739 : f32 to vector<16xf32>
          %mul3A_769 = arith.mulf %get3A_767, %mul3A_768 : vector<16xf32>
          %swap3A_770 = arith.index_cast %add3A_741 : i32 to index
          %swap3A_771 = arith.constant 32 : index
          %swap3A_772 = tpu.vector_load %arg16[%swap3A_770, %swap3A_771] {strides = array<i32>} : memref<128x64xf32, #tpu.memory_space<vmem>>, vector<1x16xf32>,
          %swap3A_773 = vector.shape_cast %swap3A_772 : vector<1x16xf32> to vector<16xf32>
          %swap3A_774 = vector.shape_cast %mul3A_769 : vector<16xf32> to vector<1x16xf32>
          tpu.vector_store %arg16[%swap3A_770, %swap3A_771], %swap3A_774 {strides = array<i32>} : memref<128x64xf32, #tpu.memory_space<vmem>>, vector<1x16xf32>,
          %get3A_775 = arith.index_cast %add3A_741 : i32 to index
          %get3A_776 = arith.constant 48 : index
          %get3A_777 = tpu.vector_load %arg16[%get3A_775, %get3A_776] {strides = array<i32>} : memref<128x64xf32, #tpu.memory_space<vmem>>, vector<1x16xf32>,
          %get3A_778 = vector.shape_cast %get3A_777 : vector<1x16xf32> to vector<16xf32>
          %mul3A_779 = vector.broadcast %squeeze3A_739 : f32 to vector<16xf32>
          %mul3A_780 = arith.mulf %get3A_778, %mul3A_779 : vector<16xf32>
          %swap3A_781 = arith.index_cast %add3A_741 : i32 to index
          %swap3A_782 = arith.constant 48 : index
          %swap3A_783 = tpu.vector_load %arg16[%swap3A_781, %swap3A_782] {strides = array<i32>} : memref<128x64xf32, #tpu.memory_space<vmem>>, vector<1x16xf32>,
          %swap3A_784 = vector.shape_cast %swap3A_783 : vector<1x16xf32> to vector<16xf32>
          %swap3A_785 = vector.shape_cast %mul3A_780 : vector<16xf32> to vector<1x16xf32>
          tpu.vector_store %arg16[%swap3A_781, %swap3A_782], %swap3A_785 {strides = array<i32>} : memref<128x64xf32, #tpu.memory_space<vmem>>, vector<1x16xf32>,
          %slice3A_786 = vector.extract_strided_slice %get3A_69 {offsets = [15], sizes = [1], strides = [1]} : vector<16xf32> to vector<1xf32>
          %squeeze3A_787 = vector.extract %slice3A_786[0] : f32 from vector<1xf32>
          %add3A_788 = arith.constant 15 : i32
          %add3A_789 = arith.addi %mul3A_66, %add3A_788 : i32
          %get3A_790 = arith.index_cast %add3A_789 : i32 to index
          %get3A_791 = arith.constant 0 : index
          %get3A_792 = tpu.vector_load %arg16[%get3A_790, %get3A_791] {strides = array<i32>} : memref<128x64xf32, #tpu.memory_space<vmem>>, vector<1x16xf32>,
          %get3A_793 = vector.shape_cast %get3A_792 : vector<1x16xf32> to vector<16xf32>
          %mul3A_794 = vector.broadcast %squeeze3A_787 : f32 to vector<16xf32>
          %mul3A_795 = arith.mulf %get3A_793, %mul3A_794 : vector<16xf32>
          %swap3A_796 = arith.index_cast %add3A_789 : i32 to index
          %swap3A_797 = arith.constant 0 : index
          %swap3A_798 = tpu.vector_load %arg16[%swap3A_796, %swap3A_797] {strides = array<i32>} : memref<128x64xf32, #tpu.memory_space<vmem>>, vector<1x16xf32>,
          %swap3A_799 = vector.shape_cast %swap3A_798 : vector<1x16xf32> to vector<16xf32>
          %swap3A_800 = vector.shape_cast %mul3A_795 : vector<16xf32> to vector<1x16xf32>
          tpu.vector_store %arg16[%swap3A_796, %swap3A_797], %swap3A_800 {strides = array<i32>} : memref<128x64xf32, #tpu.memory_space<vmem>>, vector<1x16xf32>,
          %get3A_801 = arith.index_cast %add3A_789 : i32 to index
          %get3A_802 = arith.constant 16 : index
          %get3A_803 = tpu.vector_load %arg16[%get3A_801, %get3A_802] {strides = array<i32>} : memref<128x64xf32, #tpu.memory_space<vmem>>, vector<1x16xf32>,
          %get3A_804 = vector.shape_cast %get3A_803 : vector<1x16xf32> to vector<16xf32>
          %mul3A_805 = vector.broadcast %squeeze3A_787 : f32 to vector<16xf32>
          %mul3A_806 = arith.mulf %get3A_804, %mul3A_805 : vector<16xf32>
          %swap3A_807 = arith.index_cast %add3A_789 : i32 to index
          %swap3A_808 = arith.constant 16 : index
          %swap3A_809 = tpu.vector_load %arg16[%swap3A_807, %swap3A_808] {strides = array<i32>} : memref<128x64xf32, #tpu.memory_space<vmem>>, vector<1x16xf32>,
          %swap3A_810 = vector.shape_cast %swap3A_809 : vector<1x16xf32> to vector<16xf32>
          %swap3A_811 = vector.shape_cast %mul3A_806 : vector<16xf32> to vector<1x16xf32>
          tpu.vector_store %arg16[%swap3A_807, %swap3A_808], %swap3A_811 {strides = array<i32>} : memref<128x64xf32, #tpu.memory_space<vmem>>, vector<1x16xf32>,
          %get3A_812 = arith.index_cast %add3A_789 : i32 to index
          %get3A_813 = arith.constant 32 : index
          %get3A_814 = tpu.vector_load %arg16[%get3A_812, %get3A_813] {strides = array<i32>} : memref<128x64xf32, #tpu.memory_space<vmem>>, vector<1x16xf32>,
          %get3A_815 = vector.shape_cast %get3A_814 : vector<1x16xf32> to vector<16xf32>
          %mul3A_816 = vector.broadcast %squeeze3A_787 : f32 to vector<16xf32>
          %mul3A_817 = arith.mulf %get3A_815, %mul3A_816 : vector<16xf32>
          %swap3A_818 = arith.index_cast %add3A_789 : i32 to index
          %swap3A_819 = arith.constant 32 : index
          %swap3A_820 = tpu.vector_load %arg16[%swap3A_818, %swap3A_819] {strides = array<i32>} : memref<128x64xf32, #tpu.memory_space<vmem>>, vector<1x16xf32>,
          %swap3A_821 = vector.shape_cast %swap3A_820 : vector<1x16xf32> to vector<16xf32>
          %swap3A_822 = vector.shape_cast %mul3A_817 : vector<16xf32> to vector<1x16xf32>
          tpu.vector_store %arg16[%swap3A_818, %swap3A_819], %swap3A_822 {strides = array<i32>} : memref<128x64xf32, #tpu.memory_space<vmem>>, vector<1x16xf32>,
          %get3A_823 = arith.index_cast %add3A_789 : i32 to index
          %get3A_824 = arith.constant 48 : index
          %get3A_825 = tpu.vector_load %arg16[%get3A_823, %get3A_824] {strides = array<i32>} : memref<128x64xf32, #tpu.memory_space<vmem>>, vector<1x16xf32>,
          %get3A_826 = vector.shape_cast %get3A_825 : vector<1x16xf32> to vector<16xf32>
          %mul3A_827 = vector.broadcast %squeeze3A_787 : f32 to vector<16xf32>
          %mul3A_828 = arith.mulf %get3A_826, %mul3A_827 : vector<16xf32>
          %swap3A_829 = arith.index_cast %add3A_789 : i32 to index
          %swap3A_830 = arith.constant 48 : index
          %swap3A_831 = tpu.vector_load %arg16[%swap3A_829, %swap3A_830] {strides = array<i32>} : memref<128x64xf32, #tpu.memory_space<vmem>>, vector<1x16xf32>,
          %swap3A_832 = vector.shape_cast %swap3A_831 : vector<1x16xf32> to vector<16xf32>
          %swap3A_833 = vector.shape_cast %mul3A_828 : vector<16xf32> to vector<1x16xf32>
          tpu.vector_store %arg16[%swap3A_829, %swap3A_830], %swap3A_833 {strides = array<i32>} : memref<128x64xf32, #tpu.memory_space<vmem>>, vector<1x16xf32>,
        }
        %scan3A_63 = arith.constant 8 : i32
        "tpu.region"() ({
          %run_scoped3A_64 = tpu.sem_alloc : memref<!tpu.dma_semaphore, #tpu.memory_space<semaphore_mem>>
          %dma_start3A = arith.constant 0 : i32
          %dma_start3A_65 = tpu.memref_slice %arg14[%scan3A_57, %dma_start3A] : memref<157x128xi32, #tpu.memory_space<vmem>> -> memref<1x128xi32, #tpu.memory_space<vmem>>
          %dma_start3A_66 = tpu.memref_squeeze %dma_start3A_65 : memref<1x128xi32, #tpu.memory_space<vmem>> -> memref<128xi32, #tpu.memory_space<vmem>>
          %dma_start3A_67 = arith.constant 0 : i32
          %dma_start3A_68 = arith.constant 0 : i32
          %dma_start3A_69 = tpu.memref_slice %arg18[%dma_start3A_67, %dma_start3A_68] : memref<10240x64xf32, #tpu.memory_space<vmem_shared>> -> memref<10240x64xf32, #tpu.memory_space<vmem_shared>>
          tpu.enqueue_indirect_dma source(%arg16 : memref<128x64xf32, #tpu.memory_space<vmem>>) target(%dma_start3A_69 : memref<10240x64xf32, #tpu.memory_space<vmem_shared>>) offsets(%dma_start3A_66 : memref<128xi32, #tpu.memory_space<vmem>>) semaphore(%run_scoped3A_64 : memref<!tpu.dma_semaphore, #tpu.memory_space<semaphore_mem>>) {add = true}
          %dma_wait3A = arith.constant 0 : i32
          %dma_wait3A_70 = tpu.memref_slice %arg14[%scan3A_57, %dma_wait3A] : memref<157x128xi32, #tpu.memory_space<vmem>> -> memref<1x128xi32, #tpu.memory_space<vmem>>
          %dma_wait3A_71 = tpu.memref_squeeze %dma_wait3A_70 : memref<1x128xi32, #tpu.memory_space<vmem>> -> memref<128xi32, #tpu.memory_space<vmem>>
          %dma_wait3A_72 = arith.constant 0 : i32
          %dma_wait3A_73 = arith.constant 0 : i32
          %dma_wait3A_74 = tpu.memref_slice %arg18[%dma_wait3A_72, %dma_wait3A_73] : memref<10240x64xf32, #tpu.memory_space<vmem_shared>> -> memref<10240x64xf32, #tpu.memory_space<vmem_shared>>
          tpu.wait_indirect_dma semaphore(%run_scoped3A_64 : memref<!tpu.dma_semaphore, #tpu.memory_space<semaphore_mem>>) src(%arg16 : memref<128x64xf32, #tpu.memory_space<vmem>>) dst(%dma_wait3A_74 : memref<10240x64xf32, #tpu.memory_space<vmem_shared>>)
          tpu.yield
        }) : () -> ()
      }
      %scan3A_33 = arith.constant 157 : i32
      %barrier3A_34 = arith.constant 0 : index
      tpu.barrier barrier_id(%barrier3A_34)
      %mul3A = arith.constant 640 : i32
      %mul3A_35 = arith.muli %arg1, %mul3A : i32
      %mul3A_36 = arith.constant 640 : i32
      %mul3A_37 = arith.muli %arg1, %mul3A_36 : i32
      %run_scoped3A = arith.constant 0 : i32
      "tpu.region"() ({
        %run_scoped3A_57 = tpu.sem_alloc : memref<!tpu.dma_semaphore, #tpu.memory_space<semaphore_mem>>
        %dma_start3A = arith.constant 0 : i32
        %dma_start3A_58 = tpu.memref_slice %arg12[%arg0, %run_scoped3A, %mul3A_37, %dma_start3A] : memref<2x2x10240x64xf32, #tpu.memory_space<hbm>> -> memref<1x1x640x64xf32, #tpu.memory_space<hbm>>
        %dma_start3A_59 = tpu.memref_squeeze %dma_start3A_58 : memref<1x1x640x64xf32, #tpu.memory_space<hbm>> -> memref<640x64xf32, #tpu.memory_space<hbm>>
        %dma_start3A_60 = arith.constant 0 : i32
        %dma_start3A_61 = tpu.memref_slice %arg18[%mul3A_35, %dma_start3A_60] : memref<10240x64xf32, #tpu.memory_space<vmem_shared>> -> memref<640x64xf32, #tpu.memory_space<vmem_shared>>
        tpu.enqueue_dma source(%dma_start3A_61 : memref<640x64xf32, #tpu.memory_space<vmem_shared>>) target(%dma_start3A_59 : memref<640x64xf32, #tpu.memory_space<hbm>>) target_semaphore(%run_scoped3A_57 : memref<!tpu.dma_semaphore, #tpu.memory_space<semaphore_mem>>)
        %dma_wait3A = arith.constant 0 : i32
        %dma_wait3A_62 = tpu.memref_slice %arg12[%arg0, %run_scoped3A, %mul3A_37, %dma_wait3A] : memref<2x2x10240x64xf32, #tpu.memory_space<hbm>> -> memref<1x1x640x64xf32, #tpu.memory_space<hbm>>
        %dma_wait3A_63 = tpu.memref_squeeze %dma_wait3A_62 : memref<1x1x640x64xf32, #tpu.memory_space<hbm>> -> memref<640x64xf32, #tpu.memory_space<hbm>>
        %dma_wait3A_64 = arith.constant 0 : i32
        %dma_wait3A_65 = tpu.memref_slice %arg18[%mul3A_35, %dma_wait3A_64] : memref<10240x64xf32, #tpu.memory_space<vmem_shared>> -> memref<640x64xf32, #tpu.memory_space<vmem_shared>>
        tpu.wait_dma2 semaphore(%run_scoped3A_57 : memref<!tpu.dma_semaphore, #tpu.memory_space<semaphore_mem>>) src(%dma_wait3A_65 : memref<640x64xf32, #tpu.memory_space<vmem_shared>>) dst(%dma_wait3A_63 : memref<640x64xf32, #tpu.memory_space<hbm>>)
        tpu.yield
      }) : () -> ()
      %scan3A_38 = arith.constant 0 : i32
      %scan3A_39 = arith.constant 0 : i32
      %scan3A_40 = arith.constant 10 : i32
      %scan3A_41 = arith.addi %scan3A_39, %scan3A_40 : i32
      %scan3A_42 = arith.constant 1 : i32
      scf.for %scan3A_57 = %scan3A_39 to %scan3A_41 step %scan3A_42  : i32 {
        %mul3A_58 = arith.constant 640 : i32
        %mul3A_59 = arith.muli %arg1, %mul3A_58 : i32
        %mul3A_60 = arith.constant 64 : i32
        %mul3A_61 = arith.muli %scan3A_57, %mul3A_60 : i32
        %add3A = arith.addi %mul3A_59, %mul3A_61 : i32
        "tpu.region"() ({
          %run_scoped3A_62 = tpu.sem_alloc : memref<!tpu.dma_semaphore, #tpu.memory_space<semaphore_mem>>
          %dma_start3A = arith.constant 0 : i32
          %dma_start3A_63 = tpu.memref_slice %arg18[%add3A, %dma_start3A] : memref<10240x64xf32, #tpu.memory_space<vmem_shared>> -> memref<64x64xf32, #tpu.memory_space<vmem_shared>>
          %dma_start3A_64 = arith.constant 0 : i32
          %dma_start3A_65 = tpu.memref_slice %arg18[%add3A, %dma_start3A_64] : memref<10240x64xf32, #tpu.memory_space<vmem_shared>> -> memref<64x64xf32, #tpu.memory_space<vmem_shared>>
          tpu.enqueue_dma source(%arg17 : memref<64x64xf32, #tpu.memory_space<vmem>>) target(%dma_start3A_65 : memref<64x64xf32, #tpu.memory_space<vmem_shared>>) target_semaphore(%run_scoped3A_62 : memref<!tpu.dma_semaphore, #tpu.memory_space<semaphore_mem>>)
          %dma_wait3A = arith.constant 0 : i32
          %dma_wait3A_66 = tpu.memref_slice %arg18[%add3A, %dma_wait3A] : memref<10240x64xf32, #tpu.memory_space<vmem_shared>> -> memref<64x64xf32, #tpu.memory_space<vmem_shared>>
          %dma_wait3A_67 = arith.constant 0 : i32
          %dma_wait3A_68 = tpu.memref_slice %arg18[%add3A, %dma_wait3A_67] : memref<10240x64xf32, #tpu.memory_space<vmem_shared>> -> memref<64x64xf32, #tpu.memory_space<vmem_shared>>
          tpu.wait_dma2 semaphore(%run_scoped3A_62 : memref<!tpu.dma_semaphore, #tpu.memory_space<semaphore_mem>>) src(%arg17 : memref<64x64xf32, #tpu.memory_space<vmem>>) dst(%dma_wait3A_68 : memref<64x64xf32, #tpu.memory_space<vmem_shared>>)
          tpu.yield
        }) : () -> ()
      }
      %scan3A_43 = arith.constant 10 : i32
      %barrier3A_44 = arith.constant 0 : index
      tpu.barrier barrier_id(%barrier3A_44)
      %scan3A_45 = arith.constant 0 : i32
      %scan3A_46 = arith.constant 0 : i32
      %scan3A_47 = arith.constant 157 : i32
      %scan3A_48 = arith.addi %scan3A_46, %scan3A_47 : i32
      %scan3A_49 = arith.constant 1 : i32
      scf.for %scan3A_57 = %scan3A_46 to %scan3A_48 step %scan3A_49  : i32 {
        "tpu.region"() ({
          %run_scoped3A_64 = tpu.sem_alloc : memref<!tpu.dma_semaphore, #tpu.memory_space<semaphore_mem>>
          %dma_start3A = arith.constant 0 : i32
          %dma_start3A_65 = tpu.memref_slice %arg13[%scan3A_57, %dma_start3A] : memref<157x128xi32, #tpu.memory_space<vmem>> -> memref<1x128xi32, #tpu.memory_space<vmem>>
          %dma_start3A_66 = tpu.memref_squeeze %dma_start3A_65 : memref<1x128xi32, #tpu.memory_space<vmem>> -> memref<128xi32, #tpu.memory_space<vmem>>
          %dma_start3A_67 = arith.constant 0 : i32
          %dma_start3A_68 = arith.constant 0 : i32
          %dma_start3A_69 = tpu.memref_slice %arg5[%dma_start3A_67, %dma_start3A_68] : memref<10000x64xf32, #tpu.memory_space<hbm>> -> memref<10000x64xf32, #tpu.memory_space<hbm>>
          tpu.enqueue_indirect_dma source(%dma_start3A_69 : memref<10000x64xf32, #tpu.memory_space<hbm>>) target(%arg16 : memref<128x64xf32, #tpu.memory_space<vmem>>) offsets(%dma_start3A_66 : memref<128xi32, #tpu.memory_space<vmem>>) semaphore(%run_scoped3A_64 : memref<!tpu.dma_semaphore, #tpu.memory_space<semaphore_mem>>)
          %dma_wait3A = arith.constant 0 : i32
          %dma_wait3A_70 = tpu.memref_slice %arg13[%scan3A_57, %dma_wait3A] : memref<157x128xi32, #tpu.memory_space<vmem>> -> memref<1x128xi32, #tpu.memory_space<vmem>>
          %dma_wait3A_71 = tpu.memref_squeeze %dma_wait3A_70 : memref<1x128xi32, #tpu.memory_space<vmem>> -> memref<128xi32, #tpu.memory_space<vmem>>
          %dma_wait3A_72 = arith.constant 0 : i32
          %dma_wait3A_73 = arith.constant 0 : i32
          %dma_wait3A_74 = tpu.memref_slice %arg5[%dma_wait3A_72, %dma_wait3A_73] : memref<10000x64xf32, #tpu.memory_space<hbm>> -> memref<10000x64xf32, #tpu.memory_space<hbm>>
          tpu.wait_indirect_dma semaphore(%run_scoped3A_64 : memref<!tpu.dma_semaphore, #tpu.memory_space<semaphore_mem>>) src(%dma_wait3A_74 : memref<10000x64xf32, #tpu.memory_space<hbm>>) dst(%arg16 : memref<128x64xf32, #tpu.memory_space<vmem>>)
          tpu.yield
        }) : () -> ()
        %scan3A_58 = arith.constant 0 : i32
        %scan3A_59 = arith.constant 0 : i32
        %scan3A_60 = arith.constant 8 : i32
        %scan3A_61 = arith.addi %scan3A_59, %scan3A_60 : i32
        %scan3A_62 = arith.constant 1 : i32
        scf.for %scan3A_64 = %scan3A_59 to %scan3A_61 step %scan3A_62  : i32 {
          %mul3A_65 = arith.constant 16 : i32
          %mul3A_66 = arith.muli %scan3A_64, %mul3A_65 : i32
          %get3A = arith.index_cast %scan3A_57 : i32 to index
          %get3A_67 = arith.index_cast %mul3A_66 : i32 to index
          %get3A_68 = tpu.vector_load %arg15[%get3A, %get3A_67] {strides = array<i32>} : memref<157x128xf32, #tpu.memory_space<vmem>>, vector<1x16xf32>,
          %get3A_69 = vector.shape_cast %get3A_68 : vector<1x16xf32> to vector<16xf32>
          %slice3A = vector.extract_strided_slice %get3A_69 {offsets = [0], sizes = [1], strides = [1]} : vector<16xf32> to vector<1xf32>
          %squeeze3A = vector.extract %slice3A[0] : f32 from vector<1xf32>
          %add3A = arith.constant 0 : i32
          %add3A_70 = arith.addi %mul3A_66, %add3A : i32
          %get3A_71 = arith.index_cast %add3A_70 : i32 to index
          %get3A_72 = arith.constant 0 : index
          %get3A_73 = tpu.vector_load %arg16[%get3A_71, %get3A_72] {strides = array<i32>} : memref<128x64xf32, #tpu.memory_space<vmem>>, vector<1x16xf32>,
          %get3A_74 = vector.shape_cast %get3A_73 : vector<1x16xf32> to vector<16xf32>
          %mul3A_75 = vector.broadcast %squeeze3A : f32 to vector<16xf32>
          %mul3A_76 = arith.mulf %get3A_74, %mul3A_75 : vector<16xf32>
          %swap3A = arith.index_cast %add3A_70 : i32 to index
          %swap3A_77 = arith.constant 0 : index
          %swap3A_78 = tpu.vector_load %arg16[%swap3A, %swap3A_77] {strides = array<i32>} : memref<128x64xf32, #tpu.memory_space<vmem>>, vector<1x16xf32>,
          %swap3A_79 = vector.shape_cast %swap3A_78 : vector<1x16xf32> to vector<16xf32>
          %swap3A_80 = vector.shape_cast %mul3A_76 : vector<16xf32> to vector<1x16xf32>
          tpu.vector_store %arg16[%swap3A, %swap3A_77], %swap3A_80 {strides = array<i32>} : memref<128x64xf32, #tpu.memory_space<vmem>>, vector<1x16xf32>,
          %get3A_81 = arith.index_cast %add3A_70 : i32 to index
          %get3A_82 = arith.constant 16 : index
          %get3A_83 = tpu.vector_load %arg16[%get3A_81, %get3A_82] {strides = array<i32>} : memref<128x64xf32, #tpu.memory_space<vmem>>, vector<1x16xf32>,
          %get3A_84 = vector.shape_cast %get3A_83 : vector<1x16xf32> to vector<16xf32>
          %mul3A_85 = vector.broadcast %squeeze3A : f32 to vector<16xf32>
          %mul3A_86 = arith.mulf %get3A_84, %mul3A_85 : vector<16xf32>
          %swap3A_87 = arith.index_cast %add3A_70 : i32 to index
          %swap3A_88 = arith.constant 16 : index
          %swap3A_89 = tpu.vector_load %arg16[%swap3A_87, %swap3A_88] {strides = array<i32>} : memref<128x64xf32, #tpu.memory_space<vmem>>, vector<1x16xf32>,
          %swap3A_90 = vector.shape_cast %swap3A_89 : vector<1x16xf32> to vector<16xf32>
          %swap3A_91 = vector.shape_cast %mul3A_86 : vector<16xf32> to vector<1x16xf32>
          tpu.vector_store %arg16[%swap3A_87, %swap3A_88], %swap3A_91 {strides = array<i32>} : memref<128x64xf32, #tpu.memory_space<vmem>>, vector<1x16xf32>,
          %get3A_92 = arith.index_cast %add3A_70 : i32 to index
          %get3A_93 = arith.constant 32 : index
          %get3A_94 = tpu.vector_load %arg16[%get3A_92, %get3A_93] {strides = array<i32>} : memref<128x64xf32, #tpu.memory_space<vmem>>, vector<1x16xf32>,
          %get3A_95 = vector.shape_cast %get3A_94 : vector<1x16xf32> to vector<16xf32>
          %mul3A_96 = vector.broadcast %squeeze3A : f32 to vector<16xf32>
          %mul3A_97 = arith.mulf %get3A_95, %mul3A_96 : vector<16xf32>
          %swap3A_98 = arith.index_cast %add3A_70 : i32 to index
          %swap3A_99 = arith.constant 32 : index
          %swap3A_100 = tpu.vector_load %arg16[%swap3A_98, %swap3A_99] {strides = array<i32>} : memref<128x64xf32, #tpu.memory_space<vmem>>, vector<1x16xf32>,
          %swap3A_101 = vector.shape_cast %swap3A_100 : vector<1x16xf32> to vector<16xf32>
          %swap3A_102 = vector.shape_cast %mul3A_97 : vector<16xf32> to vector<1x16xf32>
          tpu.vector_store %arg16[%swap3A_98, %swap3A_99], %swap3A_102 {strides = array<i32>} : memref<128x64xf32, #tpu.memory_space<vmem>>, vector<1x16xf32>,
          %get3A_103 = arith.index_cast %add3A_70 : i32 to index
          %get3A_104 = arith.constant 48 : index
          %get3A_105 = tpu.vector_load %arg16[%get3A_103, %get3A_104] {strides = array<i32>} : memref<128x64xf32, #tpu.memory_space<vmem>>, vector<1x16xf32>,
          %get3A_106 = vector.shape_cast %get3A_105 : vector<1x16xf32> to vector<16xf32>
          %mul3A_107 = vector.broadcast %squeeze3A : f32 to vector<16xf32>
          %mul3A_108 = arith.mulf %get3A_106, %mul3A_107 : vector<16xf32>
          %swap3A_109 = arith.index_cast %add3A_70 : i32 to index
          %swap3A_110 = arith.constant 48 : index
          %swap3A_111 = tpu.vector_load %arg16[%swap3A_109, %swap3A_110] {strides = array<i32>} : memref<128x64xf32, #tpu.memory_space<vmem>>, vector<1x16xf32>,
          %swap3A_112 = vector.shape_cast %swap3A_111 : vector<1x16xf32> to vector<16xf32>
          %swap3A_113 = vector.shape_cast %mul3A_108 : vector<16xf32> to vector<1x16xf32>
          tpu.vector_store %arg16[%swap3A_109, %swap3A_110], %swap3A_113 {strides = array<i32>} : memref<128x64xf32, #tpu.memory_space<vmem>>, vector<1x16xf32>,
          %slice3A_114 = vector.extract_strided_slice %get3A_69 {offsets = [1], sizes = [1], strides = [1]} : vector<16xf32> to vector<1xf32>
          %squeeze3A_115 = vector.extract %slice3A_114[0] : f32 from vector<1xf32>
          %add3A_116 = arith.constant 1 : i32
          %add3A_117 = arith.addi %mul3A_66, %add3A_116 : i32
          %get3A_118 = arith.index_cast %add3A_117 : i32 to index
          %get3A_119 = arith.constant 0 : index
          %get3A_120 = tpu.vector_load %arg16[%get3A_118, %get3A_119] {strides = array<i32>} : memref<128x64xf32, #tpu.memory_space<vmem>>, vector<1x16xf32>,
          %get3A_121 = vector.shape_cast %get3A_120 : vector<1x16xf32> to vector<16xf32>
          %mul3A_122 = vector.broadcast %squeeze3A_115 : f32 to vector<16xf32>
          %mul3A_123 = arith.mulf %get3A_121, %mul3A_122 : vector<16xf32>
          %swap3A_124 = arith.index_cast %add3A_117 : i32 to index
          %swap3A_125 = arith.constant 0 : index
          %swap3A_126 = tpu.vector_load %arg16[%swap3A_124, %swap3A_125] {strides = array<i32>} : memref<128x64xf32, #tpu.memory_space<vmem>>, vector<1x16xf32>,
          %swap3A_127 = vector.shape_cast %swap3A_126 : vector<1x16xf32> to vector<16xf32>
          %swap3A_128 = vector.shape_cast %mul3A_123 : vector<16xf32> to vector<1x16xf32>
          tpu.vector_store %arg16[%swap3A_124, %swap3A_125], %swap3A_128 {strides = array<i32>} : memref<128x64xf32, #tpu.memory_space<vmem>>, vector<1x16xf32>,
          %get3A_129 = arith.index_cast %add3A_117 : i32 to index
          %get3A_130 = arith.constant 16 : index
          %get3A_131 = tpu.vector_load %arg16[%get3A_129, %get3A_130] {strides = array<i32>} : memref<128x64xf32, #tpu.memory_space<vmem>>, vector<1x16xf32>,
          %get3A_132 = vector.shape_cast %get3A_131 : vector<1x16xf32> to vector<16xf32>
          %mul3A_133 = vector.broadcast %squeeze3A_115 : f32 to vector<16xf32>
          %mul3A_134 = arith.mulf %get3A_132, %mul3A_133 : vector<16xf32>
          %swap3A_135 = arith.index_cast %add3A_117 : i32 to index
          %swap3A_136 = arith.constant 16 : index
          %swap3A_137 = tpu.vector_load %arg16[%swap3A_135, %swap3A_136] {strides = array<i32>} : memref<128x64xf32, #tpu.memory_space<vmem>>, vector<1x16xf32>,
          %swap3A_138 = vector.shape_cast %swap3A_137 : vector<1x16xf32> to vector<16xf32>
          %swap3A_139 = vector.shape_cast %mul3A_134 : vector<16xf32> to vector<1x16xf32>
          tpu.vector_store %arg16[%swap3A_135, %swap3A_136], %swap3A_139 {strides = array<i32>} : memref<128x64xf32, #tpu.memory_space<vmem>>, vector<1x16xf32>,
          %get3A_140 = arith.index_cast %add3A_117 : i32 to index
          %get3A_141 = arith.constant 32 : index
          %get3A_142 = tpu.vector_load %arg16[%get3A_140, %get3A_141] {strides = array<i32>} : memref<128x64xf32, #tpu.memory_space<vmem>>, vector<1x16xf32>,
          %get3A_143 = vector.shape_cast %get3A_142 : vector<1x16xf32> to vector<16xf32>
          %mul3A_144 = vector.broadcast %squeeze3A_115 : f32 to vector<16xf32>
          %mul3A_145 = arith.mulf %get3A_143, %mul3A_144 : vector<16xf32>
          %swap3A_146 = arith.index_cast %add3A_117 : i32 to index
          %swap3A_147 = arith.constant 32 : index
          %swap3A_148 = tpu.vector_load %arg16[%swap3A_146, %swap3A_147] {strides = array<i32>} : memref<128x64xf32, #tpu.memory_space<vmem>>, vector<1x16xf32>,
          %swap3A_149 = vector.shape_cast %swap3A_148 : vector<1x16xf32> to vector<16xf32>
          %swap3A_150 = vector.shape_cast %mul3A_145 : vector<16xf32> to vector<1x16xf32>
          tpu.vector_store %arg16[%swap3A_146, %swap3A_147], %swap3A_150 {strides = array<i32>} : memref<128x64xf32, #tpu.memory_space<vmem>>, vector<1x16xf32>,
          %get3A_151 = arith.index_cast %add3A_117 : i32 to index
          %get3A_152 = arith.constant 48 : index
          %get3A_153 = tpu.vector_load %arg16[%get3A_151, %get3A_152] {strides = array<i32>} : memref<128x64xf32, #tpu.memory_space<vmem>>, vector<1x16xf32>,
          %get3A_154 = vector.shape_cast %get3A_153 : vector<1x16xf32> to vector<16xf32>
          %mul3A_155 = vector.broadcast %squeeze3A_115 : f32 to vector<16xf32>
          %mul3A_156 = arith.mulf %get3A_154, %mul3A_155 : vector<16xf32>
          %swap3A_157 = arith.index_cast %add3A_117 : i32 to index
          %swap3A_158 = arith.constant 48 : index
          %swap3A_159 = tpu.vector_load %arg16[%swap3A_157, %swap3A_158] {strides = array<i32>} : memref<128x64xf32, #tpu.memory_space<vmem>>, vector<1x16xf32>,
          %swap3A_160 = vector.shape_cast %swap3A_159 : vector<1x16xf32> to vector<16xf32>
          %swap3A_161 = vector.shape_cast %mul3A_156 : vector<16xf32> to vector<1x16xf32>
          tpu.vector_store %arg16[%swap3A_157, %swap3A_158], %swap3A_161 {strides = array<i32>} : memref<128x64xf32, #tpu.memory_space<vmem>>, vector<1x16xf32>,
          %slice3A_162 = vector.extract_strided_slice %get3A_69 {offsets = [2], sizes = [1], strides = [1]} : vector<16xf32> to vector<1xf32>
          %squeeze3A_163 = vector.extract %slice3A_162[0] : f32 from vector<1xf32>
          %add3A_164 = arith.constant 2 : i32
          %add3A_165 = arith.addi %mul3A_66, %add3A_164 : i32
          %get3A_166 = arith.index_cast %add3A_165 : i32 to index
          %get3A_167 = arith.constant 0 : index
          %get3A_168 = tpu.vector_load %arg16[%get3A_166, %get3A_167] {strides = array<i32>} : memref<128x64xf32, #tpu.memory_space<vmem>>, vector<1x16xf32>,
          %get3A_169 = vector.shape_cast %get3A_168 : vector<1x16xf32> to vector<16xf32>
          %mul3A_170 = vector.broadcast %squeeze3A_163 : f32 to vector<16xf32>
          %mul3A_171 = arith.mulf %get3A_169, %mul3A_170 : vector<16xf32>
          %swap3A_172 = arith.index_cast %add3A_165 : i32 to index
          %swap3A_173 = arith.constant 0 : index
          %swap3A_174 = tpu.vector_load %arg16[%swap3A_172, %swap3A_173] {strides = array<i32>} : memref<128x64xf32, #tpu.memory_space<vmem>>, vector<1x16xf32>,
          %swap3A_175 = vector.shape_cast %swap3A_174 : vector<1x16xf32> to vector<16xf32>
          %swap3A_176 = vector.shape_cast %mul3A_171 : vector<16xf32> to vector<1x16xf32>
          tpu.vector_store %arg16[%swap3A_172, %swap3A_173], %swap3A_176 {strides = array<i32>} : memref<128x64xf32, #tpu.memory_space<vmem>>, vector<1x16xf32>,
          %get3A_177 = arith.index_cast %add3A_165 : i32 to index
          %get3A_178 = arith.constant 16 : index
          %get3A_179 = tpu.vector_load %arg16[%get3A_177, %get3A_178] {strides = array<i32>} : memref<128x64xf32, #tpu.memory_space<vmem>>, vector<1x16xf32>,
          %get3A_180 = vector.shape_cast %get3A_179 : vector<1x16xf32> to vector<16xf32>
          %mul3A_181 = vector.broadcast %squeeze3A_163 : f32 to vector<16xf32>
          %mul3A_182 = arith.mulf %get3A_180, %mul3A_181 : vector<16xf32>
          %swap3A_183 = arith.index_cast %add3A_165 : i32 to index
          %swap3A_184 = arith.constant 16 : index
          %swap3A_185 = tpu.vector_load %arg16[%swap3A_183, %swap3A_184] {strides = array<i32>} : memref<128x64xf32, #tpu.memory_space<vmem>>, vector<1x16xf32>,
          %swap3A_186 = vector.shape_cast %swap3A_185 : vector<1x16xf32> to vector<16xf32>
          %swap3A_187 = vector.shape_cast %mul3A_182 : vector<16xf32> to vector<1x16xf32>
          tpu.vector_store %arg16[%swap3A_183, %swap3A_184], %swap3A_187 {strides = array<i32>} : memref<128x64xf32, #tpu.memory_space<vmem>>, vector<1x16xf32>,
          %get3A_188 = arith.index_cast %add3A_165 : i32 to index
          %get3A_189 = arith.constant 32 : index
          %get3A_190 = tpu.vector_load %arg16[%get3A_188, %get3A_189] {strides = array<i32>} : memref<128x64xf32, #tpu.memory_space<vmem>>, vector<1x16xf32>,
          %get3A_191 = vector.shape_cast %get3A_190 : vector<1x16xf32> to vector<16xf32>
          %mul3A_192 = vector.broadcast %squeeze3A_163 : f32 to vector<16xf32>
          %mul3A_193 = arith.mulf %get3A_191, %mul3A_192 : vector<16xf32>
          %swap3A_194 = arith.index_cast %add3A_165 : i32 to index
          %swap3A_195 = arith.constant 32 : index
          %swap3A_196 = tpu.vector_load %arg16[%swap3A_194, %swap3A_195] {strides = array<i32>} : memref<128x64xf32, #tpu.memory_space<vmem>>, vector<1x16xf32>,
          %swap3A_197 = vector.shape_cast %swap3A_196 : vector<1x16xf32> to vector<16xf32>
          %swap3A_198 = vector.shape_cast %mul3A_193 : vector<16xf32> to vector<1x16xf32>
          tpu.vector_store %arg16[%swap3A_194, %swap3A_195], %swap3A_198 {strides = array<i32>} : memref<128x64xf32, #tpu.memory_space<vmem>>, vector<1x16xf32>,
          %get3A_199 = arith.index_cast %add3A_165 : i32 to index
          %get3A_200 = arith.constant 48 : index
          %get3A_201 = tpu.vector_load %arg16[%get3A_199, %get3A_200] {strides = array<i32>} : memref<128x64xf32, #tpu.memory_space<vmem>>, vector<1x16xf32>,
          %get3A_202 = vector.shape_cast %get3A_201 : vector<1x16xf32> to vector<16xf32>
          %mul3A_203 = vector.broadcast %squeeze3A_163 : f32 to vector<16xf32>
          %mul3A_204 = arith.mulf %get3A_202, %mul3A_203 : vector<16xf32>
          %swap3A_205 = arith.index_cast %add3A_165 : i32 to index
          %swap3A_206 = arith.constant 48 : index
          %swap3A_207 = tpu.vector_load %arg16[%swap3A_205, %swap3A_206] {strides = array<i32>} : memref<128x64xf32, #tpu.memory_space<vmem>>, vector<1x16xf32>,
          %swap3A_208 = vector.shape_cast %swap3A_207 : vector<1x16xf32> to vector<16xf32>
          %swap3A_209 = vector.shape_cast %mul3A_204 : vector<16xf32> to vector<1x16xf32>
          tpu.vector_store %arg16[%swap3A_205, %swap3A_206], %swap3A_209 {strides = array<i32>} : memref<128x64xf32, #tpu.memory_space<vmem>>, vector<1x16xf32>,
          %slice3A_210 = vector.extract_strided_slice %get3A_69 {offsets = [3], sizes = [1], strides = [1]} : vector<16xf32> to vector<1xf32>
          %squeeze3A_211 = vector.extract %slice3A_210[0] : f32 from vector<1xf32>
          %add3A_212 = arith.constant 3 : i32
          %add3A_213 = arith.addi %mul3A_66, %add3A_212 : i32
          %get3A_214 = arith.index_cast %add3A_213 : i32 to index
          %get3A_215 = arith.constant 0 : index
          %get3A_216 = tpu.vector_load %arg16[%get3A_214, %get3A_215] {strides = array<i32>} : memref<128x64xf32, #tpu.memory_space<vmem>>, vector<1x16xf32>,
          %get3A_217 = vector.shape_cast %get3A_216 : vector<1x16xf32> to vector<16xf32>
          %mul3A_218 = vector.broadcast %squeeze3A_211 : f32 to vector<16xf32>
          %mul3A_219 = arith.mulf %get3A_217, %mul3A_218 : vector<16xf32>
          %swap3A_220 = arith.index_cast %add3A_213 : i32 to index
          %swap3A_221 = arith.constant 0 : index
          %swap3A_222 = tpu.vector_load %arg16[%swap3A_220, %swap3A_221] {strides = array<i32>} : memref<128x64xf32, #tpu.memory_space<vmem>>, vector<1x16xf32>,
          %swap3A_223 = vector.shape_cast %swap3A_222 : vector<1x16xf32> to vector<16xf32>
          %swap3A_224 = vector.shape_cast %mul3A_219 : vector<16xf32> to vector<1x16xf32>
          tpu.vector_store %arg16[%swap3A_220, %swap3A_221], %swap3A_224 {strides = array<i32>} : memref<128x64xf32, #tpu.memory_space<vmem>>, vector<1x16xf32>,
          %get3A_225 = arith.index_cast %add3A_213 : i32 to index
          %get3A_226 = arith.constant 16 : index
          %get3A_227 = tpu.vector_load %arg16[%get3A_225, %get3A_226] {strides = array<i32>} : memref<128x64xf32, #tpu.memory_space<vmem>>, vector<1x16xf32>,
          %get3A_228 = vector.shape_cast %get3A_227 : vector<1x16xf32> to vector<16xf32>
          %mul3A_229 = vector.broadcast %squeeze3A_211 : f32 to vector<16xf32>
          %mul3A_230 = arith.mulf %get3A_228, %mul3A_229 : vector<16xf32>
          %swap3A_231 = arith.index_cast %add3A_213 : i32 to index
          %swap3A_232 = arith.constant 16 : index
          %swap3A_233 = tpu.vector_load %arg16[%swap3A_231, %swap3A_232] {strides = array<i32>} : memref<128x64xf32, #tpu.memory_space<vmem>>, vector<1x16xf32>,
          %swap3A_234 = vector.shape_cast %swap3A_233 : vector<1x16xf32> to vector<16xf32>
          %swap3A_235 = vector.shape_cast %mul3A_230 : vector<16xf32> to vector<1x16xf32>
          tpu.vector_store %arg16[%swap3A_231, %swap3A_232], %swap3A_235 {strides = array<i32>} : memref<128x64xf32, #tpu.memory_space<vmem>>, vector<1x16xf32>,
          %get3A_236 = arith.index_cast %add3A_213 : i32 to index
          %get3A_237 = arith.constant 32 : index
          %get3A_238 = tpu.vector_load %arg16[%get3A_236, %get3A_237] {strides = array<i32>} : memref<128x64xf32, #tpu.memory_space<vmem>>, vector<1x16xf32>,
          %get3A_239 = vector.shape_cast %get3A_238 : vector<1x16xf32> to vector<16xf32>
          %mul3A_240 = vector.broadcast %squeeze3A_211 : f32 to vector<16xf32>
          %mul3A_241 = arith.mulf %get3A_239, %mul3A_240 : vector<16xf32>
          %swap3A_242 = arith.index_cast %add3A_213 : i32 to index
          %swap3A_243 = arith.constant 32 : index
          %swap3A_244 = tpu.vector_load %arg16[%swap3A_242, %swap3A_243] {strides = array<i32>} : memref<128x64xf32, #tpu.memory_space<vmem>>, vector<1x16xf32>,
          %swap3A_245 = vector.shape_cast %swap3A_244 : vector<1x16xf32> to vector<16xf32>
          %swap3A_246 = vector.shape_cast %mul3A_241 : vector<16xf32> to vector<1x16xf32>
          tpu.vector_store %arg16[%swap3A_242, %swap3A_243], %swap3A_246 {strides = array<i32>} : memref<128x64xf32, #tpu.memory_space<vmem>>, vector<1x16xf32>,
          %get3A_247 = arith.index_cast %add3A_213 : i32 to index
          %get3A_248 = arith.constant 48 : index
          %get3A_249 = tpu.vector_load %arg16[%get3A_247, %get3A_248] {strides = array<i32>} : memref<128x64xf32, #tpu.memory_space<vmem>>, vector<1x16xf32>,
          %get3A_250 = vector.shape_cast %get3A_249 : vector<1x16xf32> to vector<16xf32>
          %mul3A_251 = vector.broadcast %squeeze3A_211 : f32 to vector<16xf32>
          %mul3A_252 = arith.mulf %get3A_250, %mul3A_251 : vector<16xf32>
          %swap3A_253 = arith.index_cast %add3A_213 : i32 to index
          %swap3A_254 = arith.constant 48 : index
          %swap3A_255 = tpu.vector_load %arg16[%swap3A_253, %swap3A_254] {strides = array<i32>} : memref<128x64xf32, #tpu.memory_space<vmem>>, vector<1x16xf32>,
          %swap3A_256 = vector.shape_cast %swap3A_255 : vector<1x16xf32> to vector<16xf32>
          %swap3A_257 = vector.shape_cast %mul3A_252 : vector<16xf32> to vector<1x16xf32>
          tpu.vector_store %arg16[%swap3A_253, %swap3A_254], %swap3A_257 {strides = array<i32>} : memref<128x64xf32, #tpu.memory_space<vmem>>, vector<1x16xf32>,
          %slice3A_258 = vector.extract_strided_slice %get3A_69 {offsets = [4], sizes = [1], strides = [1]} : vector<16xf32> to vector<1xf32>
          %squeeze3A_259 = vector.extract %slice3A_258[0] : f32 from vector<1xf32>
          %add3A_260 = arith.constant 4 : i32
          %add3A_261 = arith.addi %mul3A_66, %add3A_260 : i32
          %get3A_262 = arith.index_cast %add3A_261 : i32 to index
          %get3A_263 = arith.constant 0 : index
          %get3A_264 = tpu.vector_load %arg16[%get3A_262, %get3A_263] {strides = array<i32>} : memref<128x64xf32, #tpu.memory_space<vmem>>, vector<1x16xf32>,
          %get3A_265 = vector.shape_cast %get3A_264 : vector<1x16xf32> to vector<16xf32>
          %mul3A_266 = vector.broadcast %squeeze3A_259 : f32 to vector<16xf32>
          %mul3A_267 = arith.mulf %get3A_265, %mul3A_266 : vector<16xf32>
          %swap3A_268 = arith.index_cast %add3A_261 : i32 to index
          %swap3A_269 = arith.constant 0 : index
          %swap3A_270 = tpu.vector_load %arg16[%swap3A_268, %swap3A_269] {strides = array<i32>} : memref<128x64xf32, #tpu.memory_space<vmem>>, vector<1x16xf32>,
          %swap3A_271 = vector.shape_cast %swap3A_270 : vector<1x16xf32> to vector<16xf32>
          %swap3A_272 = vector.shape_cast %mul3A_267 : vector<16xf32> to vector<1x16xf32>
          tpu.vector_store %arg16[%swap3A_268, %swap3A_269], %swap3A_272 {strides = array<i32>} : memref<128x64xf32, #tpu.memory_space<vmem>>, vector<1x16xf32>,
          %get3A_273 = arith.index_cast %add3A_261 : i32 to index
          %get3A_274 = arith.constant 16 : index
          %get3A_275 = tpu.vector_load %arg16[%get3A_273, %get3A_274] {strides = array<i32>} : memref<128x64xf32, #tpu.memory_space<vmem>>, vector<1x16xf32>,
          %get3A_276 = vector.shape_cast %get3A_275 : vector<1x16xf32> to vector<16xf32>
          %mul3A_277 = vector.broadcast %squeeze3A_259 : f32 to vector<16xf32>
          %mul3A_278 = arith.mulf %get3A_276, %mul3A_277 : vector<16xf32>
          %swap3A_279 = arith.index_cast %add3A_261 : i32 to index
          %swap3A_280 = arith.constant 16 : index
          %swap3A_281 = tpu.vector_load %arg16[%swap3A_279, %swap3A_280] {strides = array<i32>} : memref<128x64xf32, #tpu.memory_space<vmem>>, vector<1x16xf32>,
          %swap3A_282 = vector.shape_cast %swap3A_281 : vector<1x16xf32> to vector<16xf32>
          %swap3A_283 = vector.shape_cast %mul3A_278 : vector<16xf32> to vector<1x16xf32>
          tpu.vector_store %arg16[%swap3A_279, %swap3A_280], %swap3A_283 {strides = array<i32>} : memref<128x64xf32, #tpu.memory_space<vmem>>, vector<1x16xf32>,
          %get3A_284 = arith.index_cast %add3A_261 : i32 to index
          %get3A_285 = arith.constant 32 : index
          %get3A_286 = tpu.vector_load %arg16[%get3A_284, %get3A_285] {strides = array<i32>} : memref<128x64xf32, #tpu.memory_space<vmem>>, vector<1x16xf32>,
          %get3A_287 = vector.shape_cast %get3A_286 : vector<1x16xf32> to vector<16xf32>
          %mul3A_288 = vector.broadcast %squeeze3A_259 : f32 to vector<16xf32>
          %mul3A_289 = arith.mulf %get3A_287, %mul3A_288 : vector<16xf32>
          %swap3A_290 = arith.index_cast %add3A_261 : i32 to index
          %swap3A_291 = arith.constant 32 : index
          %swap3A_292 = tpu.vector_load %arg16[%swap3A_290, %swap3A_291] {strides = array<i32>} : memref<128x64xf32, #tpu.memory_space<vmem>>, vector<1x16xf32>,
          %swap3A_293 = vector.shape_cast %swap3A_292 : vector<1x16xf32> to vector<16xf32>
          %swap3A_294 = vector.shape_cast %mul3A_289 : vector<16xf32> to vector<1x16xf32>
          tpu.vector_store %arg16[%swap3A_290, %swap3A_291], %swap3A_294 {strides = array<i32>} : memref<128x64xf32, #tpu.memory_space<vmem>>, vector<1x16xf32>,
          %get3A_295 = arith.index_cast %add3A_261 : i32 to index
          %get3A_296 = arith.constant 48 : index
          %get3A_297 = tpu.vector_load %arg16[%get3A_295, %get3A_296] {strides = array<i32>} : memref<128x64xf32, #tpu.memory_space<vmem>>, vector<1x16xf32>,
          %get3A_298 = vector.shape_cast %get3A_297 : vector<1x16xf32> to vector<16xf32>
          %mul3A_299 = vector.broadcast %squeeze3A_259 : f32 to vector<16xf32>
          %mul3A_300 = arith.mulf %get3A_298, %mul3A_299 : vector<16xf32>
          %swap3A_301 = arith.index_cast %add3A_261 : i32 to index
          %swap3A_302 = arith.constant 48 : index
          %swap3A_303 = tpu.vector_load %arg16[%swap3A_301, %swap3A_302] {strides = array<i32>} : memref<128x64xf32, #tpu.memory_space<vmem>>, vector<1x16xf32>,
          %swap3A_304 = vector.shape_cast %swap3A_303 : vector<1x16xf32> to vector<16xf32>
          %swap3A_305 = vector.shape_cast %mul3A_300 : vector<16xf32> to vector<1x16xf32>
          tpu.vector_store %arg16[%swap3A_301, %swap3A_302], %swap3A_305 {strides = array<i32>} : memref<128x64xf32, #tpu.memory_space<vmem>>, vector<1x16xf32>,
          %slice3A_306 = vector.extract_strided_slice %get3A_69 {offsets = [5], sizes = [1], strides = [1]} : vector<16xf32> to vector<1xf32>
          %squeeze3A_307 = vector.extract %slice3A_306[0] : f32 from vector<1xf32>
          %add3A_308 = arith.constant 5 : i32
          %add3A_309 = arith.addi %mul3A_66, %add3A_308 : i32
          %get3A_310 = arith.index_cast %add3A_309 : i32 to index
          %get3A_311 = arith.constant 0 : index
          %get3A_312 = tpu.vector_load %arg16[%get3A_310, %get3A_311] {strides = array<i32>} : memref<128x64xf32, #tpu.memory_space<vmem>>, vector<1x16xf32>,
          %get3A_313 = vector.shape_cast %get3A_312 : vector<1x16xf32> to vector<16xf32>
          %mul3A_314 = vector.broadcast %squeeze3A_307 : f32 to vector<16xf32>
          %mul3A_315 = arith.mulf %get3A_313, %mul3A_314 : vector<16xf32>
          %swap3A_316 = arith.index_cast %add3A_309 : i32 to index
          %swap3A_317 = arith.constant 0 : index
          %swap3A_318 = tpu.vector_load %arg16[%swap3A_316, %swap3A_317] {strides = array<i32>} : memref<128x64xf32, #tpu.memory_space<vmem>>, vector<1x16xf32>,
          %swap3A_319 = vector.shape_cast %swap3A_318 : vector<1x16xf32> to vector<16xf32>
          %swap3A_320 = vector.shape_cast %mul3A_315 : vector<16xf32> to vector<1x16xf32>
          tpu.vector_store %arg16[%swap3A_316, %swap3A_317], %swap3A_320 {strides = array<i32>} : memref<128x64xf32, #tpu.memory_space<vmem>>, vector<1x16xf32>,
          %get3A_321 = arith.index_cast %add3A_309 : i32 to index
          %get3A_322 = arith.constant 16 : index
          %get3A_323 = tpu.vector_load %arg16[%get3A_321, %get3A_322] {strides = array<i32>} : memref<128x64xf32, #tpu.memory_space<vmem>>, vector<1x16xf32>,
          %get3A_324 = vector.shape_cast %get3A_323 : vector<1x16xf32> to vector<16xf32>
          %mul3A_325 = vector.broadcast %squeeze3A_307 : f32 to vector<16xf32>
          %mul3A_326 = arith.mulf %get3A_324, %mul3A_325 : vector<16xf32>
          %swap3A_327 = arith.index_cast %add3A_309 : i32 to index
          %swap3A_328 = arith.constant 16 : index
          %swap3A_329 = tpu.vector_load %arg16[%swap3A_327, %swap3A_328] {strides = array<i32>} : memref<128x64xf32, #tpu.memory_space<vmem>>, vector<1x16xf32>,
          %swap3A_330 = vector.shape_cast %swap3A_329 : vector<1x16xf32> to vector<16xf32>
          %swap3A_331 = vector.shape_cast %mul3A_326 : vector<16xf32> to vector<1x16xf32>
          tpu.vector_store %arg16[%swap3A_327, %swap3A_328], %swap3A_331 {strides = array<i32>} : memref<128x64xf32, #tpu.memory_space<vmem>>, vector<1x16xf32>,
          %get3A_332 = arith.index_cast %add3A_309 : i32 to index
          %get3A_333 = arith.constant 32 : index
          %get3A_334 = tpu.vector_load %arg16[%get3A_332, %get3A_333] {strides = array<i32>} : memref<128x64xf32, #tpu.memory_space<vmem>>, vector<1x16xf32>,
          %get3A_335 = vector.shape_cast %get3A_334 : vector<1x16xf32> to vector<16xf32>
          %mul3A_336 = vector.broadcast %squeeze3A_307 : f32 to vector<16xf32>
          %mul3A_337 = arith.mulf %get3A_335, %mul3A_336 : vector<16xf32>
          %swap3A_338 = arith.index_cast %add3A_309 : i32 to index
          %swap3A_339 = arith.constant 32 : index
          %swap3A_340 = tpu.vector_load %arg16[%swap3A_338, %swap3A_339] {strides = array<i32>} : memref<128x64xf32, #tpu.memory_space<vmem>>, vector<1x16xf32>,
          %swap3A_341 = vector.shape_cast %swap3A_340 : vector<1x16xf32> to vector<16xf32>
          %swap3A_342 = vector.shape_cast %mul3A_337 : vector<16xf32> to vector<1x16xf32>
          tpu.vector_store %arg16[%swap3A_338, %swap3A_339], %swap3A_342 {strides = array<i32>} : memref<128x64xf32, #tpu.memory_space<vmem>>, vector<1x16xf32>,
          %get3A_343 = arith.index_cast %add3A_309 : i32 to index
          %get3A_344 = arith.constant 48 : index
          %get3A_345 = tpu.vector_load %arg16[%get3A_343, %get3A_344] {strides = array<i32>} : memref<128x64xf32, #tpu.memory_space<vmem>>, vector<1x16xf32>,
          %get3A_346 = vector.shape_cast %get3A_345 : vector<1x16xf32> to vector<16xf32>
          %mul3A_347 = vector.broadcast %squeeze3A_307 : f32 to vector<16xf32>
          %mul3A_348 = arith.mulf %get3A_346, %mul3A_347 : vector<16xf32>
          %swap3A_349 = arith.index_cast %add3A_309 : i32 to index
          %swap3A_350 = arith.constant 48 : index
          %swap3A_351 = tpu.vector_load %arg16[%swap3A_349, %swap3A_350] {strides = array<i32>} : memref<128x64xf32, #tpu.memory_space<vmem>>, vector<1x16xf32>,
          %swap3A_352 = vector.shape_cast %swap3A_351 : vector<1x16xf32> to vector<16xf32>
          %swap3A_353 = vector.shape_cast %mul3A_348 : vector<16xf32> to vector<1x16xf32>
          tpu.vector_store %arg16[%swap3A_349, %swap3A_350], %swap3A_353 {strides = array<i32>} : memref<128x64xf32, #tpu.memory_space<vmem>>, vector<1x16xf32>,
          %slice3A_354 = vector.extract_strided_slice %get3A_69 {offsets = [6], sizes = [1], strides = [1]} : vector<16xf32> to vector<1xf32>
          %squeeze3A_355 = vector.extract %slice3A_354[0] : f32 from vector<1xf32>
          %add3A_356 = arith.constant 6 : i32
          %add3A_357 = arith.addi %mul3A_66, %add3A_356 : i32
          %get3A_358 = arith.index_cast %add3A_357 : i32 to index
          %get3A_359 = arith.constant 0 : index
          %get3A_360 = tpu.vector_load %arg16[%get3A_358, %get3A_359] {strides = array<i32>} : memref<128x64xf32, #tpu.memory_space<vmem>>, vector<1x16xf32>,
          %get3A_361 = vector.shape_cast %get3A_360 : vector<1x16xf32> to vector<16xf32>
          %mul3A_362 = vector.broadcast %squeeze3A_355 : f32 to vector<16xf32>
          %mul3A_363 = arith.mulf %get3A_361, %mul3A_362 : vector<16xf32>
          %swap3A_364 = arith.index_cast %add3A_357 : i32 to index
          %swap3A_365 = arith.constant 0 : index
          %swap3A_366 = tpu.vector_load %arg16[%swap3A_364, %swap3A_365] {strides = array<i32>} : memref<128x64xf32, #tpu.memory_space<vmem>>, vector<1x16xf32>,
          %swap3A_367 = vector.shape_cast %swap3A_366 : vector<1x16xf32> to vector<16xf32>
          %swap3A_368 = vector.shape_cast %mul3A_363 : vector<16xf32> to vector<1x16xf32>
          tpu.vector_store %arg16[%swap3A_364, %swap3A_365], %swap3A_368 {strides = array<i32>} : memref<128x64xf32, #tpu.memory_space<vmem>>, vector<1x16xf32>,
          %get3A_369 = arith.index_cast %add3A_357 : i32 to index
          %get3A_370 = arith.constant 16 : index
          %get3A_371 = tpu.vector_load %arg16[%get3A_369, %get3A_370] {strides = array<i32>} : memref<128x64xf32, #tpu.memory_space<vmem>>, vector<1x16xf32>,
          %get3A_372 = vector.shape_cast %get3A_371 : vector<1x16xf32> to vector<16xf32>
          %mul3A_373 = vector.broadcast %squeeze3A_355 : f32 to vector<16xf32>
          %mul3A_374 = arith.mulf %get3A_372, %mul3A_373 : vector<16xf32>
          %swap3A_375 = arith.index_cast %add3A_357 : i32 to index
          %swap3A_376 = arith.constant 16 : index
          %swap3A_377 = tpu.vector_load %arg16[%swap3A_375, %swap3A_376] {strides = array<i32>} : memref<128x64xf32, #tpu.memory_space<vmem>>, vector<1x16xf32>,
          %swap3A_378 = vector.shape_cast %swap3A_377 : vector<1x16xf32> to vector<16xf32>
          %swap3A_379 = vector.shape_cast %mul3A_374 : vector<16xf32> to vector<1x16xf32>
          tpu.vector_store %arg16[%swap3A_375, %swap3A_376], %swap3A_379 {strides = array<i32>} : memref<128x64xf32, #tpu.memory_space<vmem>>, vector<1x16xf32>,
          %get3A_380 = arith.index_cast %add3A_357 : i32 to index
          %get3A_381 = arith.constant 32 : index
          %get3A_382 = tpu.vector_load %arg16[%get3A_380, %get3A_381] {strides = array<i32>} : memref<128x64xf32, #tpu.memory_space<vmem>>, vector<1x16xf32>,
          %get3A_383 = vector.shape_cast %get3A_382 : vector<1x16xf32> to vector<16xf32>
          %mul3A_384 = vector.broadcast %squeeze3A_355 : f32 to vector<16xf32>
          %mul3A_385 = arith.mulf %get3A_383, %mul3A_384 : vector<16xf32>
          %swap3A_386 = arith.index_cast %add3A_357 : i32 to index
          %swap3A_387 = arith.constant 32 : index
          %swap3A_388 = tpu.vector_load %arg16[%swap3A_386, %swap3A_387] {strides = array<i32>} : memref<128x64xf32, #tpu.memory_space<vmem>>, vector<1x16xf32>,
          %swap3A_389 = vector.shape_cast %swap3A_388 : vector<1x16xf32> to vector<16xf32>
          %swap3A_390 = vector.shape_cast %mul3A_385 : vector<16xf32> to vector<1x16xf32>
          tpu.vector_store %arg16[%swap3A_386, %swap3A_387], %swap3A_390 {strides = array<i32>} : memref<128x64xf32, #tpu.memory_space<vmem>>, vector<1x16xf32>,
          %get3A_391 = arith.index_cast %add3A_357 : i32 to index
          %get3A_392 = arith.constant 48 : index
          %get3A_393 = tpu.vector_load %arg16[%get3A_391, %get3A_392] {strides = array<i32>} : memref<128x64xf32, #tpu.memory_space<vmem>>, vector<1x16xf32>,
          %get3A_394 = vector.shape_cast %get3A_393 : vector<1x16xf32> to vector<16xf32>
          %mul3A_395 = vector.broadcast %squeeze3A_355 : f32 to vector<16xf32>
          %mul3A_396 = arith.mulf %get3A_394, %mul3A_395 : vector<16xf32>
          %swap3A_397 = arith.index_cast %add3A_357 : i32 to index
          %swap3A_398 = arith.constant 48 : index
          %swap3A_399 = tpu.vector_load %arg16[%swap3A_397, %swap3A_398] {strides = array<i32>} : memref<128x64xf32, #tpu.memory_space<vmem>>, vector<1x16xf32>,
          %swap3A_400 = vector.shape_cast %swap3A_399 : vector<1x16xf32> to vector<16xf32>
          %swap3A_401 = vector.shape_cast %mul3A_396 : vector<16xf32> to vector<1x16xf32>
          tpu.vector_store %arg16[%swap3A_397, %swap3A_398], %swap3A_401 {strides = array<i32>} : memref<128x64xf32, #tpu.memory_space<vmem>>, vector<1x16xf32>,
          %slice3A_402 = vector.extract_strided_slice %get3A_69 {offsets = [7], sizes = [1], strides = [1]} : vector<16xf32> to vector<1xf32>
          %squeeze3A_403 = vector.extract %slice3A_402[0] : f32 from vector<1xf32>
          %add3A_404 = arith.constant 7 : i32
          %add3A_405 = arith.addi %mul3A_66, %add3A_404 : i32
          %get3A_406 = arith.index_cast %add3A_405 : i32 to index
          %get3A_407 = arith.constant 0 : index
          %get3A_408 = tpu.vector_load %arg16[%get3A_406, %get3A_407] {strides = array<i32>} : memref<128x64xf32, #tpu.memory_space<vmem>>, vector<1x16xf32>,
          %get3A_409 = vector.shape_cast %get3A_408 : vector<1x16xf32> to vector<16xf32>
          %mul3A_410 = vector.broadcast %squeeze3A_403 : f32 to vector<16xf32>
          %mul3A_411 = arith.mulf %get3A_409, %mul3A_410 : vector<16xf32>
          %swap3A_412 = arith.index_cast %add3A_405 : i32 to index
          %swap3A_413 = arith.constant 0 : index
          %swap3A_414 = tpu.vector_load %arg16[%swap3A_412, %swap3A_413] {strides = array<i32>} : memref<128x64xf32, #tpu.memory_space<vmem>>, vector<1x16xf32>,
          %swap3A_415 = vector.shape_cast %swap3A_414 : vector<1x16xf32> to vector<16xf32>
          %swap3A_416 = vector.shape_cast %mul3A_411 : vector<16xf32> to vector<1x16xf32>
          tpu.vector_store %arg16[%swap3A_412, %swap3A_413], %swap3A_416 {strides = array<i32>} : memref<128x64xf32, #tpu.memory_space<vmem>>, vector<1x16xf32>,
          %get3A_417 = arith.index_cast %add3A_405 : i32 to index
          %get3A_418 = arith.constant 16 : index
          %get3A_419 = tpu.vector_load %arg16[%get3A_417, %get3A_418] {strides = array<i32>} : memref<128x64xf32, #tpu.memory_space<vmem>>, vector<1x16xf32>,
          %get3A_420 = vector.shape_cast %get3A_419 : vector<1x16xf32> to vector<16xf32>
          %mul3A_421 = vector.broadcast %squeeze3A_403 : f32 to vector<16xf32>
          %mul3A_422 = arith.mulf %get3A_420, %mul3A_421 : vector<16xf32>
          %swap3A_423 = arith.index_cast %add3A_405 : i32 to index
          %swap3A_424 = arith.constant 16 : index
          %swap3A_425 = tpu.vector_load %arg16[%swap3A_423, %swap3A_424] {strides = array<i32>} : memref<128x64xf32, #tpu.memory_space<vmem>>, vector<1x16xf32>,
          %swap3A_426 = vector.shape_cast %swap3A_425 : vector<1x16xf32> to vector<16xf32>
          %swap3A_427 = vector.shape_cast %mul3A_422 : vector<16xf32> to vector<1x16xf32>
          tpu.vector_store %arg16[%swap3A_423, %swap3A_424], %swap3A_427 {strides = array<i32>} : memref<128x64xf32, #tpu.memory_space<vmem>>, vector<1x16xf32>,
          %get3A_428 = arith.index_cast %add3A_405 : i32 to index
          %get3A_429 = arith.constant 32 : index
          %get3A_430 = tpu.vector_load %arg16[%get3A_428, %get3A_429] {strides = array<i32>} : memref<128x64xf32, #tpu.memory_space<vmem>>, vector<1x16xf32>,
          %get3A_431 = vector.shape_cast %get3A_430 : vector<1x16xf32> to vector<16xf32>
          %mul3A_432 = vector.broadcast %squeeze3A_403 : f32 to vector<16xf32>
          %mul3A_433 = arith.mulf %get3A_431, %mul3A_432 : vector<16xf32>
          %swap3A_434 = arith.index_cast %add3A_405 : i32 to index
          %swap3A_435 = arith.constant 32 : index
          %swap3A_436 = tpu.vector_load %arg16[%swap3A_434, %swap3A_435] {strides = array<i32>} : memref<128x64xf32, #tpu.memory_space<vmem>>, vector<1x16xf32>,
          %swap3A_437 = vector.shape_cast %swap3A_436 : vector<1x16xf32> to vector<16xf32>
          %swap3A_438 = vector.shape_cast %mul3A_433 : vector<16xf32> to vector<1x16xf32>
          tpu.vector_store %arg16[%swap3A_434, %swap3A_435], %swap3A_438 {strides = array<i32>} : memref<128x64xf32, #tpu.memory_space<vmem>>, vector<1x16xf32>,
          %get3A_439 = arith.index_cast %add3A_405 : i32 to index
          %get3A_440 = arith.constant 48 : index
          %get3A_441 = tpu.vector_load %arg16[%get3A_439, %get3A_440] {strides = array<i32>} : memref<128x64xf32, #tpu.memory_space<vmem>>, vector<1x16xf32>,
          %get3A_442 = vector.shape_cast %get3A_441 : vector<1x16xf32> to vector<16xf32>
          %mul3A_443 = vector.broadcast %squeeze3A_403 : f32 to vector<16xf32>
          %mul3A_444 = arith.mulf %get3A_442, %mul3A_443 : vector<16xf32>
          %swap3A_445 = arith.index_cast %add3A_405 : i32 to index
          %swap3A_446 = arith.constant 48 : index
          %swap3A_447 = tpu.vector_load %arg16[%swap3A_445, %swap3A_446] {strides = array<i32>} : memref<128x64xf32, #tpu.memory_space<vmem>>, vector<1x16xf32>,
          %swap3A_448 = vector.shape_cast %swap3A_447 : vector<1x16xf32> to vector<16xf32>
          %swap3A_449 = vector.shape_cast %mul3A_444 : vector<16xf32> to vector<1x16xf32>
          tpu.vector_store %arg16[%swap3A_445, %swap3A_446], %swap3A_449 {strides = array<i32>} : memref<128x64xf32, #tpu.memory_space<vmem>>, vector<1x16xf32>,
          %slice3A_450 = vector.extract_strided_slice %get3A_69 {offsets = [8], sizes = [1], strides = [1]} : vector<16xf32> to vector<1xf32>
          %squeeze3A_451 = vector.extract %slice3A_450[0] : f32 from vector<1xf32>
          %add3A_452 = arith.constant 8 : i32
          %add3A_453 = arith.addi %mul3A_66, %add3A_452 : i32
          %get3A_454 = arith.index_cast %add3A_453 : i32 to index
          %get3A_455 = arith.constant 0 : index
          %get3A_456 = tpu.vector_load %arg16[%get3A_454, %get3A_455] {strides = array<i32>} : memref<128x64xf32, #tpu.memory_space<vmem>>, vector<1x16xf32>,
          %get3A_457 = vector.shape_cast %get3A_456 : vector<1x16xf32> to vector<16xf32>
          %mul3A_458 = vector.broadcast %squeeze3A_451 : f32 to vector<16xf32>
          %mul3A_459 = arith.mulf %get3A_457, %mul3A_458 : vector<16xf32>
          %swap3A_460 = arith.index_cast %add3A_453 : i32 to index
          %swap3A_461 = arith.constant 0 : index
          %swap3A_462 = tpu.vector_load %arg16[%swap3A_460, %swap3A_461] {strides = array<i32>} : memref<128x64xf32, #tpu.memory_space<vmem>>, vector<1x16xf32>,
          %swap3A_463 = vector.shape_cast %swap3A_462 : vector<1x16xf32> to vector<16xf32>
          %swap3A_464 = vector.shape_cast %mul3A_459 : vector<16xf32> to vector<1x16xf32>
          tpu.vector_store %arg16[%swap3A_460, %swap3A_461], %swap3A_464 {strides = array<i32>} : memref<128x64xf32, #tpu.memory_space<vmem>>, vector<1x16xf32>,
          %get3A_465 = arith.index_cast %add3A_453 : i32 to index
          %get3A_466 = arith.constant 16 : index
          %get3A_467 = tpu.vector_load %arg16[%get3A_465, %get3A_466] {strides = array<i32>} : memref<128x64xf32, #tpu.memory_space<vmem>>, vector<1x16xf32>,
          %get3A_468 = vector.shape_cast %get3A_467 : vector<1x16xf32> to vector<16xf32>
          %mul3A_469 = vector.broadcast %squeeze3A_451 : f32 to vector<16xf32>
          %mul3A_470 = arith.mulf %get3A_468, %mul3A_469 : vector<16xf32>
          %swap3A_471 = arith.index_cast %add3A_453 : i32 to index
          %swap3A_472 = arith.constant 16 : index
          %swap3A_473 = tpu.vector_load %arg16[%swap3A_471, %swap3A_472] {strides = array<i32>} : memref<128x64xf32, #tpu.memory_space<vmem>>, vector<1x16xf32>,
          %swap3A_474 = vector.shape_cast %swap3A_473 : vector<1x16xf32> to vector<16xf32>
          %swap3A_475 = vector.shape_cast %mul3A_470 : vector<16xf32> to vector<1x16xf32>
          tpu.vector_store %arg16[%swap3A_471, %swap3A_472], %swap3A_475 {strides = array<i32>} : memref<128x64xf32, #tpu.memory_space<vmem>>, vector<1x16xf32>,
          %get3A_476 = arith.index_cast %add3A_453 : i32 to index
          %get3A_477 = arith.constant 32 : index
          %get3A_478 = tpu.vector_load %arg16[%get3A_476, %get3A_477] {strides = array<i32>} : memref<128x64xf32, #tpu.memory_space<vmem>>, vector<1x16xf32>,
          %get3A_479 = vector.shape_cast %get3A_478 : vector<1x16xf32> to vector<16xf32>
          %mul3A_480 = vector.broadcast %squeeze3A_451 : f32 to vector<16xf32>
          %mul3A_481 = arith.mulf %get3A_479, %mul3A_480 : vector<16xf32>
          %swap3A_482 = arith.index_cast %add3A_453 : i32 to index
          %swap3A_483 = arith.constant 32 : index
          %swap3A_484 = tpu.vector_load %arg16[%swap3A_482, %swap3A_483] {strides = array<i32>} : memref<128x64xf32, #tpu.memory_space<vmem>>, vector<1x16xf32>,
          %swap3A_485 = vector.shape_cast %swap3A_484 : vector<1x16xf32> to vector<16xf32>
          %swap3A_486 = vector.shape_cast %mul3A_481 : vector<16xf32> to vector<1x16xf32>
          tpu.vector_store %arg16[%swap3A_482, %swap3A_483], %swap3A_486 {strides = array<i32>} : memref<128x64xf32, #tpu.memory_space<vmem>>, vector<1x16xf32>,
          %get3A_487 = arith.index_cast %add3A_453 : i32 to index
          %get3A_488 = arith.constant 48 : index
          %get3A_489 = tpu.vector_load %arg16[%get3A_487, %get3A_488] {strides = array<i32>} : memref<128x64xf32, #tpu.memory_space<vmem>>, vector<1x16xf32>,
          %get3A_490 = vector.shape_cast %get3A_489 : vector<1x16xf32> to vector<16xf32>
          %mul3A_491 = vector.broadcast %squeeze3A_451 : f32 to vector<16xf32>
          %mul3A_492 = arith.mulf %get3A_490, %mul3A_491 : vector<16xf32>
          %swap3A_493 = arith.index_cast %add3A_453 : i32 to index
          %swap3A_494 = arith.constant 48 : index
          %swap3A_495 = tpu.vector_load %arg16[%swap3A_493, %swap3A_494] {strides = array<i32>} : memref<128x64xf32, #tpu.memory_space<vmem>>, vector<1x16xf32>,
          %swap3A_496 = vector.shape_cast %swap3A_495 : vector<1x16xf32> to vector<16xf32>
          %swap3A_497 = vector.shape_cast %mul3A_492 : vector<16xf32> to vector<1x16xf32>
          tpu.vector_store %arg16[%swap3A_493, %swap3A_494], %swap3A_497 {strides = array<i32>} : memref<128x64xf32, #tpu.memory_space<vmem>>, vector<1x16xf32>,
          %slice3A_498 = vector.extract_strided_slice %get3A_69 {offsets = [9], sizes = [1], strides = [1]} : vector<16xf32> to vector<1xf32>
          %squeeze3A_499 = vector.extract %slice3A_498[0] : f32 from vector<1xf32>
          %add3A_500 = arith.constant 9 : i32
          %add3A_501 = arith.addi %mul3A_66, %add3A_500 : i32
          %get3A_502 = arith.index_cast %add3A_501 : i32 to index
          %get3A_503 = arith.constant 0 : index
          %get3A_504 = tpu.vector_load %arg16[%get3A_502, %get3A_503] {strides = array<i32>} : memref<128x64xf32, #tpu.memory_space<vmem>>, vector<1x16xf32>,
          %get3A_505 = vector.shape_cast %get3A_504 : vector<1x16xf32> to vector<16xf32>
          %mul3A_506 = vector.broadcast %squeeze3A_499 : f32 to vector<16xf32>
          %mul3A_507 = arith.mulf %get3A_505, %mul3A_506 : vector<16xf32>
          %swap3A_508 = arith.index_cast %add3A_501 : i32 to index
          %swap3A_509 = arith.constant 0 : index
          %swap3A_510 = tpu.vector_load %arg16[%swap3A_508, %swap3A_509] {strides = array<i32>} : memref<128x64xf32, #tpu.memory_space<vmem>>, vector<1x16xf32>,
          %swap3A_511 = vector.shape_cast %swap3A_510 : vector<1x16xf32> to vector<16xf32>
          %swap3A_512 = vector.shape_cast %mul3A_507 : vector<16xf32> to vector<1x16xf32>
          tpu.vector_store %arg16[%swap3A_508, %swap3A_509], %swap3A_512 {strides = array<i32>} : memref<128x64xf32, #tpu.memory_space<vmem>>, vector<1x16xf32>,
          %get3A_513 = arith.index_cast %add3A_501 : i32 to index
          %get3A_514 = arith.constant 16 : index
          %get3A_515 = tpu.vector_load %arg16[%get3A_513, %get3A_514] {strides = array<i32>} : memref<128x64xf32, #tpu.memory_space<vmem>>, vector<1x16xf32>,
          %get3A_516 = vector.shape_cast %get3A_515 : vector<1x16xf32> to vector<16xf32>
          %mul3A_517 = vector.broadcast %squeeze3A_499 : f32 to vector<16xf32>
          %mul3A_518 = arith.mulf %get3A_516, %mul3A_517 : vector<16xf32>
          %swap3A_519 = arith.index_cast %add3A_501 : i32 to index
          %swap3A_520 = arith.constant 16 : index
          %swap3A_521 = tpu.vector_load %arg16[%swap3A_519, %swap3A_520] {strides = array<i32>} : memref<128x64xf32, #tpu.memory_space<vmem>>, vector<1x16xf32>,
          %swap3A_522 = vector.shape_cast %swap3A_521 : vector<1x16xf32> to vector<16xf32>
          %swap3A_523 = vector.shape_cast %mul3A_518 : vector<16xf32> to vector<1x16xf32>
          tpu.vector_store %arg16[%swap3A_519, %swap3A_520], %swap3A_523 {strides = array<i32>} : memref<128x64xf32, #tpu.memory_space<vmem>>, vector<1x16xf32>,
          %get3A_524 = arith.index_cast %add3A_501 : i32 to index
          %get3A_525 = arith.constant 32 : index
          %get3A_526 = tpu.vector_load %arg16[%get3A_524, %get3A_525] {strides = array<i32>} : memref<128x64xf32, #tpu.memory_space<vmem>>, vector<1x16xf32>,
          %get3A_527 = vector.shape_cast %get3A_526 : vector<1x16xf32> to vector<16xf32>
          %mul3A_528 = vector.broadcast %squeeze3A_499 : f32 to vector<16xf32>
          %mul3A_529 = arith.mulf %get3A_527, %mul3A_528 : vector<16xf32>
          %swap3A_530 = arith.index_cast %add3A_501 : i32 to index
          %swap3A_531 = arith.constant 32 : index
          %swap3A_532 = tpu.vector_load %arg16[%swap3A_530, %swap3A_531] {strides = array<i32>} : memref<128x64xf32, #tpu.memory_space<vmem>>, vector<1x16xf32>,
          %swap3A_533 = vector.shape_cast %swap3A_532 : vector<1x16xf32> to vector<16xf32>
          %swap3A_534 = vector.shape_cast %mul3A_529 : vector<16xf32> to vector<1x16xf32>
          tpu.vector_store %arg16[%swap3A_530, %swap3A_531], %swap3A_534 {strides = array<i32>} : memref<128x64xf32, #tpu.memory_space<vmem>>, vector<1x16xf32>,
          %get3A_535 = arith.index_cast %add3A_501 : i32 to index
          %get3A_536 = arith.constant 48 : index
          %get3A_537 = tpu.vector_load %arg16[%get3A_535, %get3A_536] {strides = array<i32>} : memref<128x64xf32, #tpu.memory_space<vmem>>, vector<1x16xf32>,
          %get3A_538 = vector.shape_cast %get3A_537 : vector<1x16xf32> to vector<16xf32>
          %mul3A_539 = vector.broadcast %squeeze3A_499 : f32 to vector<16xf32>
          %mul3A_540 = arith.mulf %get3A_538, %mul3A_539 : vector<16xf32>
          %swap3A_541 = arith.index_cast %add3A_501 : i32 to index
          %swap3A_542 = arith.constant 48 : index
          %swap3A_543 = tpu.vector_load %arg16[%swap3A_541, %swap3A_542] {strides = array<i32>} : memref<128x64xf32, #tpu.memory_space<vmem>>, vector<1x16xf32>,
          %swap3A_544 = vector.shape_cast %swap3A_543 : vector<1x16xf32> to vector<16xf32>
          %swap3A_545 = vector.shape_cast %mul3A_540 : vector<16xf32> to vector<1x16xf32>
          tpu.vector_store %arg16[%swap3A_541, %swap3A_542], %swap3A_545 {strides = array<i32>} : memref<128x64xf32, #tpu.memory_space<vmem>>, vector<1x16xf32>,
          %slice3A_546 = vector.extract_strided_slice %get3A_69 {offsets = [10], sizes = [1], strides = [1]} : vector<16xf32> to vector<1xf32>
          %squeeze3A_547 = vector.extract %slice3A_546[0] : f32 from vector<1xf32>
          %add3A_548 = arith.constant 10 : i32
          %add3A_549 = arith.addi %mul3A_66, %add3A_548 : i32
          %get3A_550 = arith.index_cast %add3A_549 : i32 to index
          %get3A_551 = arith.constant 0 : index
          %get3A_552 = tpu.vector_load %arg16[%get3A_550, %get3A_551] {strides = array<i32>} : memref<128x64xf32, #tpu.memory_space<vmem>>, vector<1x16xf32>,
          %get3A_553 = vector.shape_cast %get3A_552 : vector<1x16xf32> to vector<16xf32>
          %mul3A_554 = vector.broadcast %squeeze3A_547 : f32 to vector<16xf32>
          %mul3A_555 = arith.mulf %get3A_553, %mul3A_554 : vector<16xf32>
          %swap3A_556 = arith.index_cast %add3A_549 : i32 to index
          %swap3A_557 = arith.constant 0 : index
          %swap3A_558 = tpu.vector_load %arg16[%swap3A_556, %swap3A_557] {strides = array<i32>} : memref<128x64xf32, #tpu.memory_space<vmem>>, vector<1x16xf32>,
          %swap3A_559 = vector.shape_cast %swap3A_558 : vector<1x16xf32> to vector<16xf32>
          %swap3A_560 = vector.shape_cast %mul3A_555 : vector<16xf32> to vector<1x16xf32>
          tpu.vector_store %arg16[%swap3A_556, %swap3A_557], %swap3A_560 {strides = array<i32>} : memref<128x64xf32, #tpu.memory_space<vmem>>, vector<1x16xf32>,
          %get3A_561 = arith.index_cast %add3A_549 : i32 to index
          %get3A_562 = arith.constant 16 : index
          %get3A_563 = tpu.vector_load %arg16[%get3A_561, %get3A_562] {strides = array<i32>} : memref<128x64xf32, #tpu.memory_space<vmem>>, vector<1x16xf32>,
          %get3A_564 = vector.shape_cast %get3A_563 : vector<1x16xf32> to vector<16xf32>
          %mul3A_565 = vector.broadcast %squeeze3A_547 : f32 to vector<16xf32>
          %mul3A_566 = arith.mulf %get3A_564, %mul3A_565 : vector<16xf32>
          %swap3A_567 = arith.index_cast %add3A_549 : i32 to index
          %swap3A_568 = arith.constant 16 : index
          %swap3A_569 = tpu.vector_load %arg16[%swap3A_567, %swap3A_568] {strides = array<i32>} : memref<128x64xf32, #tpu.memory_space<vmem>>, vector<1x16xf32>,
          %swap3A_570 = vector.shape_cast %swap3A_569 : vector<1x16xf32> to vector<16xf32>
          %swap3A_571 = vector.shape_cast %mul3A_566 : vector<16xf32> to vector<1x16xf32>
          tpu.vector_store %arg16[%swap3A_567, %swap3A_568], %swap3A_571 {strides = array<i32>} : memref<128x64xf32, #tpu.memory_space<vmem>>, vector<1x16xf32>,
          %get3A_572 = arith.index_cast %add3A_549 : i32 to index
          %get3A_573 = arith.constant 32 : index
          %get3A_574 = tpu.vector_load %arg16[%get3A_572, %get3A_573] {strides = array<i32>} : memref<128x64xf32, #tpu.memory_space<vmem>>, vector<1x16xf32>,
          %get3A_575 = vector.shape_cast %get3A_574 : vector<1x16xf32> to vector<16xf32>
          %mul3A_576 = vector.broadcast %squeeze3A_547 : f32 to vector<16xf32>
          %mul3A_577 = arith.mulf %get3A_575, %mul3A_576 : vector<16xf32>
          %swap3A_578 = arith.index_cast %add3A_549 : i32 to index
          %swap3A_579 = arith.constant 32 : index
          %swap3A_580 = tpu.vector_load %arg16[%swap3A_578, %swap3A_579] {strides = array<i32>} : memref<128x64xf32, #tpu.memory_space<vmem>>, vector<1x16xf32>,
          %swap3A_581 = vector.shape_cast %swap3A_580 : vector<1x16xf32> to vector<16xf32>
          %swap3A_582 = vector.shape_cast %mul3A_577 : vector<16xf32> to vector<1x16xf32>
          tpu.vector_store %arg16[%swap3A_578, %swap3A_579], %swap3A_582 {strides = array<i32>} : memref<128x64xf32, #tpu.memory_space<vmem>>, vector<1x16xf32>,
          %get3A_583 = arith.index_cast %add3A_549 : i32 to index
          %get3A_584 = arith.constant 48 : index
          %get3A_585 = tpu.vector_load %arg16[%get3A_583, %get3A_584] {strides = array<i32>} : memref<128x64xf32, #tpu.memory_space<vmem>>, vector<1x16xf32>,
          %get3A_586 = vector.shape_cast %get3A_585 : vector<1x16xf32> to vector<16xf32>
          %mul3A_587 = vector.broadcast %squeeze3A_547 : f32 to vector<16xf32>
          %mul3A_588 = arith.mulf %get3A_586, %mul3A_587 : vector<16xf32>
          %swap3A_589 = arith.index_cast %add3A_549 : i32 to index
          %swap3A_590 = arith.constant 48 : index
          %swap3A_591 = tpu.vector_load %arg16[%swap3A_589, %swap3A_590] {strides = array<i32>} : memref<128x64xf32, #tpu.memory_space<vmem>>, vector<1x16xf32>,
          %swap3A_592 = vector.shape_cast %swap3A_591 : vector<1x16xf32> to vector<16xf32>
          %swap3A_593 = vector.shape_cast %mul3A_588 : vector<16xf32> to vector<1x16xf32>
          tpu.vector_store %arg16[%swap3A_589, %swap3A_590], %swap3A_593 {strides = array<i32>} : memref<128x64xf32, #tpu.memory_space<vmem>>, vector<1x16xf32>,
          %slice3A_594 = vector.extract_strided_slice %get3A_69 {offsets = [11], sizes = [1], strides = [1]} : vector<16xf32> to vector<1xf32>
          %squeeze3A_595 = vector.extract %slice3A_594[0] : f32 from vector<1xf32>
          %add3A_596 = arith.constant 11 : i32
          %add3A_597 = arith.addi %mul3A_66, %add3A_596 : i32
          %get3A_598 = arith.index_cast %add3A_597 : i32 to index
          %get3A_599 = arith.constant 0 : index
          %get3A_600 = tpu.vector_load %arg16[%get3A_598, %get3A_599] {strides = array<i32>} : memref<128x64xf32, #tpu.memory_space<vmem>>, vector<1x16xf32>,
          %get3A_601 = vector.shape_cast %get3A_600 : vector<1x16xf32> to vector<16xf32>
          %mul3A_602 = vector.broadcast %squeeze3A_595 : f32 to vector<16xf32>
          %mul3A_603 = arith.mulf %get3A_601, %mul3A_602 : vector<16xf32>
          %swap3A_604 = arith.index_cast %add3A_597 : i32 to index
          %swap3A_605 = arith.constant 0 : index
          %swap3A_606 = tpu.vector_load %arg16[%swap3A_604, %swap3A_605] {strides = array<i32>} : memref<128x64xf32, #tpu.memory_space<vmem>>, vector<1x16xf32>,
          %swap3A_607 = vector.shape_cast %swap3A_606 : vector<1x16xf32> to vector<16xf32>
          %swap3A_608 = vector.shape_cast %mul3A_603 : vector<16xf32> to vector<1x16xf32>
          tpu.vector_store %arg16[%swap3A_604, %swap3A_605], %swap3A_608 {strides = array<i32>} : memref<128x64xf32, #tpu.memory_space<vmem>>, vector<1x16xf32>,
          %get3A_609 = arith.index_cast %add3A_597 : i32 to index
          %get3A_610 = arith.constant 16 : index
          %get3A_611 = tpu.vector_load %arg16[%get3A_609, %get3A_610] {strides = array<i32>} : memref<128x64xf32, #tpu.memory_space<vmem>>, vector<1x16xf32>,
          %get3A_612 = vector.shape_cast %get3A_611 : vector<1x16xf32> to vector<16xf32>
          %mul3A_613 = vector.broadcast %squeeze3A_595 : f32 to vector<16xf32>
          %mul3A_614 = arith.mulf %get3A_612, %mul3A_613 : vector<16xf32>
          %swap3A_615 = arith.index_cast %add3A_597 : i32 to index
          %swap3A_616 = arith.constant 16 : index
          %swap3A_617 = tpu.vector_load %arg16[%swap3A_615, %swap3A_616] {strides = array<i32>} : memref<128x64xf32, #tpu.memory_space<vmem>>, vector<1x16xf32>,
          %swap3A_618 = vector.shape_cast %swap3A_617 : vector<1x16xf32> to vector<16xf32>
          %swap3A_619 = vector.shape_cast %mul3A_614 : vector<16xf32> to vector<1x16xf32>
          tpu.vector_store %arg16[%swap3A_615, %swap3A_616], %swap3A_619 {strides = array<i32>} : memref<128x64xf32, #tpu.memory_space<vmem>>, vector<1x16xf32>,
          %get3A_620 = arith.index_cast %add3A_597 : i32 to index
          %get3A_621 = arith.constant 32 : index
          %get3A_622 = tpu.vector_load %arg16[%get3A_620, %get3A_621] {strides = array<i32>} : memref<128x64xf32, #tpu.memory_space<vmem>>, vector<1x16xf32>,
          %get3A_623 = vector.shape_cast %get3A_622 : vector<1x16xf32> to vector<16xf32>
          %mul3A_624 = vector.broadcast %squeeze3A_595 : f32 to vector<16xf32>
          %mul3A_625 = arith.mulf %get3A_623, %mul3A_624 : vector<16xf32>
          %swap3A_626 = arith.index_cast %add3A_597 : i32 to index
          %swap3A_627 = arith.constant 32 : index
          %swap3A_628 = tpu.vector_load %arg16[%swap3A_626, %swap3A_627] {strides = array<i32>} : memref<128x64xf32, #tpu.memory_space<vmem>>, vector<1x16xf32>,
          %swap3A_629 = vector.shape_cast %swap3A_628 : vector<1x16xf32> to vector<16xf32>
          %swap3A_630 = vector.shape_cast %mul3A_625 : vector<16xf32> to vector<1x16xf32>
          tpu.vector_store %arg16[%swap3A_626, %swap3A_627], %swap3A_630 {strides = array<i32>} : memref<128x64xf32, #tpu.memory_space<vmem>>, vector<1x16xf32>,
          %get3A_631 = arith.index_cast %add3A_597 : i32 to index
          %get3A_632 = arith.constant 48 : index
          %get3A_633 = tpu.vector_load %arg16[%get3A_631, %get3A_632] {strides = array<i32>} : memref<128x64xf32, #tpu.memory_space<vmem>>, vector<1x16xf32>,
          %get3A_634 = vector.shape_cast %get3A_633 : vector<1x16xf32> to vector<16xf32>
          %mul3A_635 = vector.broadcast %squeeze3A_595 : f32 to vector<16xf32>
          %mul3A_636 = arith.mulf %get3A_634, %mul3A_635 : vector<16xf32>
          %swap3A_637 = arith.index_cast %add3A_597 : i32 to index
          %swap3A_638 = arith.constant 48 : index
          %swap3A_639 = tpu.vector_load %arg16[%swap3A_637, %swap3A_638] {strides = array<i32>} : memref<128x64xf32, #tpu.memory_space<vmem>>, vector<1x16xf32>,
          %swap3A_640 = vector.shape_cast %swap3A_639 : vector<1x16xf32> to vector<16xf32>
          %swap3A_641 = vector.shape_cast %mul3A_636 : vector<16xf32> to vector<1x16xf32>
          tpu.vector_store %arg16[%swap3A_637, %swap3A_638], %swap3A_641 {strides = array<i32>} : memref<128x64xf32, #tpu.memory_space<vmem>>, vector<1x16xf32>,
          %slice3A_642 = vector.extract_strided_slice %get3A_69 {offsets = [12], sizes = [1], strides = [1]} : vector<16xf32> to vector<1xf32>
          %squeeze3A_643 = vector.extract %slice3A_642[0] : f32 from vector<1xf32>
          %add3A_644 = arith.constant 12 : i32
          %add3A_645 = arith.addi %mul3A_66, %add3A_644 : i32
          %get3A_646 = arith.index_cast %add3A_645 : i32 to index
          %get3A_647 = arith.constant 0 : index
          %get3A_648 = tpu.vector_load %arg16[%get3A_646, %get3A_647] {strides = array<i32>} : memref<128x64xf32, #tpu.memory_space<vmem>>, vector<1x16xf32>,
          %get3A_649 = vector.shape_cast %get3A_648 : vector<1x16xf32> to vector<16xf32>
          %mul3A_650 = vector.broadcast %squeeze3A_643 : f32 to vector<16xf32>
          %mul3A_651 = arith.mulf %get3A_649, %mul3A_650 : vector<16xf32>
          %swap3A_652 = arith.index_cast %add3A_645 : i32 to index
          %swap3A_653 = arith.constant 0 : index
          %swap3A_654 = tpu.vector_load %arg16[%swap3A_652, %swap3A_653] {strides = array<i32>} : memref<128x64xf32, #tpu.memory_space<vmem>>, vector<1x16xf32>,
          %swap3A_655 = vector.shape_cast %swap3A_654 : vector<1x16xf32> to vector<16xf32>
          %swap3A_656 = vector.shape_cast %mul3A_651 : vector<16xf32> to vector<1x16xf32>
          tpu.vector_store %arg16[%swap3A_652, %swap3A_653], %swap3A_656 {strides = array<i32>} : memref<128x64xf32, #tpu.memory_space<vmem>>, vector<1x16xf32>,
          %get3A_657 = arith.index_cast %add3A_645 : i32 to index
          %get3A_658 = arith.constant 16 : index
          %get3A_659 = tpu.vector_load %arg16[%get3A_657, %get3A_658] {strides = array<i32>} : memref<128x64xf32, #tpu.memory_space<vmem>>, vector<1x16xf32>,
          %get3A_660 = vector.shape_cast %get3A_659 : vector<1x16xf32> to vector<16xf32>
          %mul3A_661 = vector.broadcast %squeeze3A_643 : f32 to vector<16xf32>
          %mul3A_662 = arith.mulf %get3A_660, %mul3A_661 : vector<16xf32>
          %swap3A_663 = arith.index_cast %add3A_645 : i32 to index
          %swap3A_664 = arith.constant 16 : index
          %swap3A_665 = tpu.vector_load %arg16[%swap3A_663, %swap3A_664] {strides = array<i32>} : memref<128x64xf32, #tpu.memory_space<vmem>>, vector<1x16xf32>,
          %swap3A_666 = vector.shape_cast %swap3A_665 : vector<1x16xf32> to vector<16xf32>
          %swap3A_667 = vector.shape_cast %mul3A_662 : vector<16xf32> to vector<1x16xf32>
          tpu.vector_store %arg16[%swap3A_663, %swap3A_664], %swap3A_667 {strides = array<i32>} : memref<128x64xf32, #tpu.memory_space<vmem>>, vector<1x16xf32>,
          %get3A_668 = arith.index_cast %add3A_645 : i32 to index
          %get3A_669 = arith.constant 32 : index
          %get3A_670 = tpu.vector_load %arg16[%get3A_668, %get3A_669] {strides = array<i32>} : memref<128x64xf32, #tpu.memory_space<vmem>>, vector<1x16xf32>,
          %get3A_671 = vector.shape_cast %get3A_670 : vector<1x16xf32> to vector<16xf32>
          %mul3A_672 = vector.broadcast %squeeze3A_643 : f32 to vector<16xf32>
          %mul3A_673 = arith.mulf %get3A_671, %mul3A_672 : vector<16xf32>
          %swap3A_674 = arith.index_cast %add3A_645 : i32 to index
          %swap3A_675 = arith.constant 32 : index
          %swap3A_676 = tpu.vector_load %arg16[%swap3A_674, %swap3A_675] {strides = array<i32>} : memref<128x64xf32, #tpu.memory_space<vmem>>, vector<1x16xf32>,
          %swap3A_677 = vector.shape_cast %swap3A_676 : vector<1x16xf32> to vector<16xf32>
          %swap3A_678 = vector.shape_cast %mul3A_673 : vector<16xf32> to vector<1x16xf32>
          tpu.vector_store %arg16[%swap3A_674, %swap3A_675], %swap3A_678 {strides = array<i32>} : memref<128x64xf32, #tpu.memory_space<vmem>>, vector<1x16xf32>,
          %get3A_679 = arith.index_cast %add3A_645 : i32 to index
          %get3A_680 = arith.constant 48 : index
          %get3A_681 = tpu.vector_load %arg16[%get3A_679, %get3A_680] {strides = array<i32>} : memref<128x64xf32, #tpu.memory_space<vmem>>, vector<1x16xf32>,
          %get3A_682 = vector.shape_cast %get3A_681 : vector<1x16xf32> to vector<16xf32>
          %mul3A_683 = vector.broadcast %squeeze3A_643 : f32 to vector<16xf32>
          %mul3A_684 = arith.mulf %get3A_682, %mul3A_683 : vector<16xf32>
          %swap3A_685 = arith.index_cast %add3A_645 : i32 to index
          %swap3A_686 = arith.constant 48 : index
          %swap3A_687 = tpu.vector_load %arg16[%swap3A_685, %swap3A_686] {strides = array<i32>} : memref<128x64xf32, #tpu.memory_space<vmem>>, vector<1x16xf32>,
          %swap3A_688 = vector.shape_cast %swap3A_687 : vector<1x16xf32> to vector<16xf32>
          %swap3A_689 = vector.shape_cast %mul3A_684 : vector<16xf32> to vector<1x16xf32>
          tpu.vector_store %arg16[%swap3A_685, %swap3A_686], %swap3A_689 {strides = array<i32>} : memref<128x64xf32, #tpu.memory_space<vmem>>, vector<1x16xf32>,
          %slice3A_690 = vector.extract_strided_slice %get3A_69 {offsets = [13], sizes = [1], strides = [1]} : vector<16xf32> to vector<1xf32>
          %squeeze3A_691 = vector.extract %slice3A_690[0] : f32 from vector<1xf32>
          %add3A_692 = arith.constant 13 : i32
          %add3A_693 = arith.addi %mul3A_66, %add3A_692 : i32
          %get3A_694 = arith.index_cast %add3A_693 : i32 to index
          %get3A_695 = arith.constant 0 : index
          %get3A_696 = tpu.vector_load %arg16[%get3A_694, %get3A_695] {strides = array<i32>} : memref<128x64xf32, #tpu.memory_space<vmem>>, vector<1x16xf32>,
          %get3A_697 = vector.shape_cast %get3A_696 : vector<1x16xf32> to vector<16xf32>
          %mul3A_698 = vector.broadcast %squeeze3A_691 : f32 to vector<16xf32>
          %mul3A_699 = arith.mulf %get3A_697, %mul3A_698 : vector<16xf32>
          %swap3A_700 = arith.index_cast %add3A_693 : i32 to index
          %swap3A_701 = arith.constant 0 : index
          %swap3A_702 = tpu.vector_load %arg16[%swap3A_700, %swap3A_701] {strides = array<i32>} : memref<128x64xf32, #tpu.memory_space<vmem>>, vector<1x16xf32>,
          %swap3A_703 = vector.shape_cast %swap3A_702 : vector<1x16xf32> to vector<16xf32>
          %swap3A_704 = vector.shape_cast %mul3A_699 : vector<16xf32> to vector<1x16xf32>
          tpu.vector_store %arg16[%swap3A_700, %swap3A_701], %swap3A_704 {strides = array<i32>} : memref<128x64xf32, #tpu.memory_space<vmem>>, vector<1x16xf32>,
          %get3A_705 = arith.index_cast %add3A_693 : i32 to index
          %get3A_706 = arith.constant 16 : index
          %get3A_707 = tpu.vector_load %arg16[%get3A_705, %get3A_706] {strides = array<i32>} : memref<128x64xf32, #tpu.memory_space<vmem>>, vector<1x16xf32>,
          %get3A_708 = vector.shape_cast %get3A_707 : vector<1x16xf32> to vector<16xf32>
          %mul3A_709 = vector.broadcast %squeeze3A_691 : f32 to vector<16xf32>
          %mul3A_710 = arith.mulf %get3A_708, %mul3A_709 : vector<16xf32>
          %swap3A_711 = arith.index_cast %add3A_693 : i32 to index
          %swap3A_712 = arith.constant 16 : index
          %swap3A_713 = tpu.vector_load %arg16[%swap3A_711, %swap3A_712] {strides = array<i32>} : memref<128x64xf32, #tpu.memory_space<vmem>>, vector<1x16xf32>,
          %swap3A_714 = vector.shape_cast %swap3A_713 : vector<1x16xf32> to vector<16xf32>
          %swap3A_715 = vector.shape_cast %mul3A_710 : vector<16xf32> to vector<1x16xf32>
          tpu.vector_store %arg16[%swap3A_711, %swap3A_712], %swap3A_715 {strides = array<i32>} : memref<128x64xf32, #tpu.memory_space<vmem>>, vector<1x16xf32>,
          %get3A_716 = arith.index_cast %add3A_693 : i32 to index
          %get3A_717 = arith.constant 32 : index
          %get3A_718 = tpu.vector_load %arg16[%get3A_716, %get3A_717] {strides = array<i32>} : memref<128x64xf32, #tpu.memory_space<vmem>>, vector<1x16xf32>,
          %get3A_719 = vector.shape_cast %get3A_718 : vector<1x16xf32> to vector<16xf32>
          %mul3A_720 = vector.broadcast %squeeze3A_691 : f32 to vector<16xf32>
          %mul3A_721 = arith.mulf %get3A_719, %mul3A_720 : vector<16xf32>
          %swap3A_722 = arith.index_cast %add3A_693 : i32 to index
          %swap3A_723 = arith.constant 32 : index
          %swap3A_724 = tpu.vector_load %arg16[%swap3A_722, %swap3A_723] {strides = array<i32>} : memref<128x64xf32, #tpu.memory_space<vmem>>, vector<1x16xf32>,
          %swap3A_725 = vector.shape_cast %swap3A_724 : vector<1x16xf32> to vector<16xf32>
          %swap3A_726 = vector.shape_cast %mul3A_721 : vector<16xf32> to vector<1x16xf32>
          tpu.vector_store %arg16[%swap3A_722, %swap3A_723], %swap3A_726 {strides = array<i32>} : memref<128x64xf32, #tpu.memory_space<vmem>>, vector<1x16xf32>,
          %get3A_727 = arith.index_cast %add3A_693 : i32 to index
          %get3A_728 = arith.constant 48 : index
          %get3A_729 = tpu.vector_load %arg16[%get3A_727, %get3A_728] {strides = array<i32>} : memref<128x64xf32, #tpu.memory_space<vmem>>, vector<1x16xf32>,
          %get3A_730 = vector.shape_cast %get3A_729 : vector<1x16xf32> to vector<16xf32>
          %mul3A_731 = vector.broadcast %squeeze3A_691 : f32 to vector<16xf32>
          %mul3A_732 = arith.mulf %get3A_730, %mul3A_731 : vector<16xf32>
          %swap3A_733 = arith.index_cast %add3A_693 : i32 to index
          %swap3A_734 = arith.constant 48 : index
          %swap3A_735 = tpu.vector_load %arg16[%swap3A_733, %swap3A_734] {strides = array<i32>} : memref<128x64xf32, #tpu.memory_space<vmem>>, vector<1x16xf32>,
          %swap3A_736 = vector.shape_cast %swap3A_735 : vector<1x16xf32> to vector<16xf32>
          %swap3A_737 = vector.shape_cast %mul3A_732 : vector<16xf32> to vector<1x16xf32>
          tpu.vector_store %arg16[%swap3A_733, %swap3A_734], %swap3A_737 {strides = array<i32>} : memref<128x64xf32, #tpu.memory_space<vmem>>, vector<1x16xf32>,
          %slice3A_738 = vector.extract_strided_slice %get3A_69 {offsets = [14], sizes = [1], strides = [1]} : vector<16xf32> to vector<1xf32>
          %squeeze3A_739 = vector.extract %slice3A_738[0] : f32 from vector<1xf32>
          %add3A_740 = arith.constant 14 : i32
          %add3A_741 = arith.addi %mul3A_66, %add3A_740 : i32
          %get3A_742 = arith.index_cast %add3A_741 : i32 to index
          %get3A_743 = arith.constant 0 : index
          %get3A_744 = tpu.vector_load %arg16[%get3A_742, %get3A_743] {strides = array<i32>} : memref<128x64xf32, #tpu.memory_space<vmem>>, vector<1x16xf32>,
          %get3A_745 = vector.shape_cast %get3A_744 : vector<1x16xf32> to vector<16xf32>
          %mul3A_746 = vector.broadcast %squeeze3A_739 : f32 to vector<16xf32>
          %mul3A_747 = arith.mulf %get3A_745, %mul3A_746 : vector<16xf32>
          %swap3A_748 = arith.index_cast %add3A_741 : i32 to index
          %swap3A_749 = arith.constant 0 : index
          %swap3A_750 = tpu.vector_load %arg16[%swap3A_748, %swap3A_749] {strides = array<i32>} : memref<128x64xf32, #tpu.memory_space<vmem>>, vector<1x16xf32>,
          %swap3A_751 = vector.shape_cast %swap3A_750 : vector<1x16xf32> to vector<16xf32>
          %swap3A_752 = vector.shape_cast %mul3A_747 : vector<16xf32> to vector<1x16xf32>
          tpu.vector_store %arg16[%swap3A_748, %swap3A_749], %swap3A_752 {strides = array<i32>} : memref<128x64xf32, #tpu.memory_space<vmem>>, vector<1x16xf32>,
          %get3A_753 = arith.index_cast %add3A_741 : i32 to index
          %get3A_754 = arith.constant 16 : index
          %get3A_755 = tpu.vector_load %arg16[%get3A_753, %get3A_754] {strides = array<i32>} : memref<128x64xf32, #tpu.memory_space<vmem>>, vector<1x16xf32>,
          %get3A_756 = vector.shape_cast %get3A_755 : vector<1x16xf32> to vector<16xf32>
          %mul3A_757 = vector.broadcast %squeeze3A_739 : f32 to vector<16xf32>
          %mul3A_758 = arith.mulf %get3A_756, %mul3A_757 : vector<16xf32>
          %swap3A_759 = arith.index_cast %add3A_741 : i32 to index
          %swap3A_760 = arith.constant 16 : index
          %swap3A_761 = tpu.vector_load %arg16[%swap3A_759, %swap3A_760] {strides = array<i32>} : memref<128x64xf32, #tpu.memory_space<vmem>>, vector<1x16xf32>,
          %swap3A_762 = vector.shape_cast %swap3A_761 : vector<1x16xf32> to vector<16xf32>
          %swap3A_763 = vector.shape_cast %mul3A_758 : vector<16xf32> to vector<1x16xf32>
          tpu.vector_store %arg16[%swap3A_759, %swap3A_760], %swap3A_763 {strides = array<i32>} : memref<128x64xf32, #tpu.memory_space<vmem>>, vector<1x16xf32>,
          %get3A_764 = arith.index_cast %add3A_741 : i32 to index
          %get3A_765 = arith.constant 32 : index
          %get3A_766 = tpu.vector_load %arg16[%get3A_764, %get3A_765] {strides = array<i32>} : memref<128x64xf32, #tpu.memory_space<vmem>>, vector<1x16xf32>,
          %get3A_767 = vector.shape_cast %get3A_766 : vector<1x16xf32> to vector<16xf32>
          %mul3A_768 = vector.broadcast %squeeze3A_739 : f32 to vector<16xf32>
          %mul3A_769 = arith.mulf %get3A_767, %mul3A_768 : vector<16xf32>
          %swap3A_770 = arith.index_cast %add3A_741 : i32 to index
          %swap3A_771 = arith.constant 32 : index
          %swap3A_772 = tpu.vector_load %arg16[%swap3A_770, %swap3A_771] {strides = array<i32>} : memref<128x64xf32, #tpu.memory_space<vmem>>, vector<1x16xf32>,
          %swap3A_773 = vector.shape_cast %swap3A_772 : vector<1x16xf32> to vector<16xf32>
          %swap3A_774 = vector.shape_cast %mul3A_769 : vector<16xf32> to vector<1x16xf32>
          tpu.vector_store %arg16[%swap3A_770, %swap3A_771], %swap3A_774 {strides = array<i32>} : memref<128x64xf32, #tpu.memory_space<vmem>>, vector<1x16xf32>,
          %get3A_775 = arith.index_cast %add3A_741 : i32 to index
          %get3A_776 = arith.constant 48 : index
          %get3A_777 = tpu.vector_load %arg16[%get3A_775, %get3A_776] {strides = array<i32>} : memref<128x64xf32, #tpu.memory_space<vmem>>, vector<1x16xf32>,
          %get3A_778 = vector.shape_cast %get3A_777 : vector<1x16xf32> to vector<16xf32>
          %mul3A_779 = vector.broadcast %squeeze3A_739 : f32 to vector<16xf32>
          %mul3A_780 = arith.mulf %get3A_778, %mul3A_779 : vector<16xf32>
          %swap3A_781 = arith.index_cast %add3A_741 : i32 to index
          %swap3A_782 = arith.constant 48 : index
          %swap3A_783 = tpu.vector_load %arg16[%swap3A_781, %swap3A_782] {strides = array<i32>} : memref<128x64xf32, #tpu.memory_space<vmem>>, vector<1x16xf32>,
          %swap3A_784 = vector.shape_cast %swap3A_783 : vector<1x16xf32> to vector<16xf32>
          %swap3A_785 = vector.shape_cast %mul3A_780 : vector<16xf32> to vector<1x16xf32>
          tpu.vector_store %arg16[%swap3A_781, %swap3A_782], %swap3A_785 {strides = array<i32>} : memref<128x64xf32, #tpu.memory_space<vmem>>, vector<1x16xf32>,
          %slice3A_786 = vector.extract_strided_slice %get3A_69 {offsets = [15], sizes = [1], strides = [1]} : vector<16xf32> to vector<1xf32>
          %squeeze3A_787 = vector.extract %slice3A_786[0] : f32 from vector<1xf32>
          %add3A_788 = arith.constant 15 : i32
          %add3A_789 = arith.addi %mul3A_66, %add3A_788 : i32
          %get3A_790 = arith.index_cast %add3A_789 : i32 to index
          %get3A_791 = arith.constant 0 : index
          %get3A_792 = tpu.vector_load %arg16[%get3A_790, %get3A_791] {strides = array<i32>} : memref<128x64xf32, #tpu.memory_space<vmem>>, vector<1x16xf32>,
          %get3A_793 = vector.shape_cast %get3A_792 : vector<1x16xf32> to vector<16xf32>
          %mul3A_794 = vector.broadcast %squeeze3A_787 : f32 to vector<16xf32>
          %mul3A_795 = arith.mulf %get3A_793, %mul3A_794 : vector<16xf32>
          %swap3A_796 = arith.index_cast %add3A_789 : i32 to index
          %swap3A_797 = arith.constant 0 : index
          %swap3A_798 = tpu.vector_load %arg16[%swap3A_796, %swap3A_797] {strides = array<i32>} : memref<128x64xf32, #tpu.memory_space<vmem>>, vector<1x16xf32>,
          %swap3A_799 = vector.shape_cast %swap3A_798 : vector<1x16xf32> to vector<16xf32>
          %swap3A_800 = vector.shape_cast %mul3A_795 : vector<16xf32> to vector<1x16xf32>
          tpu.vector_store %arg16[%swap3A_796, %swap3A_797], %swap3A_800 {strides = array<i32>} : memref<128x64xf32, #tpu.memory_space<vmem>>, vector<1x16xf32>,
          %get3A_801 = arith.index_cast %add3A_789 : i32 to index
          %get3A_802 = arith.constant 16 : index
          %get3A_803 = tpu.vector_load %arg16[%get3A_801, %get3A_802] {strides = array<i32>} : memref<128x64xf32, #tpu.memory_space<vmem>>, vector<1x16xf32>,
          %get3A_804 = vector.shape_cast %get3A_803 : vector<1x16xf32> to vector<16xf32>
          %mul3A_805 = vector.broadcast %squeeze3A_787 : f32 to vector<16xf32>
          %mul3A_806 = arith.mulf %get3A_804, %mul3A_805 : vector<16xf32>
          %swap3A_807 = arith.index_cast %add3A_789 : i32 to index
          %swap3A_808 = arith.constant 16 : index
          %swap3A_809 = tpu.vector_load %arg16[%swap3A_807, %swap3A_808] {strides = array<i32>} : memref<128x64xf32, #tpu.memory_space<vmem>>, vector<1x16xf32>,
          %swap3A_810 = vector.shape_cast %swap3A_809 : vector<1x16xf32> to vector<16xf32>
          %swap3A_811 = vector.shape_cast %mul3A_806 : vector<16xf32> to vector<1x16xf32>
          tpu.vector_store %arg16[%swap3A_807, %swap3A_808], %swap3A_811 {strides = array<i32>} : memref<128x64xf32, #tpu.memory_space<vmem>>, vector<1x16xf32>,
          %get3A_812 = arith.index_cast %add3A_789 : i32 to index
          %get3A_813 = arith.constant 32 : index
          %get3A_814 = tpu.vector_load %arg16[%get3A_812, %get3A_813] {strides = array<i32>} : memref<128x64xf32, #tpu.memory_space<vmem>>, vector<1x16xf32>,
          %get3A_815 = vector.shape_cast %get3A_814 : vector<1x16xf32> to vector<16xf32>
          %mul3A_816 = vector.broadcast %squeeze3A_787 : f32 to vector<16xf32>
          %mul3A_817 = arith.mulf %get3A_815, %mul3A_816 : vector<16xf32>
          %swap3A_818 = arith.index_cast %add3A_789 : i32 to index
          %swap3A_819 = arith.constant 32 : index
          %swap3A_820 = tpu.vector_load %arg16[%swap3A_818, %swap3A_819] {strides = array<i32>} : memref<128x64xf32, #tpu.memory_space<vmem>>, vector<1x16xf32>,
          %swap3A_821 = vector.shape_cast %swap3A_820 : vector<1x16xf32> to vector<16xf32>
          %swap3A_822 = vector.shape_cast %mul3A_817 : vector<16xf32> to vector<1x16xf32>
          tpu.vector_store %arg16[%swap3A_818, %swap3A_819], %swap3A_822 {strides = array<i32>} : memref<128x64xf32, #tpu.memory_space<vmem>>, vector<1x16xf32>,
          %get3A_823 = arith.index_cast %add3A_789 : i32 to index
          %get3A_824 = arith.constant 48 : index
          %get3A_825 = tpu.vector_load %arg16[%get3A_823, %get3A_824] {strides = array<i32>} : memref<128x64xf32, #tpu.memory_space<vmem>>, vector<1x16xf32>,
          %get3A_826 = vector.shape_cast %get3A_825 : vector<1x16xf32> to vector<16xf32>
          %mul3A_827 = vector.broadcast %squeeze3A_787 : f32 to vector<16xf32>
          %mul3A_828 = arith.mulf %get3A_826, %mul3A_827 : vector<16xf32>
          %swap3A_829 = arith.index_cast %add3A_789 : i32 to index
          %swap3A_830 = arith.constant 48 : index
          %swap3A_831 = tpu.vector_load %arg16[%swap3A_829, %swap3A_830] {strides = array<i32>} : memref<128x64xf32, #tpu.memory_space<vmem>>, vector<1x16xf32>,
          %swap3A_832 = vector.shape_cast %swap3A_831 : vector<1x16xf32> to vector<16xf32>
          %swap3A_833 = vector.shape_cast %mul3A_828 : vector<16xf32> to vector<1x16xf32>
          tpu.vector_store %arg16[%swap3A_829, %swap3A_830], %swap3A_833 {strides = array<i32>} : memref<128x64xf32, #tpu.memory_space<vmem>>, vector<1x16xf32>,
        }
        %scan3A_63 = arith.constant 8 : i32
        "tpu.region"() ({
          %run_scoped3A_64 = tpu.sem_alloc : memref<!tpu.dma_semaphore, #tpu.memory_space<semaphore_mem>>
          %dma_start3A = arith.constant 0 : i32
          %dma_start3A_65 = tpu.memref_slice %arg14[%scan3A_57, %dma_start3A] : memref<157x128xi32, #tpu.memory_space<vmem>> -> memref<1x128xi32, #tpu.memory_space<vmem>>
          %dma_start3A_66 = tpu.memref_squeeze %dma_start3A_65 : memref<1x128xi32, #tpu.memory_space<vmem>> -> memref<128xi32, #tpu.memory_space<vmem>>
          %dma_start3A_67 = arith.constant 0 : i32
          %dma_start3A_68 = arith.constant 0 : i32
          %dma_start3A_69 = tpu.memref_slice %arg18[%dma_start3A_67, %dma_start3A_68] : memref<10240x64xf32, #tpu.memory_space<vmem_shared>> -> memref<10240x64xf32, #tpu.memory_space<vmem_shared>>
          tpu.enqueue_indirect_dma source(%arg16 : memref<128x64xf32, #tpu.memory_space<vmem>>) target(%dma_start3A_69 : memref<10240x64xf32, #tpu.memory_space<vmem_shared>>) offsets(%dma_start3A_66 : memref<128xi32, #tpu.memory_space<vmem>>) semaphore(%run_scoped3A_64 : memref<!tpu.dma_semaphore, #tpu.memory_space<semaphore_mem>>) {add = true}
          %dma_wait3A = arith.constant 0 : i32
          %dma_wait3A_70 = tpu.memref_slice %arg14[%scan3A_57, %dma_wait3A] : memref<157x128xi32, #tpu.memory_space<vmem>> -> memref<1x128xi32, #tpu.memory_space<vmem>>
          %dma_wait3A_71 = tpu.memref_squeeze %dma_wait3A_70 : memref<1x128xi32, #tpu.memory_space<vmem>> -> memref<128xi32, #tpu.memory_space<vmem>>
          %dma_wait3A_72 = arith.constant 0 : i32
          %dma_wait3A_73 = arith.constant 0 : i32
          %dma_wait3A_74 = tpu.memref_slice %arg18[%dma_wait3A_72, %dma_wait3A_73] : memref<10240x64xf32, #tpu.memory_space<vmem_shared>> -> memref<10240x64xf32, #tpu.memory_space<vmem_shared>>
          tpu.wait_indirect_dma semaphore(%run_scoped3A_64 : memref<!tpu.dma_semaphore, #tpu.memory_space<semaphore_mem>>) src(%arg16 : memref<128x64xf32, #tpu.memory_space<vmem>>) dst(%dma_wait3A_74 : memref<10240x64xf32, #tpu.memory_space<vmem_shared>>)
          tpu.yield
        }) : () -> ()
      }
      %scan3A_50 = arith.constant 157 : i32
      %barrier3A_51 = arith.constant 0 : index
      tpu.barrier barrier_id(%barrier3A_51)
      %mul3A_52 = arith.constant 640 : i32
      %mul3A_53 = arith.muli %arg1, %mul3A_52 : i32
      %mul3A_54 = arith.constant 640 : i32
      %mul3A_55 = arith.muli %arg1, %mul3A_54 : i32
      %run_scoped3A_56 = arith.constant 1 : i32
      "tpu.region"() ({
        %run_scoped3A_57 = tpu.sem_alloc : memref<!tpu.dma_semaphore, #tpu.memory_space<semaphore_mem>>
        %dma_start3A = arith.constant 0 : i32
        %dma_start3A_58 = tpu.memref_slice %arg12[%arg0, %run_scoped3A_56, %mul3A_55, %dma_start3A] : memref<2x2x10240x64xf32, #tpu.memory_space<hbm>> -> memref<1x1x640x64xf32, #tpu.memory_space<hbm>>
        %dma_start3A_59 = tpu.memref_squeeze %dma_start3A_58 : memref<1x1x640x64xf32, #tpu.memory_space<hbm>> -> memref<640x64xf32, #tpu.memory_space<hbm>>
        %dma_start3A_60 = arith.constant 0 : i32
        %dma_start3A_61 = tpu.memref_slice %arg18[%mul3A_53, %dma_start3A_60] : memref<10240x64xf32, #tpu.memory_space<vmem_shared>> -> memref<640x64xf32, #tpu.memory_space<vmem_shared>>
        tpu.enqueue_dma source(%dma_start3A_61 : memref<640x64xf32, #tpu.memory_space<vmem_shared>>) target(%dma_start3A_59 : memref<640x64xf32, #tpu.memory_space<hbm>>) target_semaphore(%run_scoped3A_57 : memref<!tpu.dma_semaphore, #tpu.memory_space<semaphore_mem>>)
        %dma_wait3A = arith.constant 0 : i32
        %dma_wait3A_62 = tpu.memref_slice %arg12[%arg0, %run_scoped3A_56, %mul3A_55, %dma_wait3A] : memref<2x2x10240x64xf32, #tpu.memory_space<hbm>> -> memref<1x1x640x64xf32, #tpu.memory_space<hbm>>
        %dma_wait3A_63 = tpu.memref_squeeze %dma_wait3A_62 : memref<1x1x640x64xf32, #tpu.memory_space<hbm>> -> memref<640x64xf32, #tpu.memory_space<hbm>>
        %dma_wait3A_64 = arith.constant 0 : i32
        %dma_wait3A_65 = tpu.memref_slice %arg18[%mul3A_53, %dma_wait3A_64] : memref<10240x64xf32, #tpu.memory_space<vmem_shared>> -> memref<640x64xf32, #tpu.memory_space<vmem_shared>>
        tpu.wait_dma2 semaphore(%run_scoped3A_57 : memref<!tpu.dma_semaphore, #tpu.memory_space<semaphore_mem>>) src(%dma_wait3A_65 : memref<640x64xf32, #tpu.memory_space<vmem_shared>>) dst(%dma_wait3A_63 : memref<640x64xf32, #tpu.memory_space<hbm>>)
        tpu.yield
      }) : () -> ()
    } else {
    }
    return
  }
}

module attributes {stable_mosaic.version = 14 : i64} {
  func.func @_scale_body(%arg0: i32, %arg1: memref<1000x128xf32, #tpu.memory_space<vmem>>, %arg2: memref<1000x1xf32, #tpu.memory_space<vmem>>, %arg3: memref<1000x128xf32, #tpu.memory_space<vmem>>, %arg4: memref<1000x1xf32, #tpu.memory_space<vmem>>, %arg5: memref<1000x64xf32, #tpu.memory_space<vmem>>, %arg6: memref<1000x64xf32, #tpu.memory_space<vmem>>, %arg7: memref<1000x64xf32, #tpu.memory_space<vmem>>, %arg8: memref<1000x64xf32, #tpu.memory_space<vmem>>) attributes {dimension_semantics = [#tpu.dimension_semantics<arbitrary>], iteration_bounds = array<i64: 10>, scalar_prefetch = 0 : i64, scratch_operands = 0 : i64, tpu.core_type = #tpu.core_type<tc>, window_params = [{transform_indices = @transform_0, window_bounds = array<i64: 1000, 128>}, {transform_indices = @transform_1, window_bounds = array<i64: 1000, 1>}, {transform_indices = @transform_2, window_bounds = array<i64: 1000, 128>}, {transform_indices = @transform_3, window_bounds = array<i64: 1000, 1>}, {transform_indices = @transform_4, window_bounds = array<i64: 1000, 64>}, {transform_indices = @transform_5, window_bounds = array<i64: 1000, 64>}, {transform_indices = @transform_6, window_bounds = array<i64: 1000, 64>}, {transform_indices = @transform_7, window_bounds = array<i64: 1000, 64>}]} {
    %get3A = arith.constant 0 : index
    %get3A_0 = arith.constant 0 : index
    %get3A_1 = vector.load %arg2[%get3A, %get3A_0] : memref<1000x1xf32, #tpu.memory_space<vmem>>, vector<1000x1xf32>
    %add3A = arith.constant 1.000000e+00 : f32
    %add3A_2 = vector.broadcast %add3A : f32 to vector<1000x1xf32>
    %add3A_3 = arith.addf %get3A_1, %add3A_2 : vector<1000x1xf32>
    %get3A_4 = arith.constant 0 : index
    %get3A_5 = arith.constant 0 : index
    %get3A_6 = vector.load %arg1[%get3A_4, %get3A_5] : memref<1000x128xf32, #tpu.memory_space<vmem>>, vector<1000x128xf32>
    %gt3A = arith.constant 0.000000e+00 : f32
    %gt3A_7 = vector.broadcast %gt3A : f32 to vector<1000x1xf32>
    %gt3A_8 = arith.cmpf ogt, %add3A_3, %gt3A_7 : vector<1000x1xf32>
    %rsqrt3A = math.rsqrt %add3A_3 : vector<1000x1xf32>
    %jit3A = arith.constant 0.000000e+00 : f32
    %broadcast_in_dim3A = vector.broadcast %jit3A : f32 to vector<1000x1xf32>
    %select_n3A = arith.select %gt3A_8, %rsqrt3A, %broadcast_in_dim3A : vector<1000x1xi1>, vector<1000x1xf32>
    %mul3A = vector.broadcast %select_n3A : vector<1000x1xf32> to vector<1000x128xf32>
    %mul3A_9 = arith.mulf %get3A_6, %mul3A : vector<1000x128xf32>
    %slice3A = vector.extract_strided_slice %mul3A_9 {offsets = [0, 0], sizes = [1000, 64], strides = [1, 1]} : vector<1000x128xf32> to vector<1000x64xf32>
    %swap3A = arith.constant 0 : index
    %swap3A_10 = arith.constant 0 : index
    %swap3A_11 = vector.load %arg5[%swap3A, %swap3A_10] : memref<1000x64xf32, #tpu.memory_space<vmem>>, vector<1000x64xf32>
    tpu.vector_store %arg5[%swap3A, %swap3A_10], %slice3A {strides = array<i32>} : memref<1000x64xf32, #tpu.memory_space<vmem>>, vector<1000x64xf32>,
    %slice3A_12 = vector.extract_strided_slice %mul3A_9 {offsets = [0, 64], sizes = [1000, 64], strides = [1, 1]} : vector<1000x128xf32> to vector<1000x64xf32>
    %swap3A_13 = arith.constant 0 : index
    %swap3A_14 = arith.constant 0 : index
    %swap3A_15 = vector.load %arg6[%swap3A_13, %swap3A_14] : memref<1000x64xf32, #tpu.memory_space<vmem>>, vector<1000x64xf32>
    tpu.vector_store %arg6[%swap3A_13, %swap3A_14], %slice3A_12 {strides = array<i32>} : memref<1000x64xf32, #tpu.memory_space<vmem>>, vector<1000x64xf32>,
    %get3A_16 = arith.constant 0 : index
    %get3A_17 = arith.constant 0 : index
    %get3A_18 = vector.load %arg4[%get3A_16, %get3A_17] : memref<1000x1xf32, #tpu.memory_space<vmem>>, vector<1000x1xf32>
    %add3A_19 = arith.constant 1.000000e+00 : f32
    %add3A_20 = vector.broadcast %add3A_19 : f32 to vector<1000x1xf32>
    %add3A_21 = arith.addf %get3A_18, %add3A_20 : vector<1000x1xf32>
    %get3A_22 = arith.constant 0 : index
    %get3A_23 = arith.constant 0 : index
    %get3A_24 = vector.load %arg3[%get3A_22, %get3A_23] : memref<1000x128xf32, #tpu.memory_space<vmem>>, vector<1000x128xf32>
    %gt3A_25 = arith.constant 0.000000e+00 : f32
    %gt3A_26 = vector.broadcast %gt3A_25 : f32 to vector<1000x1xf32>
    %gt3A_27 = arith.cmpf ogt, %add3A_21, %gt3A_26 : vector<1000x1xf32>
    %rsqrt3A_28 = math.rsqrt %add3A_21 : vector<1000x1xf32>
    %jit3A_29 = arith.constant 0.000000e+00 : f32
    %broadcast_in_dim3A_30 = vector.broadcast %jit3A_29 : f32 to vector<1000x1xf32>
    %select_n3A_31 = arith.select %gt3A_27, %rsqrt3A_28, %broadcast_in_dim3A_30 : vector<1000x1xi1>, vector<1000x1xf32>
    %mul3A_32 = vector.broadcast %select_n3A_31 : vector<1000x1xf32> to vector<1000x128xf32>
    %mul3A_33 = arith.mulf %get3A_24, %mul3A_32 : vector<1000x128xf32>
    %slice3A_34 = vector.extract_strided_slice %mul3A_33 {offsets = [0, 0], sizes = [1000, 64], strides = [1, 1]} : vector<1000x128xf32> to vector<1000x64xf32>
    %swap3A_35 = arith.constant 0 : index
    %swap3A_36 = arith.constant 0 : index
    %swap3A_37 = vector.load %arg7[%swap3A_35, %swap3A_36] : memref<1000x64xf32, #tpu.memory_space<vmem>>, vector<1000x64xf32>
    tpu.vector_store %arg7[%swap3A_35, %swap3A_36], %slice3A_34 {strides = array<i32>} : memref<1000x64xf32, #tpu.memory_space<vmem>>, vector<1000x64xf32>,
    %slice3A_38 = vector.extract_strided_slice %mul3A_33 {offsets = [0, 64], sizes = [1000, 64], strides = [1, 1]} : vector<1000x128xf32> to vector<1000x64xf32>
    %swap3A_39 = arith.constant 0 : index
    %swap3A_40 = arith.constant 0 : index
    %swap3A_41 = vector.load %arg8[%swap3A_39, %swap3A_40] : memref<1000x64xf32, #tpu.memory_space<vmem>>, vector<1000x64xf32>
    tpu.vector_store %arg8[%swap3A_39, %swap3A_40], %slice3A_38 {strides = array<i32>} : memref<1000x64xf32, #tpu.memory_space<vmem>>, vector<1000x64xf32>,
    return
  }
  func.func @transform_0(%arg0: i32) -> (i32, i32) {
    %c0_i32 = arith.constant 0 : i32
    %c0_i32_0 = arith.constant 0 : i32
    return %arg0, %c0_i32 : i32, i32
  }
  func.func @transform_1(%arg0: i32) -> (i32, i32) {
    %c0_i32 = arith.constant 0 : i32
    %c0_i32_0 = arith.constant 0 : i32
    return %arg0, %c0_i32 : i32, i32
  }
  func.func @transform_2(%arg0: i32) -> (i32, i32) {
    %c0_i32 = arith.constant 0 : i32
    %c0_i32_0 = arith.constant 0 : i32
    return %arg0, %c0_i32 : i32, i32
  }
  func.func @transform_3(%arg0: i32) -> (i32, i32) {
    %c0_i32 = arith.constant 0 : i32
    %c0_i32_0 = arith.constant 0 : i32
    return %arg0, %c0_i32 : i32, i32
  }
  func.func @transform_4(%arg0: i32) -> (i32, i32) {
    %c0_i32 = arith.constant 0 : i32
    %c0_i32_0 = arith.constant 0 : i32
    return %arg0, %c0_i32 : i32, i32
  }
  func.func @transform_5(%arg0: i32) -> (i32, i32) {
    %c0_i32 = arith.constant 0 : i32
    %c0_i32_0 = arith.constant 0 : i32
    return %arg0, %c0_i32 : i32, i32
  }
  func.func @transform_6(%arg0: i32) -> (i32, i32) {
    %c0_i32 = arith.constant 0 : i32
    %c0_i32_0 = arith.constant 0 : i32
    return %arg0, %c0_i32 : i32, i32
  }
  func.func @transform_7(%arg0: i32) -> (i32, i32) {
    %c0_i32 = arith.constant 0 : i32
    %c0_i32_0 = arith.constant 0 : i32
    return %arg0, %c0_i32 : i32, i32
  }
}

module attributes {stable_mosaic.version = 14 : i64} {
  func.func @_dense_body(%arg0: i32, %arg1: memref<1000x64xf32, #tpu.memory_space<vmem>>, %arg2: memref<1000x64xf32, #tpu.memory_space<vmem>>, %arg3: memref<1000x64xf32, #tpu.memory_space<vmem>>, %arg4: memref<1000x64xf32, #tpu.memory_space<vmem>>, %arg5: memref<1000x1xf32, #tpu.memory_space<vmem>>, %arg6: memref<1000x64xf32, #tpu.memory_space<vmem>>, %arg7: memref<1000x64xf32, #tpu.memory_space<vmem>>, %arg8: memref<1000x64xf32, #tpu.memory_space<vmem>>, %arg9: memref<1000x64xf32, #tpu.memory_space<vmem>>, %arg10: memref<1000x1xf32, #tpu.memory_space<vmem>>, %arg11: memref<64x256xf32, #tpu.memory_space<vmem>>, %arg12: memref<64x256xf32, #tpu.memory_space<vmem>>, %arg13: memref<1x256xf32, #tpu.memory_space<vmem>>, %arg14: memref<1x256xf32, #tpu.memory_space<vmem>>, %arg15: memref<64x256xf32, #tpu.memory_space<vmem>>, %arg16: memref<64x256xf32, #tpu.memory_space<vmem>>, %arg17: memref<1x256xf32, #tpu.memory_space<vmem>>, %arg18: memref<1x256xf32, #tpu.memory_space<vmem>>, %arg19: memref<256x256xf32, #tpu.memory_space<vmem>>, %arg20: memref<256x256xf32, #tpu.memory_space<vmem>>, %arg21: memref<1x256xf32, #tpu.memory_space<vmem>>, %arg22: memref<1000x256xf32, #tpu.memory_space<vmem>>) attributes {dimension_semantics = [#tpu.dimension_semantics<arbitrary>], iteration_bounds = array<i64: 10>, scalar_prefetch = 0 : i64, scratch_operands = 0 : i64, tpu.core_type = #tpu.core_type<tc>, window_params = [{transform_indices = @transform_0, window_bounds = array<i64: 1000, 64>}, {transform_indices = @transform_1, window_bounds = array<i64: 1000, 64>}, {transform_indices = @transform_2, window_bounds = array<i64: 1000, 64>}, {transform_indices = @transform_3, window_bounds = array<i64: 1000, 64>}, {transform_indices = @transform_4, window_bounds = array<i64: 1000, 1>}, {transform_indices = @transform_5, window_bounds = array<i64: 1000, 64>}, {transform_indices = @transform_6, window_bounds = array<i64: 1000, 64>}, {transform_indices = @transform_7, window_bounds = array<i64: 1000, 64>}, {transform_indices = @transform_8, window_bounds = array<i64: 1000, 64>}, {transform_indices = @transform_9, window_bounds = array<i64: 1000, 1>}, {pipeline_mode = #tpu.pipeline_mode<synchronous>, transform_indices = @transform_10, window_bounds = array<i64: 64, 256>}, {pipeline_mode = #tpu.pipeline_mode<synchronous>, transform_indices = @transform_11, window_bounds = array<i64: 64, 256>}, {pipeline_mode = #tpu.pipeline_mode<synchronous>, transform_indices = @transform_12, window_bounds = array<i64: 1, 256>}, {pipeline_mode = #tpu.pipeline_mode<synchronous>, transform_indices = @transform_13, window_bounds = array<i64: 1, 256>}, {pipeline_mode = #tpu.pipeline_mode<synchronous>, transform_indices = @transform_14, window_bounds = array<i64: 64, 256>}, {pipeline_mode = #tpu.pipeline_mode<synchronous>, transform_indices = @transform_15, window_bounds = array<i64: 64, 256>}, {pipeline_mode = #tpu.pipeline_mode<synchronous>, transform_indices = @transform_16, window_bounds = array<i64: 1, 256>}, {pipeline_mode = #tpu.pipeline_mode<synchronous>, transform_indices = @transform_17, window_bounds = array<i64: 1, 256>}, {pipeline_mode = #tpu.pipeline_mode<synchronous>, transform_indices = @transform_18, window_bounds = array<i64: 256, 256>}, {pipeline_mode = #tpu.pipeline_mode<synchronous>, transform_indices = @transform_19, window_bounds = array<i64: 256, 256>}, {pipeline_mode = #tpu.pipeline_mode<synchronous>, transform_indices = @transform_20, window_bounds = array<i64: 1, 256>}, {transform_indices = @transform_21, window_bounds = array<i64: 1000, 256>}]} {
    %get3A = arith.constant 0 : index
    %get3A_0 = arith.constant 0 : index
    %get3A_1 = vector.load %arg5[%get3A, %get3A_0] : memref<1000x1xf32, #tpu.memory_space<vmem>>, vector<1000x1xf32>
    %add3A = arith.constant 1.000000e+00 : f32
    %add3A_2 = vector.broadcast %add3A : f32 to vector<1000x1xf32>
    %add3A_3 = arith.addf %get3A_1, %add3A_2 : vector<1000x1xf32>
    %gt3A = arith.constant 0.000000e+00 : f32
    %gt3A_4 = vector.broadcast %gt3A : f32 to vector<1000x1xf32>
    %gt3A_5 = arith.cmpf ogt, %add3A_3, %gt3A_4 : vector<1000x1xf32>
    %rsqrt3A = math.rsqrt %add3A_3 : vector<1000x1xf32>
    %jit3A = arith.constant 0.000000e+00 : f32
    %broadcast_in_dim3A = vector.broadcast %jit3A : f32 to vector<1000x1xf32>
    %select_n3A = arith.select %gt3A_5, %rsqrt3A, %broadcast_in_dim3A : vector<1000x1xi1>, vector<1000x1xf32>
    %get3A_6 = arith.constant 0 : index
    %get3A_7 = arith.constant 0 : index
    %get3A_8 = vector.load %arg1[%get3A_6, %get3A_7] : memref<1000x64xf32, #tpu.memory_space<vmem>>, vector<1000x64xf32>
    %get3A_9 = arith.constant 0 : index
    %get3A_10 = arith.constant 0 : index
    %get3A_11 = vector.load %arg2[%get3A_9, %get3A_10] : memref<1000x64xf32, #tpu.memory_space<vmem>>, vector<1000x64xf32>
    %add3A_12 = arith.addf %get3A_8, %get3A_11 : vector<1000x64xf32>
    %mul3A = vector.broadcast %select_n3A : vector<1000x1xf32> to vector<1000x64xf32>
    %mul3A_13 = arith.mulf %mul3A, %add3A_12 : vector<1000x64xf32>
    %get3A_14 = arith.constant 0 : index
    %get3A_15 = arith.constant 0 : index
    %get3A_16 = vector.load %arg11[%get3A_14, %get3A_15] : memref<64x256xf32, #tpu.memory_space<vmem>>, vector<64x256xf32>
    %dot_general3A = arith.constant dense<0.000000e+00> : vector<1000x256xf32>
    %dot_general3A_17 = tpu.matmul %mul3A_13, %get3A_16, %dot_general3A {dimension_numbers = #tpu.dot_dimension_numbers<[1], [0], [0], [1], [0, 0, 1, 1], [], []>, transpose_lhs_hint = false} : vector<1000x64xf32>, vector<64x256xf32>, vector<1000x256xf32> -> vector<1000x256xf32>
    %get3A_18 = arith.constant 0 : index
    %get3A_19 = arith.constant 0 : index
    %get3A_20 = vector.load %arg3[%get3A_18, %get3A_19] : memref<1000x64xf32, #tpu.memory_space<vmem>>, vector<1000x64xf32>
    %get3A_21 = arith.constant 0 : index
    %get3A_22 = arith.constant 0 : index
    %get3A_23 = vector.load %arg4[%get3A_21, %get3A_22] : memref<1000x64xf32, #tpu.memory_space<vmem>>, vector<1000x64xf32>
    %add3A_24 = arith.addf %get3A_20, %get3A_23 : vector<1000x64xf32>
    %mul3A_25 = vector.broadcast %select_n3A : vector<1000x1xf32> to vector<1000x64xf32>
    %mul3A_26 = arith.mulf %mul3A_25, %add3A_24 : vector<1000x64xf32>
    %get3A_27 = arith.constant 0 : index
    %get3A_28 = arith.constant 0 : index
    %get3A_29 = vector.load %arg12[%get3A_27, %get3A_28] : memref<64x256xf32, #tpu.memory_space<vmem>>, vector<64x256xf32>
    %dot_general3A_30 = arith.constant dense<0.000000e+00> : vector<1000x256xf32>
    %dot_general3A_31 = tpu.matmul %mul3A_26, %get3A_29, %dot_general3A_30 {dimension_numbers = #tpu.dot_dimension_numbers<[1], [0], [0], [1], [0, 0, 1, 1], [], []>, transpose_lhs_hint = false} : vector<1000x64xf32>, vector<64x256xf32>, vector<1000x256xf32> -> vector<1000x256xf32>
    %add3A_32 = arith.addf %dot_general3A_17, %dot_general3A_31 : vector<1000x256xf32>
    %get3A_33 = arith.constant 0 : index
    %get3A_34 = arith.constant 0 : index
    %get3A_35 = vector.load %arg13[%get3A_33, %get3A_34] : memref<1x256xf32, #tpu.memory_space<vmem>>, vector<1x256xf32>
    %add3A_36 = vector.broadcast %get3A_35 : vector<1x256xf32> to vector<1000x256xf32>
    %add3A_37 = arith.addf %add3A_32, %add3A_36 : vector<1000x256xf32>
    %ge3A = arith.constant 0.000000e+00 : f32
    %ge3A_38 = vector.broadcast %ge3A : f32 to vector<1000x256xf32>
    %ge3A_39 = arith.cmpf oge, %add3A_37, %ge3A_38 : vector<1000x256xf32>
    %get3A_40 = arith.constant 0 : index
    %get3A_41 = arith.constant 0 : index
    %get3A_42 = vector.load %arg14[%get3A_40, %get3A_41] : memref<1x256xf32, #tpu.memory_space<vmem>>, vector<1x256xf32>
    %mul3A_43 = vector.broadcast %get3A_42 : vector<1x256xf32> to vector<1000x256xf32>
    %mul3A_44 = arith.mulf %mul3A_43, %add3A_37 : vector<1000x256xf32>
    %select_n3A_45 = arith.select %ge3A_39, %add3A_37, %mul3A_44 : vector<1000x256xi1>, vector<1000x256xf32>
    %get3A_46 = arith.constant 0 : index
    %get3A_47 = arith.constant 0 : index
    %get3A_48 = vector.load %arg10[%get3A_46, %get3A_47] : memref<1000x1xf32, #tpu.memory_space<vmem>>, vector<1000x1xf32>
    %add3A_49 = arith.constant 1.000000e+00 : f32
    %add3A_50 = vector.broadcast %add3A_49 : f32 to vector<1000x1xf32>
    %add3A_51 = arith.addf %get3A_48, %add3A_50 : vector<1000x1xf32>
    %gt3A_52 = arith.constant 0.000000e+00 : f32
    %gt3A_53 = vector.broadcast %gt3A_52 : f32 to vector<1000x1xf32>
    %gt3A_54 = arith.cmpf ogt, %add3A_51, %gt3A_53 : vector<1000x1xf32>
    %rsqrt3A_55 = math.rsqrt %add3A_51 : vector<1000x1xf32>
    %jit3A_56 = arith.constant 0.000000e+00 : f32
    %broadcast_in_dim3A_57 = vector.broadcast %jit3A_56 : f32 to vector<1000x1xf32>
    %select_n3A_58 = arith.select %gt3A_54, %rsqrt3A_55, %broadcast_in_dim3A_57 : vector<1000x1xi1>, vector<1000x1xf32>
    %get3A_59 = arith.constant 0 : index
    %get3A_60 = arith.constant 0 : index
    %get3A_61 = vector.load %arg6[%get3A_59, %get3A_60] : memref<1000x64xf32, #tpu.memory_space<vmem>>, vector<1000x64xf32>
    %get3A_62 = arith.constant 0 : index
    %get3A_63 = arith.constant 0 : index
    %get3A_64 = vector.load %arg7[%get3A_62, %get3A_63] : memref<1000x64xf32, #tpu.memory_space<vmem>>, vector<1000x64xf32>
    %add3A_65 = arith.addf %get3A_61, %get3A_64 : vector<1000x64xf32>
    %mul3A_66 = vector.broadcast %select_n3A_58 : vector<1000x1xf32> to vector<1000x64xf32>
    %mul3A_67 = arith.mulf %mul3A_66, %add3A_65 : vector<1000x64xf32>
    %get3A_68 = arith.constant 0 : index
    %get3A_69 = arith.constant 0 : index
    %get3A_70 = vector.load %arg15[%get3A_68, %get3A_69] : memref<64x256xf32, #tpu.memory_space<vmem>>, vector<64x256xf32>
    %dot_general3A_71 = arith.constant dense<0.000000e+00> : vector<1000x256xf32>
    %dot_general3A_72 = tpu.matmul %mul3A_67, %get3A_70, %dot_general3A_71 {dimension_numbers = #tpu.dot_dimension_numbers<[1], [0], [0], [1], [0, 0, 1, 1], [], []>, transpose_lhs_hint = false} : vector<1000x64xf32>, vector<64x256xf32>, vector<1000x256xf32> -> vector<1000x256xf32>
    %get3A_73 = arith.constant 0 : index
    %get3A_74 = arith.constant 0 : index
    %get3A_75 = vector.load %arg8[%get3A_73, %get3A_74] : memref<1000x64xf32, #tpu.memory_space<vmem>>, vector<1000x64xf32>
    %get3A_76 = arith.constant 0 : index
    %get3A_77 = arith.constant 0 : index
    %get3A_78 = vector.load %arg9[%get3A_76, %get3A_77] : memref<1000x64xf32, #tpu.memory_space<vmem>>, vector<1000x64xf32>
    %add3A_79 = arith.addf %get3A_75, %get3A_78 : vector<1000x64xf32>
    %mul3A_80 = vector.broadcast %select_n3A_58 : vector<1000x1xf32> to vector<1000x64xf32>
    %mul3A_81 = arith.mulf %mul3A_80, %add3A_79 : vector<1000x64xf32>
    %get3A_82 = arith.constant 0 : index
    %get3A_83 = arith.constant 0 : index
    %get3A_84 = vector.load %arg16[%get3A_82, %get3A_83] : memref<64x256xf32, #tpu.memory_space<vmem>>, vector<64x256xf32>
    %dot_general3A_85 = arith.constant dense<0.000000e+00> : vector<1000x256xf32>
    %dot_general3A_86 = tpu.matmul %mul3A_81, %get3A_84, %dot_general3A_85 {dimension_numbers = #tpu.dot_dimension_numbers<[1], [0], [0], [1], [0, 0, 1, 1], [], []>, transpose_lhs_hint = false} : vector<1000x64xf32>, vector<64x256xf32>, vector<1000x256xf32> -> vector<1000x256xf32>
    %add3A_87 = arith.addf %dot_general3A_72, %dot_general3A_86 : vector<1000x256xf32>
    %get3A_88 = arith.constant 0 : index
    %get3A_89 = arith.constant 0 : index
    %get3A_90 = vector.load %arg17[%get3A_88, %get3A_89] : memref<1x256xf32, #tpu.memory_space<vmem>>, vector<1x256xf32>
    %add3A_91 = vector.broadcast %get3A_90 : vector<1x256xf32> to vector<1000x256xf32>
    %add3A_92 = arith.addf %add3A_87, %add3A_91 : vector<1000x256xf32>
    %ge3A_93 = arith.constant 0.000000e+00 : f32
    %ge3A_94 = vector.broadcast %ge3A_93 : f32 to vector<1000x256xf32>
    %ge3A_95 = arith.cmpf oge, %add3A_92, %ge3A_94 : vector<1000x256xf32>
    %get3A_96 = arith.constant 0 : index
    %get3A_97 = arith.constant 0 : index
    %get3A_98 = vector.load %arg18[%get3A_96, %get3A_97] : memref<1x256xf32, #tpu.memory_space<vmem>>, vector<1x256xf32>
    %mul3A_99 = vector.broadcast %get3A_98 : vector<1x256xf32> to vector<1000x256xf32>
    %mul3A_100 = arith.mulf %mul3A_99, %add3A_92 : vector<1000x256xf32>
    %select_n3A_101 = arith.select %ge3A_95, %add3A_92, %mul3A_100 : vector<1000x256xi1>, vector<1000x256xf32>
    %get3A_102 = arith.constant 0 : index
    %get3A_103 = arith.constant 0 : index
    %get3A_104 = vector.load %arg19[%get3A_102, %get3A_103] : memref<256x256xf32, #tpu.memory_space<vmem>>, vector<256x256xf32>
    %dot_general3A_105 = arith.constant dense<0.000000e+00> : vector<1000x256xf32>
    %dot_general3A_106 = tpu.matmul %select_n3A_45, %get3A_104, %dot_general3A_105 {dimension_numbers = #tpu.dot_dimension_numbers<[1], [0], [0], [1], [0, 0, 1, 1], [], []>, transpose_lhs_hint = false} : vector<1000x256xf32>, vector<256x256xf32>, vector<1000x256xf32> -> vector<1000x256xf32>
    %get3A_107 = arith.constant 0 : index
    %get3A_108 = arith.constant 0 : index
    %get3A_109 = vector.load %arg20[%get3A_107, %get3A_108] : memref<256x256xf32, #tpu.memory_space<vmem>>, vector<256x256xf32>
    %dot_general3A_110 = arith.constant dense<0.000000e+00> : vector<1000x256xf32>
    %dot_general3A_111 = tpu.matmul %select_n3A_101, %get3A_109, %dot_general3A_110 {dimension_numbers = #tpu.dot_dimension_numbers<[1], [0], [0], [1], [0, 0, 1, 1], [], []>, transpose_lhs_hint = false} : vector<1000x256xf32>, vector<256x256xf32>, vector<1000x256xf32> -> vector<1000x256xf32>
    %add3A_112 = arith.addf %dot_general3A_106, %dot_general3A_111 : vector<1000x256xf32>
    %get3A_113 = arith.constant 0 : index
    %get3A_114 = arith.constant 0 : index
    %get3A_115 = vector.load %arg21[%get3A_113, %get3A_114] : memref<1x256xf32, #tpu.memory_space<vmem>>, vector<1x256xf32>
    %add3A_116 = vector.broadcast %get3A_115 : vector<1x256xf32> to vector<1000x256xf32>
    %add3A_117 = arith.addf %add3A_112, %add3A_116 : vector<1000x256xf32>
    %max3A = arith.constant 0.000000e+00 : f32
    %max3A_118 = vector.broadcast %max3A : f32 to vector<1000x256xf32>
    %max3A_119 = arith.maximumf %add3A_117, %max3A_118 : vector<1000x256xf32>
    %swap3A = arith.constant 0 : index
    %swap3A_120 = arith.constant 0 : index
    %swap3A_121 = vector.load %arg22[%swap3A, %swap3A_120] : memref<1000x256xf32, #tpu.memory_space<vmem>>, vector<1000x256xf32>
    tpu.vector_store %arg22[%swap3A, %swap3A_120], %max3A_119 {strides = array<i32>} : memref<1000x256xf32, #tpu.memory_space<vmem>>, vector<1000x256xf32>,
    return
  }
  func.func @transform_0(%arg0: i32) -> (i32, i32) {
    %c0_i32 = arith.constant 0 : i32
    %c0_i32_0 = arith.constant 0 : i32
    return %arg0, %c0_i32 : i32, i32
  }
  func.func @transform_1(%arg0: i32) -> (i32, i32) {
    %c0_i32 = arith.constant 0 : i32
    %c0_i32_0 = arith.constant 0 : i32
    return %arg0, %c0_i32 : i32, i32
  }
  func.func @transform_2(%arg0: i32) -> (i32, i32) {
    %c0_i32 = arith.constant 0 : i32
    %c0_i32_0 = arith.constant 0 : i32
    return %arg0, %c0_i32 : i32, i32
  }
  func.func @transform_3(%arg0: i32) -> (i32, i32) {
    %c0_i32 = arith.constant 0 : i32
    %c0_i32_0 = arith.constant 0 : i32
    return %arg0, %c0_i32 : i32, i32
  }
  func.func @transform_4(%arg0: i32) -> (i32, i32) {
    %c0_i32 = arith.constant 0 : i32
    %c0_i32_0 = arith.constant 0 : i32
    return %arg0, %c0_i32 : i32, i32
  }
  func.func @transform_5(%arg0: i32) -> (i32, i32) {
    %c0_i32 = arith.constant 0 : i32
    %c0_i32_0 = arith.constant 0 : i32
    return %arg0, %c0_i32 : i32, i32
  }
  func.func @transform_6(%arg0: i32) -> (i32, i32) {
    %c0_i32 = arith.constant 0 : i32
    %c0_i32_0 = arith.constant 0 : i32
    return %arg0, %c0_i32 : i32, i32
  }
  func.func @transform_7(%arg0: i32) -> (i32, i32) {
    %c0_i32 = arith.constant 0 : i32
    %c0_i32_0 = arith.constant 0 : i32
    return %arg0, %c0_i32 : i32, i32
  }
  func.func @transform_8(%arg0: i32) -> (i32, i32) {
    %c0_i32 = arith.constant 0 : i32
    %c0_i32_0 = arith.constant 0 : i32
    return %arg0, %c0_i32 : i32, i32
  }
  func.func @transform_9(%arg0: i32) -> (i32, i32) {
    %c0_i32 = arith.constant 0 : i32
    %c0_i32_0 = arith.constant 0 : i32
    return %arg0, %c0_i32 : i32, i32
  }
  func.func @transform_10(%arg0: i32) -> (i32, i32) {
    %c0_i32 = arith.constant 0 : i32
    %c0_i32_0 = arith.constant 0 : i32
    %c0_i32_1 = arith.constant 0 : i32
    return %c0_i32, %c0_i32_0 : i32, i32
  }
  func.func @transform_11(%arg0: i32) -> (i32, i32) {
    %c0_i32 = arith.constant 0 : i32
    %c0_i32_0 = arith.constant 0 : i32
    %c0_i32_1 = arith.constant 0 : i32
    return %c0_i32, %c0_i32_0 : i32, i32
  }
  func.func @transform_12(%arg0: i32) -> (i32, i32) {
    %c0_i32 = arith.constant 0 : i32
    %c0_i32_0 = arith.constant 0 : i32
    %c0_i32_1 = arith.constant 0 : i32
    return %c0_i32, %c0_i32_0 : i32, i32
  }
  func.func @transform_13(%arg0: i32) -> (i32, i32) {
    %c0_i32 = arith.constant 0 : i32
    %c0_i32_0 = arith.constant 0 : i32
    %c0_i32_1 = arith.constant 0 : i32
    return %c0_i32, %c0_i32_0 : i32, i32
  }
  func.func @transform_14(%arg0: i32) -> (i32, i32) {
    %c0_i32 = arith.constant 0 : i32
    %c0_i32_0 = arith.constant 0 : i32
    %c0_i32_1 = arith.constant 0 : i32
    return %c0_i32, %c0_i32_0 : i32, i32
  }
  func.func @transform_15(%arg0: i32) -> (i32, i32) {
    %c0_i32 = arith.constant 0 : i32
    %c0_i32_0 = arith.constant 0 : i32
    %c0_i32_1 = arith.constant 0 : i32
    return %c0_i32, %c0_i32_0 : i32, i32
  }
  func.func @transform_16(%arg0: i32) -> (i32, i32) {
    %c0_i32 = arith.constant 0 : i32
    %c0_i32_0 = arith.constant 0 : i32
    %c0_i32_1 = arith.constant 0 : i32
    return %c0_i32, %c0_i32_0 : i32, i32
  }
  func.func @transform_17(%arg0: i32) -> (i32, i32) {
    %c0_i32 = arith.constant 0 : i32
    %c0_i32_0 = arith.constant 0 : i32
    %c0_i32_1 = arith.constant 0 : i32
    return %c0_i32, %c0_i32_0 : i32, i32
  }
  func.func @transform_18(%arg0: i32) -> (i32, i32) {
    %c0_i32 = arith.constant 0 : i32
    %c0_i32_0 = arith.constant 0 : i32
    %c0_i32_1 = arith.constant 0 : i32
    return %c0_i32, %c0_i32_0 : i32, i32
  }
  func.func @transform_19(%arg0: i32) -> (i32, i32) {
    %c0_i32 = arith.constant 0 : i32
    %c0_i32_0 = arith.constant 0 : i32
    %c0_i32_1 = arith.constant 0 : i32
    return %c0_i32, %c0_i32_0 : i32, i32
  }
  func.func @transform_20(%arg0: i32) -> (i32, i32) {
    %c0_i32 = arith.constant 0 : i32
    %c0_i32_0 = arith.constant 0 : i32
    %c0_i32_1 = arith.constant 0 : i32
    return %c0_i32, %c0_i32_0 : i32, i32
  }
  func.func @transform_21(%arg0: i32) -> (i32, i32) {
    %c0_i32 = arith.constant 0 : i32
    %c0_i32_0 = arith.constant 0 : i32
    return %arg0, %c0_i32 : i32, i32
  }
}

</mosaic_0001>

<sc_bundles>
// kernel: kernel.6.cloned.1.call-start
scs
__scs_entry_jumppad:
0x0: {  	(pc) =	sbr.rel $0x88, $3  }
0x1: {  	(tag) =	ssettag $0x0;
	lr =	simm.s32 $0x1  }
0x2: {  	[smem:$0x3F93] =	sst lr;
	_ =	strace $0xD0000000  }
0x3: {  	_ = 	snop  }
0x4: {  	_ = 	snop  }
0x5: {  	_ = 	snop  }
0x6: {  	_ = 	snop  }
0x7: {  	_ = 	snop  }
__scs_overlays_trampoline_lowered:
0x8: {  	[smem:$0x3FA2] =	sst s0  }
0x9: {  	[smem:$0x3FA3] =	sst s1  }
0xa: {  	[smem:$0x3FA4] =	sst s2  }
0xb: {  	[smem:$0x3FA5] =	sst s3  }
0xc: {  	[smem:$0x3FA6] =	sst s4  }
0xd: {  	[smem:$0x3FA7] =	sst s5  }
0xe: {  	[smem:$0x3FA8] =	sst s6  }
0xf: {  	[smem:$0x3FA9] =	sst s7  }
0x10: {  	[smem:$0x3FAA] =	sst s8  }
0x11: {  	[smem:$0x3FAB] =	sst s9;
	s0 =	simm.s32 @!p0 $0x0  }
0x12: {  	s1 =	sld [smem:$0x3F91];
	s0 =	simm.s32 @p0 $0x1  }
0x13: {  	[smem:$0x3FAC] =	sst s0;
	s0 =	simm.s32 @!p1 $0x0  }
0x14: {  	s2 =	sld [smem:$0x3F90];
	s0 =	simm.s32 @p1 $0x1  }
0x15: {  	[smem:$0x3FAD] =	sst s0;
	s0 =	simm.s32 @!p2 $0x0  }
0x16: {  	s3 =	sld [smem:$0x3FDB];
	s0 =	simm.s32 @p2 $0x1  }
0x17: {  	s4 =	simm.s32 $0x1BF5;
	[smem:$0x3FAF] =	sst s0  }
0x18: {  	s0 =	sld [smem:$0x3F92];
	_ =	swait.ge [sflag:s4], $0x0  }
0x19: {  	s7 =	sld [smem:$0x3F93]  }
0x1a: {  	s8 =	sadd.s32 $0xFFFFE003, lr  }
0x1b: {  	s9 =	sadd.s32 $0xFFFFFEF7, lr;
	s5 =	simm.s32 $0xFFFFFFFF;
	p2 =	slt.u32 s8, $0xFFFFF086  }
0x1c: {  	p1 =	slt.u32 s9, $0xF7A;
	s5 =	simm.s32 @!p2 $0x0  }
0x1d: {  	s5 =	simm.s32 @p1 $0x1;
	p0 =	seq.s32 s7, s2  }
0x1e: {  	s7 =	smul.u32 @!p0 $0xF7A, s2;
	p2 =	seq.s32 @!p0 s5, $0x0  }
0x1f: {  	s9 =	smul.u32 $0xF7A, s1;
	s8 =	simm.s32 @!p0 $0x1BF5;
	p2 =	por !p2, p0  }
0x20: {  	[sflag:s8] =	ssyncset.s32 @!p0 $0xFFFFF086;
	s6 =	sadd.s32 @!p0 s3, s7;
	s7 =	simm.s32 @!p0 $0x108  }
0x21: {  	s3 =	sadd.s32 s3, s9;
	s6 =	sadd.s32 @!p0 $0x88, s6;
	s7 =	simm.s32 @p2 $0x1082  }
0x22: {  	[simem:s7], [sflag:s8] =	dma.local @!p0 [hbm:s6], $0xF7A  }
0x23: {  	s9 =	sor.u32 $0xD0000000, s2;
	s6 =	simm.s32 $0x108;
	_ =	swait.ge @!p0 [sflag:s8], $0x0  }
0x24: {  	s3 =	sadd.s32 $0x88, s3;
	s6 =	simm.s32 @!p1 $0x1082;
	[sflag:s4] =	ssyncset.s32 $0xFFFFF086  }
0x25: {  	[simem:s6], [sflag:s4] =	dma.local [hbm:s3], $0xF7A  }
0x26: {  	[smem:$0x3F93] =	sst s1;
	(tag) =	ssettag s2;
	_ =	strace s9  }
0x27: {  	s1 =	sld [smem:$0x3FA3]  }
0x28: {  	s2 =	sld [smem:$0x3FA4]  }
0x29: {  	s4 =	sld [smem:$0x3FA6]  }
0x2a: {  	p0 =	seq.s32 s5, $0x0;
	s5 =	sld [smem:$0x3FA7]  }
0x2b: {  	s6 =	sld [smem:$0x3FA8]  }
0x2c: {  	s7 =	sld [smem:$0x3FA9]  }
0x2d: {  	s3 =	simm.s32 $0x108;
	s8 =	sld [smem:$0x3FAA]  }
0x2e: {  	s3 =	simm.s32 @!p0 $0x1082;
	s9 =	sld [smem:$0x3FAB]  }
0x2f: {  	lr =	sadd.s32 s0, s3;
	s0 =	sld [smem:$0x3FA2]  }
0x30: {  	s3 =	sld [smem:$0x3FA5]  }
0x31: {  	[smem:$0x3FAE] =	sst s10  }
0x32: {  	s10 =	sld [smem:$0x3FAC];
	_ =	sdelay $0x3  }
0x33: {  	p0 =	seq.s32 s10, $0x1;
	s10 =	sld [smem:$0x3FAE];
	_ =	sdelay $0x3  }
0x34: {  	[smem:$0x3FAE] =	sst s10  }
0x35: {  	s10 =	sld [smem:$0x3FAD];
	_ =	sdelay $0x3  }
0x36: {  	p1 =	seq.s32 s10, $0x1;
	s10 =	sld [smem:$0x3FAE];
	_ =	sdelay $0x3  }
0x37: {  	[smem:$0x3FAE] =	sst s10  }
0x38: {  	s10 =	sld [smem:$0x3FAF]  }
0x39: {  	_ = 	snop;
	(pc) =	sbr.ind lr, $3  }
0x3a: {  	_ = 	snop  }
0x3b: {  	_ = 	snop  }
0x3c: {  	p2 =	seq.s32 s10, $0x1;
	s10 =	sld [smem:$0x3FAE]  }
0x3d: {  	_ =	shalt  }
0x3e: {  	_ =	shalt  }
0x3f: {  	_ =	shalt  }
0x40: {  	_ =	shalt  }
0x41: {  	_ =	shalt  }
0x42: {  	_ =	shalt  }
0x43: {  	_ =	shalt  }
0x44: {  	_ =	shalt  }
0x45: {  	_ =	shalt  }
0x46: {  	_ =	shalt  }
0x47: {  	_ =	shalt  }
0x48: {  	_ =	shalt  }
0x49: {  	_ =	shalt  }
0x4a: {  	_ =	shalt  }
0x4b: {  	_ =	shalt  }
0x4c: {  	_ =	shalt  }
0x4d: {  	_ =	shalt  }
0x4e: {  	_ =	shalt  }
0x4f: {  	_ =	shalt  }
0x50: {  	_ =	shalt  }
0x51: {  	_ =	shalt  }
0x52: {  	_ =	shalt  }
0x53: {  	_ =	shalt  }
0x54: {  	_ =	shalt  }
0x55: {  	_ =	shalt  }
0x56: {  	_ =	shalt  }
0x57: {  	_ =	shalt  }
0x58: {  	_ =	shalt  }
0x59: {  	_ =	shalt  }
0x5a: {  	_ =	shalt  }
0x5b: {  	_ =	shalt  }
0x5c: {  	_ =	shalt  }
0x5d: {  	_ =	shalt  }
0x5e: {  	_ =	shalt  }
0x5f: {  	_ =	shalt  }
0x60: {  	_ =	shalt  }
0x61: {  	_ =	shalt  }
0x62: {  	_ =	shalt  }
0x63: {  	_ =	shalt  }
0x64: {  	_ =	shalt  }
0x65: {  	_ =	shalt  }
0x66: {  	_ =	shalt  }
0x67: {  	_ =	shalt  }
0x68: {  	_ =	shalt  }
0x69: {  	_ =	shalt  }
0x6a: {  	_ =	shalt  }
0x6b: {  	_ =	shalt  }
0x6c: {  	_ =	shalt  }
0x6d: {  	_ =	shalt  }
0x6e: {  	_ =	shalt  }
0x6f: {  	_ =	shalt  }
0x70: {  	_ =	shalt  }
0x71: {  	_ =	shalt  }
0x72: {  	_ =	shalt  }
0x73: {  	_ =	shalt  }
0x74: {  	_ =	shalt  }
0x75: {  	_ =	shalt  }
0x76: {  	_ =	shalt  }
0x77: {  	_ =	shalt  }
0x78: {  	_ =	shalt  }
0x79: {  	_ =	shalt  }
0x7a: {  	_ =	shalt  }
0x7b: {  	_ =	shalt  }
0x7c: {  	_ =	shalt  }
0x7d: {  	_ =	shalt  }
0x7e: {  	_ =	shalt  }
0x7f: {  	_ =	shalt  }
0x80: {  	_ =	shalt  }
0x81: {  	_ =	shalt  }
0x82: {  	_ =	shalt  }
0x83: {  	_ =	shalt  }
0x84: {  	_ =	shalt  }
0x85: {  	_ =	shalt  }
0x86: {  	_ =	shalt  }
0x87: {  	_ =	shalt  }
.Lfunc_end0:
.L_simem_size_0:
called_computation_lowered:
.L_overlay_start_0:
0x88: {  	s2 =	sld [smem:$0x3FD9]  }
0x89: {  	s3 =	sld [smem:$0x3FFE];
	_ =	sdelay $0x1  }
0x8a: {  	s1 =	srdreg.scid  }
0x8b: {  	s0 =	sand.u32 $0x1, s1  }
0x8c: {  	s17 =	sshll.u32 s0, $0xA;
	s2 =	sadd.s32 s3, s2  }
0x8d: {  	s2 =	sadd.s32 s2, s17  }
0x8e: {  	[smem:$0x3FBA] =	sst s2  }
0x8f: {  	_ = 	snop  }
0x90: {  	s2 =	sld [smem:$0x3FD0];
	(tm) =	ssettm $0x1  }
0x91: {  	s18 =	sld [smem:$0x3FFB];
	_ =	sdelay $0x3  }
0x92: {  	_ =	strace s18  }
0x93: {  	s3 =	sld [smem:$0x3FFC];
	_ =	sdelay $0x3  }
0x94: {  	_ =	strace s3  }
0x95: {  	s3 =	sld [smem:$0x3FFD];
	_ =	sdelay $0x3  }
0x96: {  	_ =	strace s3  }
0x97: {  	_ =	strace $0x8FFFFFFF  }
0x98: {  	s19 =	sld [smem:$0x3FDB];
	_ =	sdelay $0x1  }
0x99: {  	s4 =	simm.s32 $_scs_section_size  }
0x9a: {  	s5 =	simm.s32 $_size__tile_overlayer_lowered;
	s6 =	simm.s32 $_tile_overlayer_lowered  }
0x9b: {  	s22 =	simm.s32 $0x1BFF;
	s21 =	sshll.u32 s6, $0x1;
	s3 =	sadd.s32 s4, s19  }
0x9c: {  	s7 =	simm.s32 $0x0;
	s20 =	sshll.u32 s5, $0x1;
	s5 =	sadd.s32 s21, s3  }
0x9d: {  	[timem:s7], [sflag:s22] =	dma.local [hbm:s5], s20  }
0x9e: {  	_ =	swait.ge [sflag:s22], s20  }
0x9f: {  	s4 =	ssub.s32 $0x0, s20;
	[sflag:s22] =	ssyncset.done $0x0  }
0xa0: {  	[sflag:s22] =	ssyncadd.s32 s4;
	_ =	sdelay $0x1  }
0xa1: {  	s23 =	simm.s32 $0x1B8B  }
0xa2: {  	_ =	swait.ge [sflag:s23], $0x1  }
0xa3: {  	[sflag:s23] =	ssyncset.done $0x0  }
0xa4: {  	s25 =	simm.s32 $0x1B8E;
	s24 =	sld [smem:$0x3FFE];
	[sflag:s23] =	ssyncadd.s32 $0xFFFFFFFF  }
0xa5: {  	s26 =	simm.s32 $execute0_lowered;
	[smem:$0x3FD2] =	sst s25  }
0xa6: {  	s5 =	sshll.u32 s26, $0x1;
	_ =	strace $0x80000046;
	[dreg:$0x1] =	wrdreg $0xFFFFFFFF  }
0xa7: {  	s28 =	simm.s32 $_size_execute0_lowered;
	s3 =	sadd.s32 s3, s5;
	[dreg:$0x0] =	wrdreg $0x0  }
0xa8: {  	s5 =	sshll.u32 s28, $0x1;
	[dreg:$0x2] =	wrdreg s3  }
0xa9: {  	[dreg:$0x3] =	wrdreg s5  }
0xaa: {  	[dreg:$0x4] =	wrdreg $0xC0  }
0xab: {  	_ =	task [dreg:s7], $0x5FFFF  }
0xac: {  	[dreg:$0x1] =	wrdreg $0xFFFFFFFF  }
0xad: {  	[dreg:$0x0] =	wrdreg $0x60  }
0xae: {  	[dreg:$0x2] =	wrdreg s2  }
0xaf: {  	[dreg:$0x3] =	wrdreg s24  }
0xb0: {  	[dreg:$0x4] =	wrdreg $0xA2800  }
0xb1: {  	[dreg:$0x5] =	wrdreg $0x9  }
0xb2: {  	_ =	task.clear_ibuf [dreg:s7], $0x6FFFF;
	_ =	strace $0x90000046  }
0xb3: {  	s29 =	simm.s32 $0x9;
	_ =	strace $0x80000048  }
0xb4: {  	_ =	swait.ge [sflag:s29], $0x1  }
0xb5: {  	[sflag:s29] =	ssyncadd.s32 $0xFFFFFFFF  }
0xb6: {  	_ =	strace $0x90000048  }
0xb7: {  	_ =	sfence  }
0xb8: {  	s30 =	sld [smem:$0x0];
	_ =	sdelay $0x2  }
0xb9: {  	s31 =	sshll.u32 s1, $0xD;
	s1 =	sshrl.u32 s1, $0x2  }
0xba: {  	s3 =	sand.u32 $0x4000, s31;
	s1 =	sadd.s32 s1, s30  }
0xbb: {  	s0 =	sor.u32 s3, s0;
	s1 =	sshll.u32 s1, $0x11  }
0xbc: {  	s0 =	sor.u32 s1, s0  }
0xbd: {  	s0 =	sadd.s32 $0x8F2B, s0  }
0xbe: {  	[sflag:s0] =	ssyncadd.remote.s32 $0x1  }
0xbf: {  	_ =	sfence.sel $0xFFFF  }
0xc0: {  	[dreg:$0x0] =	wrdreg $0xFFFFFFFF;
	(pc) =	sbr.abs _section_cstart, $3  }
0xc1: {  	[dreg:$0x1] =	wrdreg $0xFFFFFFFF  }
0xc2: {  	_ =	task.clear_ibuf [dreg:s7], $0x2FFFF;
	_ =	strace $0x9FFFFFFF  }
0xc3: {  	(tm) =	ssettm $0x7FFFFFFF  }
tec
execute0_lowered:
.L_overlay_start_1:
0x0: {  	(tag) =	ssettag $0x1  }
0x1: {  	s7 =	rddreg [dreg:$0x0]  }
0x2: {  	s4 =	rddreg [dreg:$0x1]  }
0x3: {  	s1 =	rddreg [dreg:$0x2]  }
0x4: {  	s0 =	rddreg [dreg:$0x3];
	s3 =	simm.s32 $0x0  }
0x5: {  	s5 =	srdreg.scid;
	s2 =	stileid.u32;
	s15 =	simm.s32 $0x20  }
0x6: {  	s16 =	simm.s32 $0x10;
	s17 =	simm.s32 $0x0;
	[smem:$0x7FF] =	sst s3  }
0x7: {  	s5 =	sand.u32 $0x1, s5;
	s6 =	smul.u32 $0x500, s2;
	s8 =	sadd.s32 $0x29C00, s4  }
0x8: {  	s9 =	sadd.s32 $0x15E00, s4;
	s11 =	smul.u32 $0xA00, s2;
	s12 =	sadd.s32 $0x3DA00, s4  }
0x9: {  	s31 =	sshll.u32 s2, $0x6;
	_ =	strace $0x80000047;
	s10 =	sshll.u32 s5, $0x7  }
0xa: {  	s29 =	ssub.s32 $0x2, s5;
	p0 =	seq.s32 s5, $0x1;
	s6 =	sor.u32 s10, s6  }
0xb: {  	s13 =	sshrl.u32 s29, $0x1;
	s30 =	sshrl.u32 s11, $0x2;
	s7 =	smov.u32 @p0 s9  }
0xc: {  	s8 =	smov.u32 @p0 s12;
	s9 =	simm.s32 $0xA000;
	s12 =	simm.s32 $0x80  }
0xd: {  	s6 =	sshrl.u32 s6, $0x3;
	s10 =	ssub.s32 s29, s13;
	s7 =	sadd.s32 s7, s11  }
0xe: {  	s8 =	sadd.s32 s8, s11;
	s11 =	simm.s32 $0x5000;
	s6 =	sadd.s32 s6, s4  }
0xf: {  	s13 =	sor.u32 $0x1C01, s31;
	s4 =	sadd.s32 s30, s1;
	s5 =	sadd.s32 $0x47A00, s6  }
0x10: {  	v0 =	vimm.f32 $0.0e+00;
	s6 =	smax.u32 s10, $0x1;
	s10 =	simm.s32 $0x1;
	s14 =	sshrl.u32 s4, $0x3  }
.LBB2_1:
0x11: {  	[tilespmem:$0xA000] =	vst v0  }
0x12: {  	[tilespmem:$0xA010] =	vst v0  }
0x13: {  	[tilespmem:$0xA020] =	vst v0  }
0x14: {  	[tilespmem:$0xA030] =	vst v0  }
0x15: {  	[tilespmem:$0xA040] =	vst v0  }
0x16: {  	[tilespmem:$0xA050] =	vst v0  }
0x17: {  	[tilespmem:$0xA060] =	vst v0  }
0x18: {  	[tilespmem:$0xA070] =	vst v0  }
0x19: {  	[tilespmem:$0xA080] =	vst v0  }
0x1a: {  	[tilespmem:$0xA090] =	vst v0  }
0x1b: {  	[tilespmem:$0xA0A0] =	vst v0  }
0x1c: {  	[tilespmem:$0xA0B0] =	vst v0  }
0x1d: {  	[tilespmem:$0xA0C0] =	vst v0  }
0x1e: {  	[tilespmem:$0xA0D0] =	vst v0  }
0x1f: {  	[tilespmem:$0xA0E0] =	vst v0  }
0x20: {  	[tilespmem:$0xA0F0] =	vst v0  }
0x21: {  	[tilespmem:$0xA100] =	vst v0  }
0x22: {  	[tilespmem:$0xA110] =	vst v0  }
0x23: {  	[tilespmem:$0xA120] =	vst v0  }
0x24: {  	[tilespmem:$0xA130] =	vst v0  }
0x25: {  	[tilespmem:$0xA140] =	vst v0  }
0x26: {  	[tilespmem:$0xA150] =	vst v0  }
0x27: {  	[tilespmem:$0xA160] =	vst v0  }
0x28: {  	[tilespmem:$0xA170] =	vst v0  }
0x29: {  	[tilespmem:$0xA180] =	vst v0  }
0x2a: {  	[tilespmem:$0xA190] =	vst v0  }
0x2b: {  	[tilespmem:$0xA1A0] =	vst v0  }
0x2c: {  	[tilespmem:$0xA1B0] =	vst v0  }
0x2d: {  	[tilespmem:$0xA1C0] =	vst v0  }
0x2e: {  	[tilespmem:$0xA1D0] =	vst v0  }
0x2f: {  	[tilespmem:$0xA1E0] =	vst v0  }
0x30: {  	[tilespmem:$0xA1F0] =	vst v0  }
0x31: {  	[tilespmem:$0xA200] =	vst v0  }
0x32: {  	[tilespmem:$0xA210] =	vst v0  }
0x33: {  	[tilespmem:$0xA220] =	vst v0  }
0x34: {  	[tilespmem:$0xA230] =	vst v0  }
0x35: {  	[tilespmem:$0xA240] =	vst v0  }
0x36: {  	[tilespmem:$0xA250] =	vst v0  }
0x37: {  	[tilespmem:$0xA260] =	vst v0  }
0x38: {  	[tilespmem:$0xA270] =	vst v0  }
0x39: {  	[spmem:s4] =	stream.linear.scatter [tilespmem:s9], [sflag:$0x1], $0x280, $0x38;
	[tilespmem:$0xA500] =	vst v63  }
0x3a: {  	_ =	swait.ge [sflag:s10], $0x280  }
0x3b: {  	[sflag:s10] =	ssyncset.done $0x0  }
0x3c: {  	[sflag:s10] =	ssyncadd.s32 $0xFFFFFD80  }
0x3d: {  	[bflag:$0x0] =	sbarrier.arrive $0xFFFF  }
0x3e: {  	[tilespmem:s3], [sflag:$0x1] =	stream.linear.gather [hbm4b:s7+s3], $0x4E80, $0x38;
	[tilespmem:$0xA500] =	vst v63  }
0x3f: {  	_ =	swait.ge [sflag:s10], $0x4E80  }
0x40: {  	[sflag:s10] =	ssyncset.done $0x0  }
0x41: {  	[sflag:s10] =	ssyncadd.s32 $0xFFFFB180  }
0x42: {  	[tilespmem:s11], [sflag:$0x1] =	stream.linear.gather [hbm4b:s8+s3], $0x4E80, $0x38;
	[tilespmem:$0xA500] =	vst v63  }
0x43: {  	_ =	swait.ge [sflag:s10], $0x4E80  }
0x44: {  	[sflag:s10] =	ssyncset.done $0x0  }
0x45: {  	s18 =	simm.s32 $0x0;
	s19 =	simm.s32 $0x5000;
	[sflag:s10] =	ssyncadd.s32 $0xFFFFB180  }
0x46: {  	[spmem:s1] =	stream.indirect.scatter.add.f32 [tilespmem:s19], [sflag:$0x1], $0x1, s18, s12, $0xb8;
	[tilespmem:$0xA500] =	vst v63  }
0x47: {  	s18 =	simm.s32 $0x200;
	_ =	swait.ge [sflag:s10], $0x80  }
.LBB2_2:
0x48: {  	s19 =	sshra.s32 s18, $0x2;
	[sflag:s10] =	ssyncset.done $0x0;
	p0 =	sne.s32 s18, $0x13800  }
.Ltmp0:
0x49: {  	s20 =	sadd.s32 $0x5000, s19;
	[sflag:s10] =	ssyncadd.s32 $0xFFFFFF80;
	(pc) =	sbr.rel @p0 .LBB2_2-.Ltmp0, $3  }
0x4a: {  	[spmem:s1] =	stream.indirect.scatter.add.f32 [tilespmem:s20], [sflag:$0x1], $0x1, s19, s12, $0xb8;
	[tilespmem:$0xA500] =	vst v63  }
0x4b: {  	s18 =	sadd.s32 $0x200, s18;
	_ =	sdelay $0x1  }
0x4c: {  	_ =	swait.ge [sflag:s10], $0x80  }
0x4d: {  	[sflag:s10] =	ssyncset.done $0x0;
	s17 =	sadd.s32 $0x1, s17  }
0x4e: {  	[sflag:s10] =	ssyncadd.s32 $0xFFFFFF80;
	p0 =	sne.s32 s17, s6  }
.Ltmp1:
0x4f: {  	[bflag:$0x0] =	sbarrier.arrive $0xFFFF;
	(pc) =	sbr.rel @p0 .LBB2_1-.Ltmp1, $4  }
0x50: {  	[hbm:s5@s15], [sflag:s13] =	dma.strided [spmem:s14@s16], $0x50, s10, $0x10   }
0x51: {  	_ =	swait.ge [sflag:s10], $0x50  }
0x52: {  	[sflag:s10] =	ssyncset.done $0x0  }
0x53: {  	[sflag:s10] =	ssyncadd.s32 $0xFFFFFFB0  }
0x54: {  	_ =	sfence.sel $0x180000  }
0x55: {  	[bflag:$0x0] =	sbarrier.arrive $0xFFFF  }
0x56: {  	p0 =	sne.s32 s2, $0x0;
	_ =	strace $0x90000047  }
0x57: {  	s0 =	sadd.s32 @!p0 $0x100000, s0;
	[bflag:$0x2] =	sbarrier.arrive $0xFFFF  }
0x58: {  	[sflag:s0] =	ssyncadd.tile.s32 @!p0 $0x1;
	_ =	shalt  }
.Lfunc_end2:
_tile_overlayer_lowered:
.L_overlay_start_2:
0x59: {  	(tag) =	ssettag $0x2  }
0x5a: {  	s0 =	rddreg [dreg:$0x0];
	s2 =	stileid.u32  }
0x5b: {  	s1 =	rddreg [dreg:$0x1];
	p0 =	sne.s32 s2, $0x0  }
0x5c: {  	s3 =	rddreg [dreg:$0x2];
	[bflag:$0x3] =	sbarrier.arrive $0xFFFF;
	s2 =	simm.s32 @!p0 $0x1C01  }
0x5d: {  	[timem:s3], [sflag:s2] =	dma.local @!p0 [hbm:s0], s1  }
0x5e: {  	s0 =	simm.s32 @!p0 $0x1  }
0x5f: {  	_ =	swait.ge @!p0 [sflag:s0], s1  }
0x60: {  	s1 =	ssub.s32 @!p0 $0x0, s1;
	[sflag:s0] =	ssyncset.done @!p0 $0x0  }
0x61: {  	[sflag:s0] =	ssyncadd.s32 @!p0 s1  }
0x62: {  	[bflag:$0x3] =	sbarrier.arrive $0xFFFF  }
0x63: {  	_ =	shalt  }

// kernel: kernel.9.cloned.1.call-start
scs
__scs_entry_jumppad:
0x0: {  	(pc) =	sbr.rel $0x88, $3  }
0x1: {  	(tag) =	ssettag $0x0;
	lr =	simm.s32 $0x1  }
0x2: {  	[smem:$0x3F93] =	sst lr;
	_ =	strace $0xD0000000  }
0x3: {  	_ = 	snop  }
0x4: {  	_ = 	snop  }
0x5: {  	_ = 	snop  }
0x6: {  	_ = 	snop  }
0x7: {  	_ = 	snop  }
__scs_overlays_trampoline_lowered:
0x8: {  	[smem:$0x3FA2] =	sst s0  }
0x9: {  	[smem:$0x3FA3] =	sst s1  }
0xa: {  	[smem:$0x3FA4] =	sst s2  }
0xb: {  	[smem:$0x3FA5] =	sst s3  }
0xc: {  	[smem:$0x3FA6] =	sst s4  }
0xd: {  	[smem:$0x3FA7] =	sst s5  }
0xe: {  	[smem:$0x3FA8] =	sst s6  }
0xf: {  	[smem:$0x3FA9] =	sst s7  }
0x10: {  	[smem:$0x3FAA] =	sst s8  }
0x11: {  	[smem:$0x3FAB] =	sst s9;
	s0 =	simm.s32 @!p0 $0x0  }
0x12: {  	s1 =	sld [smem:$0x3F91];
	s0 =	simm.s32 @p0 $0x1  }
0x13: {  	[smem:$0x3FAC] =	sst s0;
	s0 =	simm.s32 @!p1 $0x0  }
0x14: {  	s2 =	sld [smem:$0x3F90];
	s0 =	simm.s32 @p1 $0x1  }
0x15: {  	[smem:$0x3FAD] =	sst s0;
	s0 =	simm.s32 @!p2 $0x0  }
0x16: {  	s3 =	sld [smem:$0x3FDB];
	s0 =	simm.s32 @p2 $0x1  }
0x17: {  	s4 =	simm.s32 $0x1BF5;
	[smem:$0x3FAF] =	sst s0  }
0x18: {  	s0 =	sld [smem:$0x3F92];
	_ =	swait.ge [sflag:s4], $0x0  }
0x19: {  	s7 =	sld [smem:$0x3F93]  }
0x1a: {  	s8 =	sadd.s32 $0xFFFFE003, lr  }
0x1b: {  	s9 =	sadd.s32 $0xFFFFFEF7, lr;
	s5 =	simm.s32 $0xFFFFFFFF;
	p2 =	slt.u32 s8, $0xFFFFF086  }
0x1c: {  	p1 =	slt.u32 s9, $0xF7A;
	s5 =	simm.s32 @!p2 $0x0  }
0x1d: {  	s5 =	simm.s32 @p1 $0x1;
	p0 =	seq.s32 s7, s2  }
0x1e: {  	s7 =	smul.u32 @!p0 $0xF7A, s2;
	p2 =	seq.s32 @!p0 s5, $0x0  }
0x1f: {  	s9 =	smul.u32 $0xF7A, s1;
	s8 =	simm.s32 @!p0 $0x1BF5;
	p2 =	por !p2, p0  }
0x20: {  	[sflag:s8] =	ssyncset.s32 @!p0 $0xFFFFF086;
	s6 =	sadd.s32 @!p0 s3, s7;
	s7 =	simm.s32 @!p0 $0x108  }
0x21: {  	s3 =	sadd.s32 s3, s9;
	s6 =	sadd.s32 @!p0 $0x88, s6;
	s7 =	simm.s32 @p2 $0x1082  }
0x22: {  	[simem:s7], [sflag:s8] =	dma.local @!p0 [hbm:s6], $0xF7A  }
0x23: {  	s9 =	sor.u32 $0xD0000000, s2;
	s6 =	simm.s32 $0x108;
	_ =	swait.ge @!p0 [sflag:s8], $0x0  }
0x24: {  	s3 =	sadd.s32 $0x88, s3;
	s6 =	simm.s32 @!p1 $0x1082;
	[sflag:s4] =	ssyncset.s32 $0xFFFFF086  }
0x25: {  	[simem:s6], [sflag:s4] =	dma.local [hbm:s3], $0xF7A  }
0x26: {  	[smem:$0x3F93] =	sst s1;
	(tag) =	ssettag s2;
	_ =	strace s9  }
0x27: {  	s1 =	sld [smem:$0x3FA3]  }
0x28: {  	s2 =	sld [smem:$0x3FA4]  }
0x29: {  	s4 =	sld [smem:$0x3FA6]  }
0x2a: {  	p0 =	seq.s32 s5, $0x0;
	s5 =	sld [smem:$0x3FA7]  }
0x2b: {  	s6 =	sld [smem:$0x3FA8]  }
0x2c: {  	s7 =	sld [smem:$0x3FA9]  }
0x2d: {  	s3 =	simm.s32 $0x108;
	s8 =	sld [smem:$0x3FAA]  }
0x2e: {  	s3 =	simm.s32 @!p0 $0x1082;
	s9 =	sld [smem:$0x3FAB]  }
0x2f: {  	lr =	sadd.s32 s0, s3;
	s0 =	sld [smem:$0x3FA2]  }
0x30: {  	s3 =	sld [smem:$0x3FA5]  }
0x31: {  	[smem:$0x3FAE] =	sst s10  }
0x32: {  	s10 =	sld [smem:$0x3FAC];
	_ =	sdelay $0x3  }
0x33: {  	p0 =	seq.s32 s10, $0x1;
	s10 =	sld [smem:$0x3FAE];
	_ =	sdelay $0x3  }
0x34: {  	[smem:$0x3FAE] =	sst s10  }
0x35: {  	s10 =	sld [smem:$0x3FAD];
	_ =	sdelay $0x3  }
0x36: {  	p1 =	seq.s32 s10, $0x1;
	s10 =	sld [smem:$0x3FAE];
	_ =	sdelay $0x3  }
0x37: {  	[smem:$0x3FAE] =	sst s10  }
0x38: {  	s10 =	sld [smem:$0x3FAF]  }
0x39: {  	_ = 	snop;
	(pc) =	sbr.ind lr, $3  }
0x3a: {  	_ = 	snop  }
0x3b: {  	_ = 	snop  }
0x3c: {  	p2 =	seq.s32 s10, $0x1;
	s10 =	sld [smem:$0x3FAE]  }
0x3d: {  	_ =	shalt  }
0x3e: {  	_ =	shalt  }
0x3f: {  	_ =	shalt  }
0x40: {  	_ =	shalt  }
0x41: {  	_ =	shalt  }
0x42: {  	_ =	shalt  }
0x43: {  	_ =	shalt  }
0x44: {  	_ =	shalt  }
0x45: {  	_ =	shalt  }
0x46: {  	_ =	shalt  }
0x47: {  	_ =	shalt  }
0x48: {  	_ =	shalt  }
0x49: {  	_ =	shalt  }
0x4a: {  	_ =	shalt  }
0x4b: {  	_ =	shalt  }
0x4c: {  	_ =	shalt  }
0x4d: {  	_ =	shalt  }
0x4e: {  	_ =	shalt  }
0x4f: {  	_ =	shalt  }
0x50: {  	_ =	shalt  }
0x51: {  	_ =	shalt  }
0x52: {  	_ =	shalt  }
0x53: {  	_ =	shalt  }
0x54: {  	_ =	shalt  }
0x55: {  	_ =	shalt  }
0x56: {  	_ =	shalt  }
0x57: {  	_ =	shalt  }
0x58: {  	_ =	shalt  }
0x59: {  	_ =	shalt  }
0x5a: {  	_ =	shalt  }
0x5b: {  	_ =	shalt  }
0x5c: {  	_ =	shalt  }
0x5d: {  	_ =	shalt  }
0x5e: {  	_ =	shalt  }
0x5f: {  	_ =	shalt  }
0x60: {  	_ =	shalt  }
0x61: {  	_ =	shalt  }
0x62: {  	_ =	shalt  }
0x63: {  	_ =	shalt  }
0x64: {  	_ =	shalt  }
0x65: {  	_ =	shalt  }
0x66: {  	_ =	shalt  }
0x67: {  	_ =	shalt  }
0x68: {  	_ =	shalt  }
0x69: {  	_ =	shalt  }
0x6a: {  	_ =	shalt  }
0x6b: {  	_ =	shalt  }
0x6c: {  	_ =	shalt  }
0x6d: {  	_ =	shalt  }
0x6e: {  	_ =	shalt  }
0x6f: {  	_ =	shalt  }
0x70: {  	_ =	shalt  }
0x71: {  	_ =	shalt  }
0x72: {  	_ =	shalt  }
0x73: {  	_ =	shalt  }
0x74: {  	_ =	shalt  }
0x75: {  	_ =	shalt  }
0x76: {  	_ =	shalt  }
0x77: {  	_ =	shalt  }
0x78: {  	_ =	shalt  }
0x79: {  	_ =	shalt  }
0x7a: {  	_ =	shalt  }
0x7b: {  	_ =	shalt  }
0x7c: {  	_ =	shalt  }
0x7d: {  	_ =	shalt  }
0x7e: {  	_ =	shalt  }
0x7f: {  	_ =	shalt  }
0x80: {  	_ =	shalt  }
0x81: {  	_ =	shalt  }
0x82: {  	_ =	shalt  }
0x83: {  	_ =	shalt  }
0x84: {  	_ =	shalt  }
0x85: {  	_ =	shalt  }
0x86: {  	_ =	shalt  }
0x87: {  	_ =	shalt  }
.Lfunc_end0:
.L_simem_size_0:
called_computation.1_lowered:
.L_overlay_start_0:
0x88: {  	s2 =	sld [smem:$0x3FD9]  }
0x89: {  	s3 =	sld [smem:$0x3FFE];
	_ =	sdelay $0x1  }
0x8a: {  	s1 =	srdreg.scid  }
0x8b: {  	s0 =	sand.u32 $0x1, s1  }
0x8c: {  	s17 =	sshll.u32 s0, $0xA;
	s2 =	sadd.s32 s3, s2  }
0x8d: {  	s2 =	sadd.s32 s2, s17  }
0x8e: {  	[smem:$0x3FBA] =	sst s2  }
0x8f: {  	_ = 	snop  }
0x90: {  	s2 =	sld [smem:$0x3FD0];
	(tm) =	ssettm $0x1  }
0x91: {  	s18 =	sld [smem:$0x3FFB];
	_ =	sdelay $0x3  }
0x92: {  	_ =	strace s18  }
0x93: {  	s3 =	sld [smem:$0x3FFC];
	_ =	sdelay $0x3  }
0x94: {  	_ =	strace s3  }
0x95: {  	s3 =	sld [smem:$0x3FFD];
	_ =	sdelay $0x3  }
0x96: {  	_ =	strace s3  }
0x97: {  	_ =	strace $0x8FFFFFFF  }
0x98: {  	s19 =	sld [smem:$0x3FDB];
	_ =	sdelay $0x1  }
0x99: {  	s4 =	simm.s32 $_scs_section_size  }
0x9a: {  	s5 =	simm.s32 $_size__tile_overlayer_lowered;
	s6 =	simm.s32 $_tile_overlayer_lowered  }
0x9b: {  	s22 =	simm.s32 $0x1BFF;
	s21 =	sshll.u32 s6, $0x1;
	s3 =	sadd.s32 s4, s19  }
0x9c: {  	s7 =	simm.s32 $0x0;
	s20 =	sshll.u32 s5, $0x1;
	s5 =	sadd.s32 s21, s3  }
0x9d: {  	[timem:s7], [sflag:s22] =	dma.local [hbm:s5], s20  }
0x9e: {  	_ =	swait.ge [sflag:s22], s20  }
0x9f: {  	s4 =	ssub.s32 $0x0, s20;
	[sflag:s22] =	ssyncset.done $0x0  }
0xa0: {  	[sflag:s22] =	ssyncadd.s32 s4;
	_ =	sdelay $0x1  }
0xa1: {  	s23 =	simm.s32 $0x1B8B  }
0xa2: {  	_ =	swait.ge [sflag:s23], $0x1  }
0xa3: {  	[sflag:s23] =	ssyncset.done $0x0  }
0xa4: {  	s25 =	simm.s32 $0x1B8E;
	s24 =	sld [smem:$0x3FFE];
	[sflag:s23] =	ssyncadd.s32 $0xFFFFFFFF  }
0xa5: {  	s26 =	simm.s32 $execute0_lowered;
	[smem:$0x3FD2] =	sst s25  }
0xa6: {  	s5 =	sshll.u32 s26, $0x1;
	_ =	strace $0x80000049;
	[dreg:$0x1] =	wrdreg $0xFFFFFFFF  }
0xa7: {  	s28 =	simm.s32 $_size_execute0_lowered;
	s3 =	sadd.s32 s3, s5;
	[dreg:$0x0] =	wrdreg $0x0  }
0xa8: {  	s5 =	sshll.u32 s28, $0x1;
	[dreg:$0x2] =	wrdreg s3  }
0xa9: {  	[dreg:$0x3] =	wrdreg s5  }
0xaa: {  	[dreg:$0x4] =	wrdreg $0xC0  }
0xab: {  	_ =	task [dreg:s7], $0x5FFFF  }
0xac: {  	[dreg:$0x1] =	wrdreg $0xFFFFFFFF  }
0xad: {  	[dreg:$0x0] =	wrdreg $0x60  }
0xae: {  	[dreg:$0x2] =	wrdreg s2  }
0xaf: {  	[dreg:$0x3] =	wrdreg s24  }
0xb0: {  	[dreg:$0x4] =	wrdreg $0x11B800  }
0xb1: {  	[dreg:$0x5] =	wrdreg $0x9  }
0xb2: {  	_ =	task.clear_ibuf [dreg:s7], $0x6FFFF;
	_ =	strace $0x90000049  }
0xb3: {  	s29 =	simm.s32 $0x9;
	_ =	strace $0x8000004B  }
0xb4: {  	_ =	swait.ge [sflag:s29], $0x1  }
0xb5: {  	[sflag:s29] =	ssyncadd.s32 $0xFFFFFFFF  }
0xb6: {  	_ =	strace $0x9000004B  }
0xb7: {  	_ =	sfence  }
0xb8: {  	s30 =	sld [smem:$0x0];
	_ =	sdelay $0x2  }
0xb9: {  	s31 =	sshll.u32 s1, $0xD;
	s1 =	sshrl.u32 s1, $0x2  }
0xba: {  	s3 =	sand.u32 $0x4000, s31;
	s1 =	sadd.s32 s1, s30  }
0xbb: {  	s0 =	sor.u32 s3, s0;
	s1 =	sshll.u32 s1, $0x11  }
0xbc: {  	s0 =	sor.u32 s1, s0  }
0xbd: {  	s0 =	sadd.s32 $0x8F2B, s0  }
0xbe: {  	[sflag:s0] =	ssyncadd.remote.s32 $0x1  }
0xbf: {  	_ =	sfence.sel $0xFFFF  }
0xc0: {  	[dreg:$0x0] =	wrdreg $0xFFFFFFFF;
	(pc) =	sbr.abs _section_cstart, $3  }
0xc1: {  	[dreg:$0x1] =	wrdreg $0xFFFFFFFF  }
0xc2: {  	_ =	task.clear_ibuf [dreg:s7], $0x2FFFF;
	_ =	strace $0x9FFFFFFF  }
0xc3: {  	(tm) =	ssettm $0x7FFFFFFF  }
tec
execute0_lowered:
.L_overlay_start_1:
0x0: {  	(tag) =	ssettag $0x1  }
0x1: {  	s1 =	rddreg [dreg:$0x0]  }
0x2: {  	s0 =	rddreg [dreg:$0x1]  }
0x3: {  	s2 =	rddreg [dreg:$0x2]  }
0x4: {  	s4 =	simm.s32 $0x0;
	s3 =	stileid.u32;
	s6 =	srdreg.scid  }
0x5: {  	[smem:$0x7FF] =	sst s4;
	s5 =	sadd.s32 $0x11FC00, s0;
	s8 =	smul.u32 $0x9D0, s3  }
0x6: {  	s9 =	sand.u32 $0x1, s6;
	s6 =	sadd.s32 $0x10C200, s0;
	s22 =	smul.u32 $0xA000, s3  }
0x7: {  	s7 =	sadd.s32 $0xF8800, s0;
	s20 =	smul.u32 $0x28000, s3;
	_ =	strace $0x8000004A  }
0x8: {  	s10 =	ssub.s32 $0x2, s9;
	p0 =	seq.s32 s9, $0x0;
	s25 =	sadd.s32 $0xA0000, s22  }
0x9: {  	s11 =	sadd.s32 s8, s0;
	s26 =	sadd.s32 $0x1E0000, s22;
	[dreg:$0xb] =	wrdreg s25  }
0xa: {  	s9 =	simm.s32 $0x10B80;
	s19 =	sadd.s32 $0x48400, s11;
	[dreg:$0xd] =	wrdreg s26  }
0xb: {  	s8 =	sadd.s32 $0x133600, s0;
	s12 =	sadd.s32 $0xC000, s11;
	[dreg:$0x4] =	wrdreg s19  }
0xc: {  	s18 =	sshrl.u32 s10, $0x1;
	s21 =	sadd.s32 $0x33C00, s11;
	[dreg:$0x5] =	wrdreg s12  }
0xd: {  	s24 =	sshrl.u32 s22, $0x3;
	s13 =	sadd.s32 $0x52200, s11;
	[dreg:$0x6] =	wrdreg s21  }
0xe: {  	s0 =	ssub.s32 s10, s18;
	s23 =	sadd.s32 $0x2200, s11;
	[dreg:$0x7] =	wrdreg s13  }
0xf: {  	s10 =	sshrl.u32 s20, $0x2;
	s11 =	sadd.s32 $0x1FE00, s11;
	[dreg:$0x8] =	wrdreg s23  }
0x10: {  	s17 =	sadd.s32 s22, s2;
	[dreg:$0x9] =	wrdreg s11;
	s15 =	sadd.s32 s10, s2  }
0x11: {  	s10 =	sadd.s32 s8, s24;
	s21 =	smax.u32 s0, $0x1;
	s0 =	simm.s32 $0x1  }
.Ltmp0:
0x12: {  	s11 =	simm.s32 $0xEB80;
	[dreg:$0xa] =	wrdreg s10;
	(pc) =	sbr.rel .LBB2_1-.Ltmp0, $4  }
0x13: {  	s10 =	sadd.s32 $0x28000, s10;
	s22 =	sadd.s32 $0x1000, s15;
	s23 =	sadd.s32 $0x2000, s15  }
0x14: {  	s24 =	sadd.s32 $0x3000, s15;
	s25 =	sadd.s32 $0x4000, s15;
	s26 =	sadd.s32 $0x5000, s15  }
0x15: {  	s28 =	sadd.s32 $0x6000, s15;
	s29 =	sadd.s32 $0x7000, s15;
	s30 =	sadd.s32 $0x8000, s15  }
0x16: {  	v0 =	vimm.f32 $0.0e+00;
	s31 =	sadd.s32 $0x9000, s15;
	[dreg:$0xc] =	wrdreg s10;
	s10 =	simm.s32 $0x80  }
.LBB2_22:
0x17: {  	s4 =	sadd.s32 $0x1, s4  }
0x18: {  	s13 =	sshrl.u32 s13, $0x3;
	[bflag:$0x0] =	sbarrier.arrive $0xFFFF;
	p1 =	sne.s32 s4, s21  }
.Ltmp1:
0x19: {  	s14 =	sshrl.u32 s17, $0x3;
	s13 =	sadd.s32 s8, s13;
	(pc) =	sbr.rel @!p1 .LBB2_23-.Ltmp1, $4  }
0x1a: {  	[hbm:s13], [sflag:s12] =	dma.local [spmem:s14], $0x1400  }
0x1b: {  	_ =	swait.ge [sflag:s0], $0x1400  }
0x1c: {  	[sflag:s0] =	ssyncset.done $0x0  }
0x1d: {  	[sflag:s0] =	ssyncadd.s32 $0xFFFFEC00  }
.LBB2_1:
0x1e: {  	s13 =	simm.s32 $0x100;
	s12 =	simm.s32 $0x0  }
.LBB2_2:
0x1f: {  	p1 =	sne.s32 s13, $0x3F00;
	[tilespmem:s12+$0x10BB0] =	vst v0;
	s14 =	smov.u32 s13;
	s13 =	sadd.s32 $0x100, s13  }
.Ltmp2:
0x20: {  	[tilespmem:s12+$0x10BA0] =	vst v0;
	(pc) =	sbr.rel @p1 .LBB2_2-.Ltmp2, $3  }
0x21: {  	[tilespmem:s12+$0x10B80] =	vst v0  }
0x22: {  	[tilespmem:s12+$0x10B90] =	vst v0;
	_ =	sdelay $0x1  }
0x23: {  	s12 =	sshra.s32 s14, $0x2  }
.Ltmp3:
0x24: {  	(pc) =	sbr.rel @!p0 .LBB2_4-.Ltmp3, $4  }
0x25: {  	[tilespmem:s12+$0x10BB0] =	vst v0  }
0x26: {  	[tilespmem:s12+$0x10BA0] =	vst v0  }
0x27: {  	[tilespmem:s12+$0x10B80] =	vst v0  }
0x28: {  	[tilespmem:s12+$0x10B90] =	vst v0;
	s12 =	simm.s32 $0x0  }
0x29: {  	s13 =	rddreg [dreg:$0x7]  }
0x2a: {  	[tilespmem:s12], [sflag:$0x1] =	stream.linear.gather [hbm4b:s13+s12], $0x4E80, $0x38;
	[tilespmem:$0x1BB80] =	vst v63  }
0x2b: {  	_ =	swait.ge [sflag:s0], $0x4E80  }
0x2c: {  	[sflag:s0] =	ssyncset.done $0x0  }
0x2d: {  	s14 =	simm.s32 $0x4E80;
	s19 =	rddreg [dreg:$0x8];
	[sflag:s0] =	ssyncadd.s32 $0xFFFFB180  }
0x2e: {  	[tilespmem:s14], [sflag:$0x1] =	stream.linear.gather [hbm4b:s19+s12], $0x4E80, $0x38;
	[tilespmem:$0x1BB80] =	vst v63  }
0x2f: {  	_ =	swait.ge [sflag:s0], $0x4E80  }
0x30: {  	[sflag:s0] =	ssyncset.done $0x0  }
0x31: {  	s13 =	simm.s32 $0x9D00;
	s20 =	rddreg [dreg:$0x9];
	[sflag:s0] =	ssyncadd.s32 $0xFFFFB180  }
0x32: {  	[tilespmem:s13], [sflag:$0x1] =	stream.linear.gather [hbm4b:s20+s12], $0x4E80, $0x38;
	[tilespmem:$0x1BB80] =	vst v63  }
0x33: {  	_ =	swait.ge [sflag:s0], $0x4E80  }
0x34: {  	[sflag:s0] =	ssyncset.done $0x0  }
0x35: {  	[sflag:s0] =	ssyncadd.s32 $0xFFFFB180  }
0x36: {  	[spmem:s15] =	stream.linear.scatter [tilespmem:s9], [sflag:$0x1], $0x1000, $0x38;
	[tilespmem:$0x1BB80] =	vst v63  }
0x37: {  	_ =	swait.ge [sflag:s0], $0x1000  }
0x38: {  	[sflag:s0] =	ssyncset.done $0x0  }
0x39: {  	[sflag:s0] =	ssyncadd.s32 $0xFFFFF000  }
0x3a: {  	[spmem:s22] =	stream.linear.scatter [tilespmem:s9], [sflag:$0x1], $0x1000, $0x38;
	[tilespmem:$0x1BB80] =	vst v63  }
0x3b: {  	_ =	swait.ge [sflag:s0], $0x1000  }
0x3c: {  	[sflag:s0] =	ssyncset.done $0x0  }
0x3d: {  	[sflag:s0] =	ssyncadd.s32 $0xFFFFF000  }
0x3e: {  	[spmem:s23] =	stream.linear.scatter [tilespmem:s9], [sflag:$0x1], $0x1000, $0x38;
	[tilespmem:$0x1BB80] =	vst v63  }
0x3f: {  	_ =	swait.ge [sflag:s0], $0x1000  }
0x40: {  	[sflag:s0] =	ssyncset.done $0x0  }
0x41: {  	[sflag:s0] =	ssyncadd.s32 $0xFFFFF000  }
0x42: {  	[spmem:s24] =	stream.linear.scatter [tilespmem:s9], [sflag:$0x1], $0x1000, $0x38;
	[tilespmem:$0x1BB80] =	vst v63  }
0x43: {  	_ =	swait.ge [sflag:s0], $0x1000  }
0x44: {  	[sflag:s0] =	ssyncset.done $0x0  }
0x45: {  	[sflag:s0] =	ssyncadd.s32 $0xFFFFF000  }
0x46: {  	[spmem:s25] =	stream.linear.scatter [tilespmem:s9], [sflag:$0x1], $0x1000, $0x38;
	[tilespmem:$0x1BB80] =	vst v63  }
0x47: {  	_ =	swait.ge [sflag:s0], $0x1000  }
0x48: {  	[sflag:s0] =	ssyncset.done $0x0  }
0x49: {  	[sflag:s0] =	ssyncadd.s32 $0xFFFFF000  }
0x4a: {  	[spmem:s26] =	stream.linear.scatter [tilespmem:s9], [sflag:$0x1], $0x1000, $0x38;
	[tilespmem:$0x1BB80] =	vst v63  }
0x4b: {  	_ =	swait.ge [sflag:s0], $0x1000  }
0x4c: {  	[sflag:s0] =	ssyncset.done $0x0  }
0x4d: {  	[sflag:s0] =	ssyncadd.s32 $0xFFFFF000  }
0x4e: {  	[spmem:s28] =	stream.linear.scatter [tilespmem:s9], [sflag:$0x1], $0x1000, $0x38;
	[tilespmem:$0x1BB80] =	vst v63  }
0x4f: {  	_ =	swait.ge [sflag:s0], $0x1000  }
0x50: {  	[sflag:s0] =	ssyncset.done $0x0  }
0x51: {  	[sflag:s0] =	ssyncadd.s32 $0xFFFFF000  }
0x52: {  	[spmem:s29] =	stream.linear.scatter [tilespmem:s9], [sflag:$0x1], $0x1000, $0x38;
	[tilespmem:$0x1BB80] =	vst v63  }
0x53: {  	_ =	swait.ge [sflag:s0], $0x1000  }
0x54: {  	[sflag:s0] =	ssyncset.done $0x0  }
0x55: {  	[sflag:s0] =	ssyncadd.s32 $0xFFFFF000  }
0x56: {  	[spmem:s30] =	stream.linear.scatter [tilespmem:s9], [sflag:$0x1], $0x1000, $0x38;
	[tilespmem:$0x1BB80] =	vst v63  }
0x57: {  	_ =	swait.ge [sflag:s0], $0x1000  }
0x58: {  	[sflag:s0] =	ssyncset.done $0x0  }
0x59: {  	[sflag:s0] =	ssyncadd.s32 $0xFFFFF000  }
0x5a: {  	[spmem:s31] =	stream.linear.scatter [tilespmem:s9], [sflag:$0x1], $0x1000, $0x38;
	[tilespmem:$0x1BB80] =	vst v63  }
0x5b: {  	_ =	swait.ge [sflag:s0], $0x1000  }
0x5c: {  	[sflag:s0] =	ssyncset.done $0x0  }
0x5d: {  	[sflag:s0] =	ssyncadd.s32 $0xFFFFF000  }
0x5e: {  	[bflag:$0x0] =	sbarrier.arrive $0xFFFF  }
.LBB2_14:
0x5f: {  	s14 =	sshll.u32 s12, $0x7  }
0x60: {  	v1 =	vmov s13;
	[tilespmem:s11], [sflag:$0x1] =	stream.indirect.gather [hbm4b:s1+s10], $0x40, s14, s10, $0xb8;
	[tilespmem:$0x1BB80] =	vst v63  }
0x61: {  	_ =	swait.ge [sflag:s0], $0x2000  }
0x62: {  	[sflag:s0] =	ssyncset.done $0x0  }
0x63: {  	s19 =	simm.s32 $0xED80;
	s18 =	simm.s32 $0x0;
	[sflag:s0] =	ssyncadd.s32 $0xFFFFE000  }
.LBB2_15:
0x64: {  	s20 =	sshra.s32 s18, $0x2  }
0x65: {  	v2 =	vld.idx.msk [tilespmem:v1+s20+$0x0 ss:$0x1], $0xffff;
	_ =	sdelay $0x1  }
0x66: {  	v3 =	vld [tilespmem:s19+$0xFFFFFE00];
	_ =	sdelay $0x2  }
0x67: {  	v4 =	vbroadcast v2, $0x0;
	_ =	sdelay $0x1  }
0x68: {  	v3 =	vmul.f32 v4, v3;
	_ =	sdelay $0x1  }
0x69: {  	[tilespmem:s19+$0xFFFFFE00] =	vst v3;
	v3 =	vld [tilespmem:s19+$0xFFFFFE10];
	_ =	sdelay $0x4  }
0x6a: {  	v3 =	vmul.f32 v3, v4;
	_ =	sdelay $0x1  }
0x6b: {  	[tilespmem:s19+$0xFFFFFE10] =	vst v3;
	v3 =	vld [tilespmem:s19+$0xFFFFFE20];
	_ =	sdelay $0x4  }
0x6c: {  	v3 =	vmul.f32 v3, v4;
	_ =	sdelay $0x1  }
0x6d: {  	[tilespmem:s19+$0xFFFFFE20] =	vst v3;
	v3 =	vld [tilespmem:s19+$0xFFFFFE30];
	_ =	sdelay $0x4  }
0x6e: {  	v3 =	vmul.f32 v3, v4;
	_ =	sdelay $0x1  }
0x6f: {  	[tilespmem:s19+$0xFFFFFE30] =	vst v3;
	v3 =	vld [tilespmem:s19+$0xFFFFFE40];
	_ =	sdelay $0x2  }
0x70: {  	v50 =	vbroadcast v2, $0x1;
	_ =	sdelay $0x1  }
0x71: {  	v3 =	vmul.f32 v3, v50;
	_ =	sdelay $0x1  }
0x72: {  	[tilespmem:s19+$0xFFFFFE40] =	vst v3;
	v3 =	vld [tilespmem:s19+$0xFFFFFE50];
	_ =	sdelay $0x4  }
0x73: {  	v3 =	vmul.f32 v3, v50;
	_ =	sdelay $0x1  }
0x74: {  	[tilespmem:s19+$0xFFFFFE50] =	vst v3;
	v3 =	vld [tilespmem:s19+$0xFFFFFE60];
	_ =	sdelay $0x4  }
0x75: {  	v3 =	vmul.f32 v3, v50;
	_ =	sdelay $0x1  }
0x76: {  	[tilespmem:s19+$0xFFFFFE60] =	vst v3;
	v3 =	vld [tilespmem:s19+$0xFFFFFE70];
	_ =	sdelay $0x4  }
0x77: {  	v3 =	vmul.f32 v3, v50;
	_ =	sdelay $0x1  }
0x78: {  	[tilespmem:s19+$0xFFFFFE70] =	vst v3;
	v3 =	vld [tilespmem:s19+$0xFFFFFE80];
	_ =	sdelay $0x2  }
0x79: {  	v51 =	vbroadcast v2, $0x2;
	_ =	sdelay $0x1  }
0x7a: {  	v3 =	vmul.f32 v3, v51;
	_ =	sdelay $0x1  }
0x7b: {  	[tilespmem:s19+$0xFFFFFE80] =	vst v3;
	v3 =	vld [tilespmem:s19+$0xFFFFFE90];
	_ =	sdelay $0x4  }
0x7c: {  	v3 =	vmul.f32 v3, v51;
	_ =	sdelay $0x1  }
0x7d: {  	[tilespmem:s19+$0xFFFFFE90] =	vst v3;
	v3 =	vld [tilespmem:s19+$0xFFFFFEA0];
	_ =	sdelay $0x4  }
0x7e: {  	v3 =	vmul.f32 v3, v51;
	_ =	sdelay $0x1  }
0x7f: {  	[tilespmem:s19+$0xFFFFFEA0] =	vst v3;
	v3 =	vld [tilespmem:s19+$0xFFFFFEB0];
	_ =	sdelay $0x4  }
0x80: {  	v3 =	vmul.f32 v3, v51;
	_ =	sdelay $0x1  }
0x81: {  	[tilespmem:s19+$0xFFFFFEB0] =	vst v3;
	v3 =	vld [tilespmem:s19+$0xFFFFFEC0];
	_ =	sdelay $0x2  }
0x82: {  	v52 =	vbroadcast v2, $0x3;
	_ =	sdelay $0x1  }
0x83: {  	v3 =	vmul.f32 v3, v52;
	_ =	sdelay $0x1  }
0x84: {  	[tilespmem:s19+$0xFFFFFEC0] =	vst v3;
	v3 =	vld [tilespmem:s19+$0xFFFFFED0];
	_ =	sdelay $0x4  }
0x85: {  	v3 =	vmul.f32 v3, v52;
	_ =	sdelay $0x1  }
0x86: {  	[tilespmem:s19+$0xFFFFFED0] =	vst v3;
	v3 =	vld [tilespmem:s19+$0xFFFFFEE0];
	_ =	sdelay $0x4  }
0x87: {  	v3 =	vmul.f32 v3, v52;
	_ =	sdelay $0x1  }
0x88: {  	[tilespmem:s19+$0xFFFFFEE0] =	vst v3;
	v3 =	vld [tilespmem:s19+$0xFFFFFEF0];
	_ =	sdelay $0x4  }
0x89: {  	v3 =	vmul.f32 v3, v52;
	_ =	sdelay $0x1  }
0x8a: {  	[tilespmem:s19+$0xFFFFFEF0] =	vst v3;
	v3 =	vld [tilespmem:s19+$0xFFFFFF00];
	_ =	sdelay $0x2  }
0x8b: {  	v53 =	vbroadcast v2, $0x4;
	_ =	sdelay $0x1  }
0x8c: {  	v3 =	vmul.f32 v3, v53;
	_ =	sdelay $0x1  }
0x8d: {  	[tilespmem:s19+$0xFFFFFF00] =	vst v3;
	v3 =	vld [tilespmem:s19+$0xFFFFFF10];
	_ =	sdelay $0x4  }
0x8e: {  	v3 =	vmul.f32 v3, v53;
	_ =	sdelay $0x1  }
0x8f: {  	[tilespmem:s19+$0xFFFFFF10] =	vst v3;
	v3 =	vld [tilespmem:s19+$0xFFFFFF20];
	_ =	sdelay $0x4  }
0x90: {  	v3 =	vmul.f32 v3, v53;
	_ =	sdelay $0x1  }
0x91: {  	[tilespmem:s19+$0xFFFFFF20] =	vst v3;
	v3 =	vld [tilespmem:s19+$0xFFFFFF30];
	_ =	sdelay $0x4  }
0x92: {  	v3 =	vmul.f32 v3, v53;
	_ =	sdelay $0x1  }
0x93: {  	[tilespmem:s19+$0xFFFFFF30] =	vst v3;
	v3 =	vld [tilespmem:s19+$0xFFFFFF40];
	_ =	sdelay $0x2  }
0x94: {  	v54 =	vbroadcast v2, $0x5;
	_ =	sdelay $0x1  }
0x95: {  	v3 =	vmul.f32 v3, v54;
	_ =	sdelay $0x1  }
0x96: {  	[tilespmem:s19+$0xFFFFFF40] =	vst v3;
	v3 =	vld [tilespmem:s19+$0xFFFFFF50];
	_ =	sdelay $0x4  }
0x97: {  	v3 =	vmul.f32 v3, v54;
	_ =	sdelay $0x1  }
0x98: {  	[tilespmem:s19+$0xFFFFFF50] =	vst v3;
	v3 =	vld [tilespmem:s19+$0xFFFFFF60];
	_ =	sdelay $0x4  }
0x99: {  	v3 =	vmul.f32 v3, v54;
	_ =	sdelay $0x1  }
0x9a: {  	[tilespmem:s19+$0xFFFFFF60] =	vst v3;
	v3 =	vld [tilespmem:s19+$0xFFFFFF70];
	_ =	sdelay $0x4  }
0x9b: {  	v3 =	vmul.f32 v3, v54;
	_ =	sdelay $0x1  }
0x9c: {  	[tilespmem:s19+$0xFFFFFF70] =	vst v3;
	v3 =	vld [tilespmem:s19+$0xFFFFFF80];
	_ =	sdelay $0x2  }
0x9d: {  	v55 =	vbroadcast v2, $0x6;
	_ =	sdelay $0x1  }
0x9e: {  	v3 =	vmul.f32 v3, v55;
	_ =	sdelay $0x1  }
0x9f: {  	[tilespmem:s19+$0xFFFFFF80] =	vst v3;
	v3 =	vld [tilespmem:s19+$0xFFFFFF90];
	_ =	sdelay $0x4  }
0xa0: {  	v3 =	vmul.f32 v3, v55;
	_ =	sdelay $0x1  }
0xa1: {  	[tilespmem:s19+$0xFFFFFF90] =	vst v3;
	v3 =	vld [tilespmem:s19+$0xFFFFFFA0];
	_ =	sdelay $0x4  }
0xa2: {  	v3 =	vmul.f32 v3, v55;
	_ =	sdelay $0x1  }
0xa3: {  	[tilespmem:s19+$0xFFFFFFA0] =	vst v3;
	v3 =	vld [tilespmem:s19+$0xFFFFFFB0];
	_ =	sdelay $0x4  }
0xa4: {  	v3 =	vmul.f32 v3, v55;
	_ =	sdelay $0x1  }
0xa5: {  	[tilespmem:s19+$0xFFFFFFB0] =	vst v3;
	v3 =	vld [tilespmem:s19+$0xFFFFFFC0];
	_ =	sdelay $0x2  }
0xa6: {  	v56 =	vbroadcast v2, $0x7;
	_ =	sdelay $0x1  }
0xa7: {  	v3 =	vmul.f32 v3, v56;
	_ =	sdelay $0x1  }
0xa8: {  	[tilespmem:s19+$0xFFFFFFC0] =	vst v3;
	v3 =	vld [tilespmem:s19+$0xFFFFFFD0];
	_ =	sdelay $0x4  }
0xa9: {  	v3 =	vmul.f32 v3, v56;
	_ =	sdelay $0x1  }
0xaa: {  	[tilespmem:s19+$0xFFFFFFD0] =	vst v3;
	v3 =	vld [tilespmem:s19+$0xFFFFFFE0];
	_ =	sdelay $0x4  }
0xab: {  	v3 =	vmul.f32 v3, v56;
	_ =	sdelay $0x1  }
0xac: {  	[tilespmem:s19+$0xFFFFFFE0] =	vst v3;
	v3 =	vld [tilespmem:s19+$0xFFFFFFF0];
	_ =	sdelay $0x4  }
0xad: {  	v3 =	vmul.f32 v3, v56;
	_ =	sdelay $0x1  }
0xae: {  	[tilespmem:s19+$0xFFFFFFF0] =	vst v3;
	v3 =	vld [tilespmem:s19+$0x0];
	_ =	sdelay $0x2  }
0xaf: {  	v57 =	vbroadcast v2, $0x8;
	_ =	sdelay $0x1  }
0xb0: {  	v3 =	vmul.f32 v3, v57;
	_ =	sdelay $0x1  }
0xb1: {  	[tilespmem:s19+$0x0] =	vst v3;
	v3 =	vld [tilespmem:s19+$0x10];
	_ =	sdelay $0x4  }
0xb2: {  	v3 =	vmul.f32 v3, v57;
	_ =	sdelay $0x1  }
0xb3: {  	[tilespmem:s19+$0x10] =	vst v3;
	v3 =	vld [tilespmem:s19+$0x20];
	_ =	sdelay $0x4  }
0xb4: {  	v3 =	vmul.f32 v3, v57;
	_ =	sdelay $0x1  }
0xb5: {  	[tilespmem:s19+$0x20] =	vst v3;
	v3 =	vld [tilespmem:s19+$0x30];
	_ =	sdelay $0x4  }
0xb6: {  	v3 =	vmul.f32 v3, v57;
	_ =	sdelay $0x1  }
0xb7: {  	[tilespmem:s19+$0x30] =	vst v3;
	v3 =	vld [tilespmem:s19+$0x40];
	_ =	sdelay $0x2  }
0xb8: {  	v58 =	vbroadcast v2, $0x9;
	_ =	sdelay $0x1  }
0xb9: {  	v3 =	vmul.f32 v3, v58;
	_ =	sdelay $0x1  }
0xba: {  	[tilespmem:s19+$0x40] =	vst v3;
	v3 =	vld [tilespmem:s19+$0x50];
	_ =	sdelay $0x4  }
0xbb: {  	v3 =	vmul.f32 v3, v58;
	_ =	sdelay $0x1  }
0xbc: {  	[tilespmem:s19+$0x50] =	vst v3;
	v3 =	vld [tilespmem:s19+$0x60];
	_ =	sdelay $0x4  }
0xbd: {  	v3 =	vmul.f32 v3, v58;
	_ =	sdelay $0x1  }
0xbe: {  	[tilespmem:s19+$0x60] =	vst v3;
	v3 =	vld [tilespmem:s19+$0x70];
	_ =	sdelay $0x4  }
0xbf: {  	v3 =	vmul.f32 v3, v58;
	_ =	sdelay $0x1  }
0xc0: {  	[tilespmem:s19+$0x70] =	vst v3;
	v3 =	vld [tilespmem:s19+$0x80];
	_ =	sdelay $0x2  }
0xc1: {  	v59 =	vbroadcast v2, $0xA;
	_ =	sdelay $0x1  }
0xc2: {  	v3 =	vmul.f32 v3, v59;
	_ =	sdelay $0x1  }
0xc3: {  	[tilespmem:s19+$0x80] =	vst v3;
	v3 =	vld [tilespmem:s19+$0x90];
	_ =	sdelay $0x4  }
0xc4: {  	v3 =	vmul.f32 v3, v59;
	_ =	sdelay $0x1  }
0xc5: {  	[tilespmem:s19+$0x90] =	vst v3;
	v3 =	vld [tilespmem:s19+$0xA0];
	_ =	sdelay $0x4  }
0xc6: {  	v3 =	vmul.f32 v3, v59;
	_ =	sdelay $0x1  }
0xc7: {  	[tilespmem:s19+$0xA0] =	vst v3;
	v3 =	vld [tilespmem:s19+$0xB0];
	_ =	sdelay $0x4  }
0xc8: {  	v3 =	vmul.f32 v3, v59;
	_ =	sdelay $0x1  }
0xc9: {  	[tilespmem:s19+$0xB0] =	vst v3;
	v3 =	vld [tilespmem:s19+$0xC0];
	_ =	sdelay $0x2  }
0xca: {  	v60 =	vbroadcast v2, $0xB;
	_ =	sdelay $0x1  }
0xcb: {  	v3 =	vmul.f32 v3, v60;
	_ =	sdelay $0x1  }
0xcc: {  	[tilespmem:s19+$0xC0] =	vst v3;
	v3 =	vld [tilespmem:s19+$0xD0];
	_ =	sdelay $0x4  }
0xcd: {  	v3 =	vmul.f32 v3, v60;
	_ =	sdelay $0x1  }
0xce: {  	[tilespmem:s19+$0xD0] =	vst v3;
	v3 =	vld [tilespmem:s19+$0xE0];
	_ =	sdelay $0x4  }
0xcf: {  	v3 =	vmul.f32 v3, v60;
	_ =	sdelay $0x1  }
0xd0: {  	[tilespmem:s19+$0xE0] =	vst v3;
	v3 =	vld [tilespmem:s19+$0xF0];
	_ =	sdelay $0x4  }
0xd1: {  	v3 =	vmul.f32 v3, v60;
	_ =	sdelay $0x1  }
0xd2: {  	[tilespmem:s19+$0xF0] =	vst v3;
	v3 =	vld [tilespmem:s19+$0x100];
	_ =	sdelay $0x2  }
0xd3: {  	v61 =	vbroadcast v2, $0xC;
	_ =	sdelay $0x1  }
0xd4: {  	v3 =	vmul.f32 v3, v61;
	_ =	sdelay $0x1  }
0xd5: {  	[tilespmem:s19+$0x100] =	vst v3;
	v3 =	vld [tilespmem:s19+$0x110];
	_ =	sdelay $0x4  }
0xd6: {  	v3 =	vmul.f32 v3, v61;
	_ =	sdelay $0x1  }
0xd7: {  	[tilespmem:s19+$0x110] =	vst v3;
	v3 =	vld [tilespmem:s19+$0x120];
	_ =	sdelay $0x4  }
0xd8: {  	v3 =	vmul.f32 v3, v61;
	_ =	sdelay $0x1  }
0xd9: {  	[tilespmem:s19+$0x120] =	vst v3;
	v3 =	vld [tilespmem:s19+$0x130];
	_ =	sdelay $0x4  }
0xda: {  	v3 =	vmul.f32 v3, v61;
	_ =	sdelay $0x1  }
0xdb: {  	[tilespmem:s19+$0x130] =	vst v3;
	v3 =	vld [tilespmem:s19+$0x140];
	_ =	sdelay $0x2  }
0xdc: {  	v62 =	vbroadcast v2, $0xD;
	_ =	sdelay $0x1  }
0xdd: {  	v3 =	vmul.f32 v3, v62;
	_ =	sdelay $0x1  }
0xde: {  	[tilespmem:s19+$0x140] =	vst v3;
	v3 =	vld [tilespmem:s19+$0x150];
	_ =	sdelay $0x4  }
0xdf: {  	v3 =	vmul.f32 v3, v62;
	_ =	sdelay $0x1  }
0xe0: {  	[tilespmem:s19+$0x150] =	vst v3;
	v3 =	vld [tilespmem:s19+$0x160];
	_ =	sdelay $0x4  }
0xe1: {  	v3 =	vmul.f32 v3, v62;
	_ =	sdelay $0x1  }
0xe2: {  	[tilespmem:s19+$0x160] =	vst v3;
	v3 =	vld [tilespmem:s19+$0x170];
	_ =	sdelay $0x4  }
0xe3: {  	v3 =	vmul.f32 v3, v62;
	_ =	sdelay $0x1  }
0xe4: {  	[tilespmem:s19+$0x170] =	vst v3;
	v3 =	vld [tilespmem:s19+$0x180];
	_ =	sdelay $0x2  }
0xe5: {  	v63 =	vbroadcast v2, $0xE;
	_ =	sdelay $0x1  }
0xe6: {  	v3 =	vmul.f32 v3, v63;
	_ =	sdelay $0x1  }
0xe7: {  	[tilespmem:s19+$0x180] =	vst v3;
	v3 =	vld [tilespmem:s19+$0x190];
	_ =	sdelay $0x4  }
0xe8: {  	v3 =	vmul.f32 v3, v63;
	_ =	sdelay $0x1  }
0xe9: {  	[tilespmem:s19+$0x190] =	vst v3;
	v3 =	vld [tilespmem:s19+$0x1A0];
	_ =	sdelay $0x4  }
0xea: {  	v3 =	vmul.f32 v3, v63;
	_ =	sdelay $0x1  }
0xeb: {  	[tilespmem:s19+$0x1A0] =	vst v3;
	v3 =	vld [tilespmem:s19+$0x1B0];
	_ =	sdelay $0x4  }
0xec: {  	v3 =	vmul.f32 v3, v63;
	_ =	sdelay $0x1  }
0xed: {  	[tilespmem:s19+$0x1B0] =	vst v3;
	v3 =	vld [tilespmem:s19+$0x1C0];
	_ =	sdelay $0x2  }
0xee: {  	v2 =	vbroadcast v2, $0xF;
	_ =	sdelay $0x1  }
0xef: {  	v3 =	vmul.f32 v3, v2;
	_ =	sdelay $0x1  }
0xf0: {  	[tilespmem:s19+$0x1C0] =	vst v3;
	v3 =	vld [tilespmem:s19+$0x1D0];
	_ =	sdelay $0x4  }
0xf1: {  	v3 =	vmul.f32 v3, v2;
	_ =	sdelay $0x1  }
0xf2: {  	[tilespmem:s19+$0x1D0] =	vst v3;
	v3 =	vld [tilespmem:s19+$0x1E0];
	_ =	sdelay $0x4  }
0xf3: {  	v3 =	vmul.f32 v3, v2;
	_ =	sdelay $0x1  }
0xf4: {  	[tilespmem:s19+$0x1E0] =	vst v3;
	v3 =	vld [tilespmem:s19+$0x1F0];
	_ =	sdelay $0x1  }
0xf5: {  	p1 =	sne.s32 s18, $0x1C0  }
.Ltmp4:
0xf6: {  	_ = 	snop;
	(pc) =	sbr.rel @p1 .LBB2_15-.Ltmp4, $3  }
0xf7: {  	_ = 	snop  }
0xf8: {  	v2 =	vmul.f32 v3, v2;
	_ =	sdelay $0x1  }
0xf9: {  	s18 =	sadd.s32 $0x40, s18;
	[tilespmem:s19+$0x1F0] =	vst v2;
	s19 =	sadd.s32 $0x400, s19  }
0xfa: {  	s12 =	sadd.s32 $0x1, s12  }
0xfb: {  	p1 =	sne.s32 s12, $0x9D  }
.Ltmp5:
0xfc: {  	s14 =	sadd.s32 $0x4E80, s14;
	(pc) =	sbr.rel @p1 .LBB2_14-.Ltmp5, $4  }
0xfd: {  	[spmem:s2] =	stream.indirect.scatter.add.f32 [tilespmem:s11], [sflag:$0x1], $0x40, s14, s10, $0xb8;
	[tilespmem:$0x1BB80] =	vst v63  }
0xfe: {  	_ =	swait.ge [sflag:s0], $0x2000  }
0xff: {  	[sflag:s0] =	ssyncset.done $0x0  }
0x100: {  	s13 =	sadd.s32 $0x80, s13;
	[sflag:s0] =	ssyncadd.s32 $0xFFFFE000  }
0x101: {  	s12 =	sshll.u32 s3, $0x6;
	[bflag:$0x0] =	sbarrier.arrive $0xFFFF  }
0x102: {  	s13 =	sshrl.u32 s17, $0x3;
	s12 =	sor.u32 $0x1C01, s12;
	s14 =	rddreg [dreg:$0xa]  }
0x103: {  	[hbm:s14], [sflag:s12] =	dma.local [spmem:s13], $0x1400  }
0x104: {  	_ =	swait.ge [sflag:s0], $0x1400  }
0x105: {  	[sflag:s0] =	ssyncset.done $0x0  }
0x106: {  	[sflag:s0] =	ssyncadd.s32 $0xFFFFEC00  }
0x107: {  	[spmem:s15] =	stream.linear.scatter [tilespmem:s9], [sflag:$0x1], $0x1000, $0x38;
	[tilespmem:$0x1BB80] =	vst v63  }
0x108: {  	_ =	swait.ge [sflag:s0], $0x1000  }
0x109: {  	[sflag:s0] =	ssyncset.done $0x0  }
0x10a: {  	[sflag:s0] =	ssyncadd.s32 $0xFFFFF000  }
0x10b: {  	[spmem:s22] =	stream.linear.scatter [tilespmem:s9], [sflag:$0x1], $0x1000, $0x38;
	[tilespmem:$0x1BB80] =	vst v63  }
0x10c: {  	_ =	swait.ge [sflag:s0], $0x1000  }
0x10d: {  	[sflag:s0] =	ssyncset.done $0x0  }
0x10e: {  	[sflag:s0] =	ssyncadd.s32 $0xFFFFF000  }
0x10f: {  	[spmem:s23] =	stream.linear.scatter [tilespmem:s9], [sflag:$0x1], $0x1000, $0x38;
	[tilespmem:$0x1BB80] =	vst v63  }
0x110: {  	_ =	swait.ge [sflag:s0], $0x1000  }
0x111: {  	[sflag:s0] =	ssyncset.done $0x0  }
0x112: {  	[sflag:s0] =	ssyncadd.s32 $0xFFFFF000  }
0x113: {  	[spmem:s24] =	stream.linear.scatter [tilespmem:s9], [sflag:$0x1], $0x1000, $0x38;
	[tilespmem:$0x1BB80] =	vst v63  }
0x114: {  	_ =	swait.ge [sflag:s0], $0x1000  }
0x115: {  	[sflag:s0] =	ssyncset.done $0x0  }
0x116: {  	[sflag:s0] =	ssyncadd.s32 $0xFFFFF000  }
0x117: {  	[spmem:s25] =	stream.linear.scatter [tilespmem:s9], [sflag:$0x1], $0x1000, $0x38;
	[tilespmem:$0x1BB80] =	vst v63  }
0x118: {  	_ =	swait.ge [sflag:s0], $0x1000  }
0x119: {  	[sflag:s0] =	ssyncset.done $0x0  }
0x11a: {  	[sflag:s0] =	ssyncadd.s32 $0xFFFFF000  }
0x11b: {  	[spmem:s26] =	stream.linear.scatter [tilespmem:s9], [sflag:$0x1], $0x1000, $0x38;
	[tilespmem:$0x1BB80] =	vst v63  }
0x11c: {  	_ =	swait.ge [sflag:s0], $0x1000  }
0x11d: {  	[sflag:s0] =	ssyncset.done $0x0  }
0x11e: {  	[sflag:s0] =	ssyncadd.s32 $0xFFFFF000  }
0x11f: {  	[spmem:s28] =	stream.linear.scatter [tilespmem:s9], [sflag:$0x1], $0x1000, $0x38;
	[tilespmem:$0x1BB80] =	vst v63  }
0x120: {  	_ =	swait.ge [sflag:s0], $0x1000  }
0x121: {  	[sflag:s0] =	ssyncset.done $0x0  }
0x122: {  	[sflag:s0] =	ssyncadd.s32 $0xFFFFF000  }
0x123: {  	[spmem:s29] =	stream.linear.scatter [tilespmem:s9], [sflag:$0x1], $0x1000, $0x38;
	[tilespmem:$0x1BB80] =	vst v63  }
0x124: {  	_ =	swait.ge [sflag:s0], $0x1000  }
0x125: {  	[sflag:s0] =	ssyncset.done $0x0  }
0x126: {  	[sflag:s0] =	ssyncadd.s32 $0xFFFFF000  }
0x127: {  	[spmem:s30] =	stream.linear.scatter [tilespmem:s9], [sflag:$0x1], $0x1000, $0x38;
	[tilespmem:$0x1BB80] =	vst v63  }
0x128: {  	_ =	swait.ge [sflag:s0], $0x1000  }
0x129: {  	[sflag:s0] =	ssyncset.done $0x0  }
0x12a: {  	[sflag:s0] =	ssyncadd.s32 $0xFFFFF000  }
0x12b: {  	[spmem:s31] =	stream.linear.scatter [tilespmem:s9], [sflag:$0x1], $0x1000, $0x38;
	[tilespmem:$0x1BB80] =	vst v63  }
0x12c: {  	_ =	swait.ge [sflag:s0], $0x1000  }
0x12d: {  	[sflag:s0] =	ssyncset.done $0x0  }
0x12e: {  	[sflag:s0] =	ssyncadd.s32 $0xFFFFF000  }
0x12f: {  	s13 =	simm.s32 $0x0;
	s14 =	simm.s32 $0x9D00;
	[bflag:$0x0] =	sbarrier.arrive $0xFFFF  }
.LBB2_18:
0x130: {  	s19 =	sshll.u32 s13, $0x7  }
0x131: {  	v1 =	vmov s14;
	[tilespmem:s11], [sflag:$0x1] =	stream.indirect.gather [hbm4b:s5+s10], $0x40, s19, s10, $0xb8;
	[tilespmem:$0x1BB80] =	vst v63  }
0x132: {  	_ =	swait.ge [sflag:s0], $0x2000  }
0x133: {  	[sflag:s0] =	ssyncset.done $0x0  }
0x134: {  	s18 =	simm.s32 $0xED80;
	s20 =	simm.s32 $0x0;
	[sflag:s0] =	ssyncadd.s32 $0xFFFFE000  }
.LBB2_19:
0x135: {  	s16 =	sshra.s32 s20, $0x2  }
0x136: {  	v2 =	vld.idx.msk [tilespmem:v1+s16+$0x0 ss:$0x1], $0xffff;
	_ =	sdelay $0x1  }
0x137: {  	v3 =	vld [tilespmem:s18+$0xFFFFFE00];
	_ =	sdelay $0x2  }
0x138: {  	v4 =	vbroadcast v2, $0x0;
	_ =	sdelay $0x1  }
0x139: {  	v3 =	vmul.f32 v4, v3;
	_ =	sdelay $0x1  }
0x13a: {  	[tilespmem:s18+$0xFFFFFE00] =	vst v3;
	v3 =	vld [tilespmem:s18+$0xFFFFFE10];
	_ =	sdelay $0x4  }
0x13b: {  	v3 =	vmul.f32 v3, v4;
	_ =	sdelay $0x1  }
0x13c: {  	[tilespmem:s18+$0xFFFFFE10] =	vst v3;
	v3 =	vld [tilespmem:s18+$0xFFFFFE20];
	_ =	sdelay $0x4  }
0x13d: {  	v3 =	vmul.f32 v3, v4;
	_ =	sdelay $0x1  }
0x13e: {  	[tilespmem:s18+$0xFFFFFE20] =	vst v3;
	v3 =	vld [tilespmem:s18+$0xFFFFFE30];
	_ =	sdelay $0x4  }
0x13f: {  	v3 =	vmul.f32 v3, v4;
	_ =	sdelay $0x1  }
0x140: {  	[tilespmem:s18+$0xFFFFFE30] =	vst v3;
	v3 =	vld [tilespmem:s18+$0xFFFFFE40];
	_ =	sdelay $0x2  }
0x141: {  	v50 =	vbroadcast v2, $0x1;
	_ =	sdelay $0x1  }
0x142: {  	v3 =	vmul.f32 v3, v50;
	_ =	sdelay $0x1  }
0x143: {  	[tilespmem:s18+$0xFFFFFE40] =	vst v3;
	v3 =	vld [tilespmem:s18+$0xFFFFFE50];
	_ =	sdelay $0x4  }
0x144: {  	v3 =	vmul.f32 v3, v50;
	_ =	sdelay $0x1  }
0x145: {  	[tilespmem:s18+$0xFFFFFE50] =	vst v3;
	v3 =	vld [tilespmem:s18+$0xFFFFFE60];
	_ =	sdelay $0x4  }
0x146: {  	v3 =	vmul.f32 v3, v50;
	_ =	sdelay $0x1  }
0x147: {  	[tilespmem:s18+$0xFFFFFE60] =	vst v3;
	v3 =	vld [tilespmem:s18+$0xFFFFFE70];
	_ =	sdelay $0x4  }
0x148: {  	v3 =	vmul.f32 v3, v50;
	_ =	sdelay $0x1  }
0x149: {  	[tilespmem:s18+$0xFFFFFE70] =	vst v3;
	v3 =	vld [tilespmem:s18+$0xFFFFFE80];
	_ =	sdelay $0x2  }
0x14a: {  	v51 =	vbroadcast v2, $0x2;
	_ =	sdelay $0x1  }
0x14b: {  	v3 =	vmul.f32 v3, v51;
	_ =	sdelay $0x1  }
0x14c: {  	[tilespmem:s18+$0xFFFFFE80] =	vst v3;
	v3 =	vld [tilespmem:s18+$0xFFFFFE90];
	_ =	sdelay $0x4  }
0x14d: {  	v3 =	vmul.f32 v3, v51;
	_ =	sdelay $0x1  }
0x14e: {  	[tilespmem:s18+$0xFFFFFE90] =	vst v3;
	v3 =	vld [tilespmem:s18+$0xFFFFFEA0];
	_ =	sdelay $0x4  }
0x14f: {  	v3 =	vmul.f32 v3, v51;
	_ =	sdelay $0x1  }
0x150: {  	[tilespmem:s18+$0xFFFFFEA0] =	vst v3;
	v3 =	vld [tilespmem:s18+$0xFFFFFEB0];
	_ =	sdelay $0x4  }
0x151: {  	v3 =	vmul.f32 v3, v51;
	_ =	sdelay $0x1  }
0x152: {  	[tilespmem:s18+$0xFFFFFEB0] =	vst v3;
	v3 =	vld [tilespmem:s18+$0xFFFFFEC0];
	_ =	sdelay $0x2  }
0x153: {  	v52 =	vbroadcast v2, $0x3;
	_ =	sdelay $0x1  }
0x154: {  	v3 =	vmul.f32 v3, v52;
	_ =	sdelay $0x1  }
0x155: {  	[tilespmem:s18+$0xFFFFFEC0] =	vst v3;
	v3 =	vld [tilespmem:s18+$0xFFFFFED0];
	_ =	sdelay $0x4  }
0x156: {  	v3 =	vmul.f32 v3, v52;
	_ =	sdelay $0x1  }
0x157: {  	[tilespmem:s18+$0xFFFFFED0] =	vst v3;
	v3 =	vld [tilespmem:s18+$0xFFFFFEE0];
	_ =	sdelay $0x4  }
0x158: {  	v3 =	vmul.f32 v3, v52;
	_ =	sdelay $0x1  }
0x159: {  	[tilespmem:s18+$0xFFFFFEE0] =	vst v3;
	v3 =	vld [tilespmem:s18+$0xFFFFFEF0];
	_ =	sdelay $0x4  }
0x15a: {  	v3 =	vmul.f32 v3, v52;
	_ =	sdelay $0x1  }
0x15b: {  	[tilespmem:s18+$0xFFFFFEF0] =	vst v3;
	v3 =	vld [tilespmem:s18+$0xFFFFFF00];
	_ =	sdelay $0x2  }
0x15c: {  	v53 =	vbroadcast v2, $0x4;
	_ =	sdelay $0x1  }
0x15d: {  	v3 =	vmul.f32 v3, v53;
	_ =	sdelay $0x1  }
0x15e: {  	[tilespmem:s18+$0xFFFFFF00] =	vst v3;
	v3 =	vld [tilespmem:s18+$0xFFFFFF10];
	_ =	sdelay $0x4  }
0x15f: {  	v3 =	vmul.f32 v3, v53;
	_ =	sdelay $0x1  }
0x160: {  	[tilespmem:s18+$0xFFFFFF10] =	vst v3;
	v3 =	vld [tilespmem:s18+$0xFFFFFF20];
	_ =	sdelay $0x4  }
0x161: {  	v3 =	vmul.f32 v3, v53;
	_ =	sdelay $0x1  }
0x162: {  	[tilespmem:s18+$0xFFFFFF20] =	vst v3;
	v3 =	vld [tilespmem:s18+$0xFFFFFF30];
	_ =	sdelay $0x4  }
0x163: {  	v3 =	vmul.f32 v3, v53;
	_ =	sdelay $0x1  }
0x164: {  	[tilespmem:s18+$0xFFFFFF30] =	vst v3;
	v3 =	vld [tilespmem:s18+$0xFFFFFF40];
	_ =	sdelay $0x2  }
0x165: {  	v54 =	vbroadcast v2, $0x5;
	_ =	sdelay $0x1  }
0x166: {  	v3 =	vmul.f32 v3, v54;
	_ =	sdelay $0x1  }
0x167: {  	[tilespmem:s18+$0xFFFFFF40] =	vst v3;
	v3 =	vld [tilespmem:s18+$0xFFFFFF50];
	_ =	sdelay $0x4  }
0x168: {  	v3 =	vmul.f32 v3, v54;
	_ =	sdelay $0x1  }
0x169: {  	[tilespmem:s18+$0xFFFFFF50] =	vst v3;
	v3 =	vld [tilespmem:s18+$0xFFFFFF60];
	_ =	sdelay $0x4  }
0x16a: {  	v3 =	vmul.f32 v3, v54;
	_ =	sdelay $0x1  }
0x16b: {  	[tilespmem:s18+$0xFFFFFF60] =	vst v3;
	v3 =	vld [tilespmem:s18+$0xFFFFFF70];
	_ =	sdelay $0x4  }
0x16c: {  	v3 =	vmul.f32 v3, v54;
	_ =	sdelay $0x1  }
0x16d: {  	[tilespmem:s18+$0xFFFFFF70] =	vst v3;
	v3 =	vld [tilespmem:s18+$0xFFFFFF80];
	_ =	sdelay $0x2  }
0x16e: {  	v55 =	vbroadcast v2, $0x6;
	_ =	sdelay $0x1  }
0x16f: {  	v3 =	vmul.f32 v3, v55;
	_ =	sdelay $0x1  }
0x170: {  	[tilespmem:s18+$0xFFFFFF80] =	vst v3;
	v3 =	vld [tilespmem:s18+$0xFFFFFF90];
	_ =	sdelay $0x4  }
0x171: {  	v3 =	vmul.f32 v3, v55;
	_ =	sdelay $0x1  }
0x172: {  	[tilespmem:s18+$0xFFFFFF90] =	vst v3;
	v3 =	vld [tilespmem:s18+$0xFFFFFFA0];
	_ =	sdelay $0x4  }
0x173: {  	v3 =	vmul.f32 v3, v55;
	_ =	sdelay $0x1  }
0x174: {  	[tilespmem:s18+$0xFFFFFFA0] =	vst v3;
	v3 =	vld [tilespmem:s18+$0xFFFFFFB0];
	_ =	sdelay $0x4  }
0x175: {  	v3 =	vmul.f32 v3, v55;
	_ =	sdelay $0x1  }
0x176: {  	[tilespmem:s18+$0xFFFFFFB0] =	vst v3;
	v3 =	vld [tilespmem:s18+$0xFFFFFFC0];
	_ =	sdelay $0x2  }
0x177: {  	v56 =	vbroadcast v2, $0x7;
	_ =	sdelay $0x1  }
0x178: {  	v3 =	vmul.f32 v3, v56;
	_ =	sdelay $0x1  }
0x179: {  	[tilespmem:s18+$0xFFFFFFC0] =	vst v3;
	v3 =	vld [tilespmem:s18+$0xFFFFFFD0];
	_ =	sdelay $0x4  }
0x17a: {  	v3 =	vmul.f32 v3, v56;
	_ =	sdelay $0x1  }
0x17b: {  	[tilespmem:s18+$0xFFFFFFD0] =	vst v3;
	v3 =	vld [tilespmem:s18+$0xFFFFFFE0];
	_ =	sdelay $0x4  }
0x17c: {  	v3 =	vmul.f32 v3, v56;
	_ =	sdelay $0x1  }
0x17d: {  	[tilespmem:s18+$0xFFFFFFE0] =	vst v3;
	v3 =	vld [tilespmem:s18+$0xFFFFFFF0];
	_ =	sdelay $0x4  }
0x17e: {  	v3 =	vmul.f32 v3, v56;
	_ =	sdelay $0x1  }
0x17f: {  	[tilespmem:s18+$0xFFFFFFF0] =	vst v3;
	v3 =	vld [tilespmem:s18+$0x0];
	_ =	sdelay $0x2  }
0x180: {  	v57 =	vbroadcast v2, $0x8;
	_ =	sdelay $0x1  }
0x181: {  	v3 =	vmul.f32 v3, v57;
	_ =	sdelay $0x1  }
0x182: {  	[tilespmem:s18+$0x0] =	vst v3;
	v3 =	vld [tilespmem:s18+$0x10];
	_ =	sdelay $0x4  }
0x183: {  	v3 =	vmul.f32 v3, v57;
	_ =	sdelay $0x1  }
0x184: {  	[tilespmem:s18+$0x10] =	vst v3;
	v3 =	vld [tilespmem:s18+$0x20];
	_ =	sdelay $0x4  }
0x185: {  	v3 =	vmul.f32 v3, v57;
	_ =	sdelay $0x1  }
0x186: {  	[tilespmem:s18+$0x20] =	vst v3;
	v3 =	vld [tilespmem:s18+$0x30];
	_ =	sdelay $0x4  }
0x187: {  	v3 =	vmul.f32 v3, v57;
	_ =	sdelay $0x1  }
0x188: {  	[tilespmem:s18+$0x30] =	vst v3;
	v3 =	vld [tilespmem:s18+$0x40];
	_ =	sdelay $0x2  }
0x189: {  	v58 =	vbroadcast v2, $0x9;
	_ =	sdelay $0x1  }
0x18a: {  	v3 =	vmul.f32 v3, v58;
	_ =	sdelay $0x1  }
0x18b: {  	[tilespmem:s18+$0x40] =	vst v3;
	v3 =	vld [tilespmem:s18+$0x50];
	_ =	sdelay $0x4  }
0x18c: {  	v3 =	vmul.f32 v3, v58;
	_ =	sdelay $0x1  }
0x18d: {  	[tilespmem:s18+$0x50] =	vst v3;
	v3 =	vld [tilespmem:s18+$0x60];
	_ =	sdelay $0x4  }
0x18e: {  	v3 =	vmul.f32 v3, v58;
	_ =	sdelay $0x1  }
0x18f: {  	[tilespmem:s18+$0x60] =	vst v3;
	v3 =	vld [tilespmem:s18+$0x70];
	_ =	sdelay $0x4  }
0x190: {  	v3 =	vmul.f32 v3, v58;
	_ =	sdelay $0x1  }
0x191: {  	[tilespmem:s18+$0x70] =	vst v3;
	v3 =	vld [tilespmem:s18+$0x80];
	_ =	sdelay $0x2  }
0x192: {  	v59 =	vbroadcast v2, $0xA;
	_ =	sdelay $0x1  }
0x193: {  	v3 =	vmul.f32 v3, v59;
	_ =	sdelay $0x1  }
0x194: {  	[tilespmem:s18+$0x80] =	vst v3;
	v3 =	vld [tilespmem:s18+$0x90];
	_ =	sdelay $0x4  }
0x195: {  	v3 =	vmul.f32 v3, v59;
	_ =	sdelay $0x1  }
0x196: {  	[tilespmem:s18+$0x90] =	vst v3;
	v3 =	vld [tilespmem:s18+$0xA0];
	_ =	sdelay $0x4  }
0x197: {  	v3 =	vmul.f32 v3, v59;
	_ =	sdelay $0x1  }
0x198: {  	[tilespmem:s18+$0xA0] =	vst v3;
	v3 =	vld [tilespmem:s18+$0xB0];
	_ =	sdelay $0x4  }
0x199: {  	v3 =	vmul.f32 v3, v59;
	_ =	sdelay $0x1  }
0x19a: {  	[tilespmem:s18+$0xB0] =	vst v3;
	v3 =	vld [tilespmem:s18+$0xC0];
	_ =	sdelay $0x2  }
0x19b: {  	v60 =	vbroadcast v2, $0xB;
	_ =	sdelay $0x1  }
0x19c: {  	v3 =	vmul.f32 v3, v60;
	_ =	sdelay $0x1  }
0x19d: {  	[tilespmem:s18+$0xC0] =	vst v3;
	v3 =	vld [tilespmem:s18+$0xD0];
	_ =	sdelay $0x4  }
0x19e: {  	v3 =	vmul.f32 v3, v60;
	_ =	sdelay $0x1  }
0x19f: {  	[tilespmem:s18+$0xD0] =	vst v3;
	v3 =	vld [tilespmem:s18+$0xE0];
	_ =	sdelay $0x4  }
0x1a0: {  	v3 =	vmul.f32 v3, v60;
	_ =	sdelay $0x1  }
0x1a1: {  	[tilespmem:s18+$0xE0] =	vst v3;
	v3 =	vld [tilespmem:s18+$0xF0];
	_ =	sdelay $0x4  }
0x1a2: {  	v3 =	vmul.f32 v3, v60;
	_ =	sdelay $0x1  }
0x1a3: {  	[tilespmem:s18+$0xF0] =	vst v3;
	v3 =	vld [tilespmem:s18+$0x100];
	_ =	sdelay $0x2  }
0x1a4: {  	v61 =	vbroadcast v2, $0xC;
	_ =	sdelay $0x1  }
0x1a5: {  	v3 =	vmul.f32 v3, v61;
	_ =	sdelay $0x1  }
0x1a6: {  	[tilespmem:s18+$0x100] =	vst v3;
	v3 =	vld [tilespmem:s18+$0x110];
	_ =	sdelay $0x4  }
0x1a7: {  	v3 =	vmul.f32 v3, v61;
	_ =	sdelay $0x1  }
0x1a8: {  	[tilespmem:s18+$0x110] =	vst v3;
	v3 =	vld [tilespmem:s18+$0x120];
	_ =	sdelay $0x4  }
0x1a9: {  	v3 =	vmul.f32 v3, v61;
	_ =	sdelay $0x1  }
0x1aa: {  	[tilespmem:s18+$0x120] =	vst v3;
	v3 =	vld [tilespmem:s18+$0x130];
	_ =	sdelay $0x4  }
0x1ab: {  	v3 =	vmul.f32 v3, v61;
	_ =	sdelay $0x1  }
0x1ac: {  	[tilespmem:s18+$0x130] =	vst v3;
	v3 =	vld [tilespmem:s18+$0x140];
	_ =	sdelay $0x2  }
0x1ad: {  	v62 =	vbroadcast v2, $0xD;
	_ =	sdelay $0x1  }
0x1ae: {  	v3 =	vmul.f32 v3, v62;
	_ =	sdelay $0x1  }
0x1af: {  	[tilespmem:s18+$0x140] =	vst v3;
	v3 =	vld [tilespmem:s18+$0x150];
	_ =	sdelay $0x4  }
0x1b0: {  	v3 =	vmul.f32 v3, v62;
	_ =	sdelay $0x1  }
0x1b1: {  	[tilespmem:s18+$0x150] =	vst v3;
	v3 =	vld [tilespmem:s18+$0x160];
	_ =	sdelay $0x4  }
0x1b2: {  	v3 =	vmul.f32 v3, v62;
	_ =	sdelay $0x1  }
0x1b3: {  	[tilespmem:s18+$0x160] =	vst v3;
	v3 =	vld [tilespmem:s18+$0x170];
	_ =	sdelay $0x4  }
0x1b4: {  	v3 =	vmul.f32 v3, v62;
	_ =	sdelay $0x1  }
0x1b5: {  	[tilespmem:s18+$0x170] =	vst v3;
	v3 =	vld [tilespmem:s18+$0x180];
	_ =	sdelay $0x2  }
0x1b6: {  	v63 =	vbroadcast v2, $0xE;
	_ =	sdelay $0x1  }
0x1b7: {  	v3 =	vmul.f32 v3, v63;
	_ =	sdelay $0x1  }
0x1b8: {  	[tilespmem:s18+$0x180] =	vst v3;
	v3 =	vld [tilespmem:s18+$0x190];
	_ =	sdelay $0x4  }
0x1b9: {  	v3 =	vmul.f32 v3, v63;
	_ =	sdelay $0x1  }
0x1ba: {  	[tilespmem:s18+$0x190] =	vst v3;
	v3 =	vld [tilespmem:s18+$0x1A0];
	_ =	sdelay $0x4  }
0x1bb: {  	v3 =	vmul.f32 v3, v63;
	_ =	sdelay $0x1  }
0x1bc: {  	[tilespmem:s18+$0x1A0] =	vst v3;
	v3 =	vld [tilespmem:s18+$0x1B0];
	_ =	sdelay $0x4  }
0x1bd: {  	v3 =	vmul.f32 v3, v63;
	_ =	sdelay $0x1  }
0x1be: {  	[tilespmem:s18+$0x1B0] =	vst v3;
	v3 =	vld [tilespmem:s18+$0x1C0];
	_ =	sdelay $0x2  }
0x1bf: {  	v2 =	vbroadcast v2, $0xF;
	_ =	sdelay $0x1  }
0x1c0: {  	v3 =	vmul.f32 v3, v2;
	_ =	sdelay $0x1  }
0x1c1: {  	[tilespmem:s18+$0x1C0] =	vst v3;
	v3 =	vld [tilespmem:s18+$0x1D0];
	_ =	sdelay $0x4  }
0x1c2: {  	v3 =	vmul.f32 v3, v2;
	_ =	sdelay $0x1  }
0x1c3: {  	[tilespmem:s18+$0x1D0] =	vst v3;
	v3 =	vld [tilespmem:s18+$0x1E0];
	_ =	sdelay $0x4  }
0x1c4: {  	v3 =	vmul.f32 v3, v2;
	_ =	sdelay $0x1  }
0x1c5: {  	[tilespmem:s18+$0x1E0] =	vst v3;
	v3 =	vld [tilespmem:s18+$0x1F0];
	_ =	sdelay $0x1  }
0x1c6: {  	p1 =	sne.s32 s20, $0x1C0  }
.Ltmp6:
0x1c7: {  	_ = 	snop;
	(pc) =	sbr.rel @p1 .LBB2_19-.Ltmp6, $3  }
0x1c8: {  	_ = 	snop  }
0x1c9: {  	v2 =	vmul.f32 v3, v2;
	_ =	sdelay $0x1  }
0x1ca: {  	s20 =	sadd.s32 $0x40, s20;
	[tilespmem:s18+$0x1F0] =	vst v2;
	s18 =	sadd.s32 $0x400, s18  }
0x1cb: {  	s13 =	sadd.s32 $0x1, s13  }
0x1cc: {  	p1 =	seq.s32 s13, $0x9D  }
.Ltmp7:
0x1cd: {  	s16 =	sadd.s32 $0x4E80, s19;
	(pc) =	sbr.rel @!p1 .LBB2_18-.Ltmp7, $4  }
0x1ce: {  	[spmem:s2] =	stream.indirect.scatter.add.f32 [tilespmem:s11], [sflag:$0x1], $0x40, s16, s10, $0xb8;
	[tilespmem:$0x1BB80] =	vst v63  }
0x1cf: {  	_ =	swait.ge [sflag:s0], $0x2000  }
0x1d0: {  	[sflag:s0] =	ssyncset.done $0x0  }
0x1d1: {  	s14 =	sadd.s32 $0x80, s14;
	[sflag:s0] =	ssyncadd.s32 $0xFFFFE000  }
.Ltmp8:
0x1d2: {  	(pc) =	sbr.rel .LBB2_22-.Ltmp8, $2  }
0x1d3: {  	_ =	sdelay $0x2  }
0x1d4: {  	s13 =	rddreg [dreg:$0xb]  }
.LBB2_4:
0x1d5: {  	s13 =	rddreg [dreg:$0x4]  }
0x1d6: {  	[tilespmem:s12], [sflag:$0x1] =	stream.linear.gather [hbm4b:s13+s12], $0x4E80, $0x38;
	[tilespmem:$0x1BB80] =	vst v63  }
0x1d7: {  	_ =	swait.ge [sflag:s0], $0x4E80  }
0x1d8: {  	[sflag:s0] =	ssyncset.done $0x0  }
0x1d9: {  	s14 =	simm.s32 $0x4E80;
	s19 =	rddreg [dreg:$0x5];
	[sflag:s0] =	ssyncadd.s32 $0xFFFFB180  }
0x1da: {  	[tilespmem:s14], [sflag:$0x1] =	stream.linear.gather [hbm4b:s19+s12], $0x4E80, $0x38;
	[tilespmem:$0x1BB80] =	vst v63  }
0x1db: {  	_ =	swait.ge [sflag:s0], $0x4E80  }
0x1dc: {  	[sflag:s0] =	ssyncset.done $0x0  }
0x1dd: {  	s13 =	simm.s32 $0x9D00;
	s20 =	rddreg [dreg:$0x6];
	[sflag:s0] =	ssyncadd.s32 $0xFFFFB180  }
0x1de: {  	[tilespmem:s13], [sflag:$0x1] =	stream.linear.gather [hbm4b:s20+s12], $0x4E80, $0x38;
	[tilespmem:$0x1BB80] =	vst v63  }
0x1df: {  	_ =	swait.ge [sflag:s0], $0x4E80  }
0x1e0: {  	[sflag:s0] =	ssyncset.done $0x0  }
0x1e1: {  	[sflag:s0] =	ssyncadd.s32 $0xFFFFB180  }
0x1e2: {  	[spmem:s15] =	stream.linear.scatter [tilespmem:s9], [sflag:$0x1], $0x1000, $0x38;
	[tilespmem:$0x1BB80] =	vst v63  }
0x1e3: {  	_ =	swait.ge [sflag:s0], $0x1000  }
0x1e4: {  	[sflag:s0] =	ssyncset.done $0x0  }
0x1e5: {  	[sflag:s0] =	ssyncadd.s32 $0xFFFFF000  }
0x1e6: {  	[spmem:s22] =	stream.linear.scatter [tilespmem:s9], [sflag:$0x1], $0x1000, $0x38;
	[tilespmem:$0x1BB80] =	vst v63  }
0x1e7: {  	_ =	swait.ge [sflag:s0], $0x1000  }
0x1e8: {  	[sflag:s0] =	ssyncset.done $0x0  }
0x1e9: {  	[sflag:s0] =	ssyncadd.s32 $0xFFFFF000  }
0x1ea: {  	[spmem:s23] =	stream.linear.scatter [tilespmem:s9], [sflag:$0x1], $0x1000, $0x38;
	[tilespmem:$0x1BB80] =	vst v63  }
0x1eb: {  	_ =	swait.ge [sflag:s0], $0x1000  }
0x1ec: {  	[sflag:s0] =	ssyncset.done $0x0  }
0x1ed: {  	[sflag:s0] =	ssyncadd.s32 $0xFFFFF000  }
0x1ee: {  	[spmem:s24] =	stream.linear.scatter [tilespmem:s9], [sflag:$0x1], $0x1000, $0x38;
	[tilespmem:$0x1BB80] =	vst v63  }
0x1ef: {  	_ =	swait.ge [sflag:s0], $0x1000  }
0x1f0: {  	[sflag:s0] =	ssyncset.done $0x0  }
0x1f1: {  	[sflag:s0] =	ssyncadd.s32 $0xFFFFF000  }
0x1f2: {  	[spmem:s25] =	stream.linear.scatter [tilespmem:s9], [sflag:$0x1], $0x1000, $0x38;
	[tilespmem:$0x1BB80] =	vst v63  }
0x1f3: {  	_ =	swait.ge [sflag:s0], $0x1000  }
0x1f4: {  	[sflag:s0] =	ssyncset.done $0x0  }
0x1f5: {  	[sflag:s0] =	ssyncadd.s32 $0xFFFFF000  }
0x1f6: {  	[spmem:s26] =	stream.linear.scatter [tilespmem:s9], [sflag:$0x1], $0x1000, $0x38;
	[tilespmem:$0x1BB80] =	vst v63  }
0x1f7: {  	_ =	swait.ge [sflag:s0], $0x1000  }
0x1f8: {  	[sflag:s0] =	ssyncset.done $0x0  }
0x1f9: {  	[sflag:s0] =	ssyncadd.s32 $0xFFFFF000  }
0x1fa: {  	[spmem:s28] =	stream.linear.scatter [tilespmem:s9], [sflag:$0x1], $0x1000, $0x38;
	[tilespmem:$0x1BB80] =	vst v63  }
0x1fb: {  	_ =	swait.ge [sflag:s0], $0x1000  }
0x1fc: {  	[sflag:s0] =	ssyncset.done $0x0  }
0x1fd: {  	[sflag:s0] =	ssyncadd.s32 $0xFFFFF000  }
0x1fe: {  	[spmem:s29] =	stream.linear.scatter [tilespmem:s9], [sflag:$0x1], $0x1000, $0x38;
	[tilespmem:$0x1BB80] =	vst v63  }
0x1ff: {  	_ =	swait.ge [sflag:s0], $0x1000  }
0x200: {  	[sflag:s0] =	ssyncset.done $0x0  }
0x201: {  	[sflag:s0] =	ssyncadd.s32 $0xFFFFF000  }
0x202: {  	[spmem:s30] =	stream.linear.scatter [tilespmem:s9], [sflag:$0x1], $0x1000, $0x38;
	[tilespmem:$0x1BB80] =	vst v63  }
0x203: {  	_ =	swait.ge [sflag:s0], $0x1000  }
0x204: {  	[sflag:s0] =	ssyncset.done $0x0  }
0x205: {  	[sflag:s0] =	ssyncadd.s32 $0xFFFFF000  }
0x206: {  	[spmem:s31] =	stream.linear.scatter [tilespmem:s9], [sflag:$0x1], $0x1000, $0x38;
	[tilespmem:$0x1BB80] =	vst v63  }
0x207: {  	_ =	swait.ge [sflag:s0], $0x1000  }
0x208: {  	[sflag:s0] =	ssyncset.done $0x0  }
0x209: {  	[sflag:s0] =	ssyncadd.s32 $0xFFFFF000  }
0x20a: {  	[bflag:$0x0] =	sbarrier.arrive $0xFFFF  }
.LBB2_5:
0x20b: {  	s14 =	sshll.u32 s12, $0x7  }
0x20c: {  	v1 =	vmov s13;
	[tilespmem:s11], [sflag:$0x1] =	stream.indirect.gather [hbm4b:s6+s10], $0x40, s14, s10, $0xb8;
	[tilespmem:$0x1BB80] =	vst v63  }
0x20d: {  	_ =	swait.ge [sflag:s0], $0x2000  }
0x20e: {  	[sflag:s0] =	ssyncset.done $0x0  }
0x20f: {  	s18 =	simm.s32 $0xED80;
	s19 =	simm.s32 $0x0;
	[sflag:s0] =	ssyncadd.s32 $0xFFFFE000  }
.LBB2_6:
0x210: {  	s16 =	sshra.s32 s19, $0x2  }
0x211: {  	v2 =	vld.idx.msk [tilespmem:v1+s16+$0x0 ss:$0x1], $0xffff;
	_ =	sdelay $0x1  }
0x212: {  	v3 =	vld [tilespmem:s18+$0xFFFFFE00];
	_ =	sdelay $0x2  }
0x213: {  	v4 =	vbroadcast v2, $0x0;
	_ =	sdelay $0x1  }
0x214: {  	v3 =	vmul.f32 v4, v3;
	_ =	sdelay $0x1  }
0x215: {  	[tilespmem:s18+$0xFFFFFE00] =	vst v3;
	v3 =	vld [tilespmem:s18+$0xFFFFFE10];
	_ =	sdelay $0x4  }
0x216: {  	v3 =	vmul.f32 v3, v4;
	_ =	sdelay $0x1  }
0x217: {  	[tilespmem:s18+$0xFFFFFE10] =	vst v3;
	v3 =	vld [tilespmem:s18+$0xFFFFFE20];
	_ =	sdelay $0x4  }
0x218: {  	v3 =	vmul.f32 v3, v4;
	_ =	sdelay $0x1  }
0x219: {  	[tilespmem:s18+$0xFFFFFE20] =	vst v3;
	v3 =	vld [tilespmem:s18+$0xFFFFFE30];
	_ =	sdelay $0x4  }
0x21a: {  	v3 =	vmul.f32 v3, v4;
	_ =	sdelay $0x1  }
0x21b: {  	[tilespmem:s18+$0xFFFFFE30] =	vst v3;
	v3 =	vld [tilespmem:s18+$0xFFFFFE40];
	_ =	sdelay $0x2  }
0x21c: {  	v50 =	vbroadcast v2, $0x1;
	_ =	sdelay $0x1  }
0x21d: {  	v3 =	vmul.f32 v3, v50;
	_ =	sdelay $0x1  }
0x21e: {  	[tilespmem:s18+$0xFFFFFE40] =	vst v3;
	v3 =	vld [tilespmem:s18+$0xFFFFFE50];
	_ =	sdelay $0x4  }
0x21f: {  	v3 =	vmul.f32 v3, v50;
	_ =	sdelay $0x1  }
0x220: {  	[tilespmem:s18+$0xFFFFFE50] =	vst v3;
	v3 =	vld [tilespmem:s18+$0xFFFFFE60];
	_ =	sdelay $0x4  }
0x221: {  	v3 =	vmul.f32 v3, v50;
	_ =	sdelay $0x1  }
0x222: {  	[tilespmem:s18+$0xFFFFFE60] =	vst v3;
	v3 =	vld [tilespmem:s18+$0xFFFFFE70];
	_ =	sdelay $0x4  }
0x223: {  	v3 =	vmul.f32 v3, v50;
	_ =	sdelay $0x1  }
0x224: {  	[tilespmem:s18+$0xFFFFFE70] =	vst v3;
	v3 =	vld [tilespmem:s18+$0xFFFFFE80];
	_ =	sdelay $0x2  }
0x225: {  	v51 =	vbroadcast v2, $0x2;
	_ =	sdelay $0x1  }
0x226: {  	v3 =	vmul.f32 v3, v51;
	_ =	sdelay $0x1  }
0x227: {  	[tilespmem:s18+$0xFFFFFE80] =	vst v3;
	v3 =	vld [tilespmem:s18+$0xFFFFFE90];
	_ =	sdelay $0x4  }
0x228: {  	v3 =	vmul.f32 v3, v51;
	_ =	sdelay $0x1  }
0x229: {  	[tilespmem:s18+$0xFFFFFE90] =	vst v3;
	v3 =	vld [tilespmem:s18+$0xFFFFFEA0];
	_ =	sdelay $0x4  }
0x22a: {  	v3 =	vmul.f32 v3, v51;
	_ =	sdelay $0x1  }
0x22b: {  	[tilespmem:s18+$0xFFFFFEA0] =	vst v3;
	v3 =	vld [tilespmem:s18+$0xFFFFFEB0];
	_ =	sdelay $0x4  }
0x22c: {  	v3 =	vmul.f32 v3, v51;
	_ =	sdelay $0x1  }
0x22d: {  	[tilespmem:s18+$0xFFFFFEB0] =	vst v3;
	v3 =	vld [tilespmem:s18+$0xFFFFFEC0];
	_ =	sdelay $0x2  }
0x22e: {  	v52 =	vbroadcast v2, $0x3;
	_ =	sdelay $0x1  }
0x22f: {  	v3 =	vmul.f32 v3, v52;
	_ =	sdelay $0x1  }
0x230: {  	[tilespmem:s18+$0xFFFFFEC0] =	vst v3;
	v3 =	vld [tilespmem:s18+$0xFFFFFED0];
	_ =	sdelay $0x4  }
0x231: {  	v3 =	vmul.f32 v3, v52;
	_ =	sdelay $0x1  }
0x232: {  	[tilespmem:s18+$0xFFFFFED0] =	vst v3;
	v3 =	vld [tilespmem:s18+$0xFFFFFEE0];
	_ =	sdelay $0x4  }
0x233: {  	v3 =	vmul.f32 v3, v52;
	_ =	sdelay $0x1  }
0x234: {  	[tilespmem:s18+$0xFFFFFEE0] =	vst v3;
	v3 =	vld [tilespmem:s18+$0xFFFFFEF0];
	_ =	sdelay $0x4  }
0x235: {  	v3 =	vmul.f32 v3, v52;
	_ =	sdelay $0x1  }
0x236: {  	[tilespmem:s18+$0xFFFFFEF0] =	vst v3;
	v3 =	vld [tilespmem:s18+$0xFFFFFF00];
	_ =	sdelay $0x2  }
0x237: {  	v53 =	vbroadcast v2, $0x4;
	_ =	sdelay $0x1  }
0x238: {  	v3 =	vmul.f32 v3, v53;
	_ =	sdelay $0x1  }
0x239: {  	[tilespmem:s18+$0xFFFFFF00] =	vst v3;
	v3 =	vld [tilespmem:s18+$0xFFFFFF10];
	_ =	sdelay $0x4  }
0x23a: {  	v3 =	vmul.f32 v3, v53;
	_ =	sdelay $0x1  }
0x23b: {  	[tilespmem:s18+$0xFFFFFF10] =	vst v3;
	v3 =	vld [tilespmem:s18+$0xFFFFFF20];
	_ =	sdelay $0x4  }
0x23c: {  	v3 =	vmul.f32 v3, v53;
	_ =	sdelay $0x1  }
0x23d: {  	[tilespmem:s18+$0xFFFFFF20] =	vst v3;
	v3 =	vld [tilespmem:s18+$0xFFFFFF30];
	_ =	sdelay $0x4  }
0x23e: {  	v3 =	vmul.f32 v3, v53;
	_ =	sdelay $0x1  }
0x23f: {  	[tilespmem:s18+$0xFFFFFF30] =	vst v3;
	v3 =	vld [tilespmem:s18+$0xFFFFFF40];
	_ =	sdelay $0x2  }
0x240: {  	v54 =	vbroadcast v2, $0x5;
	_ =	sdelay $0x1  }
0x241: {  	v3 =	vmul.f32 v3, v54;
	_ =	sdelay $0x1  }
0x242: {  	[tilespmem:s18+$0xFFFFFF40] =	vst v3;
	v3 =	vld [tilespmem:s18+$0xFFFFFF50];
	_ =	sdelay $0x4  }
0x243: {  	v3 =	vmul.f32 v3, v54;
	_ =	sdelay $0x1  }
0x244: {  	[tilespmem:s18+$0xFFFFFF50] =	vst v3;
	v3 =	vld [tilespmem:s18+$0xFFFFFF60];
	_ =	sdelay $0x4  }
0x245: {  	v3 =	vmul.f32 v3, v54;
	_ =	sdelay $0x1  }
0x246: {  	[tilespmem:s18+$0xFFFFFF60] =	vst v3;
	v3 =	vld [tilespmem:s18+$0xFFFFFF70];
	_ =	sdelay $0x4  }
0x247: {  	v3 =	vmul.f32 v3, v54;
	_ =	sdelay $0x1  }
0x248: {  	[tilespmem:s18+$0xFFFFFF70] =	vst v3;
	v3 =	vld [tilespmem:s18+$0xFFFFFF80];
	_ =	sdelay $0x2  }
0x249: {  	v55 =	vbroadcast v2, $0x6;
	_ =	sdelay $0x1  }
0x24a: {  	v3 =	vmul.f32 v3, v55;
	_ =	sdelay $0x1  }
0x24b: {  	[tilespmem:s18+$0xFFFFFF80] =	vst v3;
	v3 =	vld [tilespmem:s18+$0xFFFFFF90];
	_ =	sdelay $0x4  }
0x24c: {  	v3 =	vmul.f32 v3, v55;
	_ =	sdelay $0x1  }
0x24d: {  	[tilespmem:s18+$0xFFFFFF90] =	vst v3;
	v3 =	vld [tilespmem:s18+$0xFFFFFFA0];
	_ =	sdelay $0x4  }
0x24e: {  	v3 =	vmul.f32 v3, v55;
	_ =	sdelay $0x1  }
0x24f: {  	[tilespmem:s18+$0xFFFFFFA0] =	vst v3;
	v3 =	vld [tilespmem:s18+$0xFFFFFFB0];
	_ =	sdelay $0x4  }
0x250: {  	v3 =	vmul.f32 v3, v55;
	_ =	sdelay $0x1  }
0x251: {  	[tilespmem:s18+$0xFFFFFFB0] =	vst v3;
	v3 =	vld [tilespmem:s18+$0xFFFFFFC0];
	_ =	sdelay $0x2  }
0x252: {  	v56 =	vbroadcast v2, $0x7;
	_ =	sdelay $0x1  }
0x253: {  	v3 =	vmul.f32 v3, v56;
	_ =	sdelay $0x1  }
0x254: {  	[tilespmem:s18+$0xFFFFFFC0] =	vst v3;
	v3 =	vld [tilespmem:s18+$0xFFFFFFD0];
	_ =	sdelay $0x4  }
0x255: {  	v3 =	vmul.f32 v3, v56;
	_ =	sdelay $0x1  }
0x256: {  	[tilespmem:s18+$0xFFFFFFD0] =	vst v3;
	v3 =	vld [tilespmem:s18+$0xFFFFFFE0];
	_ =	sdelay $0x4  }
0x257: {  	v3 =	vmul.f32 v3, v56;
	_ =	sdelay $0x1  }
0x258: {  	[tilespmem:s18+$0xFFFFFFE0] =	vst v3;
	v3 =	vld [tilespmem:s18+$0xFFFFFFF0];
	_ =	sdelay $0x4  }
0x259: {  	v3 =	vmul.f32 v3, v56;
	_ =	sdelay $0x1  }
0x25a: {  	[tilespmem:s18+$0xFFFFFFF0] =	vst v3;
	v3 =	vld [tilespmem:s18+$0x0];
	_ =	sdelay $0x2  }
0x25b: {  	v57 =	vbroadcast v2, $0x8;
	_ =	sdelay $0x1  }
0x25c: {  	v3 =	vmul.f32 v3, v57;
	_ =	sdelay $0x1  }
0x25d: {  	[tilespmem:s18+$0x0] =	vst v3;
	v3 =	vld [tilespmem:s18+$0x10];
	_ =	sdelay $0x4  }
0x25e: {  	v3 =	vmul.f32 v3, v57;
	_ =	sdelay $0x1  }
0x25f: {  	[tilespmem:s18+$0x10] =	vst v3;
	v3 =	vld [tilespmem:s18+$0x20];
	_ =	sdelay $0x4  }
0x260: {  	v3 =	vmul.f32 v3, v57;
	_ =	sdelay $0x1  }
0x261: {  	[tilespmem:s18+$0x20] =	vst v3;
	v3 =	vld [tilespmem:s18+$0x30];
	_ =	sdelay $0x4  }
0x262: {  	v3 =	vmul.f32 v3, v57;
	_ =	sdelay $0x1  }
0x263: {  	[tilespmem:s18+$0x30] =	vst v3;
	v3 =	vld [tilespmem:s18+$0x40];
	_ =	sdelay $0x2  }
0x264: {  	v58 =	vbroadcast v2, $0x9;
	_ =	sdelay $0x1  }
0x265: {  	v3 =	vmul.f32 v3, v58;
	_ =	sdelay $0x1  }
0x266: {  	[tilespmem:s18+$0x40] =	vst v3;
	v3 =	vld [tilespmem:s18+$0x50];
	_ =	sdelay $0x4  }
0x267: {  	v3 =	vmul.f32 v3, v58;
	_ =	sdelay $0x1  }
0x268: {  	[tilespmem:s18+$0x50] =	vst v3;
	v3 =	vld [tilespmem:s18+$0x60];
	_ =	sdelay $0x4  }
0x269: {  	v3 =	vmul.f32 v3, v58;
	_ =	sdelay $0x1  }
0x26a: {  	[tilespmem:s18+$0x60] =	vst v3;
	v3 =	vld [tilespmem:s18+$0x70];
	_ =	sdelay $0x4  }
0x26b: {  	v3 =	vmul.f32 v3, v58;
	_ =	sdelay $0x1  }
0x26c: {  	[tilespmem:s18+$0x70] =	vst v3;
	v3 =	vld [tilespmem:s18+$0x80];
	_ =	sdelay $0x2  }
0x26d: {  	v59 =	vbroadcast v2, $0xA;
	_ =	sdelay $0x1  }
0x26e: {  	v3 =	vmul.f32 v3, v59;
	_ =	sdelay $0x1  }
0x26f: {  	[tilespmem:s18+$0x80] =	vst v3;
	v3 =	vld [tilespmem:s18+$0x90];
	_ =	sdelay $0x4  }
0x270: {  	v3 =	vmul.f32 v3, v59;
	_ =	sdelay $0x1  }
0x271: {  	[tilespmem:s18+$0x90] =	vst v3;
	v3 =	vld [tilespmem:s18+$0xA0];
	_ =	sdelay $0x4  }
0x272: {  	v3 =	vmul.f32 v3, v59;
	_ =	sdelay $0x1  }
0x273: {  	[tilespmem:s18+$0xA0] =	vst v3;
	v3 =	vld [tilespmem:s18+$0xB0];
	_ =	sdelay $0x4  }
0x274: {  	v3 =	vmul.f32 v3, v59;
	_ =	sdelay $0x1  }
0x275: {  	[tilespmem:s18+$0xB0] =	vst v3;
	v3 =	vld [tilespmem:s18+$0xC0];
	_ =	sdelay $0x2  }
0x276: {  	v60 =	vbroadcast v2, $0xB;
	_ =	sdelay $0x1  }
0x277: {  	v3 =	vmul.f32 v3, v60;
	_ =	sdelay $0x1  }
0x278: {  	[tilespmem:s18+$0xC0] =	vst v3;
	v3 =	vld [tilespmem:s18+$0xD0];
	_ =	sdelay $0x4  }
0x279: {  	v3 =	vmul.f32 v3, v60;
	_ =	sdelay $0x1  }
0x27a: {  	[tilespmem:s18+$0xD0] =	vst v3;
	v3 =	vld [tilespmem:s18+$0xE0];
	_ =	sdelay $0x4  }
0x27b: {  	v3 =	vmul.f32 v3, v60;
	_ =	sdelay $0x1  }
0x27c: {  	[tilespmem:s18+$0xE0] =	vst v3;
	v3 =	vld [tilespmem:s18+$0xF0];
	_ =	sdelay $0x4  }
0x27d: {  	v3 =	vmul.f32 v3, v60;
	_ =	sdelay $0x1  }
0x27e: {  	[tilespmem:s18+$0xF0] =	vst v3;
	v3 =	vld [tilespmem:s18+$0x100];
	_ =	sdelay $0x2  }
0x27f: {  	v61 =	vbroadcast v2, $0xC;
	_ =	sdelay $0x1  }
0x280: {  	v3 =	vmul.f32 v3, v61;
	_ =	sdelay $0x1  }
0x281: {  	[tilespmem:s18+$0x100] =	vst v3;
	v3 =	vld [tilespmem:s18+$0x110];
	_ =	sdelay $0x4  }
0x282: {  	v3 =	vmul.f32 v3, v61;
	_ =	sdelay $0x1  }
0x283: {  	[tilespmem:s18+$0x110] =	vst v3;
	v3 =	vld [tilespmem:s18+$0x120];
	_ =	sdelay $0x4  }
0x284: {  	v3 =	vmul.f32 v3, v61;
	_ =	sdelay $0x1  }
0x285: {  	[tilespmem:s18+$0x120] =	vst v3;
	v3 =	vld [tilespmem:s18+$0x130];
	_ =	sdelay $0x4  }
0x286: {  	v3 =	vmul.f32 v3, v61;
	_ =	sdelay $0x1  }
0x287: {  	[tilespmem:s18+$0x130] =	vst v3;
	v3 =	vld [tilespmem:s18+$0x140];
	_ =	sdelay $0x2  }
0x288: {  	v62 =	vbroadcast v2, $0xD;
	_ =	sdelay $0x1  }
0x289: {  	v3 =	vmul.f32 v3, v62;
	_ =	sdelay $0x1  }
0x28a: {  	[tilespmem:s18+$0x140] =	vst v3;
	v3 =	vld [tilespmem:s18+$0x150];
	_ =	sdelay $0x4  }
0x28b: {  	v3 =	vmul.f32 v3, v62;
	_ =	sdelay $0x1  }
0x28c: {  	[tilespmem:s18+$0x150] =	vst v3;
	v3 =	vld [tilespmem:s18+$0x160];
	_ =	sdelay $0x4  }
0x28d: {  	v3 =	vmul.f32 v3, v62;
	_ =	sdelay $0x1  }
0x28e: {  	[tilespmem:s18+$0x160] =	vst v3;
	v3 =	vld [tilespmem:s18+$0x170];
	_ =	sdelay $0x4  }
0x28f: {  	v3 =	vmul.f32 v3, v62;
	_ =	sdelay $0x1  }
0x290: {  	[tilespmem:s18+$0x170] =	vst v3;
	v3 =	vld [tilespmem:s18+$0x180];
	_ =	sdelay $0x2  }
0x291: {  	v63 =	vbroadcast v2, $0xE;
	_ =	sdelay $0x1  }
0x292: {  	v3 =	vmul.f32 v3, v63;
	_ =	sdelay $0x1  }
0x293: {  	[tilespmem:s18+$0x180] =	vst v3;
	v3 =	vld [tilespmem:s18+$0x190];
	_ =	sdelay $0x4  }
0x294: {  	v3 =	vmul.f32 v3, v63;
	_ =	sdelay $0x1  }
0x295: {  	[tilespmem:s18+$0x190] =	vst v3;
	v3 =	vld [tilespmem:s18+$0x1A0];
	_ =	sdelay $0x4  }
0x296: {  	v3 =	vmul.f32 v3, v63;
	_ =	sdelay $0x1  }
0x297: {  	[tilespmem:s18+$0x1A0] =	vst v3;
	v3 =	vld [tilespmem:s18+$0x1B0];
	_ =	sdelay $0x4  }
0x298: {  	v3 =	vmul.f32 v3, v63;
	_ =	sdelay $0x1  }
0x299: {  	[tilespmem:s18+$0x1B0] =	vst v3;
	v3 =	vld [tilespmem:s18+$0x1C0];
	_ =	sdelay $0x2  }
0x29a: {  	v2 =	vbroadcast v2, $0xF;
	_ =	sdelay $0x1  }
0x29b: {  	v3 =	vmul.f32 v3, v2;
	_ =	sdelay $0x1  }
0x29c: {  	[tilespmem:s18+$0x1C0] =	vst v3;
	v3 =	vld [tilespmem:s18+$0x1D0];
	_ =	sdelay $0x4  }
0x29d: {  	v3 =	vmul.f32 v3, v2;
	_ =	sdelay $0x1  }
0x29e: {  	[tilespmem:s18+$0x1D0] =	vst v3;
	v3 =	vld [tilespmem:s18+$0x1E0];
	_ =	sdelay $0x4  }
0x29f: {  	v3 =	vmul.f32 v3, v2;
	_ =	sdelay $0x1  }
0x2a0: {  	[tilespmem:s18+$0x1E0] =	vst v3;
	v3 =	vld [tilespmem:s18+$0x1F0];
	_ =	sdelay $0x1  }
0x2a1: {  	p1 =	sne.s32 s19, $0x1C0  }
.Ltmp9:
0x2a2: {  	_ = 	snop;
	(pc) =	sbr.rel @p1 .LBB2_6-.Ltmp9, $3  }
0x2a3: {  	_ = 	snop  }
0x2a4: {  	v2 =	vmul.f32 v3, v2;
	_ =	sdelay $0x1  }
0x2a5: {  	s19 =	sadd.s32 $0x40, s19;
	[tilespmem:s18+$0x1F0] =	vst v2;
	s18 =	sadd.s32 $0x400, s18  }
0x2a6: {  	s12 =	sadd.s32 $0x1, s12  }
0x2a7: {  	p1 =	sne.s32 s12, $0x9D  }
.Ltmp10:
0x2a8: {  	s14 =	sadd.s32 $0x4E80, s14;
	(pc) =	sbr.rel @p1 .LBB2_5-.Ltmp10, $4  }
0x2a9: {  	[spmem:s2] =	stream.indirect.scatter.add.f32 [tilespmem:s11], [sflag:$0x1], $0x40, s14, s10, $0xb8;
	[tilespmem:$0x1BB80] =	vst v63  }
0x2aa: {  	_ =	swait.ge [sflag:s0], $0x2000  }
0x2ab: {  	[sflag:s0] =	ssyncset.done $0x0  }
0x2ac: {  	s13 =	sadd.s32 $0x80, s13;
	[sflag:s0] =	ssyncadd.s32 $0xFFFFE000  }
0x2ad: {  	s12 =	sshll.u32 s3, $0x6;
	[bflag:$0x0] =	sbarrier.arrive $0xFFFF  }
0x2ae: {  	s13 =	sshrl.u32 s17, $0x3;
	s12 =	sor.u32 $0x1C01, s12;
	s14 =	rddreg [dreg:$0xc]  }
0x2af: {  	[hbm:s14], [sflag:s12] =	dma.local [spmem:s13], $0x1400  }
0x2b0: {  	_ =	swait.ge [sflag:s0], $0x1400  }
0x2b1: {  	[sflag:s0] =	ssyncset.done $0x0  }
0x2b2: {  	[sflag:s0] =	ssyncadd.s32 $0xFFFFEC00  }
0x2b3: {  	[spmem:s15] =	stream.linear.scatter [tilespmem:s9], [sflag:$0x1], $0x1000, $0x38;
	[tilespmem:$0x1BB80] =	vst v63  }
0x2b4: {  	_ =	swait.ge [sflag:s0], $0x1000  }
0x2b5: {  	[sflag:s0] =	ssyncset.done $0x0  }
0x2b6: {  	[sflag:s0] =	ssyncadd.s32 $0xFFFFF000  }
0x2b7: {  	[spmem:s22] =	stream.linear.scatter [tilespmem:s9], [sflag:$0x1], $0x1000, $0x38;
	[tilespmem:$0x1BB80] =	vst v63  }
0x2b8: {  	_ =	swait.ge [sflag:s0], $0x1000  }
0x2b9: {  	[sflag:s0] =	ssyncset.done $0x0  }
0x2ba: {  	[sflag:s0] =	ssyncadd.s32 $0xFFFFF000  }
0x2bb: {  	[spmem:s23] =	stream.linear.scatter [tilespmem:s9], [sflag:$0x1], $0x1000, $0x38;
	[tilespmem:$0x1BB80] =	vst v63  }
0x2bc: {  	_ =	swait.ge [sflag:s0], $0x1000  }
0x2bd: {  	[sflag:s0] =	ssyncset.done $0x0  }
0x2be: {  	[sflag:s0] =	ssyncadd.s32 $0xFFFFF000  }
0x2bf: {  	[spmem:s24] =	stream.linear.scatter [tilespmem:s9], [sflag:$0x1], $0x1000, $0x38;
	[tilespmem:$0x1BB80] =	vst v63  }
0x2c0: {  	_ =	swait.ge [sflag:s0], $0x1000  }
0x2c1: {  	[sflag:s0] =	ssyncset.done $0x0  }
0x2c2: {  	[sflag:s0] =	ssyncadd.s32 $0xFFFFF000  }
0x2c3: {  	[spmem:s25] =	stream.linear.scatter [tilespmem:s9], [sflag:$0x1], $0x1000, $0x38;
	[tilespmem:$0x1BB80] =	vst v63  }
0x2c4: {  	_ =	swait.ge [sflag:s0], $0x1000  }
0x2c5: {  	[sflag:s0] =	ssyncset.done $0x0  }
0x2c6: {  	[sflag:s0] =	ssyncadd.s32 $0xFFFFF000  }
0x2c7: {  	[spmem:s26] =	stream.linear.scatter [tilespmem:s9], [sflag:$0x1], $0x1000, $0x38;
	[tilespmem:$0x1BB80] =	vst v63  }
0x2c8: {  	_ =	swait.ge [sflag:s0], $0x1000  }
0x2c9: {  	[sflag:s0] =	ssyncset.done $0x0  }
0x2ca: {  	[sflag:s0] =	ssyncadd.s32 $0xFFFFF000  }
0x2cb: {  	[spmem:s28] =	stream.linear.scatter [tilespmem:s9], [sflag:$0x1], $0x1000, $0x38;
	[tilespmem:$0x1BB80] =	vst v63  }
0x2cc: {  	_ =	swait.ge [sflag:s0], $0x1000  }
0x2cd: {  	[sflag:s0] =	ssyncset.done $0x0  }
0x2ce: {  	[sflag:s0] =	ssyncadd.s32 $0xFFFFF000  }
0x2cf: {  	[spmem:s29] =	stream.linear.scatter [tilespmem:s9], [sflag:$0x1], $0x1000, $0x38;
	[tilespmem:$0x1BB80] =	vst v63  }
0x2d0: {  	_ =	swait.ge [sflag:s0], $0x1000  }
0x2d1: {  	[sflag:s0] =	ssyncset.done $0x0  }
0x2d2: {  	[sflag:s0] =	ssyncadd.s32 $0xFFFFF000  }
0x2d3: {  	[spmem:s30] =	stream.linear.scatter [tilespmem:s9], [sflag:$0x1], $0x1000, $0x38;
	[tilespmem:$0x1BB80] =	vst v63  }
0x2d4: {  	_ =	swait.ge [sflag:s0], $0x1000  }
0x2d5: {  	[sflag:s0] =	ssyncset.done $0x0  }
0x2d6: {  	[sflag:s0] =	ssyncadd.s32 $0xFFFFF000  }
0x2d7: {  	[spmem:s31] =	stream.linear.scatter [tilespmem:s9], [sflag:$0x1], $0x1000, $0x38;
	[tilespmem:$0x1BB80] =	vst v63  }
0x2d8: {  	_ =	swait.ge [sflag:s0], $0x1000  }
0x2d9: {  	[sflag:s0] =	ssyncset.done $0x0  }
0x2da: {  	[sflag:s0] =	ssyncadd.s32 $0xFFFFF000  }
0x2db: {  	s13 =	simm.s32 $0x0;
	s14 =	simm.s32 $0x9D00;
	[bflag:$0x0] =	sbarrier.arrive $0xFFFF  }
.LBB2_9:
0x2dc: {  	s19 =	sshll.u32 s13, $0x7  }
0x2dd: {  	v1 =	vmov s14;
	[tilespmem:s11], [sflag:$0x1] =	stream.indirect.gather [hbm4b:s7+s10], $0x40, s19, s10, $0xb8;
	[tilespmem:$0x1BB80] =	vst v63  }
0x2de: {  	_ =	swait.ge [sflag:s0], $0x2000  }
0x2df: {  	[sflag:s0] =	ssyncset.done $0x0  }
0x2e0: {  	s18 =	simm.s32 $0xED80;
	s20 =	simm.s32 $0x0;
	[sflag:s0] =	ssyncadd.s32 $0xFFFFE000  }
.LBB2_10:
0x2e1: {  	s16 =	sshra.s32 s20, $0x2  }
0x2e2: {  	v2 =	vld.idx.msk [tilespmem:v1+s16+$0x0 ss:$0x1], $0xffff;
	_ =	sdelay $0x1  }
0x2e3: {  	v3 =	vld [tilespmem:s18+$0xFFFFFE00];
	_ =	sdelay $0x2  }
0x2e4: {  	v4 =	vbroadcast v2, $0x0;
	_ =	sdelay $0x1  }
0x2e5: {  	v3 =	vmul.f32 v4, v3;
	_ =	sdelay $0x1  }
0x2e6: {  	[tilespmem:s18+$0xFFFFFE00] =	vst v3;
	v3 =	vld [tilespmem:s18+$0xFFFFFE10];
	_ =	sdelay $0x4  }
0x2e7: {  	v3 =	vmul.f32 v3, v4;
	_ =	sdelay $0x1  }
0x2e8: {  	[tilespmem:s18+$0xFFFFFE10] =	vst v3;
	v3 =	vld [tilespmem:s18+$0xFFFFFE20];
	_ =	sdelay $0x4  }
0x2e9: {  	v3 =	vmul.f32 v3, v4;
	_ =	sdelay $0x1  }
0x2ea: {  	[tilespmem:s18+$0xFFFFFE20] =	vst v3;
	v3 =	vld [tilespmem:s18+$0xFFFFFE30];
	_ =	sdelay $0x4  }
0x2eb: {  	v3 =	vmul.f32 v3, v4;
	_ =	sdelay $0x1  }
0x2ec: {  	[tilespmem:s18+$0xFFFFFE30] =	vst v3;
	v3 =	vld [tilespmem:s18+$0xFFFFFE40];
	_ =	sdelay $0x2  }
0x2ed: {  	v50 =	vbroadcast v2, $0x1;
	_ =	sdelay $0x1  }
0x2ee: {  	v3 =	vmul.f32 v3, v50;
	_ =	sdelay $0x1  }
0x2ef: {  	[tilespmem:s18+$0xFFFFFE40] =	vst v3;
	v3 =	vld [tilespmem:s18+$0xFFFFFE50];
	_ =	sdelay $0x4  }
0x2f0: {  	v3 =	vmul.f32 v3, v50;
	_ =	sdelay $0x1  }
0x2f1: {  	[tilespmem:s18+$0xFFFFFE50] =	vst v3;
	v3 =	vld [tilespmem:s18+$0xFFFFFE60];
	_ =	sdelay $0x4  }
0x2f2: {  	v3 =	vmul.f32 v3, v50;
	_ =	sdelay $0x1  }
0x2f3: {  	[tilespmem:s18+$0xFFFFFE60] =	vst v3;
	v3 =	vld [tilespmem:s18+$0xFFFFFE70];
	_ =	sdelay $0x4  }
0x2f4: {  	v3 =	vmul.f32 v3, v50;
	_ =	sdelay $0x1  }
0x2f5: {  	[tilespmem:s18+$0xFFFFFE70] =	vst v3;
	v3 =	vld [tilespmem:s18+$0xFFFFFE80];
	_ =	sdelay $0x2  }
0x2f6: {  	v51 =	vbroadcast v2, $0x2;
	_ =	sdelay $0x1  }
0x2f7: {  	v3 =	vmul.f32 v3, v51;
	_ =	sdelay $0x1  }
0x2f8: {  	[tilespmem:s18+$0xFFFFFE80] =	vst v3;
	v3 =	vld [tilespmem:s18+$0xFFFFFE90];
	_ =	sdelay $0x4  }
0x2f9: {  	v3 =	vmul.f32 v3, v51;
	_ =	sdelay $0x1  }
0x2fa: {  	[tilespmem:s18+$0xFFFFFE90] =	vst v3;
	v3 =	vld [tilespmem:s18+$0xFFFFFEA0];
	_ =	sdelay $0x4  }
0x2fb: {  	v3 =	vmul.f32 v3, v51;
	_ =	sdelay $0x1  }
0x2fc: {  	[tilespmem:s18+$0xFFFFFEA0] =	vst v3;
	v3 =	vld [tilespmem:s18+$0xFFFFFEB0];
	_ =	sdelay $0x4  }
0x2fd: {  	v3 =	vmul.f32 v3, v51;
	_ =	sdelay $0x1  }
0x2fe: {  	[tilespmem:s18+$0xFFFFFEB0] =	vst v3;
	v3 =	vld [tilespmem:s18+$0xFFFFFEC0];
	_ =	sdelay $0x2  }
0x2ff: {  	v52 =	vbroadcast v2, $0x3;
	_ =	sdelay $0x1  }
0x300: {  	v3 =	vmul.f32 v3, v52;
	_ =	sdelay $0x1  }
0x301: {  	[tilespmem:s18+$0xFFFFFEC0] =	vst v3;
	v3 =	vld [tilespmem:s18+$0xFFFFFED0];
	_ =	sdelay $0x4  }
0x302: {  	v3 =	vmul.f32 v3, v52;
	_ =	sdelay $0x1  }
0x303: {  	[tilespmem:s18+$0xFFFFFED0] =	vst v3;
	v3 =	vld [tilespmem:s18+$0xFFFFFEE0];
	_ =	sdelay $0x4  }
0x304: {  	v3 =	vmul.f32 v3, v52;
	_ =	sdelay $0x1  }
0x305: {  	[tilespmem:s18+$0xFFFFFEE0] =	vst v3;
	v3 =	vld [tilespmem:s18+$0xFFFFFEF0];
	_ =	sdelay $0x4  }
0x306: {  	v3 =	vmul.f32 v3, v52;
	_ =	sdelay $0x1  }
0x307: {  	[tilespmem:s18+$0xFFFFFEF0] =	vst v3;
	v3 =	vld [tilespmem:s18+$0xFFFFFF00];
	_ =	sdelay $0x2  }
0x308: {  	v53 =	vbroadcast v2, $0x4;
	_ =	sdelay $0x1  }
0x309: {  	v3 =	vmul.f32 v3, v53;
	_ =	sdelay $0x1  }
0x30a: {  	[tilespmem:s18+$0xFFFFFF00] =	vst v3;
	v3 =	vld [tilespmem:s18+$0xFFFFFF10];
	_ =	sdelay $0x4  }
0x30b: {  	v3 =	vmul.f32 v3, v53;
	_ =	sdelay $0x1  }
0x30c: {  	[tilespmem:s18+$0xFFFFFF10] =	vst v3;
	v3 =	vld [tilespmem:s18+$0xFFFFFF20];
	_ =	sdelay $0x4  }
0x30d: {  	v3 =	vmul.f32 v3, v53;
	_ =	sdelay $0x1  }
0x30e: {  	[tilespmem:s18+$0xFFFFFF20] =	vst v3;
	v3 =	vld [tilespmem:s18+$0xFFFFFF30];
	_ =	sdelay $0x4  }
0x30f: {  	v3 =	vmul.f32 v3, v53;
	_ =	sdelay $0x1  }
0x310: {  	[tilespmem:s18+$0xFFFFFF30] =	vst v3;
	v3 =	vld [tilespmem:s18+$0xFFFFFF40];
	_ =	sdelay $0x2  }
0x311: {  	v54 =	vbroadcast v2, $0x5;
	_ =	sdelay $0x1  }
0x312: {  	v3 =	vmul.f32 v3, v54;
	_ =	sdelay $0x1  }
0x313: {  	[tilespmem:s18+$0xFFFFFF40] =	vst v3;
	v3 =	vld [tilespmem:s18+$0xFFFFFF50];
	_ =	sdelay $0x4  }
0x314: {  	v3 =	vmul.f32 v3, v54;
	_ =	sdelay $0x1  }
0x315: {  	[tilespmem:s18+$0xFFFFFF50] =	vst v3;
	v3 =	vld [tilespmem:s18+$0xFFFFFF60];
	_ =	sdelay $0x4  }
0x316: {  	v3 =	vmul.f32 v3, v54;
	_ =	sdelay $0x1  }
0x317: {  	[tilespmem:s18+$0xFFFFFF60] =	vst v3;
	v3 =	vld [tilespmem:s18+$0xFFFFFF70];
	_ =	sdelay $0x4  }
0x318: {  	v3 =	vmul.f32 v3, v54;
	_ =	sdelay $0x1  }
0x319: {  	[tilespmem:s18+$0xFFFFFF70] =	vst v3;
	v3 =	vld [tilespmem:s18+$0xFFFFFF80];
	_ =	sdelay $0x2  }
0x31a: {  	v55 =	vbroadcast v2, $0x6;
	_ =	sdelay $0x1  }
0x31b: {  	v3 =	vmul.f32 v3, v55;
	_ =	sdelay $0x1  }
0x31c: {  	[tilespmem:s18+$0xFFFFFF80] =	vst v3;
	v3 =	vld [tilespmem:s18+$0xFFFFFF90];
	_ =	sdelay $0x4  }
0x31d: {  	v3 =	vmul.f32 v3, v55;
	_ =	sdelay $0x1  }
0x31e: {  	[tilespmem:s18+$0xFFFFFF90] =	vst v3;
	v3 =	vld [tilespmem:s18+$0xFFFFFFA0];
	_ =	sdelay $0x4  }
0x31f: {  	v3 =	vmul.f32 v3, v55;
	_ =	sdelay $0x1  }
0x320: {  	[tilespmem:s18+$0xFFFFFFA0] =	vst v3;
	v3 =	vld [tilespmem:s18+$0xFFFFFFB0];
	_ =	sdelay $0x4  }
0x321: {  	v3 =	vmul.f32 v3, v55;
	_ =	sdelay $0x1  }
0x322: {  	[tilespmem:s18+$0xFFFFFFB0] =	vst v3;
	v3 =	vld [tilespmem:s18+$0xFFFFFFC0];
	_ =	sdelay $0x2  }
0x323: {  	v56 =	vbroadcast v2, $0x7;
	_ =	sdelay $0x1  }
0x324: {  	v3 =	vmul.f32 v3, v56;
	_ =	sdelay $0x1  }
0x325: {  	[tilespmem:s18+$0xFFFFFFC0] =	vst v3;
	v3 =	vld [tilespmem:s18+$0xFFFFFFD0];
	_ =	sdelay $0x4  }
0x326: {  	v3 =	vmul.f32 v3, v56;
	_ =	sdelay $0x1  }
0x327: {  	[tilespmem:s18+$0xFFFFFFD0] =	vst v3;
	v3 =	vld [tilespmem:s18+$0xFFFFFFE0];
	_ =	sdelay $0x4  }
0x328: {  	v3 =	vmul.f32 v3, v56;
	_ =	sdelay $0x1  }
0x329: {  	[tilespmem:s18+$0xFFFFFFE0] =	vst v3;
	v3 =	vld [tilespmem:s18+$0xFFFFFFF0];
	_ =	sdelay $0x4  }
0x32a: {  	v3 =	vmul.f32 v3, v56;
	_ =	sdelay $0x1  }
0x32b: {  	[tilespmem:s18+$0xFFFFFFF0] =	vst v3;
	v3 =	vld [tilespmem:s18+$0x0];
	_ =	sdelay $0x2  }
0x32c: {  	v57 =	vbroadcast v2, $0x8;
	_ =	sdelay $0x1  }
0x32d: {  	v3 =	vmul.f32 v3, v57;
	_ =	sdelay $0x1  }
0x32e: {  	[tilespmem:s18+$0x0] =	vst v3;
	v3 =	vld [tilespmem:s18+$0x10];
	_ =	sdelay $0x4  }
0x32f: {  	v3 =	vmul.f32 v3, v57;
	_ =	sdelay $0x1  }
0x330: {  	[tilespmem:s18+$0x10] =	vst v3;
	v3 =	vld [tilespmem:s18+$0x20];
	_ =	sdelay $0x4  }
0x331: {  	v3 =	vmul.f32 v3, v57;
	_ =	sdelay $0x1  }
0x332: {  	[tilespmem:s18+$0x20] =	vst v3;
	v3 =	vld [tilespmem:s18+$0x30];
	_ =	sdelay $0x4  }
0x333: {  	v3 =	vmul.f32 v3, v57;
	_ =	sdelay $0x1  }
0x334: {  	[tilespmem:s18+$0x30] =	vst v3;
	v3 =	vld [tilespmem:s18+$0x40];
	_ =	sdelay $0x2  }
0x335: {  	v58 =	vbroadcast v2, $0x9;
	_ =	sdelay $0x1  }
0x336: {  	v3 =	vmul.f32 v3, v58;
	_ =	sdelay $0x1  }
0x337: {  	[tilespmem:s18+$0x40] =	vst v3;
	v3 =	vld [tilespmem:s18+$0x50];
	_ =	sdelay $0x4  }
0x338: {  	v3 =	vmul.f32 v3, v58;
	_ =	sdelay $0x1  }
0x339: {  	[tilespmem:s18+$0x50] =	vst v3;
	v3 =	vld [tilespmem:s18+$0x60];
	_ =	sdelay $0x4  }
0x33a: {  	v3 =	vmul.f32 v3, v58;
	_ =	sdelay $0x1  }
0x33b: {  	[tilespmem:s18+$0x60] =	vst v3;
	v3 =	vld [tilespmem:s18+$0x70];
	_ =	sdelay $0x4  }
0x33c: {  	v3 =	vmul.f32 v3, v58;
	_ =	sdelay $0x1  }
0x33d: {  	[tilespmem:s18+$0x70] =	vst v3;
	v3 =	vld [tilespmem:s18+$0x80];
	_ =	sdelay $0x2  }
0x33e: {  	v59 =	vbroadcast v2, $0xA;
	_ =	sdelay $0x1  }
0x33f: {  	v3 =	vmul.f32 v3, v59;
	_ =	sdelay $0x1  }
0x340: {  	[tilespmem:s18+$0x80] =	vst v3;
	v3 =	vld [tilespmem:s18+$0x90];
	_ =	sdelay $0x4  }
0x341: {  	v3 =	vmul.f32 v3, v59;
	_ =	sdelay $0x1  }
0x342: {  	[tilespmem:s18+$0x90] =	vst v3;
	v3 =	vld [tilespmem:s18+$0xA0];
	_ =	sdelay $0x4  }
0x343: {  	v3 =	vmul.f32 v3, v59;
	_ =	sdelay $0x1  }
0x344: {  	[tilespmem:s18+$0xA0] =	vst v3;
	v3 =	vld [tilespmem:s18+$0xB0];
	_ =	sdelay $0x4  }
0x345: {  	v3 =	vmul.f32 v3, v59;
	_ =	sdelay $0x1  }
0x346: {  	[tilespmem:s18+$0xB0] =	vst v3;
	v3 =	vld [tilespmem:s18+$0xC0];
	_ =	sdelay $0x2  }
0x347: {  	v60 =	vbroadcast v2, $0xB;
	_ =	sdelay $0x1  }
0x348: {  	v3 =	vmul.f32 v3, v60;
	_ =	sdelay $0x1  }
0x349: {  	[tilespmem:s18+$0xC0] =	vst v3;
	v3 =	vld [tilespmem:s18+$0xD0];
	_ =	sdelay $0x4  }
0x34a: {  	v3 =	vmul.f32 v3, v60;
	_ =	sdelay $0x1  }
0x34b: {  	[tilespmem:s18+$0xD0] =	vst v3;
	v3 =	vld [tilespmem:s18+$0xE0];
	_ =	sdelay $0x4  }
0x34c: {  	v3 =	vmul.f32 v3, v60;
	_ =	sdelay $0x1  }
0x34d: {  	[tilespmem:s18+$0xE0] =	vst v3;
	v3 =	vld [tilespmem:s18+$0xF0];
	_ =	sdelay $0x4  }
0x34e: {  	v3 =	vmul.f32 v3, v60;
	_ =	sdelay $0x1  }
0x34f: {  	[tilespmem:s18+$0xF0] =	vst v3;
	v3 =	vld [tilespmem:s18+$0x100];
	_ =	sdelay $0x2  }
0x350: {  	v61 =	vbroadcast v2, $0xC;
	_ =	sdelay $0x1  }
0x351: {  	v3 =	vmul.f32 v3, v61;
	_ =	sdelay $0x1  }
0x352: {  	[tilespmem:s18+$0x100] =	vst v3;
	v3 =	vld [tilespmem:s18+$0x110];
	_ =	sdelay $0x4  }
0x353: {  	v3 =	vmul.f32 v3, v61;
	_ =	sdelay $0x1  }
0x354: {  	[tilespmem:s18+$0x110] =	vst v3;
	v3 =	vld [tilespmem:s18+$0x120];
	_ =	sdelay $0x4  }
0x355: {  	v3 =	vmul.f32 v3, v61;
	_ =	sdelay $0x1  }
0x356: {  	[tilespmem:s18+$0x120] =	vst v3;
	v3 =	vld [tilespmem:s18+$0x130];
	_ =	sdelay $0x4  }
0x357: {  	v3 =	vmul.f32 v3, v61;
	_ =	sdelay $0x1  }
0x358: {  	[tilespmem:s18+$0x130] =	vst v3;
	v3 =	vld [tilespmem:s18+$0x140];
	_ =	sdelay $0x2  }
0x359: {  	v62 =	vbroadcast v2, $0xD;
	_ =	sdelay $0x1  }
0x35a: {  	v3 =	vmul.f32 v3, v62;
	_ =	sdelay $0x1  }
0x35b: {  	[tilespmem:s18+$0x140] =	vst v3;
	v3 =	vld [tilespmem:s18+$0x150];
	_ =	sdelay $0x4  }
0x35c: {  	v3 =	vmul.f32 v3, v62;
	_ =	sdelay $0x1  }
0x35d: {  	[tilespmem:s18+$0x150] =	vst v3;
	v3 =	vld [tilespmem:s18+$0x160];
	_ =	sdelay $0x4  }
0x35e: {  	v3 =	vmul.f32 v3, v62;
	_ =	sdelay $0x1  }
0x35f: {  	[tilespmem:s18+$0x160] =	vst v3;
	v3 =	vld [tilespmem:s18+$0x170];
	_ =	sdelay $0x4  }
0x360: {  	v3 =	vmul.f32 v3, v62;
	_ =	sdelay $0x1  }
0x361: {  	[tilespmem:s18+$0x170] =	vst v3;
	v3 =	vld [tilespmem:s18+$0x180];
	_ =	sdelay $0x2  }
0x362: {  	v63 =	vbroadcast v2, $0xE;
	_ =	sdelay $0x1  }
0x363: {  	v3 =	vmul.f32 v3, v63;
	_ =	sdelay $0x1  }
0x364: {  	[tilespmem:s18+$0x180] =	vst v3;
	v3 =	vld [tilespmem:s18+$0x190];
	_ =	sdelay $0x4  }
0x365: {  	v3 =	vmul.f32 v3, v63;
	_ =	sdelay $0x1  }
0x366: {  	[tilespmem:s18+$0x190] =	vst v3;
	v3 =	vld [tilespmem:s18+$0x1A0];
	_ =	sdelay $0x4  }
0x367: {  	v3 =	vmul.f32 v3, v63;
	_ =	sdelay $0x1  }
0x368: {  	[tilespmem:s18+$0x1A0] =	vst v3;
	v3 =	vld [tilespmem:s18+$0x1B0];
	_ =	sdelay $0x4  }
0x369: {  	v3 =	vmul.f32 v3, v63;
	_ =	sdelay $0x1  }
0x36a: {  	[tilespmem:s18+$0x1B0] =	vst v3;
	v3 =	vld [tilespmem:s18+$0x1C0];
	_ =	sdelay $0x2  }
0x36b: {  	v2 =	vbroadcast v2, $0xF;
	_ =	sdelay $0x1  }
0x36c: {  	v3 =	vmul.f32 v3, v2;
	_ =	sdelay $0x1  }
0x36d: {  	[tilespmem:s18+$0x1C0] =	vst v3;
	v3 =	vld [tilespmem:s18+$0x1D0];
	_ =	sdelay $0x4  }
0x36e: {  	v3 =	vmul.f32 v3, v2;
	_ =	sdelay $0x1  }
0x36f: {  	[tilespmem:s18+$0x1D0] =	vst v3;
	v3 =	vld [tilespmem:s18+$0x1E0];
	_ =	sdelay $0x4  }
0x370: {  	v3 =	vmul.f32 v3, v2;
	_ =	sdelay $0x1  }
0x371: {  	[tilespmem:s18+$0x1E0] =	vst v3;
	v3 =	vld [tilespmem:s18+$0x1F0];
	_ =	sdelay $0x1  }
0x372: {  	p1 =	sne.s32 s20, $0x1C0  }
.Ltmp11:
0x373: {  	_ = 	snop;
	(pc) =	sbr.rel @p1 .LBB2_10-.Ltmp11, $3  }
0x374: {  	_ = 	snop  }
0x375: {  	v2 =	vmul.f32 v3, v2;
	_ =	sdelay $0x1  }
0x376: {  	s20 =	sadd.s32 $0x40, s20;
	[tilespmem:s18+$0x1F0] =	vst v2;
	s18 =	sadd.s32 $0x400, s18  }
0x377: {  	s13 =	sadd.s32 $0x1, s13  }
0x378: {  	p1 =	sne.s32 s13, $0x9D  }
.Ltmp12:
0x379: {  	s16 =	sadd.s32 $0x4E80, s19;
	(pc) =	sbr.rel @p1 .LBB2_9-.Ltmp12, $4  }
0x37a: {  	[spmem:s2] =	stream.indirect.scatter.add.f32 [tilespmem:s11], [sflag:$0x1], $0x40, s16, s10, $0xb8;
	[tilespmem:$0x1BB80] =	vst v63  }
0x37b: {  	_ =	swait.ge [sflag:s0], $0x2000  }
0x37c: {  	[sflag:s0] =	ssyncset.done $0x0  }
0x37d: {  	s14 =	sadd.s32 $0x80, s14;
	[sflag:s0] =	ssyncadd.s32 $0xFFFFE000  }
.Ltmp13:
0x37e: {  	(pc) =	sbr.rel .LBB2_22-.Ltmp13, $2  }
0x37f: {  	_ =	sdelay $0x2  }
0x380: {  	s13 =	rddreg [dreg:$0xd]  }
.LBB2_23:
0x381: {  	_ =	sfence.sel $0x180000  }
0x382: {  	[bflag:$0x0] =	sbarrier.arrive $0xFFFF  }
0x383: {  	_ =	strace $0x9000004A  }
0x384: {  	[bflag:$0x2] =	sbarrier.arrive $0xFFFF  }
0x385: {  	p0 =	sne.s32 s3, $0x0;
	s0 =	rddreg [dreg:$0x3]  }
0x386: {  	s0 =	sadd.s32 @!p0 $0x100000, s0  }
0x387: {  	[sflag:s0] =	ssyncadd.tile.s32 @!p0 $0x1;
	_ =	shalt  }
.Lfunc_end2:
_tile_overlayer_lowered:
.L_overlay_start_2:
0x388: {  	(tag) =	ssettag $0x2  }
0x389: {  	s0 =	rddreg [dreg:$0x0];
	s2 =	stileid.u32  }
0x38a: {  	s1 =	rddreg [dreg:$0x1];
	p0 =	sne.s32 s2, $0x0  }
0x38b: {  	s3 =	rddreg [dreg:$0x2];
	[bflag:$0x3] =	sbarrier.arrive $0xFFFF;
	s2 =	simm.s32 @!p0 $0x1C01  }
0x38c: {  	[timem:s3], [sflag:s2] =	dma.local @!p0 [hbm:s0], s1  }
0x38d: {  	s0 =	simm.s32 @!p0 $0x1  }
0x38e: {  	_ =	swait.ge @!p0 [sflag:s0], s1  }
0x38f: {  	s1 =	ssub.s32 @!p0 $0x0, s1;
	[sflag:s0] =	ssyncset.done @!p0 $0x0  }
0x390: {  	[sflag:s0] =	ssyncadd.s32 @!p0 s1  }
0x391: {  	[bflag:$0x3] =	sbarrier.arrive $0xFFFF  }
0x392: {  	_ =	shalt  }

</sc_bundles>
